<compile_context>
chip_gen: v7x
topology: tpu7x:2x2x1
jax: 0.10.2.dev20260603
libtpu: 0.0.44.dev20260713+nightly
codegen_flags: <defaults>
</compile_context>

<pallas_src>
import functools

import jax
import jax.numpy as jnp
from jax import lax
from jax.experimental import pallas as pl
from jax.experimental.pallas import tpu as pltpu
from jax.experimental.pallas import tpu_sc as plsc

N = 10000
NPAD = 10240
F1 = 128
F2 = 64
F_OUT = 512
E = 320000
NC, NS, L = 2, 16, 16
NW = NC * NS
EPW = E // NW
K = 128
NBF = EPW // K
TAIL = EPW - NBF * K
RPT = NPAD // NS

BR = 5120
G = NPAD // BR
BRO = 5000
GO = N // BRO


def _sc_mesh():
    return plsc.VectorSubcoreMesh(
        core_axis_name="c", subcore_axis_name="s", num_cores=NC, num_subcores=NS
    )


@functools.partial(
    pl.kernel,
    out_type=(
        jax.ShapeDtypeStruct((NC, NPAD), jnp.float32),
        jax.ShapeDtypeStruct((NW, EPW), jnp.int32),
    ),
    mesh=_sc_mesh(),
    scratch_types=[
        pltpu.VMEM_SHARED((NPAD,), jnp.float32),
        pltpu.VMEM((EPW,), jnp.int32),
        pltpu.VMEM((EPW,), jnp.int32),
        pltpu.VMEM((EPW,), jnp.int32),
        pltpu.VMEM((K,), jnp.int32),
        pltpu.VMEM((K,), jnp.int32),
        pltpu.VMEM((TAIL,), jnp.int32),
        pltpu.VMEM((K,), jnp.float32),
        pltpu.VMEM((RPT,), jnp.float32),
        pltpu.SemaphoreType.DMA,
        pltpu.SemaphoreType.DMA,
    ],
)
def _deg_kernel(ei_hbm, deg_hbm, pk_hbm, dacc, ssrc, sdst, spk, db0, db1,
                dbt, ones, zbuf, sem0, sem1):
    c = lax.axis_index("c")
    s = lax.axis_index("s")
    wid = s * NC + c
    for i in range(RPT // L):
        zbuf[pl.ds(i * L, L)] = jnp.zeros((L,), jnp.float32)
    for i in range(K // L):
        ones[pl.ds(i * L, L)] = jnp.ones((L,), jnp.float32)
    pltpu.sync_copy(zbuf, dacc.at[pl.ds(s * RPT, RPT)])
    pltpu.sync_copy(ei_hbm.at[0, wid], ssrc)
    pltpu.sync_copy(ei_hbm.at[1, wid], sdst)

    def pack_body(i, carry):
        sv = ssrc[pl.ds(i * L, L)]
        dv = sdst[pl.ds(i * L, L)]
        spk[pl.ds(i * L, L)] = sv | (dv << 16)
        return carry

    lax.fori_loop(0, EPW // L, pack_body, 0)
    pltpu.sync_copy(spk, pk_hbm.at[wid])
    plsc.subcore_barrier()

    def fill(b, ref):
        for j in range(K // L):
            ref[pl.ds(j * L, L)] = sdst[pl.ds(b * K + j * L, L)]

    fill(0, db0)
    pltpu.make_async_copy(ones, dacc.at[db0], sem0).start(add=True)

    def body(i, carry):
        b0 = 2 * i
        fill(b0 + 1, db1)
        pltpu.make_async_copy(ones, dacc.at[db1], sem1).start(add=True)
        pltpu.make_async_copy(ones, dacc.at[db0], sem0).wait()

        @pl.when(b0 + 2 < NBF)
        def _():
            fill(b0 + 2, db0)
            pltpu.make_async_copy(ones, dacc.at[db0], sem0).start(add=True)

        pltpu.make_async_copy(ones, dacc.at[db1], sem1).wait()
        return carry

    lax.fori_loop(0, NBF // 2, body, 0)
    dbt[pl.ds(0, TAIL)] = sdst[pl.ds(NBF * K, TAIL)]
    pltpu.sync_copy(ones.at[pl.ds(0, TAIL)], dacc.at[dbt], add=True)
    plsc.subcore_barrier()
    pltpu.sync_copy(dacc.at[pl.ds(s * RPT, RPT)], deg_hbm.at[c, pl.ds(s * RPT, RPT)])


def _make_segsum64():
    F = F2
    NSLOT = 3
    assert NBF % NSLOT == 0

    @functools.partial(
        pl.kernel,
        out_type=(
            jax.ShapeDtypeStruct((NPAD, F), jnp.float32),
            jax.ShapeDtypeStruct((NPAD, F), jnp.float32),
        ),
        mesh=_sc_mesh(),
        compiler_params=pltpu.CompilerParams(use_tc_tiling_on_sc=False),
        scratch_types=(
            [pltpu.VMEM_SHARED((NPAD, F), jnp.float32),
             pltpu.VMEM((EPW,), jnp.int32)]
            + [pltpu.VMEM((K,), jnp.int32)] * 6
            + [pltpu.VMEM((TAIL,), jnp.int32)] * 2
            + [pltpu.VMEM((K, F), jnp.float32)] * 3
            + [pltpu.SemaphoreType.DMA] * 6
        ),
    )
    def seg(v_hbm, pk_hbm, outa_hbm, outb_hbm, acc, pkt,
            sb0, sb1, sb2, db0, db1, db2, sbt, dbt, r0, r1, r2,
            g0, g1, g2, s0, s1, s2):
        c = lax.axis_index("c")
        s = lax.axis_index("s")
        wid = s * NC + c
        sbs, dbs, rs, gs, ss = (sb0, sb1, sb2), (db0, db1, db2), (r0, r1, r2), (g0, g1, g2), (s0, s1, s2)

        def unpack_src(b, ref):
            for j in range(K // L):
                v = pkt[pl.ds(b * K + j * L, L)]
                ref[pl.ds(j * L, L)] = v & 0xFFFF

        def unpack_dst(b, ref):
            for j in range(K // L):
                v = pkt[pl.ds(b * K + j * L, L)]
                ref[pl.ds(j * L, L)] = lax.shift_right_logical(v, 16)

        def zbody(r, carry):
            for j in range(F // L):
                r0[r, pl.ds(j * L, L)] = jnp.zeros((L,), jnp.float32)
            return carry

        lax.fori_loop(0, K, zbody, 0)
        for i in range(RPT // K):
            pltpu.sync_copy(r0, acc.at[pl.ds(s * RPT + i * K, K)])
        pltpu.sync_copy(pk_hbm.at[wid], pkt)
        plsc.subcore_barrier()

        for k in range(NSLOT):
            unpack_src(k, sbs[k])
            pltpu.async_copy(v_hbm.at[sbs[k]], rs[k], gs[k])

        def body(i, carry):
            b = NSLOT * i
            for k in range(NSLOT):
                pltpu.make_async_copy(v_hbm.at[sbs[k]], rs[k], gs[k]).wait()
                unpack_dst(b + k, dbs[k])
                pltpu.make_async_copy(rs[k], acc.at[dbs[k]], ss[k]).start(add=True)
            for k in range(NSLOT):
                @pl.when(b + NSLOT + k < NBF)
                def _(k=k):
                    pltpu.make_async_copy(rs[k], acc.at[dbs[k]], ss[k]).wait()
                    unpack_src(b + NSLOT + k, sbs[k])
                    pltpu.async_copy(v_hbm.at[sbs[k]], rs[k], gs[k])
            return carry

        lax.fori_loop(0, NBF // NSLOT, body, 0)
        for k in range(NSLOT):
            pltpu.make_async_copy(rs[k], acc.at[dbs[k]], ss[k]).wait()
        v = pkt[pl.ds(NBF * K, TAIL)]
        sbt[pl.ds(0, TAIL)] = v & 0xFFFF
        dbt[pl.ds(0, TAIL)] = lax.shift_right_logical(v, 16)
        pltpu.async_copy(v_hbm.at[sbt], r0.at[pl.ds(0, TAIL)], g0).wait()
        pltpu.sync_copy(r0.at[pl.ds(0, TAIL)], acc.at[dbt], add=True)
        plsc.subcore_barrier()

        @pl.when(c == 0)
        def _():
            pltpu.sync_copy(acc.at[pl.ds(s * RPT, RPT)],
                            outa_hbm.at[pl.ds(s * RPT, RPT)])

        @pl.when(c == 1)
        def _():
            pltpu.sync_copy(acc.at[pl.ds(s * RPT, RPT)],
                            outb_hbm.at[pl.ds(s * RPT, RPT)])

    return seg


def _make_segsum(F):
    params = None if F == F1 else pltpu.CompilerParams(use_tc_tiling_on_sc=False)

    @functools.partial(
        pl.kernel,
        out_type=(
            jax.ShapeDtypeStruct((NPAD, F), jnp.float32),
            jax.ShapeDtypeStruct((NPAD, F), jnp.float32),
        ),
        mesh=_sc_mesh(),
        compiler_params=params,
        scratch_types=[
            pltpu.VMEM_SHARED((NPAD, F), jnp.float32),
            pltpu.VMEM((EPW,), jnp.int32),
            pltpu.VMEM((K,), jnp.int32),
            pltpu.VMEM((K,), jnp.int32),
            pltpu.VMEM((K,), jnp.int32),
            pltpu.VMEM((TAIL,), jnp.int32),
            pltpu.VMEM((TAIL,), jnp.int32),
            pltpu.VMEM((K, F), jnp.float32),
            pltpu.VMEM((K, F), jnp.float32),
            pltpu.SemaphoreType.DMA,
            pltpu.SemaphoreType.DMA,
        ],
    )
    def seg(v_hbm, pk_hbm, outa_hbm, outb_hbm, acc, pkt, sb0, sb1, db,
            sbt, dbt, rows0, rows1, sem0, sem1):
        c = lax.axis_index("c")
        s = lax.axis_index("s")
        wid = s * NC + c

        def unpack_src(b, dst_ref):
            for j in range(K // L):
                v = pkt[pl.ds(b * K + j * L, L)]
                dst_ref[pl.ds(j * L, L)] = v & 0xFFFF

        def unpack_dst(b):
            for j in range(K // L):
                v = pkt[pl.ds(b * K + j * L, L)]
                db[pl.ds(j * L, L)] = lax.shift_right_logical(v, 16)

        def zbody(r, carry):
            for j in range(F // L):
                rows0[r, pl.ds(j * L, L)] = jnp.zeros((L,), jnp.float32)
            return carry

        lax.fori_loop(0, K, zbody, 0)
        for i in range(RPT // K):
            pltpu.sync_copy(rows0, acc.at[pl.ds(s * RPT + i * K, K)])
        pltpu.sync_copy(pk_hbm.at[wid], pkt)
        plsc.subcore_barrier()

        unpack_src(0, sb0)
        pltpu.async_copy(v_hbm.at[sb0], rows0, sem0)

        def body(i, carry):
            b0 = 2 * i
            unpack_src(b0 + 1, sb1)
            pltpu.async_copy(v_hbm.at[sb1], rows1, sem1)
            pltpu.make_async_copy(v_hbm.at[sb0], rows0, sem0).wait()
            unpack_dst(b0)
            pltpu.sync_copy(rows0, acc.at[db], add=True)
            unpack_src((b0 + 2) % NBF, sb0)
            pltpu.async_copy(v_hbm.at[sb0], rows0, sem0)
            pltpu.make_async_copy(v_hbm.at[sb1], rows1, sem1).wait()
            unpack_dst(b0 + 1)
            pltpu.sync_copy(rows1, acc.at[db], add=True)
            return carry

        lax.fori_loop(0, NBF // 2, body, 0)
        pltpu.make_async_copy(v_hbm.at[sb0], rows0, sem0).wait()
        v = pkt[pl.ds(NBF * K, TAIL)]
        sbt[pl.ds(0, TAIL)] = v & 0xFFFF
        dbt[pl.ds(0, TAIL)] = lax.shift_right_logical(v, 16)
        pltpu.async_copy(v_hbm.at[sbt], rows0.at[pl.ds(0, TAIL)], sem0).wait()
        pltpu.sync_copy(rows0.at[pl.ds(0, TAIL)], acc.at[dbt], add=True)
        plsc.subcore_barrier()

        @pl.when(c == 0)
        def _():
            pltpu.sync_copy(acc.at[pl.ds(s * RPT, RPT)],
                            outa_hbm.at[pl.ds(s * RPT, RPT)])

        @pl.when(c == 1)
        def _():
            pltpu.sync_copy(acc.at[pl.ds(s * RPT, RPT)],
                            outb_hbm.at[pl.ds(s * RPT, RPT)])

    return seg


_seg128 = _make_segsum(F1)
_seg64 = _make_segsum64()


def _dinv(d0, d1):
    return lax.rsqrt(d0 + d1 + 1.0)


def _mm1_body(x_ref, w_ref, d0_ref, d1_ref, o_ref):
    dinv = _dinv(d0_ref[...], d1_ref[...])
    o_ref[...] = dinv * jnp.dot(
        x_ref[...], w_ref[...], preferred_element_type=jnp.float32
    )


def _mm2_body(s0_ref, s1_ref, t_ref, d0_ref, d1_ref, b_ref, w_ref, o_ref):
    dinv = _dinv(d0_ref[...], d1_ref[...])
    h = jnp.maximum(dinv * (s0_ref[...] + s1_ref[...] + t_ref[...]) + b_ref[...], 0.0)
    o_ref[...] = dinv * jnp.dot(h, w_ref[...], preferred_element_type=jnp.float32)


def _ew3_body(s0_ref, s1_ref, t_ref, d0_ref, d1_ref, b_ref, o_ref):
    dinv = _dinv(d0_ref[...], d1_ref[...])
    h = jnp.maximum(dinv * (s0_ref[...] + s1_ref[...] + t_ref[...]) + b_ref[...], 0.0)
    o_ref[...] = dinv * h


def _mm3_body(s0_ref, s1_ref, t_ref, d0_ref, d1_ref, w_ref, b_ref, o_ref):
    dinv = _dinv(d0_ref[...], d1_ref[...])
    agg = dinv * (s0_ref[...] + s1_ref[...] + t_ref[...])
    o_ref[...] = jnp.dot(agg, w_ref[...], preferred_element_type=jnp.float32) + b_ref[...]


def _rows_spec(F, br=BR):
    return pl.BlockSpec((br, F), lambda i: (i, 0))


def _full_spec(a, b):
    return pl.BlockSpec((a, b), lambda i: (0, 0))


def _mm1(x, w1, d0, d1):
    return pl.pallas_call(
        _mm1_body,
        grid=(G,),
        in_specs=[_rows_spec(F1), _full_spec(F1, F1), _rows_spec(1), _rows_spec(1)],
        out_specs=_rows_spec(F1),
        out_shape=jax.ShapeDtypeStruct((NPAD, F1), jnp.float32),
    )(x, w1, d0, d1)


def _mm2(s0, s1, t1, d0, d1, b1, w2):
    return pl.pallas_call(
        _mm2_body,
        grid=(G,),
        in_specs=[
            _rows_spec(F1), _rows_spec(F1), _rows_spec(F1),
            _rows_spec(1), _rows_spec(1), _full_spec(1, F1), _full_spec(F1, F2),
        ],
        out_specs=_rows_spec(F2),
        out_shape=jax.ShapeDtypeStruct((NPAD, F2), jnp.float32),
    )(s0, s1, t1, d0, d1, b1, w2)


def _ew3(s0, s1, t2, d0, d1, b2):
    return pl.pallas_call(
        _ew3_body,
        grid=(G,),
        in_specs=[
            _rows_spec(F2), _rows_spec(F2), _rows_spec(F2),
            _rows_spec(1), _rows_spec(1), _full_spec(1, F2),
        ],
        out_specs=_rows_spec(F2),
        out_shape=jax.ShapeDtypeStruct((NPAD, F2), jnp.float32),
    )(s0, s1, t2, d0, d1, b2)


def _mm3(s0, s1, t3, d0, d1, w3, b3):
    return pl.pallas_call(
        _mm3_body,
        grid=(GO,),
        in_specs=[
            _rows_spec(F2, BRO), _rows_spec(F2, BRO), _rows_spec(F2, BRO),
            _rows_spec(1, BRO), _rows_spec(1, BRO),
            _full_spec(F2, F_OUT), _full_spec(1, F_OUT),
        ],
        out_specs=_rows_spec(F_OUT, BRO),
        out_shape=jax.ShapeDtypeStruct((N, F_OUT), jnp.float32),
    )(s0, s1, t3, d0, d1, w3, b3)


def kernel(x, edge_index, W1, b1, W2, b2, W3, b3):
    ei = jnp.asarray(edge_index, jnp.int32).reshape(2, NW, EPW)
    degp, pk = _deg_kernel(ei)
    d0 = degp[0].reshape(NPAD, 1)
    d1 = degp[1].reshape(NPAD, 1)
    t1 = _mm1(x, W1, d0, d1)
    s1a, s1b = _seg128(t1, pk)
    t2 = _mm2(s1a, s1b, t1, d0, d1, b1.reshape(1, F1), W2)
    s2a, s2b = _seg64(t2, pk)
    t3 = _ew3(s2a, s2b, t2, d0, d1, b2.reshape(1, F2))
    s3a, s3b = _seg64(t3, pk)
    return _mm3(s3a, s3b, t3, d0, d1, W3, b3.reshape(1, F_OUT))

# --- scband reference (transcript-rebuilt; emitter-appended) ---
"""Pipeline reference for scband-gcnmovie-recommender-25065429139628 (READ-ONLY COPY).

The authoritative reference and input builder live on the scoring server;
editing this copy changes nothing except your own understanding.
"""

import jax, jax.numpy as jnp
import numpy as np

N_NODES = 10000
N_EDGES = 320000
F_IN = 128
HID = 128
HID2 = 64
OUT = 512


def gcn_conv(x, edge_index, W, b):
    # PyG-style GCNConv: add self-loops, symmetric normalization, linear transform,
    # scatter-add aggregation, bias.
    n = x.shape[0]
    loops = jnp.arange(n, dtype=edge_index.dtype)
    src = jnp.concatenate([edge_index[0], loops])
    dst = jnp.concatenate([edge_index[1], loops])
    deg = jax.ops.segment_sum(jnp.ones(src.shape[0], dtype=x.dtype), dst, num_segments=n)
    deg_inv_sqrt = jnp.where(deg > 0, jax.lax.rsqrt(jnp.maximum(deg, 1e-12)), 0.0)
    norm = deg_inv_sqrt[src] * deg_inv_sqrt[dst]
    h = x @ W
    msg = h[src] * norm[:, None]
    out = jax.ops.segment_sum(msg, dst, num_segments=n)
    return out + b


def setup_inputs(seed: int = 0) -> dict:
    key = jax.random.key(seed)
    ks = jax.random.split(key, 9)
    x = jax.random.normal(ks[0], (N_NODES, F_IN), dtype=jnp.float32)
    edge_index = jax.random.randint(ks[1], (2, N_EDGES), 0, N_NODES).astype(jnp.int64)
    W1 = jax.random.normal(ks[2], (F_IN, HID), dtype=jnp.float32) * (1.0 / np.sqrt(F_IN))
    b1 = jnp.zeros((HID,), dtype=jnp.float32)
    W2 = jax.random.normal(ks[3], (HID, HID2), dtype=jnp.float32) * (1.0 / np.sqrt(HID))
    b2 = jnp.zeros((HID2,), dtype=jnp.float32)
    W3 = jax.random.normal(ks[4], (HID2, OUT), dtype=jnp.float32) * (1.0 / np.sqrt(HID2))
    b3 = jnp.zeros((OUT,), dtype=jnp.float32)
    return {"x": x, "edge_index": edge_index, "W1": W1, "b1": b1, "W2": W2, "b2": b2, "W3": W3, "b3": b3}


def reference(x, edge_index, W1, b1, W2, b2, W3, b3):
    # Dropout is identity in eval mode.
    h = jax.nn.relu(gcn_conv(x, edge_index, W1, b1))
    h = jax.nn.relu(gcn_conv(h, edge_index, W2, b2))
    out = gcn_conv(h, edge_index, W3, b3)
    return out

if __name__ == "__main__":
    import jax
    _d = setup_inputs()
    print(jax.jit(kernel)(*tuple(_d.values())))

</pallas_src>

<mosaic_0001>
#map = affine_map<(d0, d1) -> (0, 0)>
module attributes {stable_mosaic.version = 14 : i64} {
  func.func @seg(%arg0: i32, %arg1: i32, %arg2: memref<10240x64xf32, #tpu.memory_space<hbm>>, %arg3: memref<32x10000xi32, #tpu.memory_space<hbm>>, %arg4: memref<10240x64xf32, #tpu.memory_space<hbm>>, %arg5: memref<10240x64xf32, #tpu.memory_space<hbm>>, %arg6: memref<10240x64xf32, #tpu.memory_space<vmem_shared>>, %arg7: memref<10000xi32, #tpu.memory_space<vmem>>, %arg8: memref<128xi32, #tpu.memory_space<vmem>>, %arg9: memref<128xi32, #tpu.memory_space<vmem>>, %arg10: memref<128xi32, #tpu.memory_space<vmem>>, %arg11: memref<128xi32, #tpu.memory_space<vmem>>, %arg12: memref<128xi32, #tpu.memory_space<vmem>>, %arg13: memref<128xi32, #tpu.memory_space<vmem>>, %arg14: memref<16xi32, #tpu.memory_space<vmem>>, %arg15: memref<16xi32, #tpu.memory_space<vmem>>, %arg16: memref<128x64xf32, #tpu.memory_space<vmem>>, %arg17: memref<128x64xf32, #tpu.memory_space<vmem>>, %arg18: memref<128x64xf32, #tpu.memory_space<vmem>>, %arg19: memref<!tpu.dma_semaphore, #tpu.memory_space<semaphore_mem>>, %arg20: memref<!tpu.dma_semaphore, #tpu.memory_space<semaphore_mem>>, %arg21: memref<!tpu.dma_semaphore, #tpu.memory_space<semaphore_mem>>, %arg22: memref<!tpu.dma_semaphore, #tpu.memory_space<semaphore_mem>>, %arg23: memref<!tpu.dma_semaphore, #tpu.memory_space<semaphore_mem>>, %arg24: memref<!tpu.dma_semaphore, #tpu.memory_space<semaphore_mem>>) attributes {dimension_semantics = [#tpu.dimension_semantics<core_parallel>, #tpu.dimension_semantics<subcore_parallel>], iteration_bounds = array<i64: 2, 16>, scalar_prefetch = 0 : i64, scratch_operands = 19 : i64, tpu.core_type = #tpu.core_type<sc_vector_subcore>, window_params = [{transform_indices = #map}, {transform_indices = #map}, {transform_indices = #map}, {transform_indices = #map}]} {
    %mul3A = arith.constant 2 : i32
    %mul3A_0 = arith.muli %arg1, %mul3A : i32
    %add3A = arith.addi %mul3A_0, %arg0 : i32
    %scan3A = arith.constant 0 : i32
    %scan3A_1 = arith.constant 0 : i32
    %scan3A_2 = arith.constant 128 : i32
    %scan3A_3 = arith.addi %scan3A_1, %scan3A_2 : i32
    %scan3A_4 = arith.constant 1 : i32
    scf.for %scan3A_321 = %scan3A_1 to %scan3A_3 step %scan3A_4  : i32 {
      %broadcast_in_dim3A = arith.constant 0.000000e+00 : f32
      %broadcast_in_dim3A_322 = vector.broadcast %broadcast_in_dim3A : f32 to vector<16xf32>
      %swap3A_323 = arith.index_cast %scan3A_321 : i32 to index
      %swap3A_324 = arith.constant 0 : index
      %swap3A_325 = tpu.vector_load %arg16[%swap3A_323, %swap3A_324] {strides = array<i32>} : memref<128x64xf32, #tpu.memory_space<vmem>>, vector<1x16xf32>,
      %swap3A_326 = vector.shape_cast %swap3A_325 : vector<1x16xf32> to vector<16xf32>
      %swap3A_327 = vector.shape_cast %broadcast_in_dim3A_322 : vector<16xf32> to vector<1x16xf32>
      tpu.vector_store %arg16[%swap3A_323, %swap3A_324], %swap3A_327 {strides = array<i32>} : memref<128x64xf32, #tpu.memory_space<vmem>>, vector<1x16xf32>,
      %broadcast_in_dim3A_328 = arith.constant 0.000000e+00 : f32
      %broadcast_in_dim3A_329 = vector.broadcast %broadcast_in_dim3A_328 : f32 to vector<16xf32>
      %swap3A_330 = arith.index_cast %scan3A_321 : i32 to index
      %swap3A_331 = arith.constant 16 : index
      %swap3A_332 = tpu.vector_load %arg16[%swap3A_330, %swap3A_331] {strides = array<i32>} : memref<128x64xf32, #tpu.memory_space<vmem>>, vector<1x16xf32>,
      %swap3A_333 = vector.shape_cast %swap3A_332 : vector<1x16xf32> to vector<16xf32>
      %swap3A_334 = vector.shape_cast %broadcast_in_dim3A_329 : vector<16xf32> to vector<1x16xf32>
      tpu.vector_store %arg16[%swap3A_330, %swap3A_331], %swap3A_334 {strides = array<i32>} : memref<128x64xf32, #tpu.memory_space<vmem>>, vector<1x16xf32>,
      %broadcast_in_dim3A_335 = arith.constant 0.000000e+00 : f32
      %broadcast_in_dim3A_336 = vector.broadcast %broadcast_in_dim3A_335 : f32 to vector<16xf32>
      %swap3A_337 = arith.index_cast %scan3A_321 : i32 to index
      %swap3A_338 = arith.constant 32 : index
      %swap3A_339 = tpu.vector_load %arg16[%swap3A_337, %swap3A_338] {strides = array<i32>} : memref<128x64xf32, #tpu.memory_space<vmem>>, vector<1x16xf32>,
      %swap3A_340 = vector.shape_cast %swap3A_339 : vector<1x16xf32> to vector<16xf32>
      %swap3A_341 = vector.shape_cast %broadcast_in_dim3A_336 : vector<16xf32> to vector<1x16xf32>
      tpu.vector_store %arg16[%swap3A_337, %swap3A_338], %swap3A_341 {strides = array<i32>} : memref<128x64xf32, #tpu.memory_space<vmem>>, vector<1x16xf32>,
      %broadcast_in_dim3A_342 = arith.constant 0.000000e+00 : f32
      %broadcast_in_dim3A_343 = vector.broadcast %broadcast_in_dim3A_342 : f32 to vector<16xf32>
      %swap3A_344 = arith.index_cast %scan3A_321 : i32 to index
      %swap3A_345 = arith.constant 48 : index
      %swap3A_346 = tpu.vector_load %arg16[%swap3A_344, %swap3A_345] {strides = array<i32>} : memref<128x64xf32, #tpu.memory_space<vmem>>, vector<1x16xf32>,
      %swap3A_347 = vector.shape_cast %swap3A_346 : vector<1x16xf32> to vector<16xf32>
      %swap3A_348 = vector.shape_cast %broadcast_in_dim3A_343 : vector<16xf32> to vector<1x16xf32>
      tpu.vector_store %arg16[%swap3A_344, %swap3A_345], %swap3A_348 {strides = array<i32>} : memref<128x64xf32, #tpu.memory_space<vmem>>, vector<1x16xf32>,
    }
    %scan3A_5 = arith.constant 128 : i32
    %mul3A_6 = arith.constant 640 : i32
    %mul3A_7 = arith.muli %arg1, %mul3A_6 : i32
    %add3A_8 = arith.constant 0 : i32
    %add3A_9 = arith.addi %mul3A_7, %add3A_8 : i32
    "tpu.region"() ({
      %run_scoped3A = tpu.sem_alloc : memref<!tpu.dma_semaphore, #tpu.memory_space<semaphore_mem>>
      %dma_start3A_321 = arith.constant 0 : i32
      %dma_start3A_322 = tpu.memref_slice %arg6[%add3A_9, %dma_start3A_321] : memref<10240x64xf32, #tpu.memory_space<vmem_shared>> -> memref<128x64xf32, #tpu.memory_space<vmem_shared>>
      %dma_start3A_323 = arith.constant 0 : i32
      %dma_start3A_324 = tpu.memref_slice %arg6[%add3A_9, %dma_start3A_323] : memref<10240x64xf32, #tpu.memory_space<vmem_shared>> -> memref<128x64xf32, #tpu.memory_space<vmem_shared>>
      tpu.enqueue_dma source(%arg16 : memref<128x64xf32, #tpu.memory_space<vmem>>) target(%dma_start3A_324 : memref<128x64xf32, #tpu.memory_space<vmem_shared>>) target_semaphore(%run_scoped3A : memref<!tpu.dma_semaphore, #tpu.memory_space<semaphore_mem>>)
      %dma_wait3A_325 = arith.constant 0 : i32
      %dma_wait3A_326 = tpu.memref_slice %arg6[%add3A_9, %dma_wait3A_325] : memref<10240x64xf32, #tpu.memory_space<vmem_shared>> -> memref<128x64xf32, #tpu.memory_space<vmem_shared>>
      %dma_wait3A_327 = arith.constant 0 : i32
      %dma_wait3A_328 = tpu.memref_slice %arg6[%add3A_9, %dma_wait3A_327] : memref<10240x64xf32, #tpu.memory_space<vmem_shared>> -> memref<128x64xf32, #tpu.memory_space<vmem_shared>>
      tpu.wait_dma2 semaphore(%run_scoped3A : memref<!tpu.dma_semaphore, #tpu.memory_space<semaphore_mem>>) src(%arg16 : memref<128x64xf32, #tpu.memory_space<vmem>>) dst(%dma_wait3A_328 : memref<128x64xf32, #tpu.memory_space<vmem_shared>>)
      tpu.yield
    }) : () -> ()
    %mul3A_10 = arith.constant 640 : i32
    %mul3A_11 = arith.muli %arg1, %mul3A_10 : i32
    %add3A_12 = arith.constant 128 : i32
    %add3A_13 = arith.addi %mul3A_11, %add3A_12 : i32
    "tpu.region"() ({
      %run_scoped3A = tpu.sem_alloc : memref<!tpu.dma_semaphore, #tpu.memory_space<semaphore_mem>>
      %dma_start3A_321 = arith.constant 0 : i32
      %dma_start3A_322 = tpu.memref_slice %arg6[%add3A_13, %dma_start3A_321] : memref<10240x64xf32, #tpu.memory_space<vmem_shared>> -> memref<128x64xf32, #tpu.memory_space<vmem_shared>>
      %dma_start3A_323 = arith.constant 0 : i32
      %dma_start3A_324 = tpu.memref_slice %arg6[%add3A_13, %dma_start3A_323] : memref<10240x64xf32, #tpu.memory_space<vmem_shared>> -> memref<128x64xf32, #tpu.memory_space<vmem_shared>>
      tpu.enqueue_dma source(%arg16 : memref<128x64xf32, #tpu.memory_space<vmem>>) target(%dma_start3A_324 : memref<128x64xf32, #tpu.memory_space<vmem_shared>>) target_semaphore(%run_scoped3A : memref<!tpu.dma_semaphore, #tpu.memory_space<semaphore_mem>>)
      %dma_wait3A_325 = arith.constant 0 : i32
      %dma_wait3A_326 = tpu.memref_slice %arg6[%add3A_13, %dma_wait3A_325] : memref<10240x64xf32, #tpu.memory_space<vmem_shared>> -> memref<128x64xf32, #tpu.memory_space<vmem_shared>>
      %dma_wait3A_327 = arith.constant 0 : i32
      %dma_wait3A_328 = tpu.memref_slice %arg6[%add3A_13, %dma_wait3A_327] : memref<10240x64xf32, #tpu.memory_space<vmem_shared>> -> memref<128x64xf32, #tpu.memory_space<vmem_shared>>
      tpu.wait_dma2 semaphore(%run_scoped3A : memref<!tpu.dma_semaphore, #tpu.memory_space<semaphore_mem>>) src(%arg16 : memref<128x64xf32, #tpu.memory_space<vmem>>) dst(%dma_wait3A_328 : memref<128x64xf32, #tpu.memory_space<vmem_shared>>)
      tpu.yield
    }) : () -> ()
    %mul3A_14 = arith.constant 640 : i32
    %mul3A_15 = arith.muli %arg1, %mul3A_14 : i32
    %add3A_16 = arith.constant 256 : i32
    %add3A_17 = arith.addi %mul3A_15, %add3A_16 : i32
    "tpu.region"() ({
      %run_scoped3A = tpu.sem_alloc : memref<!tpu.dma_semaphore, #tpu.memory_space<semaphore_mem>>
      %dma_start3A_321 = arith.constant 0 : i32
      %dma_start3A_322 = tpu.memref_slice %arg6[%add3A_17, %dma_start3A_321] : memref<10240x64xf32, #tpu.memory_space<vmem_shared>> -> memref<128x64xf32, #tpu.memory_space<vmem_shared>>
      %dma_start3A_323 = arith.constant 0 : i32
      %dma_start3A_324 = tpu.memref_slice %arg6[%add3A_17, %dma_start3A_323] : memref<10240x64xf32, #tpu.memory_space<vmem_shared>> -> memref<128x64xf32, #tpu.memory_space<vmem_shared>>
      tpu.enqueue_dma source(%arg16 : memref<128x64xf32, #tpu.memory_space<vmem>>) target(%dma_start3A_324 : memref<128x64xf32, #tpu.memory_space<vmem_shared>>) target_semaphore(%run_scoped3A : memref<!tpu.dma_semaphore, #tpu.memory_space<semaphore_mem>>)
      %dma_wait3A_325 = arith.constant 0 : i32
      %dma_wait3A_326 = tpu.memref_slice %arg6[%add3A_17, %dma_wait3A_325] : memref<10240x64xf32, #tpu.memory_space<vmem_shared>> -> memref<128x64xf32, #tpu.memory_space<vmem_shared>>
      %dma_wait3A_327 = arith.constant 0 : i32
      %dma_wait3A_328 = tpu.memref_slice %arg6[%add3A_17, %dma_wait3A_327] : memref<10240x64xf32, #tpu.memory_space<vmem_shared>> -> memref<128x64xf32, #tpu.memory_space<vmem_shared>>
      tpu.wait_dma2 semaphore(%run_scoped3A : memref<!tpu.dma_semaphore, #tpu.memory_space<semaphore_mem>>) src(%arg16 : memref<128x64xf32, #tpu.memory_space<vmem>>) dst(%dma_wait3A_328 : memref<128x64xf32, #tpu.memory_space<vmem_shared>>)
      tpu.yield
    }) : () -> ()
    %mul3A_18 = arith.constant 640 : i32
    %mul3A_19 = arith.muli %arg1, %mul3A_18 : i32
    %add3A_20 = arith.constant 384 : i32
    %add3A_21 = arith.addi %mul3A_19, %add3A_20 : i32
    "tpu.region"() ({
      %run_scoped3A = tpu.sem_alloc : memref<!tpu.dma_semaphore, #tpu.memory_space<semaphore_mem>>
      %dma_start3A_321 = arith.constant 0 : i32
      %dma_start3A_322 = tpu.memref_slice %arg6[%add3A_21, %dma_start3A_321] : memref<10240x64xf32, #tpu.memory_space<vmem_shared>> -> memref<128x64xf32, #tpu.memory_space<vmem_shared>>
      %dma_start3A_323 = arith.constant 0 : i32
      %dma_start3A_324 = tpu.memref_slice %arg6[%add3A_21, %dma_start3A_323] : memref<10240x64xf32, #tpu.memory_space<vmem_shared>> -> memref<128x64xf32, #tpu.memory_space<vmem_shared>>
      tpu.enqueue_dma source(%arg16 : memref<128x64xf32, #tpu.memory_space<vmem>>) target(%dma_start3A_324 : memref<128x64xf32, #tpu.memory_space<vmem_shared>>) target_semaphore(%run_scoped3A : memref<!tpu.dma_semaphore, #tpu.memory_space<semaphore_mem>>)
      %dma_wait3A_325 = arith.constant 0 : i32
      %dma_wait3A_326 = tpu.memref_slice %arg6[%add3A_21, %dma_wait3A_325] : memref<10240x64xf32, #tpu.memory_space<vmem_shared>> -> memref<128x64xf32, #tpu.memory_space<vmem_shared>>
      %dma_wait3A_327 = arith.constant 0 : i32
      %dma_wait3A_328 = tpu.memref_slice %arg6[%add3A_21, %dma_wait3A_327] : memref<10240x64xf32, #tpu.memory_space<vmem_shared>> -> memref<128x64xf32, #tpu.memory_space<vmem_shared>>
      tpu.wait_dma2 semaphore(%run_scoped3A : memref<!tpu.dma_semaphore, #tpu.memory_space<semaphore_mem>>) src(%arg16 : memref<128x64xf32, #tpu.memory_space<vmem>>) dst(%dma_wait3A_328 : memref<128x64xf32, #tpu.memory_space<vmem_shared>>)
      tpu.yield
    }) : () -> ()
    %mul3A_22 = arith.constant 640 : i32
    %mul3A_23 = arith.muli %arg1, %mul3A_22 : i32
    %add3A_24 = arith.constant 512 : i32
    %add3A_25 = arith.addi %mul3A_23, %add3A_24 : i32
    "tpu.region"() ({
      %run_scoped3A = tpu.sem_alloc : memref<!tpu.dma_semaphore, #tpu.memory_space<semaphore_mem>>
      %dma_start3A_321 = arith.constant 0 : i32
      %dma_start3A_322 = tpu.memref_slice %arg6[%add3A_25, %dma_start3A_321] : memref<10240x64xf32, #tpu.memory_space<vmem_shared>> -> memref<128x64xf32, #tpu.memory_space<vmem_shared>>
      %dma_start3A_323 = arith.constant 0 : i32
      %dma_start3A_324 = tpu.memref_slice %arg6[%add3A_25, %dma_start3A_323] : memref<10240x64xf32, #tpu.memory_space<vmem_shared>> -> memref<128x64xf32, #tpu.memory_space<vmem_shared>>
      tpu.enqueue_dma source(%arg16 : memref<128x64xf32, #tpu.memory_space<vmem>>) target(%dma_start3A_324 : memref<128x64xf32, #tpu.memory_space<vmem_shared>>) target_semaphore(%run_scoped3A : memref<!tpu.dma_semaphore, #tpu.memory_space<semaphore_mem>>)
      %dma_wait3A_325 = arith.constant 0 : i32
      %dma_wait3A_326 = tpu.memref_slice %arg6[%add3A_25, %dma_wait3A_325] : memref<10240x64xf32, #tpu.memory_space<vmem_shared>> -> memref<128x64xf32, #tpu.memory_space<vmem_shared>>
      %dma_wait3A_327 = arith.constant 0 : i32
      %dma_wait3A_328 = tpu.memref_slice %arg6[%add3A_25, %dma_wait3A_327] : memref<10240x64xf32, #tpu.memory_space<vmem_shared>> -> memref<128x64xf32, #tpu.memory_space<vmem_shared>>
      tpu.wait_dma2 semaphore(%run_scoped3A : memref<!tpu.dma_semaphore, #tpu.memory_space<semaphore_mem>>) src(%arg16 : memref<128x64xf32, #tpu.memory_space<vmem>>) dst(%dma_wait3A_328 : memref<128x64xf32, #tpu.memory_space<vmem_shared>>)
      tpu.yield
    }) : () -> ()
    "tpu.region"() ({
      %run_scoped3A = tpu.sem_alloc : memref<!tpu.dma_semaphore, #tpu.memory_space<semaphore_mem>>
      %dma_start3A_321 = arith.constant 0 : i32
      %dma_start3A_322 = tpu.memref_slice %arg3[%add3A, %dma_start3A_321] : memref<32x10000xi32, #tpu.memory_space<hbm>> -> memref<1x10000xi32, #tpu.memory_space<hbm>>
      %dma_start3A_323 = tpu.memref_squeeze %dma_start3A_322 : memref<1x10000xi32, #tpu.memory_space<hbm>> -> memref<10000xi32, #tpu.memory_space<hbm>>
      %dma_start3A_324 = arith.constant 0 : i32
      %dma_start3A_325 = tpu.memref_slice %arg3[%add3A, %dma_start3A_324] : memref<32x10000xi32, #tpu.memory_space<hbm>> -> memref<1x10000xi32, #tpu.memory_space<hbm>>
      %dma_start3A_326 = tpu.memref_squeeze %dma_start3A_325 : memref<1x10000xi32, #tpu.memory_space<hbm>> -> memref<10000xi32, #tpu.memory_space<hbm>>
      tpu.enqueue_dma source(%dma_start3A_326 : memref<10000xi32, #tpu.memory_space<hbm>>) target(%arg7 : memref<10000xi32, #tpu.memory_space<vmem>>) target_semaphore(%run_scoped3A : memref<!tpu.dma_semaphore, #tpu.memory_space<semaphore_mem>>)
      %dma_wait3A_327 = arith.constant 0 : i32
      %dma_wait3A_328 = tpu.memref_slice %arg3[%add3A, %dma_wait3A_327] : memref<32x10000xi32, #tpu.memory_space<hbm>> -> memref<1x10000xi32, #tpu.memory_space<hbm>>
      %dma_wait3A_329 = tpu.memref_squeeze %dma_wait3A_328 : memref<1x10000xi32, #tpu.memory_space<hbm>> -> memref<10000xi32, #tpu.memory_space<hbm>>
      %dma_wait3A_330 = arith.constant 0 : i32
      %dma_wait3A_331 = tpu.memref_slice %arg3[%add3A, %dma_wait3A_330] : memref<32x10000xi32, #tpu.memory_space<hbm>> -> memref<1x10000xi32, #tpu.memory_space<hbm>>
      %dma_wait3A_332 = tpu.memref_squeeze %dma_wait3A_331 : memref<1x10000xi32, #tpu.memory_space<hbm>> -> memref<10000xi32, #tpu.memory_space<hbm>>
      tpu.wait_dma2 semaphore(%run_scoped3A : memref<!tpu.dma_semaphore, #tpu.memory_space<semaphore_mem>>) src(%dma_wait3A_332 : memref<10000xi32, #tpu.memory_space<hbm>>) dst(%arg7 : memref<10000xi32, #tpu.memory_space<vmem>>)
      tpu.yield
    }) : () -> ()
    %barrier3A = arith.constant 0 : index
    tpu.barrier barrier_id(%barrier3A)
    %get3A = arith.constant 0 : index
    %get3A_26 = tpu.vector_load %arg7[%get3A] {strides = array<i32>} : memref<10000xi32, #tpu.memory_space<vmem>>, vector<16xi32>,
    %get3A_27 = vector.shape_cast %get3A_26 : vector<16xi32> to vector<16xi32>
    %and3A = arith.constant 65535 : i32
    %and3A_28 = vector.broadcast %and3A : i32 to vector<16xi32>
    %and3A_29 = arith.andi %get3A_27, %and3A_28 : vector<16xi32>
    %swap3A = arith.constant 0 : index
    %swap3A_30 = tpu.vector_load %arg8[%swap3A] {strides = array<i32>} : memref<128xi32, #tpu.memory_space<vmem>>, vector<16xi32>,
    %swap3A_31 = vector.shape_cast %swap3A_30 : vector<16xi32> to vector<16xi32>
    %swap3A_32 = vector.shape_cast %and3A_29 : vector<16xi32> to vector<16xi32>
    tpu.vector_store %arg8[%swap3A], %swap3A_32 {strides = array<i32>} : memref<128xi32, #tpu.memory_space<vmem>>, vector<16xi32>,
    %get3A_33 = arith.constant 16 : index
    %get3A_34 = tpu.vector_load %arg7[%get3A_33] {strides = array<i32>} : memref<10000xi32, #tpu.memory_space<vmem>>, vector<16xi32>,
    %get3A_35 = vector.shape_cast %get3A_34 : vector<16xi32> to vector<16xi32>
    %and3A_36 = arith.constant 65535 : i32
    %and3A_37 = vector.broadcast %and3A_36 : i32 to vector<16xi32>
    %and3A_38 = arith.andi %get3A_35, %and3A_37 : vector<16xi32>
    %swap3A_39 = arith.constant 16 : index
    %swap3A_40 = tpu.vector_load %arg8[%swap3A_39] {strides = array<i32>} : memref<128xi32, #tpu.memory_space<vmem>>, vector<16xi32>,
    %swap3A_41 = vector.shape_cast %swap3A_40 : vector<16xi32> to vector<16xi32>
    %swap3A_42 = vector.shape_cast %and3A_38 : vector<16xi32> to vector<16xi32>
    tpu.vector_store %arg8[%swap3A_39], %swap3A_42 {strides = array<i32>} : memref<128xi32, #tpu.memory_space<vmem>>, vector<16xi32>,
    %get3A_43 = arith.constant 32 : index
    %get3A_44 = tpu.vector_load %arg7[%get3A_43] {strides = array<i32>} : memref<10000xi32, #tpu.memory_space<vmem>>, vector<16xi32>,
    %get3A_45 = vector.shape_cast %get3A_44 : vector<16xi32> to vector<16xi32>
    %and3A_46 = arith.constant 65535 : i32
    %and3A_47 = vector.broadcast %and3A_46 : i32 to vector<16xi32>
    %and3A_48 = arith.andi %get3A_45, %and3A_47 : vector<16xi32>
    %swap3A_49 = arith.constant 32 : index
    %swap3A_50 = tpu.vector_load %arg8[%swap3A_49] {strides = array<i32>} : memref<128xi32, #tpu.memory_space<vmem>>, vector<16xi32>,
    %swap3A_51 = vector.shape_cast %swap3A_50 : vector<16xi32> to vector<16xi32>
    %swap3A_52 = vector.shape_cast %and3A_48 : vector<16xi32> to vector<16xi32>
    tpu.vector_store %arg8[%swap3A_49], %swap3A_52 {strides = array<i32>} : memref<128xi32, #tpu.memory_space<vmem>>, vector<16xi32>,
    %get3A_53 = arith.constant 48 : index
    %get3A_54 = tpu.vector_load %arg7[%get3A_53] {strides = array<i32>} : memref<10000xi32, #tpu.memory_space<vmem>>, vector<16xi32>,
    %get3A_55 = vector.shape_cast %get3A_54 : vector<16xi32> to vector<16xi32>
    %and3A_56 = arith.constant 65535 : i32
    %and3A_57 = vector.broadcast %and3A_56 : i32 to vector<16xi32>
    %and3A_58 = arith.andi %get3A_55, %and3A_57 : vector<16xi32>
    %swap3A_59 = arith.constant 48 : index
    %swap3A_60 = tpu.vector_load %arg8[%swap3A_59] {strides = array<i32>} : memref<128xi32, #tpu.memory_space<vmem>>, vector<16xi32>,
    %swap3A_61 = vector.shape_cast %swap3A_60 : vector<16xi32> to vector<16xi32>
    %swap3A_62 = vector.shape_cast %and3A_58 : vector<16xi32> to vector<16xi32>
    tpu.vector_store %arg8[%swap3A_59], %swap3A_62 {strides = array<i32>} : memref<128xi32, #tpu.memory_space<vmem>>, vector<16xi32>,
    %get3A_63 = arith.constant 64 : index
    %get3A_64 = tpu.vector_load %arg7[%get3A_63] {strides = array<i32>} : memref<10000xi32, #tpu.memory_space<vmem>>, vector<16xi32>,
    %get3A_65 = vector.shape_cast %get3A_64 : vector<16xi32> to vector<16xi32>
    %and3A_66 = arith.constant 65535 : i32
    %and3A_67 = vector.broadcast %and3A_66 : i32 to vector<16xi32>
    %and3A_68 = arith.andi %get3A_65, %and3A_67 : vector<16xi32>
    %swap3A_69 = arith.constant 64 : index
    %swap3A_70 = tpu.vector_load %arg8[%swap3A_69] {strides = array<i32>} : memref<128xi32, #tpu.memory_space<vmem>>, vector<16xi32>,
    %swap3A_71 = vector.shape_cast %swap3A_70 : vector<16xi32> to vector<16xi32>
    %swap3A_72 = vector.shape_cast %and3A_68 : vector<16xi32> to vector<16xi32>
    tpu.vector_store %arg8[%swap3A_69], %swap3A_72 {strides = array<i32>} : memref<128xi32, #tpu.memory_space<vmem>>, vector<16xi32>,
    %get3A_73 = arith.constant 80 : index
    %get3A_74 = tpu.vector_load %arg7[%get3A_73] {strides = array<i32>} : memref<10000xi32, #tpu.memory_space<vmem>>, vector<16xi32>,
    %get3A_75 = vector.shape_cast %get3A_74 : vector<16xi32> to vector<16xi32>
    %and3A_76 = arith.constant 65535 : i32
    %and3A_77 = vector.broadcast %and3A_76 : i32 to vector<16xi32>
    %and3A_78 = arith.andi %get3A_75, %and3A_77 : vector<16xi32>
    %swap3A_79 = arith.constant 80 : index
    %swap3A_80 = tpu.vector_load %arg8[%swap3A_79] {strides = array<i32>} : memref<128xi32, #tpu.memory_space<vmem>>, vector<16xi32>,
    %swap3A_81 = vector.shape_cast %swap3A_80 : vector<16xi32> to vector<16xi32>
    %swap3A_82 = vector.shape_cast %and3A_78 : vector<16xi32> to vector<16xi32>
    tpu.vector_store %arg8[%swap3A_79], %swap3A_82 {strides = array<i32>} : memref<128xi32, #tpu.memory_space<vmem>>, vector<16xi32>,
    %get3A_83 = arith.constant 96 : index
    %get3A_84 = tpu.vector_load %arg7[%get3A_83] {strides = array<i32>} : memref<10000xi32, #tpu.memory_space<vmem>>, vector<16xi32>,
    %get3A_85 = vector.shape_cast %get3A_84 : vector<16xi32> to vector<16xi32>
    %and3A_86 = arith.constant 65535 : i32
    %and3A_87 = vector.broadcast %and3A_86 : i32 to vector<16xi32>
    %and3A_88 = arith.andi %get3A_85, %and3A_87 : vector<16xi32>
    %swap3A_89 = arith.constant 96 : index
    %swap3A_90 = tpu.vector_load %arg8[%swap3A_89] {strides = array<i32>} : memref<128xi32, #tpu.memory_space<vmem>>, vector<16xi32>,
    %swap3A_91 = vector.shape_cast %swap3A_90 : vector<16xi32> to vector<16xi32>
    %swap3A_92 = vector.shape_cast %and3A_88 : vector<16xi32> to vector<16xi32>
    tpu.vector_store %arg8[%swap3A_89], %swap3A_92 {strides = array<i32>} : memref<128xi32, #tpu.memory_space<vmem>>, vector<16xi32>,
    %get3A_93 = arith.constant 112 : index
    %get3A_94 = tpu.vector_load %arg7[%get3A_93] {strides = array<i32>} : memref<10000xi32, #tpu.memory_space<vmem>>, vector<16xi32>,
    %get3A_95 = vector.shape_cast %get3A_94 : vector<16xi32> to vector<16xi32>
    %and3A_96 = arith.constant 65535 : i32
    %and3A_97 = vector.broadcast %and3A_96 : i32 to vector<16xi32>
    %and3A_98 = arith.andi %get3A_95, %and3A_97 : vector<16xi32>
    %swap3A_99 = arith.constant 112 : index
    %swap3A_100 = tpu.vector_load %arg8[%swap3A_99] {strides = array<i32>} : memref<128xi32, #tpu.memory_space<vmem>>, vector<16xi32>,
    %swap3A_101 = vector.shape_cast %swap3A_100 : vector<16xi32> to vector<16xi32>
    %swap3A_102 = vector.shape_cast %and3A_98 : vector<16xi32> to vector<16xi32>
    tpu.vector_store %arg8[%swap3A_99], %swap3A_102 {strides = array<i32>} : memref<128xi32, #tpu.memory_space<vmem>>, vector<16xi32>,
    %dma_start3A = arith.constant 0 : i32
    %dma_start3A_103 = arith.constant 0 : i32
    %dma_start3A_104 = tpu.memref_slice %arg2[%dma_start3A, %dma_start3A_103] : memref<10240x64xf32, #tpu.memory_space<hbm>> -> memref<10240x64xf32, #tpu.memory_space<hbm>>
    tpu.enqueue_indirect_dma source(%dma_start3A_104 : memref<10240x64xf32, #tpu.memory_space<hbm>>) target(%arg16 : memref<128x64xf32, #tpu.memory_space<vmem>>) offsets(%arg8 : memref<128xi32, #tpu.memory_space<vmem>>) semaphore(%arg19 : memref<!tpu.dma_semaphore, #tpu.memory_space<semaphore_mem>>)
    %get3A_105 = arith.constant 128 : index
    %get3A_106 = tpu.vector_load %arg7[%get3A_105] {strides = array<i32>} : memref<10000xi32, #tpu.memory_space<vmem>>, vector<16xi32>,
    %get3A_107 = vector.shape_cast %get3A_106 : vector<16xi32> to vector<16xi32>
    %and3A_108 = arith.constant 65535 : i32
    %and3A_109 = vector.broadcast %and3A_108 : i32 to vector<16xi32>
    %and3A_110 = arith.andi %get3A_107, %and3A_109 : vector<16xi32>
    %swap3A_111 = arith.constant 0 : index
    %swap3A_112 = tpu.vector_load %arg9[%swap3A_111] {strides = array<i32>} : memref<128xi32, #tpu.memory_space<vmem>>, vector<16xi32>,
    %swap3A_113 = vector.shape_cast %swap3A_112 : vector<16xi32> to vector<16xi32>
    %swap3A_114 = vector.shape_cast %and3A_110 : vector<16xi32> to vector<16xi32>
    tpu.vector_store %arg9[%swap3A_111], %swap3A_114 {strides = array<i32>} : memref<128xi32, #tpu.memory_space<vmem>>, vector<16xi32>,
    %get3A_115 = arith.constant 144 : index
    %get3A_116 = tpu.vector_load %arg7[%get3A_115] {strides = array<i32>} : memref<10000xi32, #tpu.memory_space<vmem>>, vector<16xi32>,
    %get3A_117 = vector.shape_cast %get3A_116 : vector<16xi32> to vector<16xi32>
    %and3A_118 = arith.constant 65535 : i32
    %and3A_119 = vector.broadcast %and3A_118 : i32 to vector<16xi32>
    %and3A_120 = arith.andi %get3A_117, %and3A_119 : vector<16xi32>
    %swap3A_121 = arith.constant 16 : index
    %swap3A_122 = tpu.vector_load %arg9[%swap3A_121] {strides = array<i32>} : memref<128xi32, #tpu.memory_space<vmem>>, vector<16xi32>,
    %swap3A_123 = vector.shape_cast %swap3A_122 : vector<16xi32> to vector<16xi32>
    %swap3A_124 = vector.shape_cast %and3A_120 : vector<16xi32> to vector<16xi32>
    tpu.vector_store %arg9[%swap3A_121], %swap3A_124 {strides = array<i32>} : memref<128xi32, #tpu.memory_space<vmem>>, vector<16xi32>,
    %get3A_125 = arith.constant 160 : index
    %get3A_126 = tpu.vector_load %arg7[%get3A_125] {strides = array<i32>} : memref<10000xi32, #tpu.memory_space<vmem>>, vector<16xi32>,
    %get3A_127 = vector.shape_cast %get3A_126 : vector<16xi32> to vector<16xi32>
    %and3A_128 = arith.constant 65535 : i32
    %and3A_129 = vector.broadcast %and3A_128 : i32 to vector<16xi32>
    %and3A_130 = arith.andi %get3A_127, %and3A_129 : vector<16xi32>
    %swap3A_131 = arith.constant 32 : index
    %swap3A_132 = tpu.vector_load %arg9[%swap3A_131] {strides = array<i32>} : memref<128xi32, #tpu.memory_space<vmem>>, vector<16xi32>,
    %swap3A_133 = vector.shape_cast %swap3A_132 : vector<16xi32> to vector<16xi32>
    %swap3A_134 = vector.shape_cast %and3A_130 : vector<16xi32> to vector<16xi32>
    tpu.vector_store %arg9[%swap3A_131], %swap3A_134 {strides = array<i32>} : memref<128xi32, #tpu.memory_space<vmem>>, vector<16xi32>,
    %get3A_135 = arith.constant 176 : index
    %get3A_136 = tpu.vector_load %arg7[%get3A_135] {strides = array<i32>} : memref<10000xi32, #tpu.memory_space<vmem>>, vector<16xi32>,
    %get3A_137 = vector.shape_cast %get3A_136 : vector<16xi32> to vector<16xi32>
    %and3A_138 = arith.constant 65535 : i32
    %and3A_139 = vector.broadcast %and3A_138 : i32 to vector<16xi32>
    %and3A_140 = arith.andi %get3A_137, %and3A_139 : vector<16xi32>
    %swap3A_141 = arith.constant 48 : index
    %swap3A_142 = tpu.vector_load %arg9[%swap3A_141] {strides = array<i32>} : memref<128xi32, #tpu.memory_space<vmem>>, vector<16xi32>,
    %swap3A_143 = vector.shape_cast %swap3A_142 : vector<16xi32> to vector<16xi32>
    %swap3A_144 = vector.shape_cast %and3A_140 : vector<16xi32> to vector<16xi32>
    tpu.vector_store %arg9[%swap3A_141], %swap3A_144 {strides = array<i32>} : memref<128xi32, #tpu.memory_space<vmem>>, vector<16xi32>,
    %get3A_145 = arith.constant 192 : index
    %get3A_146 = tpu.vector_load %arg7[%get3A_145] {strides = array<i32>} : memref<10000xi32, #tpu.memory_space<vmem>>, vector<16xi32>,
    %get3A_147 = vector.shape_cast %get3A_146 : vector<16xi32> to vector<16xi32>
    %and3A_148 = arith.constant 65535 : i32
    %and3A_149 = vector.broadcast %and3A_148 : i32 to vector<16xi32>
    %and3A_150 = arith.andi %get3A_147, %and3A_149 : vector<16xi32>
    %swap3A_151 = arith.constant 64 : index
    %swap3A_152 = tpu.vector_load %arg9[%swap3A_151] {strides = array<i32>} : memref<128xi32, #tpu.memory_space<vmem>>, vector<16xi32>,
    %swap3A_153 = vector.shape_cast %swap3A_152 : vector<16xi32> to vector<16xi32>
    %swap3A_154 = vector.shape_cast %and3A_150 : vector<16xi32> to vector<16xi32>
    tpu.vector_store %arg9[%swap3A_151], %swap3A_154 {strides = array<i32>} : memref<128xi32, #tpu.memory_space<vmem>>, vector<16xi32>,
    %get3A_155 = arith.constant 208 : index
    %get3A_156 = tpu.vector_load %arg7[%get3A_155] {strides = array<i32>} : memref<10000xi32, #tpu.memory_space<vmem>>, vector<16xi32>,
    %get3A_157 = vector.shape_cast %get3A_156 : vector<16xi32> to vector<16xi32>
    %and3A_158 = arith.constant 65535 : i32
    %and3A_159 = vector.broadcast %and3A_158 : i32 to vector<16xi32>
    %and3A_160 = arith.andi %get3A_157, %and3A_159 : vector<16xi32>
    %swap3A_161 = arith.constant 80 : index
    %swap3A_162 = tpu.vector_load %arg9[%swap3A_161] {strides = array<i32>} : memref<128xi32, #tpu.memory_space<vmem>>, vector<16xi32>,
    %swap3A_163 = vector.shape_cast %swap3A_162 : vector<16xi32> to vector<16xi32>
    %swap3A_164 = vector.shape_cast %and3A_160 : vector<16xi32> to vector<16xi32>
    tpu.vector_store %arg9[%swap3A_161], %swap3A_164 {strides = array<i32>} : memref<128xi32, #tpu.memory_space<vmem>>, vector<16xi32>,
    %get3A_165 = arith.constant 224 : index
    %get3A_166 = tpu.vector_load %arg7[%get3A_165] {strides = array<i32>} : memref<10000xi32, #tpu.memory_space<vmem>>, vector<16xi32>,
    %get3A_167 = vector.shape_cast %get3A_166 : vector<16xi32> to vector<16xi32>
    %and3A_168 = arith.constant 65535 : i32
    %and3A_169 = vector.broadcast %and3A_168 : i32 to vector<16xi32>
    %and3A_170 = arith.andi %get3A_167, %and3A_169 : vector<16xi32>
    %swap3A_171 = arith.constant 96 : index
    %swap3A_172 = tpu.vector_load %arg9[%swap3A_171] {strides = array<i32>} : memref<128xi32, #tpu.memory_space<vmem>>, vector<16xi32>,
    %swap3A_173 = vector.shape_cast %swap3A_172 : vector<16xi32> to vector<16xi32>
    %swap3A_174 = vector.shape_cast %and3A_170 : vector<16xi32> to vector<16xi32>
    tpu.vector_store %arg9[%swap3A_171], %swap3A_174 {strides = array<i32>} : memref<128xi32, #tpu.memory_space<vmem>>, vector<16xi32>,
    %get3A_175 = arith.constant 240 : index
    %get3A_176 = tpu.vector_load %arg7[%get3A_175] {strides = array<i32>} : memref<10000xi32, #tpu.memory_space<vmem>>, vector<16xi32>,
    %get3A_177 = vector.shape_cast %get3A_176 : vector<16xi32> to vector<16xi32>
    %and3A_178 = arith.constant 65535 : i32
    %and3A_179 = vector.broadcast %and3A_178 : i32 to vector<16xi32>
    %and3A_180 = arith.andi %get3A_177, %and3A_179 : vector<16xi32>
    %swap3A_181 = arith.constant 112 : index
    %swap3A_182 = tpu.vector_load %arg9[%swap3A_181] {strides = array<i32>} : memref<128xi32, #tpu.memory_space<vmem>>, vector<16xi32>,
    %swap3A_183 = vector.shape_cast %swap3A_182 : vector<16xi32> to vector<16xi32>
    %swap3A_184 = vector.shape_cast %and3A_180 : vector<16xi32> to vector<16xi32>
    tpu.vector_store %arg9[%swap3A_181], %swap3A_184 {strides = array<i32>} : memref<128xi32, #tpu.memory_space<vmem>>, vector<16xi32>,
    %dma_start3A_185 = arith.constant 0 : i32
    %dma_start3A_186 = arith.constant 0 : i32
    %dma_start3A_187 = tpu.memref_slice %arg2[%dma_start3A_185, %dma_start3A_186] : memref<10240x64xf32, #tpu.memory_space<hbm>> -> memref<10240x64xf32, #tpu.memory_space<hbm>>
    tpu.enqueue_indirect_dma source(%dma_start3A_187 : memref<10240x64xf32, #tpu.memory_space<hbm>>) target(%arg17 : memref<128x64xf32, #tpu.memory_space<vmem>>) offsets(%arg9 : memref<128xi32, #tpu.memory_space<vmem>>) semaphore(%arg20 : memref<!tpu.dma_semaphore, #tpu.memory_space<semaphore_mem>>)
    %get3A_188 = arith.constant 256 : index
    %get3A_189 = tpu.vector_load %arg7[%get3A_188] {strides = array<i32>} : memref<10000xi32, #tpu.memory_space<vmem>>, vector<16xi32>,
    %get3A_190 = vector.shape_cast %get3A_189 : vector<16xi32> to vector<16xi32>
    %and3A_191 = arith.constant 65535 : i32
    %and3A_192 = vector.broadcast %and3A_191 : i32 to vector<16xi32>
    %and3A_193 = arith.andi %get3A_190, %and3A_192 : vector<16xi32>
    %swap3A_194 = arith.constant 0 : index
    %swap3A_195 = tpu.vector_load %arg10[%swap3A_194] {strides = array<i32>} : memref<128xi32, #tpu.memory_space<vmem>>, vector<16xi32>,
    %swap3A_196 = vector.shape_cast %swap3A_195 : vector<16xi32> to vector<16xi32>
    %swap3A_197 = vector.shape_cast %and3A_193 : vector<16xi32> to vector<16xi32>
    tpu.vector_store %arg10[%swap3A_194], %swap3A_197 {strides = array<i32>} : memref<128xi32, #tpu.memory_space<vmem>>, vector<16xi32>,
    %get3A_198 = arith.constant 272 : index
    %get3A_199 = tpu.vector_load %arg7[%get3A_198] {strides = array<i32>} : memref<10000xi32, #tpu.memory_space<vmem>>, vector<16xi32>,
    %get3A_200 = vector.shape_cast %get3A_199 : vector<16xi32> to vector<16xi32>
    %and3A_201 = arith.constant 65535 : i32
    %and3A_202 = vector.broadcast %and3A_201 : i32 to vector<16xi32>
    %and3A_203 = arith.andi %get3A_200, %and3A_202 : vector<16xi32>
    %swap3A_204 = arith.constant 16 : index
    %swap3A_205 = tpu.vector_load %arg10[%swap3A_204] {strides = array<i32>} : memref<128xi32, #tpu.memory_space<vmem>>, vector<16xi32>,
    %swap3A_206 = vector.shape_cast %swap3A_205 : vector<16xi32> to vector<16xi32>
    %swap3A_207 = vector.shape_cast %and3A_203 : vector<16xi32> to vector<16xi32>
    tpu.vector_store %arg10[%swap3A_204], %swap3A_207 {strides = array<i32>} : memref<128xi32, #tpu.memory_space<vmem>>, vector<16xi32>,
    %get3A_208 = arith.constant 288 : index
    %get3A_209 = tpu.vector_load %arg7[%get3A_208] {strides = array<i32>} : memref<10000xi32, #tpu.memory_space<vmem>>, vector<16xi32>,
    %get3A_210 = vector.shape_cast %get3A_209 : vector<16xi32> to vector<16xi32>
    %and3A_211 = arith.constant 65535 : i32
    %and3A_212 = vector.broadcast %and3A_211 : i32 to vector<16xi32>
    %and3A_213 = arith.andi %get3A_210, %and3A_212 : vector<16xi32>
    %swap3A_214 = arith.constant 32 : index
    %swap3A_215 = tpu.vector_load %arg10[%swap3A_214] {strides = array<i32>} : memref<128xi32, #tpu.memory_space<vmem>>, vector<16xi32>,
    %swap3A_216 = vector.shape_cast %swap3A_215 : vector<16xi32> to vector<16xi32>
    %swap3A_217 = vector.shape_cast %and3A_213 : vector<16xi32> to vector<16xi32>
    tpu.vector_store %arg10[%swap3A_214], %swap3A_217 {strides = array<i32>} : memref<128xi32, #tpu.memory_space<vmem>>, vector<16xi32>,
    %get3A_218 = arith.constant 304 : index
    %get3A_219 = tpu.vector_load %arg7[%get3A_218] {strides = array<i32>} : memref<10000xi32, #tpu.memory_space<vmem>>, vector<16xi32>,
    %get3A_220 = vector.shape_cast %get3A_219 : vector<16xi32> to vector<16xi32>
    %and3A_221 = arith.constant 65535 : i32
    %and3A_222 = vector.broadcast %and3A_221 : i32 to vector<16xi32>
    %and3A_223 = arith.andi %get3A_220, %and3A_222 : vector<16xi32>
    %swap3A_224 = arith.constant 48 : index
    %swap3A_225 = tpu.vector_load %arg10[%swap3A_224] {strides = array<i32>} : memref<128xi32, #tpu.memory_space<vmem>>, vector<16xi32>,
    %swap3A_226 = vector.shape_cast %swap3A_225 : vector<16xi32> to vector<16xi32>
    %swap3A_227 = vector.shape_cast %and3A_223 : vector<16xi32> to vector<16xi32>
    tpu.vector_store %arg10[%swap3A_224], %swap3A_227 {strides = array<i32>} : memref<128xi32, #tpu.memory_space<vmem>>, vector<16xi32>,
    %get3A_228 = arith.constant 320 : index
    %get3A_229 = tpu.vector_load %arg7[%get3A_228] {strides = array<i32>} : memref<10000xi32, #tpu.memory_space<vmem>>, vector<16xi32>,
    %get3A_230 = vector.shape_cast %get3A_229 : vector<16xi32> to vector<16xi32>
    %and3A_231 = arith.constant 65535 : i32
    %and3A_232 = vector.broadcast %and3A_231 : i32 to vector<16xi32>
    %and3A_233 = arith.andi %get3A_230, %and3A_232 : vector<16xi32>
    %swap3A_234 = arith.constant 64 : index
    %swap3A_235 = tpu.vector_load %arg10[%swap3A_234] {strides = array<i32>} : memref<128xi32, #tpu.memory_space<vmem>>, vector<16xi32>,
    %swap3A_236 = vector.shape_cast %swap3A_235 : vector<16xi32> to vector<16xi32>
    %swap3A_237 = vector.shape_cast %and3A_233 : vector<16xi32> to vector<16xi32>
    tpu.vector_store %arg10[%swap3A_234], %swap3A_237 {strides = array<i32>} : memref<128xi32, #tpu.memory_space<vmem>>, vector<16xi32>,
    %get3A_238 = arith.constant 336 : index
    %get3A_239 = tpu.vector_load %arg7[%get3A_238] {strides = array<i32>} : memref<10000xi32, #tpu.memory_space<vmem>>, vector<16xi32>,
    %get3A_240 = vector.shape_cast %get3A_239 : vector<16xi32> to vector<16xi32>
    %and3A_241 = arith.constant 65535 : i32
    %and3A_242 = vector.broadcast %and3A_241 : i32 to vector<16xi32>
    %and3A_243 = arith.andi %get3A_240, %and3A_242 : vector<16xi32>
    %swap3A_244 = arith.constant 80 : index
    %swap3A_245 = tpu.vector_load %arg10[%swap3A_244] {strides = array<i32>} : memref<128xi32, #tpu.memory_space<vmem>>, vector<16xi32>,
    %swap3A_246 = vector.shape_cast %swap3A_245 : vector<16xi32> to vector<16xi32>
    %swap3A_247 = vector.shape_cast %and3A_243 : vector<16xi32> to vector<16xi32>
    tpu.vector_store %arg10[%swap3A_244], %swap3A_247 {strides = array<i32>} : memref<128xi32, #tpu.memory_space<vmem>>, vector<16xi32>,
    %get3A_248 = arith.constant 352 : index
    %get3A_249 = tpu.vector_load %arg7[%get3A_248] {strides = array<i32>} : memref<10000xi32, #tpu.memory_space<vmem>>, vector<16xi32>,
    %get3A_250 = vector.shape_cast %get3A_249 : vector<16xi32> to vector<16xi32>
    %and3A_251 = arith.constant 65535 : i32
    %and3A_252 = vector.broadcast %and3A_251 : i32 to vector<16xi32>
    %and3A_253 = arith.andi %get3A_250, %and3A_252 : vector<16xi32>
    %swap3A_254 = arith.constant 96 : index
    %swap3A_255 = tpu.vector_load %arg10[%swap3A_254] {strides = array<i32>} : memref<128xi32, #tpu.memory_space<vmem>>, vector<16xi32>,
    %swap3A_256 = vector.shape_cast %swap3A_255 : vector<16xi32> to vector<16xi32>
    %swap3A_257 = vector.shape_cast %and3A_253 : vector<16xi32> to vector<16xi32>
    tpu.vector_store %arg10[%swap3A_254], %swap3A_257 {strides = array<i32>} : memref<128xi32, #tpu.memory_space<vmem>>, vector<16xi32>,
    %get3A_258 = arith.constant 368 : index
    %get3A_259 = tpu.vector_load %arg7[%get3A_258] {strides = array<i32>} : memref<10000xi32, #tpu.memory_space<vmem>>, vector<16xi32>,
    %get3A_260 = vector.shape_cast %get3A_259 : vector<16xi32> to vector<16xi32>
    %and3A_261 = arith.constant 65535 : i32
    %and3A_262 = vector.broadcast %and3A_261 : i32 to vector<16xi32>
    %and3A_263 = arith.andi %get3A_260, %and3A_262 : vector<16xi32>
    %swap3A_264 = arith.constant 112 : index
    %swap3A_265 = tpu.vector_load %arg10[%swap3A_264] {strides = array<i32>} : memref<128xi32, #tpu.memory_space<vmem>>, vector<16xi32>,
    %swap3A_266 = vector.shape_cast %swap3A_265 : vector<16xi32> to vector<16xi32>
    %swap3A_267 = vector.shape_cast %and3A_263 : vector<16xi32> to vector<16xi32>
    tpu.vector_store %arg10[%swap3A_264], %swap3A_267 {strides = array<i32>} : memref<128xi32, #tpu.memory_space<vmem>>, vector<16xi32>,
    %dma_start3A_268 = arith.constant 0 : i32
    %dma_start3A_269 = arith.constant 0 : i32
    %dma_start3A_270 = tpu.memref_slice %arg2[%dma_start3A_268, %dma_start3A_269] : memref<10240x64xf32, #tpu.memory_space<hbm>> -> memref<10240x64xf32, #tpu.memory_space<hbm>>
    tpu.enqueue_indirect_dma source(%dma_start3A_270 : memref<10240x64xf32, #tpu.memory_space<hbm>>) target(%arg18 : memref<128x64xf32, #tpu.memory_space<vmem>>) offsets(%arg10 : memref<128xi32, #tpu.memory_space<vmem>>) semaphore(%arg21 : memref<!tpu.dma_semaphore, #tpu.memory_space<semaphore_mem>>)
    %scan3A_271 = arith.constant 0 : i32
    %scan3A_272 = arith.constant 0 : i32
    %scan3A_273 = arith.constant 26 : i32
    %scan3A_274 = arith.addi %scan3A_272, %scan3A_273 : i32
    %scan3A_275 = arith.constant 1 : i32
    scf.for %scan3A_321 = %scan3A_272 to %scan3A_274 step %scan3A_275  : i32 {
      %mul3A_322 = arith.constant 3 : i32
      %mul3A_323 = arith.muli %mul3A_322, %scan3A_321 : i32
      %dma_wait3A_324 = arith.constant 0 : i32
      %dma_wait3A_325 = arith.constant 0 : i32
      %dma_wait3A_326 = tpu.memref_slice %arg2[%dma_wait3A_324, %dma_wait3A_325] : memref<10240x64xf32, #tpu.memory_space<hbm>> -> memref<10240x64xf32, #tpu.memory_space<hbm>>
      tpu.wait_indirect_dma semaphore(%arg19 : memref<!tpu.dma_semaphore, #tpu.memory_space<semaphore_mem>>) src(%dma_wait3A_326 : memref<10240x64xf32, #tpu.memory_space<hbm>>) dst(%arg16 : memref<128x64xf32, #tpu.memory_space<vmem>>)
      %add3A_327 = arith.constant 0 : i32
      %add3A_328 = arith.addi %mul3A_323, %add3A_327 : i32
      %mul3A_329 = arith.constant 128 : i32
      %mul3A_330 = arith.muli %add3A_328, %mul3A_329 : i32
      %add3A_331 = arith.constant 0 : i32
      %add3A_332 = arith.addi %mul3A_330, %add3A_331 : i32
      %get3A_333 = arith.index_cast %add3A_332 : i32 to index
      %get3A_334 = tpu.vector_load %arg7[%get3A_333] {strides = array<i32>} : memref<10000xi32, #tpu.memory_space<vmem>>, vector<16xi32>,
      %get3A_335 = vector.shape_cast %get3A_334 : vector<16xi32> to vector<16xi32>
      %shift_right_logical3A_336 = arith.constant 16 : i32
      %shift_right_logical3A_337 = vector.broadcast %shift_right_logical3A_336 : i32 to vector<16xi32>
      %shift_right_logical3A_338 = arith.shrui %get3A_335, %shift_right_logical3A_337 : vector<16xi32>
      %swap3A_339 = arith.constant 0 : index
      %swap3A_340 = tpu.vector_load %arg11[%swap3A_339] {strides = array<i32>} : memref<128xi32, #tpu.memory_space<vmem>>, vector<16xi32>,
      %swap3A_341 = vector.shape_cast %swap3A_340 : vector<16xi32> to vector<16xi32>
      %swap3A_342 = vector.shape_cast %shift_right_logical3A_338 : vector<16xi32> to vector<16xi32>
      tpu.vector_store %arg11[%swap3A_339], %swap3A_342 {strides = array<i32>} : memref<128xi32, #tpu.memory_space<vmem>>, vector<16xi32>,
      %mul3A_343 = arith.constant 128 : i32
      %mul3A_344 = arith.muli %add3A_328, %mul3A_343 : i32
      %add3A_345 = arith.constant 16 : i32
      %add3A_346 = arith.addi %mul3A_344, %add3A_345 : i32
      %get3A_347 = arith.index_cast %add3A_346 : i32 to index
      %get3A_348 = tpu.vector_load %arg7[%get3A_347] {strides = array<i32>} : memref<10000xi32, #tpu.memory_space<vmem>>, vector<16xi32>,
      %get3A_349 = vector.shape_cast %get3A_348 : vector<16xi32> to vector<16xi32>
      %shift_right_logical3A_350 = arith.constant 16 : i32
      %shift_right_logical3A_351 = vector.broadcast %shift_right_logical3A_350 : i32 to vector<16xi32>
      %shift_right_logical3A_352 = arith.shrui %get3A_349, %shift_right_logical3A_351 : vector<16xi32>
      %swap3A_353 = arith.constant 16 : index
      %swap3A_354 = tpu.vector_load %arg11[%swap3A_353] {strides = array<i32>} : memref<128xi32, #tpu.memory_space<vmem>>, vector<16xi32>,
      %swap3A_355 = vector.shape_cast %swap3A_354 : vector<16xi32> to vector<16xi32>
      %swap3A_356 = vector.shape_cast %shift_right_logical3A_352 : vector<16xi32> to vector<16xi32>
      tpu.vector_store %arg11[%swap3A_353], %swap3A_356 {strides = array<i32>} : memref<128xi32, #tpu.memory_space<vmem>>, vector<16xi32>,
      %mul3A_357 = arith.constant 128 : i32
      %mul3A_358 = arith.muli %add3A_328, %mul3A_357 : i32
      %add3A_359 = arith.constant 32 : i32
      %add3A_360 = arith.addi %mul3A_358, %add3A_359 : i32
      %get3A_361 = arith.index_cast %add3A_360 : i32 to index
      %get3A_362 = tpu.vector_load %arg7[%get3A_361] {strides = array<i32>} : memref<10000xi32, #tpu.memory_space<vmem>>, vector<16xi32>,
      %get3A_363 = vector.shape_cast %get3A_362 : vector<16xi32> to vector<16xi32>
      %shift_right_logical3A_364 = arith.constant 16 : i32
      %shift_right_logical3A_365 = vector.broadcast %shift_right_logical3A_364 : i32 to vector<16xi32>
      %shift_right_logical3A_366 = arith.shrui %get3A_363, %shift_right_logical3A_365 : vector<16xi32>
      %swap3A_367 = arith.constant 32 : index
      %swap3A_368 = tpu.vector_load %arg11[%swap3A_367] {strides = array<i32>} : memref<128xi32, #tpu.memory_space<vmem>>, vector<16xi32>,
      %swap3A_369 = vector.shape_cast %swap3A_368 : vector<16xi32> to vector<16xi32>
      %swap3A_370 = vector.shape_cast %shift_right_logical3A_366 : vector<16xi32> to vector<16xi32>
      tpu.vector_store %arg11[%swap3A_367], %swap3A_370 {strides = array<i32>} : memref<128xi32, #tpu.memory_space<vmem>>, vector<16xi32>,
      %mul3A_371 = arith.constant 128 : i32
      %mul3A_372 = arith.muli %add3A_328, %mul3A_371 : i32
      %add3A_373 = arith.constant 48 : i32
      %add3A_374 = arith.addi %mul3A_372, %add3A_373 : i32
      %get3A_375 = arith.index_cast %add3A_374 : i32 to index
      %get3A_376 = tpu.vector_load %arg7[%get3A_375] {strides = array<i32>} : memref<10000xi32, #tpu.memory_space<vmem>>, vector<16xi32>,
      %get3A_377 = vector.shape_cast %get3A_376 : vector<16xi32> to vector<16xi32>
      %shift_right_logical3A_378 = arith.constant 16 : i32
      %shift_right_logical3A_379 = vector.broadcast %shift_right_logical3A_378 : i32 to vector<16xi32>
      %shift_right_logical3A_380 = arith.shrui %get3A_377, %shift_right_logical3A_379 : vector<16xi32>
      %swap3A_381 = arith.constant 48 : index
      %swap3A_382 = tpu.vector_load %arg11[%swap3A_381] {strides = array<i32>} : memref<128xi32, #tpu.memory_space<vmem>>, vector<16xi32>,
      %swap3A_383 = vector.shape_cast %swap3A_382 : vector<16xi32> to vector<16xi32>
      %swap3A_384 = vector.shape_cast %shift_right_logical3A_380 : vector<16xi32> to vector<16xi32>
      tpu.vector_store %arg11[%swap3A_381], %swap3A_384 {strides = array<i32>} : memref<128xi32, #tpu.memory_space<vmem>>, vector<16xi32>,
      %mul3A_385 = arith.constant 128 : i32
      %mul3A_386 = arith.muli %add3A_328, %mul3A_385 : i32
      %add3A_387 = arith.constant 64 : i32
      %add3A_388 = arith.addi %mul3A_386, %add3A_387 : i32
      %get3A_389 = arith.index_cast %add3A_388 : i32 to index
      %get3A_390 = tpu.vector_load %arg7[%get3A_389] {strides = array<i32>} : memref<10000xi32, #tpu.memory_space<vmem>>, vector<16xi32>,
      %get3A_391 = vector.shape_cast %get3A_390 : vector<16xi32> to vector<16xi32>
      %shift_right_logical3A_392 = arith.constant 16 : i32
      %shift_right_logical3A_393 = vector.broadcast %shift_right_logical3A_392 : i32 to vector<16xi32>
      %shift_right_logical3A_394 = arith.shrui %get3A_391, %shift_right_logical3A_393 : vector<16xi32>
      %swap3A_395 = arith.constant 64 : index
      %swap3A_396 = tpu.vector_load %arg11[%swap3A_395] {strides = array<i32>} : memref<128xi32, #tpu.memory_space<vmem>>, vector<16xi32>,
      %swap3A_397 = vector.shape_cast %swap3A_396 : vector<16xi32> to vector<16xi32>
      %swap3A_398 = vector.shape_cast %shift_right_logical3A_394 : vector<16xi32> to vector<16xi32>
      tpu.vector_store %arg11[%swap3A_395], %swap3A_398 {strides = array<i32>} : memref<128xi32, #tpu.memory_space<vmem>>, vector<16xi32>,
      %mul3A_399 = arith.constant 128 : i32
      %mul3A_400 = arith.muli %add3A_328, %mul3A_399 : i32
      %add3A_401 = arith.constant 80 : i32
      %add3A_402 = arith.addi %mul3A_400, %add3A_401 : i32
      %get3A_403 = arith.index_cast %add3A_402 : i32 to index
      %get3A_404 = tpu.vector_load %arg7[%get3A_403] {strides = array<i32>} : memref<10000xi32, #tpu.memory_space<vmem>>, vector<16xi32>,
      %get3A_405 = vector.shape_cast %get3A_404 : vector<16xi32> to vector<16xi32>
      %shift_right_logical3A_406 = arith.constant 16 : i32
      %shift_right_logical3A_407 = vector.broadcast %shift_right_logical3A_406 : i32 to vector<16xi32>
      %shift_right_logical3A_408 = arith.shrui %get3A_405, %shift_right_logical3A_407 : vector<16xi32>
      %swap3A_409 = arith.constant 80 : index
      %swap3A_410 = tpu.vector_load %arg11[%swap3A_409] {strides = array<i32>} : memref<128xi32, #tpu.memory_space<vmem>>, vector<16xi32>,
      %swap3A_411 = vector.shape_cast %swap3A_410 : vector<16xi32> to vector<16xi32>
      %swap3A_412 = vector.shape_cast %shift_right_logical3A_408 : vector<16xi32> to vector<16xi32>
      tpu.vector_store %arg11[%swap3A_409], %swap3A_412 {strides = array<i32>} : memref<128xi32, #tpu.memory_space<vmem>>, vector<16xi32>,
      %mul3A_413 = arith.constant 128 : i32
      %mul3A_414 = arith.muli %add3A_328, %mul3A_413 : i32
      %add3A_415 = arith.constant 96 : i32
      %add3A_416 = arith.addi %mul3A_414, %add3A_415 : i32
      %get3A_417 = arith.index_cast %add3A_416 : i32 to index
      %get3A_418 = tpu.vector_load %arg7[%get3A_417] {strides = array<i32>} : memref<10000xi32, #tpu.memory_space<vmem>>, vector<16xi32>,
      %get3A_419 = vector.shape_cast %get3A_418 : vector<16xi32> to vector<16xi32>
      %shift_right_logical3A_420 = arith.constant 16 : i32
      %shift_right_logical3A_421 = vector.broadcast %shift_right_logical3A_420 : i32 to vector<16xi32>
      %shift_right_logical3A_422 = arith.shrui %get3A_419, %shift_right_logical3A_421 : vector<16xi32>
      %swap3A_423 = arith.constant 96 : index
      %swap3A_424 = tpu.vector_load %arg11[%swap3A_423] {strides = array<i32>} : memref<128xi32, #tpu.memory_space<vmem>>, vector<16xi32>,
      %swap3A_425 = vector.shape_cast %swap3A_424 : vector<16xi32> to vector<16xi32>
      %swap3A_426 = vector.shape_cast %shift_right_logical3A_422 : vector<16xi32> to vector<16xi32>
      tpu.vector_store %arg11[%swap3A_423], %swap3A_426 {strides = array<i32>} : memref<128xi32, #tpu.memory_space<vmem>>, vector<16xi32>,
      %mul3A_427 = arith.constant 128 : i32
      %mul3A_428 = arith.muli %add3A_328, %mul3A_427 : i32
      %add3A_429 = arith.constant 112 : i32
      %add3A_430 = arith.addi %mul3A_428, %add3A_429 : i32
      %get3A_431 = arith.index_cast %add3A_430 : i32 to index
      %get3A_432 = tpu.vector_load %arg7[%get3A_431] {strides = array<i32>} : memref<10000xi32, #tpu.memory_space<vmem>>, vector<16xi32>,
      %get3A_433 = vector.shape_cast %get3A_432 : vector<16xi32> to vector<16xi32>
      %shift_right_logical3A_434 = arith.constant 16 : i32
      %shift_right_logical3A_435 = vector.broadcast %shift_right_logical3A_434 : i32 to vector<16xi32>
      %shift_right_logical3A_436 = arith.shrui %get3A_433, %shift_right_logical3A_435 : vector<16xi32>
      %swap3A_437 = arith.constant 112 : index
      %swap3A_438 = tpu.vector_load %arg11[%swap3A_437] {strides = array<i32>} : memref<128xi32, #tpu.memory_space<vmem>>, vector<16xi32>,
      %swap3A_439 = vector.shape_cast %swap3A_438 : vector<16xi32> to vector<16xi32>
      %swap3A_440 = vector.shape_cast %shift_right_logical3A_436 : vector<16xi32> to vector<16xi32>
      tpu.vector_store %arg11[%swap3A_437], %swap3A_440 {strides = array<i32>} : memref<128xi32, #tpu.memory_space<vmem>>, vector<16xi32>,
      %dma_start3A_441 = arith.constant 0 : i32
      %dma_start3A_442 = arith.constant 0 : i32
      %dma_start3A_443 = tpu.memref_slice %arg6[%dma_start3A_441, %dma_start3A_442] : memref<10240x64xf32, #tpu.memory_space<vmem_shared>> -> memref<10240x64xf32, #tpu.memory_space<vmem_shared>>
      tpu.enqueue_indirect_dma source(%arg16 : memref<128x64xf32, #tpu.memory_space<vmem>>) target(%dma_start3A_443 : memref<10240x64xf32, #tpu.memory_space<vmem_shared>>) offsets(%arg11 : memref<128xi32, #tpu.memory_space<vmem>>) semaphore(%arg22 : memref<!tpu.dma_semaphore, #tpu.memory_space<semaphore_mem>>) {add = true}
      %dma_wait3A_444 = arith.constant 0 : i32
      %dma_wait3A_445 = arith.constant 0 : i32
      %dma_wait3A_446 = tpu.memref_slice %arg2[%dma_wait3A_444, %dma_wait3A_445] : memref<10240x64xf32, #tpu.memory_space<hbm>> -> memref<10240x64xf32, #tpu.memory_space<hbm>>
      tpu.wait_indirect_dma semaphore(%arg20 : memref<!tpu.dma_semaphore, #tpu.memory_space<semaphore_mem>>) src(%dma_wait3A_446 : memref<10240x64xf32, #tpu.memory_space<hbm>>) dst(%arg17 : memref<128x64xf32, #tpu.memory_space<vmem>>)
      %add3A_447 = arith.constant 1 : i32
      %add3A_448 = arith.addi %mul3A_323, %add3A_447 : i32
      %mul3A_449 = arith.constant 128 : i32
      %mul3A_450 = arith.muli %add3A_448, %mul3A_449 : i32
      %add3A_451 = arith.constant 0 : i32
      %add3A_452 = arith.addi %mul3A_450, %add3A_451 : i32
      %get3A_453 = arith.index_cast %add3A_452 : i32 to index
      %get3A_454 = tpu.vector_load %arg7[%get3A_453] {strides = array<i32>} : memref<10000xi32, #tpu.memory_space<vmem>>, vector<16xi32>,
      %get3A_455 = vector.shape_cast %get3A_454 : vector<16xi32> to vector<16xi32>
      %shift_right_logical3A_456 = arith.constant 16 : i32
      %shift_right_logical3A_457 = vector.broadcast %shift_right_logical3A_456 : i32 to vector<16xi32>
      %shift_right_logical3A_458 = arith.shrui %get3A_455, %shift_right_logical3A_457 : vector<16xi32>
      %swap3A_459 = arith.constant 0 : index
      %swap3A_460 = tpu.vector_load %arg12[%swap3A_459] {strides = array<i32>} : memref<128xi32, #tpu.memory_space<vmem>>, vector<16xi32>,
      %swap3A_461 = vector.shape_cast %swap3A_460 : vector<16xi32> to vector<16xi32>
      %swap3A_462 = vector.shape_cast %shift_right_logical3A_458 : vector<16xi32> to vector<16xi32>
      tpu.vector_store %arg12[%swap3A_459], %swap3A_462 {strides = array<i32>} : memref<128xi32, #tpu.memory_space<vmem>>, vector<16xi32>,
      %mul3A_463 = arith.constant 128 : i32
      %mul3A_464 = arith.muli %add3A_448, %mul3A_463 : i32
      %add3A_465 = arith.constant 16 : i32
      %add3A_466 = arith.addi %mul3A_464, %add3A_465 : i32
      %get3A_467 = arith.index_cast %add3A_466 : i32 to index
      %get3A_468 = tpu.vector_load %arg7[%get3A_467] {strides = array<i32>} : memref<10000xi32, #tpu.memory_space<vmem>>, vector<16xi32>,
      %get3A_469 = vector.shape_cast %get3A_468 : vector<16xi32> to vector<16xi32>
      %shift_right_logical3A_470 = arith.constant 16 : i32
      %shift_right_logical3A_471 = vector.broadcast %shift_right_logical3A_470 : i32 to vector<16xi32>
      %shift_right_logical3A_472 = arith.shrui %get3A_469, %shift_right_logical3A_471 : vector<16xi32>
      %swap3A_473 = arith.constant 16 : index
      %swap3A_474 = tpu.vector_load %arg12[%swap3A_473] {strides = array<i32>} : memref<128xi32, #tpu.memory_space<vmem>>, vector<16xi32>,
      %swap3A_475 = vector.shape_cast %swap3A_474 : vector<16xi32> to vector<16xi32>
      %swap3A_476 = vector.shape_cast %shift_right_logical3A_472 : vector<16xi32> to vector<16xi32>
      tpu.vector_store %arg12[%swap3A_473], %swap3A_476 {strides = array<i32>} : memref<128xi32, #tpu.memory_space<vmem>>, vector<16xi32>,
      %mul3A_477 = arith.constant 128 : i32
      %mul3A_478 = arith.muli %add3A_448, %mul3A_477 : i32
      %add3A_479 = arith.constant 32 : i32
      %add3A_480 = arith.addi %mul3A_478, %add3A_479 : i32
      %get3A_481 = arith.index_cast %add3A_480 : i32 to index
      %get3A_482 = tpu.vector_load %arg7[%get3A_481] {strides = array<i32>} : memref<10000xi32, #tpu.memory_space<vmem>>, vector<16xi32>,
      %get3A_483 = vector.shape_cast %get3A_482 : vector<16xi32> to vector<16xi32>
      %shift_right_logical3A_484 = arith.constant 16 : i32
      %shift_right_logical3A_485 = vector.broadcast %shift_right_logical3A_484 : i32 to vector<16xi32>
      %shift_right_logical3A_486 = arith.shrui %get3A_483, %shift_right_logical3A_485 : vector<16xi32>
      %swap3A_487 = arith.constant 32 : index
      %swap3A_488 = tpu.vector_load %arg12[%swap3A_487] {strides = array<i32>} : memref<128xi32, #tpu.memory_space<vmem>>, vector<16xi32>,
      %swap3A_489 = vector.shape_cast %swap3A_488 : vector<16xi32> to vector<16xi32>
      %swap3A_490 = vector.shape_cast %shift_right_logical3A_486 : vector<16xi32> to vector<16xi32>
      tpu.vector_store %arg12[%swap3A_487], %swap3A_490 {strides = array<i32>} : memref<128xi32, #tpu.memory_space<vmem>>, vector<16xi32>,
      %mul3A_491 = arith.constant 128 : i32
      %mul3A_492 = arith.muli %add3A_448, %mul3A_491 : i32
      %add3A_493 = arith.constant 48 : i32
      %add3A_494 = arith.addi %mul3A_492, %add3A_493 : i32
      %get3A_495 = arith.index_cast %add3A_494 : i32 to index
      %get3A_496 = tpu.vector_load %arg7[%get3A_495] {strides = array<i32>} : memref<10000xi32, #tpu.memory_space<vmem>>, vector<16xi32>,
      %get3A_497 = vector.shape_cast %get3A_496 : vector<16xi32> to vector<16xi32>
      %shift_right_logical3A_498 = arith.constant 16 : i32
      %shift_right_logical3A_499 = vector.broadcast %shift_right_logical3A_498 : i32 to vector<16xi32>
      %shift_right_logical3A_500 = arith.shrui %get3A_497, %shift_right_logical3A_499 : vector<16xi32>
      %swap3A_501 = arith.constant 48 : index
      %swap3A_502 = tpu.vector_load %arg12[%swap3A_501] {strides = array<i32>} : memref<128xi32, #tpu.memory_space<vmem>>, vector<16xi32>,
      %swap3A_503 = vector.shape_cast %swap3A_502 : vector<16xi32> to vector<16xi32>
      %swap3A_504 = vector.shape_cast %shift_right_logical3A_500 : vector<16xi32> to vector<16xi32>
      tpu.vector_store %arg12[%swap3A_501], %swap3A_504 {strides = array<i32>} : memref<128xi32, #tpu.memory_space<vmem>>, vector<16xi32>,
      %mul3A_505 = arith.constant 128 : i32
      %mul3A_506 = arith.muli %add3A_448, %mul3A_505 : i32
      %add3A_507 = arith.constant 64 : i32
      %add3A_508 = arith.addi %mul3A_506, %add3A_507 : i32
      %get3A_509 = arith.index_cast %add3A_508 : i32 to index
      %get3A_510 = tpu.vector_load %arg7[%get3A_509] {strides = array<i32>} : memref<10000xi32, #tpu.memory_space<vmem>>, vector<16xi32>,
      %get3A_511 = vector.shape_cast %get3A_510 : vector<16xi32> to vector<16xi32>
      %shift_right_logical3A_512 = arith.constant 16 : i32
      %shift_right_logical3A_513 = vector.broadcast %shift_right_logical3A_512 : i32 to vector<16xi32>
      %shift_right_logical3A_514 = arith.shrui %get3A_511, %shift_right_logical3A_513 : vector<16xi32>
      %swap3A_515 = arith.constant 64 : index
      %swap3A_516 = tpu.vector_load %arg12[%swap3A_515] {strides = array<i32>} : memref<128xi32, #tpu.memory_space<vmem>>, vector<16xi32>,
      %swap3A_517 = vector.shape_cast %swap3A_516 : vector<16xi32> to vector<16xi32>
      %swap3A_518 = vector.shape_cast %shift_right_logical3A_514 : vector<16xi32> to vector<16xi32>
      tpu.vector_store %arg12[%swap3A_515], %swap3A_518 {strides = array<i32>} : memref<128xi32, #tpu.memory_space<vmem>>, vector<16xi32>,
      %mul3A_519 = arith.constant 128 : i32
      %mul3A_520 = arith.muli %add3A_448, %mul3A_519 : i32
      %add3A_521 = arith.constant 80 : i32
      %add3A_522 = arith.addi %mul3A_520, %add3A_521 : i32
      %get3A_523 = arith.index_cast %add3A_522 : i32 to index
      %get3A_524 = tpu.vector_load %arg7[%get3A_523] {strides = array<i32>} : memref<10000xi32, #tpu.memory_space<vmem>>, vector<16xi32>,
      %get3A_525 = vector.shape_cast %get3A_524 : vector<16xi32> to vector<16xi32>
      %shift_right_logical3A_526 = arith.constant 16 : i32
      %shift_right_logical3A_527 = vector.broadcast %shift_right_logical3A_526 : i32 to vector<16xi32>
      %shift_right_logical3A_528 = arith.shrui %get3A_525, %shift_right_logical3A_527 : vector<16xi32>
      %swap3A_529 = arith.constant 80 : index
      %swap3A_530 = tpu.vector_load %arg12[%swap3A_529] {strides = array<i32>} : memref<128xi32, #tpu.memory_space<vmem>>, vector<16xi32>,
      %swap3A_531 = vector.shape_cast %swap3A_530 : vector<16xi32> to vector<16xi32>
      %swap3A_532 = vector.shape_cast %shift_right_logical3A_528 : vector<16xi32> to vector<16xi32>
      tpu.vector_store %arg12[%swap3A_529], %swap3A_532 {strides = array<i32>} : memref<128xi32, #tpu.memory_space<vmem>>, vector<16xi32>,
      %mul3A_533 = arith.constant 128 : i32
      %mul3A_534 = arith.muli %add3A_448, %mul3A_533 : i32
      %add3A_535 = arith.constant 96 : i32
      %add3A_536 = arith.addi %mul3A_534, %add3A_535 : i32
      %get3A_537 = arith.index_cast %add3A_536 : i32 to index
      %get3A_538 = tpu.vector_load %arg7[%get3A_537] {strides = array<i32>} : memref<10000xi32, #tpu.memory_space<vmem>>, vector<16xi32>,
      %get3A_539 = vector.shape_cast %get3A_538 : vector<16xi32> to vector<16xi32>
      %shift_right_logical3A_540 = arith.constant 16 : i32
      %shift_right_logical3A_541 = vector.broadcast %shift_right_logical3A_540 : i32 to vector<16xi32>
      %shift_right_logical3A_542 = arith.shrui %get3A_539, %shift_right_logical3A_541 : vector<16xi32>
      %swap3A_543 = arith.constant 96 : index
      %swap3A_544 = tpu.vector_load %arg12[%swap3A_543] {strides = array<i32>} : memref<128xi32, #tpu.memory_space<vmem>>, vector<16xi32>,
      %swap3A_545 = vector.shape_cast %swap3A_544 : vector<16xi32> to vector<16xi32>
      %swap3A_546 = vector.shape_cast %shift_right_logical3A_542 : vector<16xi32> to vector<16xi32>
      tpu.vector_store %arg12[%swap3A_543], %swap3A_546 {strides = array<i32>} : memref<128xi32, #tpu.memory_space<vmem>>, vector<16xi32>,
      %mul3A_547 = arith.constant 128 : i32
      %mul3A_548 = arith.muli %add3A_448, %mul3A_547 : i32
      %add3A_549 = arith.constant 112 : i32
      %add3A_550 = arith.addi %mul3A_548, %add3A_549 : i32
      %get3A_551 = arith.index_cast %add3A_550 : i32 to index
      %get3A_552 = tpu.vector_load %arg7[%get3A_551] {strides = array<i32>} : memref<10000xi32, #tpu.memory_space<vmem>>, vector<16xi32>,
      %get3A_553 = vector.shape_cast %get3A_552 : vector<16xi32> to vector<16xi32>
      %shift_right_logical3A_554 = arith.constant 16 : i32
      %shift_right_logical3A_555 = vector.broadcast %shift_right_logical3A_554 : i32 to vector<16xi32>
      %shift_right_logical3A_556 = arith.shrui %get3A_553, %shift_right_logical3A_555 : vector<16xi32>
      %swap3A_557 = arith.constant 112 : index
      %swap3A_558 = tpu.vector_load %arg12[%swap3A_557] {strides = array<i32>} : memref<128xi32, #tpu.memory_space<vmem>>, vector<16xi32>,
      %swap3A_559 = vector.shape_cast %swap3A_558 : vector<16xi32> to vector<16xi32>
      %swap3A_560 = vector.shape_cast %shift_right_logical3A_556 : vector<16xi32> to vector<16xi32>
      tpu.vector_store %arg12[%swap3A_557], %swap3A_560 {strides = array<i32>} : memref<128xi32, #tpu.memory_space<vmem>>, vector<16xi32>,
      %dma_start3A_561 = arith.constant 0 : i32
      %dma_start3A_562 = arith.constant 0 : i32
      %dma_start3A_563 = tpu.memref_slice %arg6[%dma_start3A_561, %dma_start3A_562] : memref<10240x64xf32, #tpu.memory_space<vmem_shared>> -> memref<10240x64xf32, #tpu.memory_space<vmem_shared>>
      tpu.enqueue_indirect_dma source(%arg17 : memref<128x64xf32, #tpu.memory_space<vmem>>) target(%dma_start3A_563 : memref<10240x64xf32, #tpu.memory_space<vmem_shared>>) offsets(%arg12 : memref<128xi32, #tpu.memory_space<vmem>>) semaphore(%arg23 : memref<!tpu.dma_semaphore, #tpu.memory_space<semaphore_mem>>) {add = true}
      %dma_wait3A_564 = arith.constant 0 : i32
      %dma_wait3A_565 = arith.constant 0 : i32
      %dma_wait3A_566 = tpu.memref_slice %arg2[%dma_wait3A_564, %dma_wait3A_565] : memref<10240x64xf32, #tpu.memory_space<hbm>> -> memref<10240x64xf32, #tpu.memory_space<hbm>>
      tpu.wait_indirect_dma semaphore(%arg21 : memref<!tpu.dma_semaphore, #tpu.memory_space<semaphore_mem>>) src(%dma_wait3A_566 : memref<10240x64xf32, #tpu.memory_space<hbm>>) dst(%arg18 : memref<128x64xf32, #tpu.memory_space<vmem>>)
      %add3A_567 = arith.constant 2 : i32
      %add3A_568 = arith.addi %mul3A_323, %add3A_567 : i32
      %mul3A_569 = arith.constant 128 : i32
      %mul3A_570 = arith.muli %add3A_568, %mul3A_569 : i32
      %add3A_571 = arith.constant 0 : i32
      %add3A_572 = arith.addi %mul3A_570, %add3A_571 : i32
      %get3A_573 = arith.index_cast %add3A_572 : i32 to index
      %get3A_574 = tpu.vector_load %arg7[%get3A_573] {strides = array<i32>} : memref<10000xi32, #tpu.memory_space<vmem>>, vector<16xi32>,
      %get3A_575 = vector.shape_cast %get3A_574 : vector<16xi32> to vector<16xi32>
      %shift_right_logical3A_576 = arith.constant 16 : i32
      %shift_right_logical3A_577 = vector.broadcast %shift_right_logical3A_576 : i32 to vector<16xi32>
      %shift_right_logical3A_578 = arith.shrui %get3A_575, %shift_right_logical3A_577 : vector<16xi32>
      %swap3A_579 = arith.constant 0 : index
      %swap3A_580 = tpu.vector_load %arg13[%swap3A_579] {strides = array<i32>} : memref<128xi32, #tpu.memory_space<vmem>>, vector<16xi32>,
      %swap3A_581 = vector.shape_cast %swap3A_580 : vector<16xi32> to vector<16xi32>
      %swap3A_582 = vector.shape_cast %shift_right_logical3A_578 : vector<16xi32> to vector<16xi32>
      tpu.vector_store %arg13[%swap3A_579], %swap3A_582 {strides = array<i32>} : memref<128xi32, #tpu.memory_space<vmem>>, vector<16xi32>,
      %mul3A_583 = arith.constant 128 : i32
      %mul3A_584 = arith.muli %add3A_568, %mul3A_583 : i32
      %add3A_585 = arith.constant 16 : i32
      %add3A_586 = arith.addi %mul3A_584, %add3A_585 : i32
      %get3A_587 = arith.index_cast %add3A_586 : i32 to index
      %get3A_588 = tpu.vector_load %arg7[%get3A_587] {strides = array<i32>} : memref<10000xi32, #tpu.memory_space<vmem>>, vector<16xi32>,
      %get3A_589 = vector.shape_cast %get3A_588 : vector<16xi32> to vector<16xi32>
      %shift_right_logical3A_590 = arith.constant 16 : i32
      %shift_right_logical3A_591 = vector.broadcast %shift_right_logical3A_590 : i32 to vector<16xi32>
      %shift_right_logical3A_592 = arith.shrui %get3A_589, %shift_right_logical3A_591 : vector<16xi32>
      %swap3A_593 = arith.constant 16 : index
      %swap3A_594 = tpu.vector_load %arg13[%swap3A_593] {strides = array<i32>} : memref<128xi32, #tpu.memory_space<vmem>>, vector<16xi32>,
      %swap3A_595 = vector.shape_cast %swap3A_594 : vector<16xi32> to vector<16xi32>
      %swap3A_596 = vector.shape_cast %shift_right_logical3A_592 : vector<16xi32> to vector<16xi32>
      tpu.vector_store %arg13[%swap3A_593], %swap3A_596 {strides = array<i32>} : memref<128xi32, #tpu.memory_space<vmem>>, vector<16xi32>,
      %mul3A_597 = arith.constant 128 : i32
      %mul3A_598 = arith.muli %add3A_568, %mul3A_597 : i32
      %add3A_599 = arith.constant 32 : i32
      %add3A_600 = arith.addi %mul3A_598, %add3A_599 : i32
      %get3A_601 = arith.index_cast %add3A_600 : i32 to index
      %get3A_602 = tpu.vector_load %arg7[%get3A_601] {strides = array<i32>} : memref<10000xi32, #tpu.memory_space<vmem>>, vector<16xi32>,
      %get3A_603 = vector.shape_cast %get3A_602 : vector<16xi32> to vector<16xi32>
      %shift_right_logical3A_604 = arith.constant 16 : i32
      %shift_right_logical3A_605 = vector.broadcast %shift_right_logical3A_604 : i32 to vector<16xi32>
      %shift_right_logical3A_606 = arith.shrui %get3A_603, %shift_right_logical3A_605 : vector<16xi32>
      %swap3A_607 = arith.constant 32 : index
      %swap3A_608 = tpu.vector_load %arg13[%swap3A_607] {strides = array<i32>} : memref<128xi32, #tpu.memory_space<vmem>>, vector<16xi32>,
      %swap3A_609 = vector.shape_cast %swap3A_608 : vector<16xi32> to vector<16xi32>
      %swap3A_610 = vector.shape_cast %shift_right_logical3A_606 : vector<16xi32> to vector<16xi32>
      tpu.vector_store %arg13[%swap3A_607], %swap3A_610 {strides = array<i32>} : memref<128xi32, #tpu.memory_space<vmem>>, vector<16xi32>,
      %mul3A_611 = arith.constant 128 : i32
      %mul3A_612 = arith.muli %add3A_568, %mul3A_611 : i32
      %add3A_613 = arith.constant 48 : i32
      %add3A_614 = arith.addi %mul3A_612, %add3A_613 : i32
      %get3A_615 = arith.index_cast %add3A_614 : i32 to index
      %get3A_616 = tpu.vector_load %arg7[%get3A_615] {strides = array<i32>} : memref<10000xi32, #tpu.memory_space<vmem>>, vector<16xi32>,
      %get3A_617 = vector.shape_cast %get3A_616 : vector<16xi32> to vector<16xi32>
      %shift_right_logical3A_618 = arith.constant 16 : i32
      %shift_right_logical3A_619 = vector.broadcast %shift_right_logical3A_618 : i32 to vector<16xi32>
      %shift_right_logical3A_620 = arith.shrui %get3A_617, %shift_right_logical3A_619 : vector<16xi32>
      %swap3A_621 = arith.constant 48 : index
      %swap3A_622 = tpu.vector_load %arg13[%swap3A_621] {strides = array<i32>} : memref<128xi32, #tpu.memory_space<vmem>>, vector<16xi32>,
      %swap3A_623 = vector.shape_cast %swap3A_622 : vector<16xi32> to vector<16xi32>
      %swap3A_624 = vector.shape_cast %shift_right_logical3A_620 : vector<16xi32> to vector<16xi32>
      tpu.vector_store %arg13[%swap3A_621], %swap3A_624 {strides = array<i32>} : memref<128xi32, #tpu.memory_space<vmem>>, vector<16xi32>,
      %mul3A_625 = arith.constant 128 : i32
      %mul3A_626 = arith.muli %add3A_568, %mul3A_625 : i32
      %add3A_627 = arith.constant 64 : i32
      %add3A_628 = arith.addi %mul3A_626, %add3A_627 : i32
      %get3A_629 = arith.index_cast %add3A_628 : i32 to index
      %get3A_630 = tpu.vector_load %arg7[%get3A_629] {strides = array<i32>} : memref<10000xi32, #tpu.memory_space<vmem>>, vector<16xi32>,
      %get3A_631 = vector.shape_cast %get3A_630 : vector<16xi32> to vector<16xi32>
      %shift_right_logical3A_632 = arith.constant 16 : i32
      %shift_right_logical3A_633 = vector.broadcast %shift_right_logical3A_632 : i32 to vector<16xi32>
      %shift_right_logical3A_634 = arith.shrui %get3A_631, %shift_right_logical3A_633 : vector<16xi32>
      %swap3A_635 = arith.constant 64 : index
      %swap3A_636 = tpu.vector_load %arg13[%swap3A_635] {strides = array<i32>} : memref<128xi32, #tpu.memory_space<vmem>>, vector<16xi32>,
      %swap3A_637 = vector.shape_cast %swap3A_636 : vector<16xi32> to vector<16xi32>
      %swap3A_638 = vector.shape_cast %shift_right_logical3A_634 : vector<16xi32> to vector<16xi32>
      tpu.vector_store %arg13[%swap3A_635], %swap3A_638 {strides = array<i32>} : memref<128xi32, #tpu.memory_space<vmem>>, vector<16xi32>,
      %mul3A_639 = arith.constant 128 : i32
      %mul3A_640 = arith.muli %add3A_568, %mul3A_639 : i32
      %add3A_641 = arith.constant 80 : i32
      %add3A_642 = arith.addi %mul3A_640, %add3A_641 : i32
      %get3A_643 = arith.index_cast %add3A_642 : i32 to index
      %get3A_644 = tpu.vector_load %arg7[%get3A_643] {strides = array<i32>} : memref<10000xi32, #tpu.memory_space<vmem>>, vector<16xi32>,
      %get3A_645 = vector.shape_cast %get3A_644 : vector<16xi32> to vector<16xi32>
      %shift_right_logical3A_646 = arith.constant 16 : i32
      %shift_right_logical3A_647 = vector.broadcast %shift_right_logical3A_646 : i32 to vector<16xi32>
      %shift_right_logical3A_648 = arith.shrui %get3A_645, %shift_right_logical3A_647 : vector<16xi32>
      %swap3A_649 = arith.constant 80 : index
      %swap3A_650 = tpu.vector_load %arg13[%swap3A_649] {strides = array<i32>} : memref<128xi32, #tpu.memory_space<vmem>>, vector<16xi32>,
      %swap3A_651 = vector.shape_cast %swap3A_650 : vector<16xi32> to vector<16xi32>
      %swap3A_652 = vector.shape_cast %shift_right_logical3A_648 : vector<16xi32> to vector<16xi32>
      tpu.vector_store %arg13[%swap3A_649], %swap3A_652 {strides = array<i32>} : memref<128xi32, #tpu.memory_space<vmem>>, vector<16xi32>,
      %mul3A_653 = arith.constant 128 : i32
      %mul3A_654 = arith.muli %add3A_568, %mul3A_653 : i32
      %add3A_655 = arith.constant 96 : i32
      %add3A_656 = arith.addi %mul3A_654, %add3A_655 : i32
      %get3A_657 = arith.index_cast %add3A_656 : i32 to index
      %get3A_658 = tpu.vector_load %arg7[%get3A_657] {strides = array<i32>} : memref<10000xi32, #tpu.memory_space<vmem>>, vector<16xi32>,
      %get3A_659 = vector.shape_cast %get3A_658 : vector<16xi32> to vector<16xi32>
      %shift_right_logical3A_660 = arith.constant 16 : i32
      %shift_right_logical3A_661 = vector.broadcast %shift_right_logical3A_660 : i32 to vector<16xi32>
      %shift_right_logical3A_662 = arith.shrui %get3A_659, %shift_right_logical3A_661 : vector<16xi32>
      %swap3A_663 = arith.constant 96 : index
      %swap3A_664 = tpu.vector_load %arg13[%swap3A_663] {strides = array<i32>} : memref<128xi32, #tpu.memory_space<vmem>>, vector<16xi32>,
      %swap3A_665 = vector.shape_cast %swap3A_664 : vector<16xi32> to vector<16xi32>
      %swap3A_666 = vector.shape_cast %shift_right_logical3A_662 : vector<16xi32> to vector<16xi32>
      tpu.vector_store %arg13[%swap3A_663], %swap3A_666 {strides = array<i32>} : memref<128xi32, #tpu.memory_space<vmem>>, vector<16xi32>,
      %mul3A_667 = arith.constant 128 : i32
      %mul3A_668 = arith.muli %add3A_568, %mul3A_667 : i32
      %add3A_669 = arith.constant 112 : i32
      %add3A_670 = arith.addi %mul3A_668, %add3A_669 : i32
      %get3A_671 = arith.index_cast %add3A_670 : i32 to index
      %get3A_672 = tpu.vector_load %arg7[%get3A_671] {strides = array<i32>} : memref<10000xi32, #tpu.memory_space<vmem>>, vector<16xi32>,
      %get3A_673 = vector.shape_cast %get3A_672 : vector<16xi32> to vector<16xi32>
      %shift_right_logical3A_674 = arith.constant 16 : i32
      %shift_right_logical3A_675 = vector.broadcast %shift_right_logical3A_674 : i32 to vector<16xi32>
      %shift_right_logical3A_676 = arith.shrui %get3A_673, %shift_right_logical3A_675 : vector<16xi32>
      %swap3A_677 = arith.constant 112 : index
      %swap3A_678 = tpu.vector_load %arg13[%swap3A_677] {strides = array<i32>} : memref<128xi32, #tpu.memory_space<vmem>>, vector<16xi32>,
      %swap3A_679 = vector.shape_cast %swap3A_678 : vector<16xi32> to vector<16xi32>
      %swap3A_680 = vector.shape_cast %shift_right_logical3A_676 : vector<16xi32> to vector<16xi32>
      tpu.vector_store %arg13[%swap3A_677], %swap3A_680 {strides = array<i32>} : memref<128xi32, #tpu.memory_space<vmem>>, vector<16xi32>,
      %dma_start3A_681 = arith.constant 0 : i32
      %dma_start3A_682 = arith.constant 0 : i32
      %dma_start3A_683 = tpu.memref_slice %arg6[%dma_start3A_681, %dma_start3A_682] : memref<10240x64xf32, #tpu.memory_space<vmem_shared>> -> memref<10240x64xf32, #tpu.memory_space<vmem_shared>>
      tpu.enqueue_indirect_dma source(%arg18 : memref<128x64xf32, #tpu.memory_space<vmem>>) target(%dma_start3A_683 : memref<10240x64xf32, #tpu.memory_space<vmem_shared>>) offsets(%arg13 : memref<128xi32, #tpu.memory_space<vmem>>) semaphore(%arg24 : memref<!tpu.dma_semaphore, #tpu.memory_space<semaphore_mem>>) {add = true}
      %add3A_684 = arith.constant 3 : i32
      %add3A_685 = arith.addi %mul3A_323, %add3A_684 : i32
      %add3A_686 = arith.constant 0 : i32
      %add3A_687 = arith.addi %add3A_685, %add3A_686 : i32
      %lt3A = arith.constant 78 : i32
      %lt3A_688 = arith.cmpi slt, %add3A_687, %lt3A : i32
      %convert_element_type3A_689 = arith.extui %lt3A_688 : i1 to i32
      %cond3A_690 = arith.constant 0 : i32
      %cond3A_691 = arith.cmpi ne, %convert_element_type3A_689, %cond3A_690 : i32
      scf.if %cond3A_691 {
        %dma_wait3A_710 = arith.constant 0 : i32
        %dma_wait3A_711 = arith.constant 0 : i32
        %dma_wait3A_712 = tpu.memref_slice %arg6[%dma_wait3A_710, %dma_wait3A_711] : memref<10240x64xf32, #tpu.memory_space<vmem_shared>> -> memref<10240x64xf32, #tpu.memory_space<vmem_shared>>
        tpu.wait_indirect_dma semaphore(%arg22 : memref<!tpu.dma_semaphore, #tpu.memory_space<semaphore_mem>>) src(%arg16 : memref<128x64xf32, #tpu.memory_space<vmem>>) dst(%dma_wait3A_712 : memref<10240x64xf32, #tpu.memory_space<vmem_shared>>)
        %add3A_713 = arith.constant 3 : i32
        %add3A_714 = arith.addi %mul3A_323, %add3A_713 : i32
        %add3A_715 = arith.constant 0 : i32
        %add3A_716 = arith.addi %add3A_714, %add3A_715 : i32
        %mul3A_717 = arith.constant 128 : i32
        %mul3A_718 = arith.muli %add3A_716, %mul3A_717 : i32
        %add3A_719 = arith.constant 0 : i32
        %add3A_720 = arith.addi %mul3A_718, %add3A_719 : i32
        %get3A_721 = arith.index_cast %add3A_720 : i32 to index
        %get3A_722 = tpu.vector_load %arg7[%get3A_721] {strides = array<i32>} : memref<10000xi32, #tpu.memory_space<vmem>>, vector<16xi32>,
        %get3A_723 = vector.shape_cast %get3A_722 : vector<16xi32> to vector<16xi32>
        %and3A_724 = arith.constant 65535 : i32
        %and3A_725 = vector.broadcast %and3A_724 : i32 to vector<16xi32>
        %and3A_726 = arith.andi %get3A_723, %and3A_725 : vector<16xi32>
        %swap3A_727 = arith.constant 0 : index
        %swap3A_728 = tpu.vector_load %arg8[%swap3A_727] {strides = array<i32>} : memref<128xi32, #tpu.memory_space<vmem>>, vector<16xi32>,
        %swap3A_729 = vector.shape_cast %swap3A_728 : vector<16xi32> to vector<16xi32>
        %swap3A_730 = vector.shape_cast %and3A_726 : vector<16xi32> to vector<16xi32>
        tpu.vector_store %arg8[%swap3A_727], %swap3A_730 {strides = array<i32>} : memref<128xi32, #tpu.memory_space<vmem>>, vector<16xi32>,
        %mul3A_731 = arith.constant 128 : i32
        %mul3A_732 = arith.muli %add3A_716, %mul3A_731 : i32
        %add3A_733 = arith.constant 16 : i32
        %add3A_734 = arith.addi %mul3A_732, %add3A_733 : i32
        %get3A_735 = arith.index_cast %add3A_734 : i32 to index
        %get3A_736 = tpu.vector_load %arg7[%get3A_735] {strides = array<i32>} : memref<10000xi32, #tpu.memory_space<vmem>>, vector<16xi32>,
        %get3A_737 = vector.shape_cast %get3A_736 : vector<16xi32> to vector<16xi32>
        %and3A_738 = arith.constant 65535 : i32
        %and3A_739 = vector.broadcast %and3A_738 : i32 to vector<16xi32>
        %and3A_740 = arith.andi %get3A_737, %and3A_739 : vector<16xi32>
        %swap3A_741 = arith.constant 16 : index
        %swap3A_742 = tpu.vector_load %arg8[%swap3A_741] {strides = array<i32>} : memref<128xi32, #tpu.memory_space<vmem>>, vector<16xi32>,
        %swap3A_743 = vector.shape_cast %swap3A_742 : vector<16xi32> to vector<16xi32>
        %swap3A_744 = vector.shape_cast %and3A_740 : vector<16xi32> to vector<16xi32>
        tpu.vector_store %arg8[%swap3A_741], %swap3A_744 {strides = array<i32>} : memref<128xi32, #tpu.memory_space<vmem>>, vector<16xi32>,
        %mul3A_745 = arith.constant 128 : i32
        %mul3A_746 = arith.muli %add3A_716, %mul3A_745 : i32
        %add3A_747 = arith.constant 32 : i32
        %add3A_748 = arith.addi %mul3A_746, %add3A_747 : i32
        %get3A_749 = arith.index_cast %add3A_748 : i32 to index
        %get3A_750 = tpu.vector_load %arg7[%get3A_749] {strides = array<i32>} : memref<10000xi32, #tpu.memory_space<vmem>>, vector<16xi32>,
        %get3A_751 = vector.shape_cast %get3A_750 : vector<16xi32> to vector<16xi32>
        %and3A_752 = arith.constant 65535 : i32
        %and3A_753 = vector.broadcast %and3A_752 : i32 to vector<16xi32>
        %and3A_754 = arith.andi %get3A_751, %and3A_753 : vector<16xi32>
        %swap3A_755 = arith.constant 32 : index
        %swap3A_756 = tpu.vector_load %arg8[%swap3A_755] {strides = array<i32>} : memref<128xi32, #tpu.memory_space<vmem>>, vector<16xi32>,
        %swap3A_757 = vector.shape_cast %swap3A_756 : vector<16xi32> to vector<16xi32>
        %swap3A_758 = vector.shape_cast %and3A_754 : vector<16xi32> to vector<16xi32>
        tpu.vector_store %arg8[%swap3A_755], %swap3A_758 {strides = array<i32>} : memref<128xi32, #tpu.memory_space<vmem>>, vector<16xi32>,
        %mul3A_759 = arith.constant 128 : i32
        %mul3A_760 = arith.muli %add3A_716, %mul3A_759 : i32
        %add3A_761 = arith.constant 48 : i32
        %add3A_762 = arith.addi %mul3A_760, %add3A_761 : i32
        %get3A_763 = arith.index_cast %add3A_762 : i32 to index
        %get3A_764 = tpu.vector_load %arg7[%get3A_763] {strides = array<i32>} : memref<10000xi32, #tpu.memory_space<vmem>>, vector<16xi32>,
        %get3A_765 = vector.shape_cast %get3A_764 : vector<16xi32> to vector<16xi32>
        %and3A_766 = arith.constant 65535 : i32
        %and3A_767 = vector.broadcast %and3A_766 : i32 to vector<16xi32>
        %and3A_768 = arith.andi %get3A_765, %and3A_767 : vector<16xi32>
        %swap3A_769 = arith.constant 48 : index
        %swap3A_770 = tpu.vector_load %arg8[%swap3A_769] {strides = array<i32>} : memref<128xi32, #tpu.memory_space<vmem>>, vector<16xi32>,
        %swap3A_771 = vector.shape_cast %swap3A_770 : vector<16xi32> to vector<16xi32>
        %swap3A_772 = vector.shape_cast %and3A_768 : vector<16xi32> to vector<16xi32>
        tpu.vector_store %arg8[%swap3A_769], %swap3A_772 {strides = array<i32>} : memref<128xi32, #tpu.memory_space<vmem>>, vector<16xi32>,
        %mul3A_773 = arith.constant 128 : i32
        %mul3A_774 = arith.muli %add3A_716, %mul3A_773 : i32
        %add3A_775 = arith.constant 64 : i32
        %add3A_776 = arith.addi %mul3A_774, %add3A_775 : i32
        %get3A_777 = arith.index_cast %add3A_776 : i32 to index
        %get3A_778 = tpu.vector_load %arg7[%get3A_777] {strides = array<i32>} : memref<10000xi32, #tpu.memory_space<vmem>>, vector<16xi32>,
        %get3A_779 = vector.shape_cast %get3A_778 : vector<16xi32> to vector<16xi32>
        %and3A_780 = arith.constant 65535 : i32
        %and3A_781 = vector.broadcast %and3A_780 : i32 to vector<16xi32>
        %and3A_782 = arith.andi %get3A_779, %and3A_781 : vector<16xi32>
        %swap3A_783 = arith.constant 64 : index
        %swap3A_784 = tpu.vector_load %arg8[%swap3A_783] {strides = array<i32>} : memref<128xi32, #tpu.memory_space<vmem>>, vector<16xi32>,
        %swap3A_785 = vector.shape_cast %swap3A_784 : vector<16xi32> to vector<16xi32>
        %swap3A_786 = vector.shape_cast %and3A_782 : vector<16xi32> to vector<16xi32>
        tpu.vector_store %arg8[%swap3A_783], %swap3A_786 {strides = array<i32>} : memref<128xi32, #tpu.memory_space<vmem>>, vector<16xi32>,
        %mul3A_787 = arith.constant 128 : i32
        %mul3A_788 = arith.muli %add3A_716, %mul3A_787 : i32
        %add3A_789 = arith.constant 80 : i32
        %add3A_790 = arith.addi %mul3A_788, %add3A_789 : i32
        %get3A_791 = arith.index_cast %add3A_790 : i32 to index
        %get3A_792 = tpu.vector_load %arg7[%get3A_791] {strides = array<i32>} : memref<10000xi32, #tpu.memory_space<vmem>>, vector<16xi32>,
        %get3A_793 = vector.shape_cast %get3A_792 : vector<16xi32> to vector<16xi32>
        %and3A_794 = arith.constant 65535 : i32
        %and3A_795 = vector.broadcast %and3A_794 : i32 to vector<16xi32>
        %and3A_796 = arith.andi %get3A_793, %and3A_795 : vector<16xi32>
        %swap3A_797 = arith.constant 80 : index
        %swap3A_798 = tpu.vector_load %arg8[%swap3A_797] {strides = array<i32>} : memref<128xi32, #tpu.memory_space<vmem>>, vector<16xi32>,
        %swap3A_799 = vector.shape_cast %swap3A_798 : vector<16xi32> to vector<16xi32>
        %swap3A_800 = vector.shape_cast %and3A_796 : vector<16xi32> to vector<16xi32>
        tpu.vector_store %arg8[%swap3A_797], %swap3A_800 {strides = array<i32>} : memref<128xi32, #tpu.memory_space<vmem>>, vector<16xi32>,
        %mul3A_801 = arith.constant 128 : i32
        %mul3A_802 = arith.muli %add3A_716, %mul3A_801 : i32
        %add3A_803 = arith.constant 96 : i32
        %add3A_804 = arith.addi %mul3A_802, %add3A_803 : i32
        %get3A_805 = arith.index_cast %add3A_804 : i32 to index
        %get3A_806 = tpu.vector_load %arg7[%get3A_805] {strides = array<i32>} : memref<10000xi32, #tpu.memory_space<vmem>>, vector<16xi32>,
        %get3A_807 = vector.shape_cast %get3A_806 : vector<16xi32> to vector<16xi32>
        %and3A_808 = arith.constant 65535 : i32
        %and3A_809 = vector.broadcast %and3A_808 : i32 to vector<16xi32>
        %and3A_810 = arith.andi %get3A_807, %and3A_809 : vector<16xi32>
        %swap3A_811 = arith.constant 96 : index
        %swap3A_812 = tpu.vector_load %arg8[%swap3A_811] {strides = array<i32>} : memref<128xi32, #tpu.memory_space<vmem>>, vector<16xi32>,
        %swap3A_813 = vector.shape_cast %swap3A_812 : vector<16xi32> to vector<16xi32>
        %swap3A_814 = vector.shape_cast %and3A_810 : vector<16xi32> to vector<16xi32>
        tpu.vector_store %arg8[%swap3A_811], %swap3A_814 {strides = array<i32>} : memref<128xi32, #tpu.memory_space<vmem>>, vector<16xi32>,
        %mul3A_815 = arith.constant 128 : i32
        %mul3A_816 = arith.muli %add3A_716, %mul3A_815 : i32
        %add3A_817 = arith.constant 112 : i32
        %add3A_818 = arith.addi %mul3A_816, %add3A_817 : i32
        %get3A_819 = arith.index_cast %add3A_818 : i32 to index
        %get3A_820 = tpu.vector_load %arg7[%get3A_819] {strides = array<i32>} : memref<10000xi32, #tpu.memory_space<vmem>>, vector<16xi32>,
        %get3A_821 = vector.shape_cast %get3A_820 : vector<16xi32> to vector<16xi32>
        %and3A_822 = arith.constant 65535 : i32
        %and3A_823 = vector.broadcast %and3A_822 : i32 to vector<16xi32>
        %and3A_824 = arith.andi %get3A_821, %and3A_823 : vector<16xi32>
        %swap3A_825 = arith.constant 112 : index
        %swap3A_826 = tpu.vector_load %arg8[%swap3A_825] {strides = array<i32>} : memref<128xi32, #tpu.memory_space<vmem>>, vector<16xi32>,
        %swap3A_827 = vector.shape_cast %swap3A_826 : vector<16xi32> to vector<16xi32>
        %swap3A_828 = vector.shape_cast %and3A_824 : vector<16xi32> to vector<16xi32>
        tpu.vector_store %arg8[%swap3A_825], %swap3A_828 {strides = array<i32>} : memref<128xi32, #tpu.memory_space<vmem>>, vector<16xi32>,
        %dma_start3A_829 = arith.constant 0 : i32
        %dma_start3A_830 = arith.constant 0 : i32
        %dma_start3A_831 = tpu.memref_slice %arg2[%dma_start3A_829, %dma_start3A_830] : memref<10240x64xf32, #tpu.memory_space<hbm>> -> memref<10240x64xf32, #tpu.memory_space<hbm>>
        tpu.enqueue_indirect_dma source(%dma_start3A_831 : memref<10240x64xf32, #tpu.memory_space<hbm>>) target(%arg16 : memref<128x64xf32, #tpu.memory_space<vmem>>) offsets(%arg8 : memref<128xi32, #tpu.memory_space<vmem>>) semaphore(%arg19 : memref<!tpu.dma_semaphore, #tpu.memory_space<semaphore_mem>>)
      } else {
      }
      %add3A_692 = arith.constant 3 : i32
      %add3A_693 = arith.addi %mul3A_323, %add3A_692 : i32
      %add3A_694 = arith.constant 1 : i32
      %add3A_695 = arith.addi %add3A_693, %add3A_694 : i32
      %lt3A_696 = arith.constant 78 : i32
      %lt3A_697 = arith.cmpi slt, %add3A_695, %lt3A_696 : i32
      %convert_element_type3A_698 = arith.extui %lt3A_697 : i1 to i32
      %cond3A_699 = arith.constant 0 : i32
      %cond3A_700 = arith.cmpi ne, %convert_element_type3A_698, %cond3A_699 : i32
      scf.if %cond3A_700 {
        %dma_wait3A_710 = arith.constant 0 : i32
        %dma_wait3A_711 = arith.constant 0 : i32
        %dma_wait3A_712 = tpu.memref_slice %arg6[%dma_wait3A_710, %dma_wait3A_711] : memref<10240x64xf32, #tpu.memory_space<vmem_shared>> -> memref<10240x64xf32, #tpu.memory_space<vmem_shared>>
        tpu.wait_indirect_dma semaphore(%arg23 : memref<!tpu.dma_semaphore, #tpu.memory_space<semaphore_mem>>) src(%arg17 : memref<128x64xf32, #tpu.memory_space<vmem>>) dst(%dma_wait3A_712 : memref<10240x64xf32, #tpu.memory_space<vmem_shared>>)
        %add3A_713 = arith.constant 3 : i32
        %add3A_714 = arith.addi %mul3A_323, %add3A_713 : i32
        %add3A_715 = arith.constant 1 : i32
        %add3A_716 = arith.addi %add3A_714, %add3A_715 : i32
        %mul3A_717 = arith.constant 128 : i32
        %mul3A_718 = arith.muli %add3A_716, %mul3A_717 : i32
        %add3A_719 = arith.constant 0 : i32
        %add3A_720 = arith.addi %mul3A_718, %add3A_719 : i32
        %get3A_721 = arith.index_cast %add3A_720 : i32 to index
        %get3A_722 = tpu.vector_load %arg7[%get3A_721] {strides = array<i32>} : memref<10000xi32, #tpu.memory_space<vmem>>, vector<16xi32>,
        %get3A_723 = vector.shape_cast %get3A_722 : vector<16xi32> to vector<16xi32>
        %and3A_724 = arith.constant 65535 : i32
        %and3A_725 = vector.broadcast %and3A_724 : i32 to vector<16xi32>
        %and3A_726 = arith.andi %get3A_723, %and3A_725 : vector<16xi32>
        %swap3A_727 = arith.constant 0 : index
        %swap3A_728 = tpu.vector_load %arg9[%swap3A_727] {strides = array<i32>} : memref<128xi32, #tpu.memory_space<vmem>>, vector<16xi32>,
        %swap3A_729 = vector.shape_cast %swap3A_728 : vector<16xi32> to vector<16xi32>
        %swap3A_730 = vector.shape_cast %and3A_726 : vector<16xi32> to vector<16xi32>
        tpu.vector_store %arg9[%swap3A_727], %swap3A_730 {strides = array<i32>} : memref<128xi32, #tpu.memory_space<vmem>>, vector<16xi32>,
        %mul3A_731 = arith.constant 128 : i32
        %mul3A_732 = arith.muli %add3A_716, %mul3A_731 : i32
        %add3A_733 = arith.constant 16 : i32
        %add3A_734 = arith.addi %mul3A_732, %add3A_733 : i32
        %get3A_735 = arith.index_cast %add3A_734 : i32 to index
        %get3A_736 = tpu.vector_load %arg7[%get3A_735] {strides = array<i32>} : memref<10000xi32, #tpu.memory_space<vmem>>, vector<16xi32>,
        %get3A_737 = vector.shape_cast %get3A_736 : vector<16xi32> to vector<16xi32>
        %and3A_738 = arith.constant 65535 : i32
        %and3A_739 = vector.broadcast %and3A_738 : i32 to vector<16xi32>
        %and3A_740 = arith.andi %get3A_737, %and3A_739 : vector<16xi32>
        %swap3A_741 = arith.constant 16 : index
        %swap3A_742 = tpu.vector_load %arg9[%swap3A_741] {strides = array<i32>} : memref<128xi32, #tpu.memory_space<vmem>>, vector<16xi32>,
        %swap3A_743 = vector.shape_cast %swap3A_742 : vector<16xi32> to vector<16xi32>
        %swap3A_744 = vector.shape_cast %and3A_740 : vector<16xi32> to vector<16xi32>
        tpu.vector_store %arg9[%swap3A_741], %swap3A_744 {strides = array<i32>} : memref<128xi32, #tpu.memory_space<vmem>>, vector<16xi32>,
        %mul3A_745 = arith.constant 128 : i32
        %mul3A_746 = arith.muli %add3A_716, %mul3A_745 : i32
        %add3A_747 = arith.constant 32 : i32
        %add3A_748 = arith.addi %mul3A_746, %add3A_747 : i32
        %get3A_749 = arith.index_cast %add3A_748 : i32 to index
        %get3A_750 = tpu.vector_load %arg7[%get3A_749] {strides = array<i32>} : memref<10000xi32, #tpu.memory_space<vmem>>, vector<16xi32>,
        %get3A_751 = vector.shape_cast %get3A_750 : vector<16xi32> to vector<16xi32>
        %and3A_752 = arith.constant 65535 : i32
        %and3A_753 = vector.broadcast %and3A_752 : i32 to vector<16xi32>
        %and3A_754 = arith.andi %get3A_751, %and3A_753 : vector<16xi32>
        %swap3A_755 = arith.constant 32 : index
        %swap3A_756 = tpu.vector_load %arg9[%swap3A_755] {strides = array<i32>} : memref<128xi32, #tpu.memory_space<vmem>>, vector<16xi32>,
        %swap3A_757 = vector.shape_cast %swap3A_756 : vector<16xi32> to vector<16xi32>
        %swap3A_758 = vector.shape_cast %and3A_754 : vector<16xi32> to vector<16xi32>
        tpu.vector_store %arg9[%swap3A_755], %swap3A_758 {strides = array<i32>} : memref<128xi32, #tpu.memory_space<vmem>>, vector<16xi32>,
        %mul3A_759 = arith.constant 128 : i32
        %mul3A_760 = arith.muli %add3A_716, %mul3A_759 : i32
        %add3A_761 = arith.constant 48 : i32
        %add3A_762 = arith.addi %mul3A_760, %add3A_761 : i32
        %get3A_763 = arith.index_cast %add3A_762 : i32 to index
        %get3A_764 = tpu.vector_load %arg7[%get3A_763] {strides = array<i32>} : memref<10000xi32, #tpu.memory_space<vmem>>, vector<16xi32>,
        %get3A_765 = vector.shape_cast %get3A_764 : vector<16xi32> to vector<16xi32>
        %and3A_766 = arith.constant 65535 : i32
        %and3A_767 = vector.broadcast %and3A_766 : i32 to vector<16xi32>
        %and3A_768 = arith.andi %get3A_765, %and3A_767 : vector<16xi32>
        %swap3A_769 = arith.constant 48 : index
        %swap3A_770 = tpu.vector_load %arg9[%swap3A_769] {strides = array<i32>} : memref<128xi32, #tpu.memory_space<vmem>>, vector<16xi32>,
        %swap3A_771 = vector.shape_cast %swap3A_770 : vector<16xi32> to vector<16xi32>
        %swap3A_772 = vector.shape_cast %and3A_768 : vector<16xi32> to vector<16xi32>
        tpu.vector_store %arg9[%swap3A_769], %swap3A_772 {strides = array<i32>} : memref<128xi32, #tpu.memory_space<vmem>>, vector<16xi32>,
        %mul3A_773 = arith.constant 128 : i32
        %mul3A_774 = arith.muli %add3A_716, %mul3A_773 : i32
        %add3A_775 = arith.constant 64 : i32
        %add3A_776 = arith.addi %mul3A_774, %add3A_775 : i32
        %get3A_777 = arith.index_cast %add3A_776 : i32 to index
        %get3A_778 = tpu.vector_load %arg7[%get3A_777] {strides = array<i32>} : memref<10000xi32, #tpu.memory_space<vmem>>, vector<16xi32>,
        %get3A_779 = vector.shape_cast %get3A_778 : vector<16xi32> to vector<16xi32>
        %and3A_780 = arith.constant 65535 : i32
        %and3A_781 = vector.broadcast %and3A_780 : i32 to vector<16xi32>
        %and3A_782 = arith.andi %get3A_779, %and3A_781 : vector<16xi32>
        %swap3A_783 = arith.constant 64 : index
        %swap3A_784 = tpu.vector_load %arg9[%swap3A_783] {strides = array<i32>} : memref<128xi32, #tpu.memory_space<vmem>>, vector<16xi32>,
        %swap3A_785 = vector.shape_cast %swap3A_784 : vector<16xi32> to vector<16xi32>
        %swap3A_786 = vector.shape_cast %and3A_782 : vector<16xi32> to vector<16xi32>
        tpu.vector_store %arg9[%swap3A_783], %swap3A_786 {strides = array<i32>} : memref<128xi32, #tpu.memory_space<vmem>>, vector<16xi32>,
        %mul3A_787 = arith.constant 128 : i32
        %mul3A_788 = arith.muli %add3A_716, %mul3A_787 : i32
        %add3A_789 = arith.constant 80 : i32
        %add3A_790 = arith.addi %mul3A_788, %add3A_789 : i32
        %get3A_791 = arith.index_cast %add3A_790 : i32 to index
        %get3A_792 = tpu.vector_load %arg7[%get3A_791] {strides = array<i32>} : memref<10000xi32, #tpu.memory_space<vmem>>, vector<16xi32>,
        %get3A_793 = vector.shape_cast %get3A_792 : vector<16xi32> to vector<16xi32>
        %and3A_794 = arith.constant 65535 : i32
        %and3A_795 = vector.broadcast %and3A_794 : i32 to vector<16xi32>
        %and3A_796 = arith.andi %get3A_793, %and3A_795 : vector<16xi32>
        %swap3A_797 = arith.constant 80 : index
        %swap3A_798 = tpu.vector_load %arg9[%swap3A_797] {strides = array<i32>} : memref<128xi32, #tpu.memory_space<vmem>>, vector<16xi32>,
        %swap3A_799 = vector.shape_cast %swap3A_798 : vector<16xi32> to vector<16xi32>
        %swap3A_800 = vector.shape_cast %and3A_796 : vector<16xi32> to vector<16xi32>
        tpu.vector_store %arg9[%swap3A_797], %swap3A_800 {strides = array<i32>} : memref<128xi32, #tpu.memory_space<vmem>>, vector<16xi32>,
        %mul3A_801 = arith.constant 128 : i32
        %mul3A_802 = arith.muli %add3A_716, %mul3A_801 : i32
        %add3A_803 = arith.constant 96 : i32
        %add3A_804 = arith.addi %mul3A_802, %add3A_803 : i32
        %get3A_805 = arith.index_cast %add3A_804 : i32 to index
        %get3A_806 = tpu.vector_load %arg7[%get3A_805] {strides = array<i32>} : memref<10000xi32, #tpu.memory_space<vmem>>, vector<16xi32>,
        %get3A_807 = vector.shape_cast %get3A_806 : vector<16xi32> to vector<16xi32>
        %and3A_808 = arith.constant 65535 : i32
        %and3A_809 = vector.broadcast %and3A_808 : i32 to vector<16xi32>
        %and3A_810 = arith.andi %get3A_807, %and3A_809 : vector<16xi32>
        %swap3A_811 = arith.constant 96 : index
        %swap3A_812 = tpu.vector_load %arg9[%swap3A_811] {strides = array<i32>} : memref<128xi32, #tpu.memory_space<vmem>>, vector<16xi32>,
        %swap3A_813 = vector.shape_cast %swap3A_812 : vector<16xi32> to vector<16xi32>
        %swap3A_814 = vector.shape_cast %and3A_810 : vector<16xi32> to vector<16xi32>
        tpu.vector_store %arg9[%swap3A_811], %swap3A_814 {strides = array<i32>} : memref<128xi32, #tpu.memory_space<vmem>>, vector<16xi32>,
        %mul3A_815 = arith.constant 128 : i32
        %mul3A_816 = arith.muli %add3A_716, %mul3A_815 : i32
        %add3A_817 = arith.constant 112 : i32
        %add3A_818 = arith.addi %mul3A_816, %add3A_817 : i32
        %get3A_819 = arith.index_cast %add3A_818 : i32 to index
        %get3A_820 = tpu.vector_load %arg7[%get3A_819] {strides = array<i32>} : memref<10000xi32, #tpu.memory_space<vmem>>, vector<16xi32>,
        %get3A_821 = vector.shape_cast %get3A_820 : vector<16xi32> to vector<16xi32>
        %and3A_822 = arith.constant 65535 : i32
        %and3A_823 = vector.broadcast %and3A_822 : i32 to vector<16xi32>
        %and3A_824 = arith.andi %get3A_821, %and3A_823 : vector<16xi32>
        %swap3A_825 = arith.constant 112 : index
        %swap3A_826 = tpu.vector_load %arg9[%swap3A_825] {strides = array<i32>} : memref<128xi32, #tpu.memory_space<vmem>>, vector<16xi32>,
        %swap3A_827 = vector.shape_cast %swap3A_826 : vector<16xi32> to vector<16xi32>
        %swap3A_828 = vector.shape_cast %and3A_824 : vector<16xi32> to vector<16xi32>
        tpu.vector_store %arg9[%swap3A_825], %swap3A_828 {strides = array<i32>} : memref<128xi32, #tpu.memory_space<vmem>>, vector<16xi32>,
        %dma_start3A_829 = arith.constant 0 : i32
        %dma_start3A_830 = arith.constant 0 : i32
        %dma_start3A_831 = tpu.memref_slice %arg2[%dma_start3A_829, %dma_start3A_830] : memref<10240x64xf32, #tpu.memory_space<hbm>> -> memref<10240x64xf32, #tpu.memory_space<hbm>>
        tpu.enqueue_indirect_dma source(%dma_start3A_831 : memref<10240x64xf32, #tpu.memory_space<hbm>>) target(%arg17 : memref<128x64xf32, #tpu.memory_space<vmem>>) offsets(%arg9 : memref<128xi32, #tpu.memory_space<vmem>>) semaphore(%arg20 : memref<!tpu.dma_semaphore, #tpu.memory_space<semaphore_mem>>)
      } else {
      }
      %add3A_701 = arith.constant 3 : i32
      %add3A_702 = arith.addi %mul3A_323, %add3A_701 : i32
      %add3A_703 = arith.constant 2 : i32
      %add3A_704 = arith.addi %add3A_702, %add3A_703 : i32
      %lt3A_705 = arith.constant 78 : i32
      %lt3A_706 = arith.cmpi slt, %add3A_704, %lt3A_705 : i32
      %convert_element_type3A_707 = arith.extui %lt3A_706 : i1 to i32
      %cond3A_708 = arith.constant 0 : i32
      %cond3A_709 = arith.cmpi ne, %convert_element_type3A_707, %cond3A_708 : i32
      scf.if %cond3A_709 {
        %dma_wait3A_710 = arith.constant 0 : i32
        %dma_wait3A_711 = arith.constant 0 : i32
        %dma_wait3A_712 = tpu.memref_slice %arg6[%dma_wait3A_710, %dma_wait3A_711] : memref<10240x64xf32, #tpu.memory_space<vmem_shared>> -> memref<10240x64xf32, #tpu.memory_space<vmem_shared>>
        tpu.wait_indirect_dma semaphore(%arg24 : memref<!tpu.dma_semaphore, #tpu.memory_space<semaphore_mem>>) src(%arg18 : memref<128x64xf32, #tpu.memory_space<vmem>>) dst(%dma_wait3A_712 : memref<10240x64xf32, #tpu.memory_space<vmem_shared>>)
        %add3A_713 = arith.constant 3 : i32
        %add3A_714 = arith.addi %mul3A_323, %add3A_713 : i32
        %add3A_715 = arith.constant 2 : i32
        %add3A_716 = arith.addi %add3A_714, %add3A_715 : i32
        %mul3A_717 = arith.constant 128 : i32
        %mul3A_718 = arith.muli %add3A_716, %mul3A_717 : i32
        %add3A_719 = arith.constant 0 : i32
        %add3A_720 = arith.addi %mul3A_718, %add3A_719 : i32
        %get3A_721 = arith.index_cast %add3A_720 : i32 to index
        %get3A_722 = tpu.vector_load %arg7[%get3A_721] {strides = array<i32>} : memref<10000xi32, #tpu.memory_space<vmem>>, vector<16xi32>,
        %get3A_723 = vector.shape_cast %get3A_722 : vector<16xi32> to vector<16xi32>
        %and3A_724 = arith.constant 65535 : i32
        %and3A_725 = vector.broadcast %and3A_724 : i32 to vector<16xi32>
        %and3A_726 = arith.andi %get3A_723, %and3A_725 : vector<16xi32>
        %swap3A_727 = arith.constant 0 : index
        %swap3A_728 = tpu.vector_load %arg10[%swap3A_727] {strides = array<i32>} : memref<128xi32, #tpu.memory_space<vmem>>, vector<16xi32>,
        %swap3A_729 = vector.shape_cast %swap3A_728 : vector<16xi32> to vector<16xi32>
        %swap3A_730 = vector.shape_cast %and3A_726 : vector<16xi32> to vector<16xi32>
        tpu.vector_store %arg10[%swap3A_727], %swap3A_730 {strides = array<i32>} : memref<128xi32, #tpu.memory_space<vmem>>, vector<16xi32>,
        %mul3A_731 = arith.constant 128 : i32
        %mul3A_732 = arith.muli %add3A_716, %mul3A_731 : i32
        %add3A_733 = arith.constant 16 : i32
        %add3A_734 = arith.addi %mul3A_732, %add3A_733 : i32
        %get3A_735 = arith.index_cast %add3A_734 : i32 to index
        %get3A_736 = tpu.vector_load %arg7[%get3A_735] {strides = array<i32>} : memref<10000xi32, #tpu.memory_space<vmem>>, vector<16xi32>,
        %get3A_737 = vector.shape_cast %get3A_736 : vector<16xi32> to vector<16xi32>
        %and3A_738 = arith.constant 65535 : i32
        %and3A_739 = vector.broadcast %and3A_738 : i32 to vector<16xi32>
        %and3A_740 = arith.andi %get3A_737, %and3A_739 : vector<16xi32>
        %swap3A_741 = arith.constant 16 : index
        %swap3A_742 = tpu.vector_load %arg10[%swap3A_741] {strides = array<i32>} : memref<128xi32, #tpu.memory_space<vmem>>, vector<16xi32>,
        %swap3A_743 = vector.shape_cast %swap3A_742 : vector<16xi32> to vector<16xi32>
        %swap3A_744 = vector.shape_cast %and3A_740 : vector<16xi32> to vector<16xi32>
        tpu.vector_store %arg10[%swap3A_741], %swap3A_744 {strides = array<i32>} : memref<128xi32, #tpu.memory_space<vmem>>, vector<16xi32>,
        %mul3A_745 = arith.constant 128 : i32
        %mul3A_746 = arith.muli %add3A_716, %mul3A_745 : i32
        %add3A_747 = arith.constant 32 : i32
        %add3A_748 = arith.addi %mul3A_746, %add3A_747 : i32
        %get3A_749 = arith.index_cast %add3A_748 : i32 to index
        %get3A_750 = tpu.vector_load %arg7[%get3A_749] {strides = array<i32>} : memref<10000xi32, #tpu.memory_space<vmem>>, vector<16xi32>,
        %get3A_751 = vector.shape_cast %get3A_750 : vector<16xi32> to vector<16xi32>
        %and3A_752 = arith.constant 65535 : i32
        %and3A_753 = vector.broadcast %and3A_752 : i32 to vector<16xi32>
        %and3A_754 = arith.andi %get3A_751, %and3A_753 : vector<16xi32>
        %swap3A_755 = arith.constant 32 : index
        %swap3A_756 = tpu.vector_load %arg10[%swap3A_755] {strides = array<i32>} : memref<128xi32, #tpu.memory_space<vmem>>, vector<16xi32>,
        %swap3A_757 = vector.shape_cast %swap3A_756 : vector<16xi32> to vector<16xi32>
        %swap3A_758 = vector.shape_cast %and3A_754 : vector<16xi32> to vector<16xi32>
        tpu.vector_store %arg10[%swap3A_755], %swap3A_758 {strides = array<i32>} : memref<128xi32, #tpu.memory_space<vmem>>, vector<16xi32>,
        %mul3A_759 = arith.constant 128 : i32
        %mul3A_760 = arith.muli %add3A_716, %mul3A_759 : i32
        %add3A_761 = arith.constant 48 : i32
        %add3A_762 = arith.addi %mul3A_760, %add3A_761 : i32
        %get3A_763 = arith.index_cast %add3A_762 : i32 to index
        %get3A_764 = tpu.vector_load %arg7[%get3A_763] {strides = array<i32>} : memref<10000xi32, #tpu.memory_space<vmem>>, vector<16xi32>,
        %get3A_765 = vector.shape_cast %get3A_764 : vector<16xi32> to vector<16xi32>
        %and3A_766 = arith.constant 65535 : i32
        %and3A_767 = vector.broadcast %and3A_766 : i32 to vector<16xi32>
        %and3A_768 = arith.andi %get3A_765, %and3A_767 : vector<16xi32>
        %swap3A_769 = arith.constant 48 : index
        %swap3A_770 = tpu.vector_load %arg10[%swap3A_769] {strides = array<i32>} : memref<128xi32, #tpu.memory_space<vmem>>, vector<16xi32>,
        %swap3A_771 = vector.shape_cast %swap3A_770 : vector<16xi32> to vector<16xi32>
        %swap3A_772 = vector.shape_cast %and3A_768 : vector<16xi32> to vector<16xi32>
        tpu.vector_store %arg10[%swap3A_769], %swap3A_772 {strides = array<i32>} : memref<128xi32, #tpu.memory_space<vmem>>, vector<16xi32>,
        %mul3A_773 = arith.constant 128 : i32
        %mul3A_774 = arith.muli %add3A_716, %mul3A_773 : i32
        %add3A_775 = arith.constant 64 : i32
        %add3A_776 = arith.addi %mul3A_774, %add3A_775 : i32
        %get3A_777 = arith.index_cast %add3A_776 : i32 to index
        %get3A_778 = tpu.vector_load %arg7[%get3A_777] {strides = array<i32>} : memref<10000xi32, #tpu.memory_space<vmem>>, vector<16xi32>,
        %get3A_779 = vector.shape_cast %get3A_778 : vector<16xi32> to vector<16xi32>
        %and3A_780 = arith.constant 65535 : i32
        %and3A_781 = vector.broadcast %and3A_780 : i32 to vector<16xi32>
        %and3A_782 = arith.andi %get3A_779, %and3A_781 : vector<16xi32>
        %swap3A_783 = arith.constant 64 : index
        %swap3A_784 = tpu.vector_load %arg10[%swap3A_783] {strides = array<i32>} : memref<128xi32, #tpu.memory_space<vmem>>, vector<16xi32>,
        %swap3A_785 = vector.shape_cast %swap3A_784 : vector<16xi32> to vector<16xi32>
        %swap3A_786 = vector.shape_cast %and3A_782 : vector<16xi32> to vector<16xi32>
        tpu.vector_store %arg10[%swap3A_783], %swap3A_786 {strides = array<i32>} : memref<128xi32, #tpu.memory_space<vmem>>, vector<16xi32>,
        %mul3A_787 = arith.constant 128 : i32
        %mul3A_788 = arith.muli %add3A_716, %mul3A_787 : i32
        %add3A_789 = arith.constant 80 : i32
        %add3A_790 = arith.addi %mul3A_788, %add3A_789 : i32
        %get3A_791 = arith.index_cast %add3A_790 : i32 to index
        %get3A_792 = tpu.vector_load %arg7[%get3A_791] {strides = array<i32>} : memref<10000xi32, #tpu.memory_space<vmem>>, vector<16xi32>,
        %get3A_793 = vector.shape_cast %get3A_792 : vector<16xi32> to vector<16xi32>
        %and3A_794 = arith.constant 65535 : i32
        %and3A_795 = vector.broadcast %and3A_794 : i32 to vector<16xi32>
        %and3A_796 = arith.andi %get3A_793, %and3A_795 : vector<16xi32>
        %swap3A_797 = arith.constant 80 : index
        %swap3A_798 = tpu.vector_load %arg10[%swap3A_797] {strides = array<i32>} : memref<128xi32, #tpu.memory_space<vmem>>, vector<16xi32>,
        %swap3A_799 = vector.shape_cast %swap3A_798 : vector<16xi32> to vector<16xi32>
        %swap3A_800 = vector.shape_cast %and3A_796 : vector<16xi32> to vector<16xi32>
        tpu.vector_store %arg10[%swap3A_797], %swap3A_800 {strides = array<i32>} : memref<128xi32, #tpu.memory_space<vmem>>, vector<16xi32>,
        %mul3A_801 = arith.constant 128 : i32
        %mul3A_802 = arith.muli %add3A_716, %mul3A_801 : i32
        %add3A_803 = arith.constant 96 : i32
        %add3A_804 = arith.addi %mul3A_802, %add3A_803 : i32
        %get3A_805 = arith.index_cast %add3A_804 : i32 to index
        %get3A_806 = tpu.vector_load %arg7[%get3A_805] {strides = array<i32>} : memref<10000xi32, #tpu.memory_space<vmem>>, vector<16xi32>,
        %get3A_807 = vector.shape_cast %get3A_806 : vector<16xi32> to vector<16xi32>
        %and3A_808 = arith.constant 65535 : i32
        %and3A_809 = vector.broadcast %and3A_808 : i32 to vector<16xi32>
        %and3A_810 = arith.andi %get3A_807, %and3A_809 : vector<16xi32>
        %swap3A_811 = arith.constant 96 : index
        %swap3A_812 = tpu.vector_load %arg10[%swap3A_811] {strides = array<i32>} : memref<128xi32, #tpu.memory_space<vmem>>, vector<16xi32>,
        %swap3A_813 = vector.shape_cast %swap3A_812 : vector<16xi32> to vector<16xi32>
        %swap3A_814 = vector.shape_cast %and3A_810 : vector<16xi32> to vector<16xi32>
        tpu.vector_store %arg10[%swap3A_811], %swap3A_814 {strides = array<i32>} : memref<128xi32, #tpu.memory_space<vmem>>, vector<16xi32>,
        %mul3A_815 = arith.constant 128 : i32
        %mul3A_816 = arith.muli %add3A_716, %mul3A_815 : i32
        %add3A_817 = arith.constant 112 : i32
        %add3A_818 = arith.addi %mul3A_816, %add3A_817 : i32
        %get3A_819 = arith.index_cast %add3A_818 : i32 to index
        %get3A_820 = tpu.vector_load %arg7[%get3A_819] {strides = array<i32>} : memref<10000xi32, #tpu.memory_space<vmem>>, vector<16xi32>,
        %get3A_821 = vector.shape_cast %get3A_820 : vector<16xi32> to vector<16xi32>
        %and3A_822 = arith.constant 65535 : i32
        %and3A_823 = vector.broadcast %and3A_822 : i32 to vector<16xi32>
        %and3A_824 = arith.andi %get3A_821, %and3A_823 : vector<16xi32>
        %swap3A_825 = arith.constant 112 : index
        %swap3A_826 = tpu.vector_load %arg10[%swap3A_825] {strides = array<i32>} : memref<128xi32, #tpu.memory_space<vmem>>, vector<16xi32>,
        %swap3A_827 = vector.shape_cast %swap3A_826 : vector<16xi32> to vector<16xi32>
        %swap3A_828 = vector.shape_cast %and3A_824 : vector<16xi32> to vector<16xi32>
        tpu.vector_store %arg10[%swap3A_825], %swap3A_828 {strides = array<i32>} : memref<128xi32, #tpu.memory_space<vmem>>, vector<16xi32>,
        %dma_start3A_829 = arith.constant 0 : i32
        %dma_start3A_830 = arith.constant 0 : i32
        %dma_start3A_831 = tpu.memref_slice %arg2[%dma_start3A_829, %dma_start3A_830] : memref<10240x64xf32, #tpu.memory_space<hbm>> -> memref<10240x64xf32, #tpu.memory_space<hbm>>
        tpu.enqueue_indirect_dma source(%dma_start3A_831 : memref<10240x64xf32, #tpu.memory_space<hbm>>) target(%arg18 : memref<128x64xf32, #tpu.memory_space<vmem>>) offsets(%arg10 : memref<128xi32, #tpu.memory_space<vmem>>) semaphore(%arg21 : memref<!tpu.dma_semaphore, #tpu.memory_space<semaphore_mem>>)
      } else {
      }
    }
    %scan3A_276 = arith.constant 26 : i32
    %dma_wait3A = arith.constant 0 : i32
    %dma_wait3A_277 = arith.constant 0 : i32
    %dma_wait3A_278 = tpu.memref_slice %arg6[%dma_wait3A, %dma_wait3A_277] : memref<10240x64xf32, #tpu.memory_space<vmem_shared>> -> memref<10240x64xf32, #tpu.memory_space<vmem_shared>>
    tpu.wait_indirect_dma semaphore(%arg22 : memref<!tpu.dma_semaphore, #tpu.memory_space<semaphore_mem>>) src(%arg16 : memref<128x64xf32, #tpu.memory_space<vmem>>) dst(%dma_wait3A_278 : memref<10240x64xf32, #tpu.memory_space<vmem_shared>>)
    %dma_wait3A_279 = arith.constant 0 : i32
    %dma_wait3A_280 = arith.constant 0 : i32
    %dma_wait3A_281 = tpu.memref_slice %arg6[%dma_wait3A_279, %dma_wait3A_280] : memref<10240x64xf32, #tpu.memory_space<vmem_shared>> -> memref<10240x64xf32, #tpu.memory_space<vmem_shared>>
    tpu.wait_indirect_dma semaphore(%arg23 : memref<!tpu.dma_semaphore, #tpu.memory_space<semaphore_mem>>) src(%arg17 : memref<128x64xf32, #tpu.memory_space<vmem>>) dst(%dma_wait3A_281 : memref<10240x64xf32, #tpu.memory_space<vmem_shared>>)
    %dma_wait3A_282 = arith.constant 0 : i32
    %dma_wait3A_283 = arith.constant 0 : i32
    %dma_wait3A_284 = tpu.memref_slice %arg6[%dma_wait3A_282, %dma_wait3A_283] : memref<10240x64xf32, #tpu.memory_space<vmem_shared>> -> memref<10240x64xf32, #tpu.memory_space<vmem_shared>>
    tpu.wait_indirect_dma semaphore(%arg24 : memref<!tpu.dma_semaphore, #tpu.memory_space<semaphore_mem>>) src(%arg18 : memref<128x64xf32, #tpu.memory_space<vmem>>) dst(%dma_wait3A_284 : memref<10240x64xf32, #tpu.memory_space<vmem_shared>>)
    %get3A_285 = arith.constant 9984 : index
    %get3A_286 = tpu.vector_load %arg7[%get3A_285] {strides = array<i32>} : memref<10000xi32, #tpu.memory_space<vmem>>, vector<16xi32>,
    %get3A_287 = vector.shape_cast %get3A_286 : vector<16xi32> to vector<16xi32>
    %and3A_288 = arith.constant 65535 : i32
    %and3A_289 = vector.broadcast %and3A_288 : i32 to vector<16xi32>
    %and3A_290 = arith.andi %get3A_287, %and3A_289 : vector<16xi32>
    %swap3A_291 = arith.constant 0 : index
    %swap3A_292 = tpu.vector_load %arg14[%swap3A_291] {strides = array<i32>} : memref<16xi32, #tpu.memory_space<vmem>>, vector<16xi32>,
    %swap3A_293 = vector.shape_cast %swap3A_292 : vector<16xi32> to vector<16xi32>
    %swap3A_294 = vector.shape_cast %and3A_290 : vector<16xi32> to vector<16xi32>
    tpu.vector_store %arg14[%swap3A_291], %swap3A_294 {strides = array<i32>} : memref<16xi32, #tpu.memory_space<vmem>>, vector<16xi32>,
    %shift_right_logical3A = arith.constant 16 : i32
    %shift_right_logical3A_295 = vector.broadcast %shift_right_logical3A : i32 to vector<16xi32>
    %shift_right_logical3A_296 = arith.shrui %get3A_287, %shift_right_logical3A_295 : vector<16xi32>
    %swap3A_297 = arith.constant 0 : index
    %swap3A_298 = tpu.vector_load %arg15[%swap3A_297] {strides = array<i32>} : memref<16xi32, #tpu.memory_space<vmem>>, vector<16xi32>,
    %swap3A_299 = vector.shape_cast %swap3A_298 : vector<16xi32> to vector<16xi32>
    %swap3A_300 = vector.shape_cast %shift_right_logical3A_296 : vector<16xi32> to vector<16xi32>
    tpu.vector_store %arg15[%swap3A_297], %swap3A_300 {strides = array<i32>} : memref<16xi32, #tpu.memory_space<vmem>>, vector<16xi32>,
    %dma_start3A_301 = arith.constant 0 : i32
    %dma_start3A_302 = arith.constant 0 : i32
    %dma_start3A_303 = tpu.memref_slice %arg16[%dma_start3A_301, %dma_start3A_302] : memref<128x64xf32, #tpu.memory_space<vmem>> -> memref<16x64xf32, #tpu.memory_space<vmem>>
    %dma_start3A_304 = arith.constant 0 : i32
    %dma_start3A_305 = arith.constant 0 : i32
    %dma_start3A_306 = tpu.memref_slice %arg2[%dma_start3A_304, %dma_start3A_305] : memref<10240x64xf32, #tpu.memory_space<hbm>> -> memref<10240x64xf32, #tpu.memory_space<hbm>>
    tpu.enqueue_indirect_dma source(%dma_start3A_306 : memref<10240x64xf32, #tpu.memory_space<hbm>>) target(%dma_start3A_303 : memref<16x64xf32, #tpu.memory_space<vmem>>) offsets(%arg14 : memref<16xi32, #tpu.memory_space<vmem>>) semaphore(%arg19 : memref<!tpu.dma_semaphore, #tpu.memory_space<semaphore_mem>>)
    %dma_wait3A_307 = arith.constant 0 : i32
    %dma_wait3A_308 = arith.constant 0 : i32
    %dma_wait3A_309 = tpu.memref_slice %arg16[%dma_wait3A_307, %dma_wait3A_308] : memref<128x64xf32, #tpu.memory_space<vmem>> -> memref<16x64xf32, #tpu.memory_space<vmem>>
    %dma_wait3A_310 = arith.constant 0 : i32
    %dma_wait3A_311 = arith.constant 0 : i32
    %dma_wait3A_312 = tpu.memref_slice %arg2[%dma_wait3A_310, %dma_wait3A_311] : memref<10240x64xf32, #tpu.memory_space<hbm>> -> memref<10240x64xf32, #tpu.memory_space<hbm>>
    tpu.wait_indirect_dma semaphore(%arg19 : memref<!tpu.dma_semaphore, #tpu.memory_space<semaphore_mem>>) src(%dma_wait3A_312 : memref<10240x64xf32, #tpu.memory_space<hbm>>) dst(%dma_wait3A_309 : memref<16x64xf32, #tpu.memory_space<vmem>>)
    "tpu.region"() ({
      %run_scoped3A = tpu.sem_alloc : memref<!tpu.dma_semaphore, #tpu.memory_space<semaphore_mem>>
      %dma_start3A_321 = arith.constant 0 : i32
      %dma_start3A_322 = arith.constant 0 : i32
      %dma_start3A_323 = tpu.memref_slice %arg16[%dma_start3A_321, %dma_start3A_322] : memref<128x64xf32, #tpu.memory_space<vmem>> -> memref<16x64xf32, #tpu.memory_space<vmem>>
      %dma_start3A_324 = arith.constant 0 : i32
      %dma_start3A_325 = arith.constant 0 : i32
      %dma_start3A_326 = tpu.memref_slice %arg6[%dma_start3A_324, %dma_start3A_325] : memref<10240x64xf32, #tpu.memory_space<vmem_shared>> -> memref<10240x64xf32, #tpu.memory_space<vmem_shared>>
      tpu.enqueue_indirect_dma source(%dma_start3A_323 : memref<16x64xf32, #tpu.memory_space<vmem>>) target(%dma_start3A_326 : memref<10240x64xf32, #tpu.memory_space<vmem_shared>>) offsets(%arg15 : memref<16xi32, #tpu.memory_space<vmem>>) semaphore(%run_scoped3A : memref<!tpu.dma_semaphore, #tpu.memory_space<semaphore_mem>>) {add = true}
      %dma_wait3A_327 = arith.constant 0 : i32
      %dma_wait3A_328 = arith.constant 0 : i32
      %dma_wait3A_329 = tpu.memref_slice %arg16[%dma_wait3A_327, %dma_wait3A_328] : memref<128x64xf32, #tpu.memory_space<vmem>> -> memref<16x64xf32, #tpu.memory_space<vmem>>
      %dma_wait3A_330 = arith.constant 0 : i32
      %dma_wait3A_331 = arith.constant 0 : i32
      %dma_wait3A_332 = tpu.memref_slice %arg6[%dma_wait3A_330, %dma_wait3A_331] : memref<10240x64xf32, #tpu.memory_space<vmem_shared>> -> memref<10240x64xf32, #tpu.memory_space<vmem_shared>>
      tpu.wait_indirect_dma semaphore(%run_scoped3A : memref<!tpu.dma_semaphore, #tpu.memory_space<semaphore_mem>>) src(%dma_wait3A_329 : memref<16x64xf32, #tpu.memory_space<vmem>>) dst(%dma_wait3A_332 : memref<10240x64xf32, #tpu.memory_space<vmem_shared>>)
      tpu.yield
    }) : () -> ()
    %barrier3A_313 = arith.constant 0 : index
    tpu.barrier barrier_id(%barrier3A_313)
    %eq3A = arith.constant 0 : i32
    %eq3A_314 = arith.cmpi eq, %arg0, %eq3A : i32
    %convert_element_type3A = arith.extui %eq3A_314 : i1 to i32
    %cond3A = arith.constant 0 : i32
    %cond3A_315 = arith.cmpi ne, %convert_element_type3A, %cond3A : i32
    scf.if %cond3A_315 {
      %mul3A_321 = arith.constant 640 : i32
      %mul3A_322 = arith.muli %arg1, %mul3A_321 : i32
      %mul3A_323 = arith.constant 640 : i32
      %mul3A_324 = arith.muli %arg1, %mul3A_323 : i32
      "tpu.region"() ({
        %run_scoped3A = tpu.sem_alloc : memref<!tpu.dma_semaphore, #tpu.memory_space<semaphore_mem>>
        %dma_start3A_325 = arith.constant 0 : i32
        %dma_start3A_326 = tpu.memref_slice %arg4[%mul3A_324, %dma_start3A_325] : memref<10240x64xf32, #tpu.memory_space<hbm>> -> memref<640x64xf32, #tpu.memory_space<hbm>>
        %dma_start3A_327 = arith.constant 0 : i32
        %dma_start3A_328 = tpu.memref_slice %arg6[%mul3A_322, %dma_start3A_327] : memref<10240x64xf32, #tpu.memory_space<vmem_shared>> -> memref<640x64xf32, #tpu.memory_space<vmem_shared>>
        tpu.enqueue_dma source(%dma_start3A_328 : memref<640x64xf32, #tpu.memory_space<vmem_shared>>) target(%dma_start3A_326 : memref<640x64xf32, #tpu.memory_space<hbm>>) target_semaphore(%run_scoped3A : memref<!tpu.dma_semaphore, #tpu.memory_space<semaphore_mem>>)
        %dma_wait3A_329 = arith.constant 0 : i32
        %dma_wait3A_330 = tpu.memref_slice %arg4[%mul3A_324, %dma_wait3A_329] : memref<10240x64xf32, #tpu.memory_space<hbm>> -> memref<640x64xf32, #tpu.memory_space<hbm>>
        %dma_wait3A_331 = arith.constant 0 : i32
        %dma_wait3A_332 = tpu.memref_slice %arg6[%mul3A_322, %dma_wait3A_331] : memref<10240x64xf32, #tpu.memory_space<vmem_shared>> -> memref<640x64xf32, #tpu.memory_space<vmem_shared>>
        tpu.wait_dma2 semaphore(%run_scoped3A : memref<!tpu.dma_semaphore, #tpu.memory_space<semaphore_mem>>) src(%dma_wait3A_332 : memref<640x64xf32, #tpu.memory_space<vmem_shared>>) dst(%dma_wait3A_330 : memref<640x64xf32, #tpu.memory_space<hbm>>)
        tpu.yield
      }) : () -> ()
    } else {
    }
    %eq3A_316 = arith.constant 1 : i32
    %eq3A_317 = arith.cmpi eq, %arg0, %eq3A_316 : i32
    %convert_element_type3A_318 = arith.extui %eq3A_317 : i1 to i32
    %cond3A_319 = arith.constant 0 : i32
    %cond3A_320 = arith.cmpi ne, %convert_element_type3A_318, %cond3A_319 : i32
    scf.if %cond3A_320 {
      %mul3A_321 = arith.constant 640 : i32
      %mul3A_322 = arith.muli %arg1, %mul3A_321 : i32
      %mul3A_323 = arith.constant 640 : i32
      %mul3A_324 = arith.muli %arg1, %mul3A_323 : i32
      "tpu.region"() ({
        %run_scoped3A = tpu.sem_alloc : memref<!tpu.dma_semaphore, #tpu.memory_space<semaphore_mem>>
        %dma_start3A_325 = arith.constant 0 : i32
        %dma_start3A_326 = tpu.memref_slice %arg5[%mul3A_324, %dma_start3A_325] : memref<10240x64xf32, #tpu.memory_space<hbm>> -> memref<640x64xf32, #tpu.memory_space<hbm>>
        %dma_start3A_327 = arith.constant 0 : i32
        %dma_start3A_328 = tpu.memref_slice %arg6[%mul3A_322, %dma_start3A_327] : memref<10240x64xf32, #tpu.memory_space<vmem_shared>> -> memref<640x64xf32, #tpu.memory_space<vmem_shared>>
        tpu.enqueue_dma source(%dma_start3A_328 : memref<640x64xf32, #tpu.memory_space<vmem_shared>>) target(%dma_start3A_326 : memref<640x64xf32, #tpu.memory_space<hbm>>) target_semaphore(%run_scoped3A : memref<!tpu.dma_semaphore, #tpu.memory_space<semaphore_mem>>)
        %dma_wait3A_329 = arith.constant 0 : i32
        %dma_wait3A_330 = tpu.memref_slice %arg5[%mul3A_324, %dma_wait3A_329] : memref<10240x64xf32, #tpu.memory_space<hbm>> -> memref<640x64xf32, #tpu.memory_space<hbm>>
        %dma_wait3A_331 = arith.constant 0 : i32
        %dma_wait3A_332 = tpu.memref_slice %arg6[%mul3A_322, %dma_wait3A_331] : memref<10240x64xf32, #tpu.memory_space<vmem_shared>> -> memref<640x64xf32, #tpu.memory_space<vmem_shared>>
        tpu.wait_dma2 semaphore(%run_scoped3A : memref<!tpu.dma_semaphore, #tpu.memory_space<semaphore_mem>>) src(%dma_wait3A_332 : memref<640x64xf32, #tpu.memory_space<vmem_shared>>) dst(%dma_wait3A_330 : memref<640x64xf32, #tpu.memory_space<hbm>>)
        tpu.yield
      }) : () -> ()
    } else {
    }
    return
  }
}

#map = affine_map<(d0, d1) -> (0, 0, 0)>
#map1 = affine_map<(d0, d1) -> (0, 0)>
module attributes {stable_mosaic.version = 14 : i64} {
  func.func @_deg_kernel(%arg0: i32, %arg1: i32, %arg2: memref<2x32x10000xi32, #tpu.memory_space<hbm>>, %arg3: memref<2x10240xf32, #tpu.memory_space<hbm>>, %arg4: memref<32x10000xi32, #tpu.memory_space<hbm>>, %arg5: memref<10240xf32, #tpu.memory_space<vmem_shared>>, %arg6: memref<10000xi32, #tpu.memory_space<vmem>>, %arg7: memref<10000xi32, #tpu.memory_space<vmem>>, %arg8: memref<10000xi32, #tpu.memory_space<vmem>>, %arg9: memref<128xi32, #tpu.memory_space<vmem>>, %arg10: memref<128xi32, #tpu.memory_space<vmem>>, %arg11: memref<16xi32, #tpu.memory_space<vmem>>, %arg12: memref<128xf32, #tpu.memory_space<vmem>>, %arg13: memref<640xf32, #tpu.memory_space<vmem>>, %arg14: memref<!tpu.dma_semaphore, #tpu.memory_space<semaphore_mem>>, %arg15: memref<!tpu.dma_semaphore, #tpu.memory_space<semaphore_mem>>) attributes {dimension_semantics = [#tpu.dimension_semantics<core_parallel>, #tpu.dimension_semantics<subcore_parallel>], iteration_bounds = array<i64: 2, 16>, scalar_prefetch = 0 : i64, scratch_operands = 11 : i64, tpu.core_type = #tpu.core_type<sc_vector_subcore>, window_params = [{transform_indices = #map}, {transform_indices = #map1}, {transform_indices = #map1}]} {
    %mul3A = arith.constant 2 : i32
    %mul3A_0 = arith.muli %arg1, %mul3A : i32
    %add3A = arith.addi %mul3A_0, %arg0 : i32
    %broadcast_in_dim3A = arith.constant 0.000000e+00 : f32
    %broadcast_in_dim3A_1 = vector.broadcast %broadcast_in_dim3A : f32 to vector<16xf32>
    %swap3A = arith.constant 0 : index
    %swap3A_2 = tpu.vector_load %arg13[%swap3A] {strides = array<i32>} : memref<640xf32, #tpu.memory_space<vmem>>, vector<16xf32>,
    %swap3A_3 = vector.shape_cast %swap3A_2 : vector<16xf32> to vector<16xf32>
    %swap3A_4 = vector.shape_cast %broadcast_in_dim3A_1 : vector<16xf32> to vector<16xf32>
    tpu.vector_store %arg13[%swap3A], %swap3A_4 {strides = array<i32>} : memref<640xf32, #tpu.memory_space<vmem>>, vector<16xf32>,
    %broadcast_in_dim3A_5 = arith.constant 0.000000e+00 : f32
    %broadcast_in_dim3A_6 = vector.broadcast %broadcast_in_dim3A_5 : f32 to vector<16xf32>
    %swap3A_7 = arith.constant 16 : index
    %swap3A_8 = tpu.vector_load %arg13[%swap3A_7] {strides = array<i32>} : memref<640xf32, #tpu.memory_space<vmem>>, vector<16xf32>,
    %swap3A_9 = vector.shape_cast %swap3A_8 : vector<16xf32> to vector<16xf32>
    %swap3A_10 = vector.shape_cast %broadcast_in_dim3A_6 : vector<16xf32> to vector<16xf32>
    tpu.vector_store %arg13[%swap3A_7], %swap3A_10 {strides = array<i32>} : memref<640xf32, #tpu.memory_space<vmem>>, vector<16xf32>,
    %broadcast_in_dim3A_11 = arith.constant 0.000000e+00 : f32
    %broadcast_in_dim3A_12 = vector.broadcast %broadcast_in_dim3A_11 : f32 to vector<16xf32>
    %swap3A_13 = arith.constant 32 : index
    %swap3A_14 = tpu.vector_load %arg13[%swap3A_13] {strides = array<i32>} : memref<640xf32, #tpu.memory_space<vmem>>, vector<16xf32>,
    %swap3A_15 = vector.shape_cast %swap3A_14 : vector<16xf32> to vector<16xf32>
    %swap3A_16 = vector.shape_cast %broadcast_in_dim3A_12 : vector<16xf32> to vector<16xf32>
    tpu.vector_store %arg13[%swap3A_13], %swap3A_16 {strides = array<i32>} : memref<640xf32, #tpu.memory_space<vmem>>, vector<16xf32>,
    %broadcast_in_dim3A_17 = arith.constant 0.000000e+00 : f32
    %broadcast_in_dim3A_18 = vector.broadcast %broadcast_in_dim3A_17 : f32 to vector<16xf32>
    %swap3A_19 = arith.constant 48 : index
    %swap3A_20 = tpu.vector_load %arg13[%swap3A_19] {strides = array<i32>} : memref<640xf32, #tpu.memory_space<vmem>>, vector<16xf32>,
    %swap3A_21 = vector.shape_cast %swap3A_20 : vector<16xf32> to vector<16xf32>
    %swap3A_22 = vector.shape_cast %broadcast_in_dim3A_18 : vector<16xf32> to vector<16xf32>
    tpu.vector_store %arg13[%swap3A_19], %swap3A_22 {strides = array<i32>} : memref<640xf32, #tpu.memory_space<vmem>>, vector<16xf32>,
    %broadcast_in_dim3A_23 = arith.constant 0.000000e+00 : f32
    %broadcast_in_dim3A_24 = vector.broadcast %broadcast_in_dim3A_23 : f32 to vector<16xf32>
    %swap3A_25 = arith.constant 64 : index
    %swap3A_26 = tpu.vector_load %arg13[%swap3A_25] {strides = array<i32>} : memref<640xf32, #tpu.memory_space<vmem>>, vector<16xf32>,
    %swap3A_27 = vector.shape_cast %swap3A_26 : vector<16xf32> to vector<16xf32>
    %swap3A_28 = vector.shape_cast %broadcast_in_dim3A_24 : vector<16xf32> to vector<16xf32>
    tpu.vector_store %arg13[%swap3A_25], %swap3A_28 {strides = array<i32>} : memref<640xf32, #tpu.memory_space<vmem>>, vector<16xf32>,
    %broadcast_in_dim3A_29 = arith.constant 0.000000e+00 : f32
    %broadcast_in_dim3A_30 = vector.broadcast %broadcast_in_dim3A_29 : f32 to vector<16xf32>
    %swap3A_31 = arith.constant 80 : index
    %swap3A_32 = tpu.vector_load %arg13[%swap3A_31] {strides = array<i32>} : memref<640xf32, #tpu.memory_space<vmem>>, vector<16xf32>,
    %swap3A_33 = vector.shape_cast %swap3A_32 : vector<16xf32> to vector<16xf32>
    %swap3A_34 = vector.shape_cast %broadcast_in_dim3A_30 : vector<16xf32> to vector<16xf32>
    tpu.vector_store %arg13[%swap3A_31], %swap3A_34 {strides = array<i32>} : memref<640xf32, #tpu.memory_space<vmem>>, vector<16xf32>,
    %broadcast_in_dim3A_35 = arith.constant 0.000000e+00 : f32
    %broadcast_in_dim3A_36 = vector.broadcast %broadcast_in_dim3A_35 : f32 to vector<16xf32>
    %swap3A_37 = arith.constant 96 : index
    %swap3A_38 = tpu.vector_load %arg13[%swap3A_37] {strides = array<i32>} : memref<640xf32, #tpu.memory_space<vmem>>, vector<16xf32>,
    %swap3A_39 = vector.shape_cast %swap3A_38 : vector<16xf32> to vector<16xf32>
    %swap3A_40 = vector.shape_cast %broadcast_in_dim3A_36 : vector<16xf32> to vector<16xf32>
    tpu.vector_store %arg13[%swap3A_37], %swap3A_40 {strides = array<i32>} : memref<640xf32, #tpu.memory_space<vmem>>, vector<16xf32>,
    %broadcast_in_dim3A_41 = arith.constant 0.000000e+00 : f32
    %broadcast_in_dim3A_42 = vector.broadcast %broadcast_in_dim3A_41 : f32 to vector<16xf32>
    %swap3A_43 = arith.constant 112 : index
    %swap3A_44 = tpu.vector_load %arg13[%swap3A_43] {strides = array<i32>} : memref<640xf32, #tpu.memory_space<vmem>>, vector<16xf32>,
    %swap3A_45 = vector.shape_cast %swap3A_44 : vector<16xf32> to vector<16xf32>
    %swap3A_46 = vector.shape_cast %broadcast_in_dim3A_42 : vector<16xf32> to vector<16xf32>
    tpu.vector_store %arg13[%swap3A_43], %swap3A_46 {strides = array<i32>} : memref<640xf32, #tpu.memory_space<vmem>>, vector<16xf32>,
    %broadcast_in_dim3A_47 = arith.constant 0.000000e+00 : f32
    %broadcast_in_dim3A_48 = vector.broadcast %broadcast_in_dim3A_47 : f32 to vector<16xf32>
    %swap3A_49 = arith.constant 128 : index
    %swap3A_50 = tpu.vector_load %arg13[%swap3A_49] {strides = array<i32>} : memref<640xf32, #tpu.memory_space<vmem>>, vector<16xf32>,
    %swap3A_51 = vector.shape_cast %swap3A_50 : vector<16xf32> to vector<16xf32>
    %swap3A_52 = vector.shape_cast %broadcast_in_dim3A_48 : vector<16xf32> to vector<16xf32>
    tpu.vector_store %arg13[%swap3A_49], %swap3A_52 {strides = array<i32>} : memref<640xf32, #tpu.memory_space<vmem>>, vector<16xf32>,
    %broadcast_in_dim3A_53 = arith.constant 0.000000e+00 : f32
    %broadcast_in_dim3A_54 = vector.broadcast %broadcast_in_dim3A_53 : f32 to vector<16xf32>
    %swap3A_55 = arith.constant 144 : index
    %swap3A_56 = tpu.vector_load %arg13[%swap3A_55] {strides = array<i32>} : memref<640xf32, #tpu.memory_space<vmem>>, vector<16xf32>,
    %swap3A_57 = vector.shape_cast %swap3A_56 : vector<16xf32> to vector<16xf32>
    %swap3A_58 = vector.shape_cast %broadcast_in_dim3A_54 : vector<16xf32> to vector<16xf32>
    tpu.vector_store %arg13[%swap3A_55], %swap3A_58 {strides = array<i32>} : memref<640xf32, #tpu.memory_space<vmem>>, vector<16xf32>,
    %broadcast_in_dim3A_59 = arith.constant 0.000000e+00 : f32
    %broadcast_in_dim3A_60 = vector.broadcast %broadcast_in_dim3A_59 : f32 to vector<16xf32>
    %swap3A_61 = arith.constant 160 : index
    %swap3A_62 = tpu.vector_load %arg13[%swap3A_61] {strides = array<i32>} : memref<640xf32, #tpu.memory_space<vmem>>, vector<16xf32>,
    %swap3A_63 = vector.shape_cast %swap3A_62 : vector<16xf32> to vector<16xf32>
    %swap3A_64 = vector.shape_cast %broadcast_in_dim3A_60 : vector<16xf32> to vector<16xf32>
    tpu.vector_store %arg13[%swap3A_61], %swap3A_64 {strides = array<i32>} : memref<640xf32, #tpu.memory_space<vmem>>, vector<16xf32>,
    %broadcast_in_dim3A_65 = arith.constant 0.000000e+00 : f32
    %broadcast_in_dim3A_66 = vector.broadcast %broadcast_in_dim3A_65 : f32 to vector<16xf32>
    %swap3A_67 = arith.constant 176 : index
    %swap3A_68 = tpu.vector_load %arg13[%swap3A_67] {strides = array<i32>} : memref<640xf32, #tpu.memory_space<vmem>>, vector<16xf32>,
    %swap3A_69 = vector.shape_cast %swap3A_68 : vector<16xf32> to vector<16xf32>
    %swap3A_70 = vector.shape_cast %broadcast_in_dim3A_66 : vector<16xf32> to vector<16xf32>
    tpu.vector_store %arg13[%swap3A_67], %swap3A_70 {strides = array<i32>} : memref<640xf32, #tpu.memory_space<vmem>>, vector<16xf32>,
    %broadcast_in_dim3A_71 = arith.constant 0.000000e+00 : f32
    %broadcast_in_dim3A_72 = vector.broadcast %broadcast_in_dim3A_71 : f32 to vector<16xf32>
    %swap3A_73 = arith.constant 192 : index
    %swap3A_74 = tpu.vector_load %arg13[%swap3A_73] {strides = array<i32>} : memref<640xf32, #tpu.memory_space<vmem>>, vector<16xf32>,
    %swap3A_75 = vector.shape_cast %swap3A_74 : vector<16xf32> to vector<16xf32>
    %swap3A_76 = vector.shape_cast %broadcast_in_dim3A_72 : vector<16xf32> to vector<16xf32>
    tpu.vector_store %arg13[%swap3A_73], %swap3A_76 {strides = array<i32>} : memref<640xf32, #tpu.memory_space<vmem>>, vector<16xf32>,
    %broadcast_in_dim3A_77 = arith.constant 0.000000e+00 : f32
    %broadcast_in_dim3A_78 = vector.broadcast %broadcast_in_dim3A_77 : f32 to vector<16xf32>
    %swap3A_79 = arith.constant 208 : index
    %swap3A_80 = tpu.vector_load %arg13[%swap3A_79] {strides = array<i32>} : memref<640xf32, #tpu.memory_space<vmem>>, vector<16xf32>,
    %swap3A_81 = vector.shape_cast %swap3A_80 : vector<16xf32> to vector<16xf32>
    %swap3A_82 = vector.shape_cast %broadcast_in_dim3A_78 : vector<16xf32> to vector<16xf32>
    tpu.vector_store %arg13[%swap3A_79], %swap3A_82 {strides = array<i32>} : memref<640xf32, #tpu.memory_space<vmem>>, vector<16xf32>,
    %broadcast_in_dim3A_83 = arith.constant 0.000000e+00 : f32
    %broadcast_in_dim3A_84 = vector.broadcast %broadcast_in_dim3A_83 : f32 to vector<16xf32>
    %swap3A_85 = arith.constant 224 : index
    %swap3A_86 = tpu.vector_load %arg13[%swap3A_85] {strides = array<i32>} : memref<640xf32, #tpu.memory_space<vmem>>, vector<16xf32>,
    %swap3A_87 = vector.shape_cast %swap3A_86 : vector<16xf32> to vector<16xf32>
    %swap3A_88 = vector.shape_cast %broadcast_in_dim3A_84 : vector<16xf32> to vector<16xf32>
    tpu.vector_store %arg13[%swap3A_85], %swap3A_88 {strides = array<i32>} : memref<640xf32, #tpu.memory_space<vmem>>, vector<16xf32>,
    %broadcast_in_dim3A_89 = arith.constant 0.000000e+00 : f32
    %broadcast_in_dim3A_90 = vector.broadcast %broadcast_in_dim3A_89 : f32 to vector<16xf32>
    %swap3A_91 = arith.constant 240 : index
    %swap3A_92 = tpu.vector_load %arg13[%swap3A_91] {strides = array<i32>} : memref<640xf32, #tpu.memory_space<vmem>>, vector<16xf32>,
    %swap3A_93 = vector.shape_cast %swap3A_92 : vector<16xf32> to vector<16xf32>
    %swap3A_94 = vector.shape_cast %broadcast_in_dim3A_90 : vector<16xf32> to vector<16xf32>
    tpu.vector_store %arg13[%swap3A_91], %swap3A_94 {strides = array<i32>} : memref<640xf32, #tpu.memory_space<vmem>>, vector<16xf32>,
    %broadcast_in_dim3A_95 = arith.constant 0.000000e+00 : f32
    %broadcast_in_dim3A_96 = vector.broadcast %broadcast_in_dim3A_95 : f32 to vector<16xf32>
    %swap3A_97 = arith.constant 256 : index
    %swap3A_98 = tpu.vector_load %arg13[%swap3A_97] {strides = array<i32>} : memref<640xf32, #tpu.memory_space<vmem>>, vector<16xf32>,
    %swap3A_99 = vector.shape_cast %swap3A_98 : vector<16xf32> to vector<16xf32>
    %swap3A_100 = vector.shape_cast %broadcast_in_dim3A_96 : vector<16xf32> to vector<16xf32>
    tpu.vector_store %arg13[%swap3A_97], %swap3A_100 {strides = array<i32>} : memref<640xf32, #tpu.memory_space<vmem>>, vector<16xf32>,
    %broadcast_in_dim3A_101 = arith.constant 0.000000e+00 : f32
    %broadcast_in_dim3A_102 = vector.broadcast %broadcast_in_dim3A_101 : f32 to vector<16xf32>
    %swap3A_103 = arith.constant 272 : index
    %swap3A_104 = tpu.vector_load %arg13[%swap3A_103] {strides = array<i32>} : memref<640xf32, #tpu.memory_space<vmem>>, vector<16xf32>,
    %swap3A_105 = vector.shape_cast %swap3A_104 : vector<16xf32> to vector<16xf32>
    %swap3A_106 = vector.shape_cast %broadcast_in_dim3A_102 : vector<16xf32> to vector<16xf32>
    tpu.vector_store %arg13[%swap3A_103], %swap3A_106 {strides = array<i32>} : memref<640xf32, #tpu.memory_space<vmem>>, vector<16xf32>,
    %broadcast_in_dim3A_107 = arith.constant 0.000000e+00 : f32
    %broadcast_in_dim3A_108 = vector.broadcast %broadcast_in_dim3A_107 : f32 to vector<16xf32>
    %swap3A_109 = arith.constant 288 : index
    %swap3A_110 = tpu.vector_load %arg13[%swap3A_109] {strides = array<i32>} : memref<640xf32, #tpu.memory_space<vmem>>, vector<16xf32>,
    %swap3A_111 = vector.shape_cast %swap3A_110 : vector<16xf32> to vector<16xf32>
    %swap3A_112 = vector.shape_cast %broadcast_in_dim3A_108 : vector<16xf32> to vector<16xf32>
    tpu.vector_store %arg13[%swap3A_109], %swap3A_112 {strides = array<i32>} : memref<640xf32, #tpu.memory_space<vmem>>, vector<16xf32>,
    %broadcast_in_dim3A_113 = arith.constant 0.000000e+00 : f32
    %broadcast_in_dim3A_114 = vector.broadcast %broadcast_in_dim3A_113 : f32 to vector<16xf32>
    %swap3A_115 = arith.constant 304 : index
    %swap3A_116 = tpu.vector_load %arg13[%swap3A_115] {strides = array<i32>} : memref<640xf32, #tpu.memory_space<vmem>>, vector<16xf32>,
    %swap3A_117 = vector.shape_cast %swap3A_116 : vector<16xf32> to vector<16xf32>
    %swap3A_118 = vector.shape_cast %broadcast_in_dim3A_114 : vector<16xf32> to vector<16xf32>
    tpu.vector_store %arg13[%swap3A_115], %swap3A_118 {strides = array<i32>} : memref<640xf32, #tpu.memory_space<vmem>>, vector<16xf32>,
    %broadcast_in_dim3A_119 = arith.constant 0.000000e+00 : f32
    %broadcast_in_dim3A_120 = vector.broadcast %broadcast_in_dim3A_119 : f32 to vector<16xf32>
    %swap3A_121 = arith.constant 320 : index
    %swap3A_122 = tpu.vector_load %arg13[%swap3A_121] {strides = array<i32>} : memref<640xf32, #tpu.memory_space<vmem>>, vector<16xf32>,
    %swap3A_123 = vector.shape_cast %swap3A_122 : vector<16xf32> to vector<16xf32>
    %swap3A_124 = vector.shape_cast %broadcast_in_dim3A_120 : vector<16xf32> to vector<16xf32>
    tpu.vector_store %arg13[%swap3A_121], %swap3A_124 {strides = array<i32>} : memref<640xf32, #tpu.memory_space<vmem>>, vector<16xf32>,
    %broadcast_in_dim3A_125 = arith.constant 0.000000e+00 : f32
    %broadcast_in_dim3A_126 = vector.broadcast %broadcast_in_dim3A_125 : f32 to vector<16xf32>
    %swap3A_127 = arith.constant 336 : index
    %swap3A_128 = tpu.vector_load %arg13[%swap3A_127] {strides = array<i32>} : memref<640xf32, #tpu.memory_space<vmem>>, vector<16xf32>,
    %swap3A_129 = vector.shape_cast %swap3A_128 : vector<16xf32> to vector<16xf32>
    %swap3A_130 = vector.shape_cast %broadcast_in_dim3A_126 : vector<16xf32> to vector<16xf32>
    tpu.vector_store %arg13[%swap3A_127], %swap3A_130 {strides = array<i32>} : memref<640xf32, #tpu.memory_space<vmem>>, vector<16xf32>,
    %broadcast_in_dim3A_131 = arith.constant 0.000000e+00 : f32
    %broadcast_in_dim3A_132 = vector.broadcast %broadcast_in_dim3A_131 : f32 to vector<16xf32>
    %swap3A_133 = arith.constant 352 : index
    %swap3A_134 = tpu.vector_load %arg13[%swap3A_133] {strides = array<i32>} : memref<640xf32, #tpu.memory_space<vmem>>, vector<16xf32>,
    %swap3A_135 = vector.shape_cast %swap3A_134 : vector<16xf32> to vector<16xf32>
    %swap3A_136 = vector.shape_cast %broadcast_in_dim3A_132 : vector<16xf32> to vector<16xf32>
    tpu.vector_store %arg13[%swap3A_133], %swap3A_136 {strides = array<i32>} : memref<640xf32, #tpu.memory_space<vmem>>, vector<16xf32>,
    %broadcast_in_dim3A_137 = arith.constant 0.000000e+00 : f32
    %broadcast_in_dim3A_138 = vector.broadcast %broadcast_in_dim3A_137 : f32 to vector<16xf32>
    %swap3A_139 = arith.constant 368 : index
    %swap3A_140 = tpu.vector_load %arg13[%swap3A_139] {strides = array<i32>} : memref<640xf32, #tpu.memory_space<vmem>>, vector<16xf32>,
    %swap3A_141 = vector.shape_cast %swap3A_140 : vector<16xf32> to vector<16xf32>
    %swap3A_142 = vector.shape_cast %broadcast_in_dim3A_138 : vector<16xf32> to vector<16xf32>
    tpu.vector_store %arg13[%swap3A_139], %swap3A_142 {strides = array<i32>} : memref<640xf32, #tpu.memory_space<vmem>>, vector<16xf32>,
    %broadcast_in_dim3A_143 = arith.constant 0.000000e+00 : f32
    %broadcast_in_dim3A_144 = vector.broadcast %broadcast_in_dim3A_143 : f32 to vector<16xf32>
    %swap3A_145 = arith.constant 384 : index
    %swap3A_146 = tpu.vector_load %arg13[%swap3A_145] {strides = array<i32>} : memref<640xf32, #tpu.memory_space<vmem>>, vector<16xf32>,
    %swap3A_147 = vector.shape_cast %swap3A_146 : vector<16xf32> to vector<16xf32>
    %swap3A_148 = vector.shape_cast %broadcast_in_dim3A_144 : vector<16xf32> to vector<16xf32>
    tpu.vector_store %arg13[%swap3A_145], %swap3A_148 {strides = array<i32>} : memref<640xf32, #tpu.memory_space<vmem>>, vector<16xf32>,
    %broadcast_in_dim3A_149 = arith.constant 0.000000e+00 : f32
    %broadcast_in_dim3A_150 = vector.broadcast %broadcast_in_dim3A_149 : f32 to vector<16xf32>
    %swap3A_151 = arith.constant 400 : index
    %swap3A_152 = tpu.vector_load %arg13[%swap3A_151] {strides = array<i32>} : memref<640xf32, #tpu.memory_space<vmem>>, vector<16xf32>,
    %swap3A_153 = vector.shape_cast %swap3A_152 : vector<16xf32> to vector<16xf32>
    %swap3A_154 = vector.shape_cast %broadcast_in_dim3A_150 : vector<16xf32> to vector<16xf32>
    tpu.vector_store %arg13[%swap3A_151], %swap3A_154 {strides = array<i32>} : memref<640xf32, #tpu.memory_space<vmem>>, vector<16xf32>,
    %broadcast_in_dim3A_155 = arith.constant 0.000000e+00 : f32
    %broadcast_in_dim3A_156 = vector.broadcast %broadcast_in_dim3A_155 : f32 to vector<16xf32>
    %swap3A_157 = arith.constant 416 : index
    %swap3A_158 = tpu.vector_load %arg13[%swap3A_157] {strides = array<i32>} : memref<640xf32, #tpu.memory_space<vmem>>, vector<16xf32>,
    %swap3A_159 = vector.shape_cast %swap3A_158 : vector<16xf32> to vector<16xf32>
    %swap3A_160 = vector.shape_cast %broadcast_in_dim3A_156 : vector<16xf32> to vector<16xf32>
    tpu.vector_store %arg13[%swap3A_157], %swap3A_160 {strides = array<i32>} : memref<640xf32, #tpu.memory_space<vmem>>, vector<16xf32>,
    %broadcast_in_dim3A_161 = arith.constant 0.000000e+00 : f32
    %broadcast_in_dim3A_162 = vector.broadcast %broadcast_in_dim3A_161 : f32 to vector<16xf32>
    %swap3A_163 = arith.constant 432 : index
    %swap3A_164 = tpu.vector_load %arg13[%swap3A_163] {strides = array<i32>} : memref<640xf32, #tpu.memory_space<vmem>>, vector<16xf32>,
    %swap3A_165 = vector.shape_cast %swap3A_164 : vector<16xf32> to vector<16xf32>
    %swap3A_166 = vector.shape_cast %broadcast_in_dim3A_162 : vector<16xf32> to vector<16xf32>
    tpu.vector_store %arg13[%swap3A_163], %swap3A_166 {strides = array<i32>} : memref<640xf32, #tpu.memory_space<vmem>>, vector<16xf32>,
    %broadcast_in_dim3A_167 = arith.constant 0.000000e+00 : f32
    %broadcast_in_dim3A_168 = vector.broadcast %broadcast_in_dim3A_167 : f32 to vector<16xf32>
    %swap3A_169 = arith.constant 448 : index
    %swap3A_170 = tpu.vector_load %arg13[%swap3A_169] {strides = array<i32>} : memref<640xf32, #tpu.memory_space<vmem>>, vector<16xf32>,
    %swap3A_171 = vector.shape_cast %swap3A_170 : vector<16xf32> to vector<16xf32>
    %swap3A_172 = vector.shape_cast %broadcast_in_dim3A_168 : vector<16xf32> to vector<16xf32>
    tpu.vector_store %arg13[%swap3A_169], %swap3A_172 {strides = array<i32>} : memref<640xf32, #tpu.memory_space<vmem>>, vector<16xf32>,
    %broadcast_in_dim3A_173 = arith.constant 0.000000e+00 : f32
    %broadcast_in_dim3A_174 = vector.broadcast %broadcast_in_dim3A_173 : f32 to vector<16xf32>
    %swap3A_175 = arith.constant 464 : index
    %swap3A_176 = tpu.vector_load %arg13[%swap3A_175] {strides = array<i32>} : memref<640xf32, #tpu.memory_space<vmem>>, vector<16xf32>,
    %swap3A_177 = vector.shape_cast %swap3A_176 : vector<16xf32> to vector<16xf32>
    %swap3A_178 = vector.shape_cast %broadcast_in_dim3A_174 : vector<16xf32> to vector<16xf32>
    tpu.vector_store %arg13[%swap3A_175], %swap3A_178 {strides = array<i32>} : memref<640xf32, #tpu.memory_space<vmem>>, vector<16xf32>,
    %broadcast_in_dim3A_179 = arith.constant 0.000000e+00 : f32
    %broadcast_in_dim3A_180 = vector.broadcast %broadcast_in_dim3A_179 : f32 to vector<16xf32>
    %swap3A_181 = arith.constant 480 : index
    %swap3A_182 = tpu.vector_load %arg13[%swap3A_181] {strides = array<i32>} : memref<640xf32, #tpu.memory_space<vmem>>, vector<16xf32>,
    %swap3A_183 = vector.shape_cast %swap3A_182 : vector<16xf32> to vector<16xf32>
    %swap3A_184 = vector.shape_cast %broadcast_in_dim3A_180 : vector<16xf32> to vector<16xf32>
    tpu.vector_store %arg13[%swap3A_181], %swap3A_184 {strides = array<i32>} : memref<640xf32, #tpu.memory_space<vmem>>, vector<16xf32>,
    %broadcast_in_dim3A_185 = arith.constant 0.000000e+00 : f32
    %broadcast_in_dim3A_186 = vector.broadcast %broadcast_in_dim3A_185 : f32 to vector<16xf32>
    %swap3A_187 = arith.constant 496 : index
    %swap3A_188 = tpu.vector_load %arg13[%swap3A_187] {strides = array<i32>} : memref<640xf32, #tpu.memory_space<vmem>>, vector<16xf32>,
    %swap3A_189 = vector.shape_cast %swap3A_188 : vector<16xf32> to vector<16xf32>
    %swap3A_190 = vector.shape_cast %broadcast_in_dim3A_186 : vector<16xf32> to vector<16xf32>
    tpu.vector_store %arg13[%swap3A_187], %swap3A_190 {strides = array<i32>} : memref<640xf32, #tpu.memory_space<vmem>>, vector<16xf32>,
    %broadcast_in_dim3A_191 = arith.constant 0.000000e+00 : f32
    %broadcast_in_dim3A_192 = vector.broadcast %broadcast_in_dim3A_191 : f32 to vector<16xf32>
    %swap3A_193 = arith.constant 512 : index
    %swap3A_194 = tpu.vector_load %arg13[%swap3A_193] {strides = array<i32>} : memref<640xf32, #tpu.memory_space<vmem>>, vector<16xf32>,
    %swap3A_195 = vector.shape_cast %swap3A_194 : vector<16xf32> to vector<16xf32>
    %swap3A_196 = vector.shape_cast %broadcast_in_dim3A_192 : vector<16xf32> to vector<16xf32>
    tpu.vector_store %arg13[%swap3A_193], %swap3A_196 {strides = array<i32>} : memref<640xf32, #tpu.memory_space<vmem>>, vector<16xf32>,
    %broadcast_in_dim3A_197 = arith.constant 0.000000e+00 : f32
    %broadcast_in_dim3A_198 = vector.broadcast %broadcast_in_dim3A_197 : f32 to vector<16xf32>
    %swap3A_199 = arith.constant 528 : index
    %swap3A_200 = tpu.vector_load %arg13[%swap3A_199] {strides = array<i32>} : memref<640xf32, #tpu.memory_space<vmem>>, vector<16xf32>,
    %swap3A_201 = vector.shape_cast %swap3A_200 : vector<16xf32> to vector<16xf32>
    %swap3A_202 = vector.shape_cast %broadcast_in_dim3A_198 : vector<16xf32> to vector<16xf32>
    tpu.vector_store %arg13[%swap3A_199], %swap3A_202 {strides = array<i32>} : memref<640xf32, #tpu.memory_space<vmem>>, vector<16xf32>,
    %broadcast_in_dim3A_203 = arith.constant 0.000000e+00 : f32
    %broadcast_in_dim3A_204 = vector.broadcast %broadcast_in_dim3A_203 : f32 to vector<16xf32>
    %swap3A_205 = arith.constant 544 : index
    %swap3A_206 = tpu.vector_load %arg13[%swap3A_205] {strides = array<i32>} : memref<640xf32, #tpu.memory_space<vmem>>, vector<16xf32>,
    %swap3A_207 = vector.shape_cast %swap3A_206 : vector<16xf32> to vector<16xf32>
    %swap3A_208 = vector.shape_cast %broadcast_in_dim3A_204 : vector<16xf32> to vector<16xf32>
    tpu.vector_store %arg13[%swap3A_205], %swap3A_208 {strides = array<i32>} : memref<640xf32, #tpu.memory_space<vmem>>, vector<16xf32>,
    %broadcast_in_dim3A_209 = arith.constant 0.000000e+00 : f32
    %broadcast_in_dim3A_210 = vector.broadcast %broadcast_in_dim3A_209 : f32 to vector<16xf32>
    %swap3A_211 = arith.constant 560 : index
    %swap3A_212 = tpu.vector_load %arg13[%swap3A_211] {strides = array<i32>} : memref<640xf32, #tpu.memory_space<vmem>>, vector<16xf32>,
    %swap3A_213 = vector.shape_cast %swap3A_212 : vector<16xf32> to vector<16xf32>
    %swap3A_214 = vector.shape_cast %broadcast_in_dim3A_210 : vector<16xf32> to vector<16xf32>
    tpu.vector_store %arg13[%swap3A_211], %swap3A_214 {strides = array<i32>} : memref<640xf32, #tpu.memory_space<vmem>>, vector<16xf32>,
    %broadcast_in_dim3A_215 = arith.constant 0.000000e+00 : f32
    %broadcast_in_dim3A_216 = vector.broadcast %broadcast_in_dim3A_215 : f32 to vector<16xf32>
    %swap3A_217 = arith.constant 576 : index
    %swap3A_218 = tpu.vector_load %arg13[%swap3A_217] {strides = array<i32>} : memref<640xf32, #tpu.memory_space<vmem>>, vector<16xf32>,
    %swap3A_219 = vector.shape_cast %swap3A_218 : vector<16xf32> to vector<16xf32>
    %swap3A_220 = vector.shape_cast %broadcast_in_dim3A_216 : vector<16xf32> to vector<16xf32>
    tpu.vector_store %arg13[%swap3A_217], %swap3A_220 {strides = array<i32>} : memref<640xf32, #tpu.memory_space<vmem>>, vector<16xf32>,
    %broadcast_in_dim3A_221 = arith.constant 0.000000e+00 : f32
    %broadcast_in_dim3A_222 = vector.broadcast %broadcast_in_dim3A_221 : f32 to vector<16xf32>
    %swap3A_223 = arith.constant 592 : index
    %swap3A_224 = tpu.vector_load %arg13[%swap3A_223] {strides = array<i32>} : memref<640xf32, #tpu.memory_space<vmem>>, vector<16xf32>,
    %swap3A_225 = vector.shape_cast %swap3A_224 : vector<16xf32> to vector<16xf32>
    %swap3A_226 = vector.shape_cast %broadcast_in_dim3A_222 : vector<16xf32> to vector<16xf32>
    tpu.vector_store %arg13[%swap3A_223], %swap3A_226 {strides = array<i32>} : memref<640xf32, #tpu.memory_space<vmem>>, vector<16xf32>,
    %broadcast_in_dim3A_227 = arith.constant 0.000000e+00 : f32
    %broadcast_in_dim3A_228 = vector.broadcast %broadcast_in_dim3A_227 : f32 to vector<16xf32>
    %swap3A_229 = arith.constant 608 : index
    %swap3A_230 = tpu.vector_load %arg13[%swap3A_229] {strides = array<i32>} : memref<640xf32, #tpu.memory_space<vmem>>, vector<16xf32>,
    %swap3A_231 = vector.shape_cast %swap3A_230 : vector<16xf32> to vector<16xf32>
    %swap3A_232 = vector.shape_cast %broadcast_in_dim3A_228 : vector<16xf32> to vector<16xf32>
    tpu.vector_store %arg13[%swap3A_229], %swap3A_232 {strides = array<i32>} : memref<640xf32, #tpu.memory_space<vmem>>, vector<16xf32>,
    %broadcast_in_dim3A_233 = arith.constant 0.000000e+00 : f32
    %broadcast_in_dim3A_234 = vector.broadcast %broadcast_in_dim3A_233 : f32 to vector<16xf32>
    %swap3A_235 = arith.constant 624 : index
    %swap3A_236 = tpu.vector_load %arg13[%swap3A_235] {strides = array<i32>} : memref<640xf32, #tpu.memory_space<vmem>>, vector<16xf32>,
    %swap3A_237 = vector.shape_cast %swap3A_236 : vector<16xf32> to vector<16xf32>
    %swap3A_238 = vector.shape_cast %broadcast_in_dim3A_234 : vector<16xf32> to vector<16xf32>
    tpu.vector_store %arg13[%swap3A_235], %swap3A_238 {strides = array<i32>} : memref<640xf32, #tpu.memory_space<vmem>>, vector<16xf32>,
    %broadcast_in_dim3A_239 = arith.constant 1.000000e+00 : f32
    %broadcast_in_dim3A_240 = vector.broadcast %broadcast_in_dim3A_239 : f32 to vector<16xf32>
    %swap3A_241 = arith.constant 0 : index
    %swap3A_242 = tpu.vector_load %arg12[%swap3A_241] {strides = array<i32>} : memref<128xf32, #tpu.memory_space<vmem>>, vector<16xf32>,
    %swap3A_243 = vector.shape_cast %swap3A_242 : vector<16xf32> to vector<16xf32>
    %swap3A_244 = vector.shape_cast %broadcast_in_dim3A_240 : vector<16xf32> to vector<16xf32>
    tpu.vector_store %arg12[%swap3A_241], %swap3A_244 {strides = array<i32>} : memref<128xf32, #tpu.memory_space<vmem>>, vector<16xf32>,
    %broadcast_in_dim3A_245 = arith.constant 1.000000e+00 : f32
    %broadcast_in_dim3A_246 = vector.broadcast %broadcast_in_dim3A_245 : f32 to vector<16xf32>
    %swap3A_247 = arith.constant 16 : index
    %swap3A_248 = tpu.vector_load %arg12[%swap3A_247] {strides = array<i32>} : memref<128xf32, #tpu.memory_space<vmem>>, vector<16xf32>,
    %swap3A_249 = vector.shape_cast %swap3A_248 : vector<16xf32> to vector<16xf32>
    %swap3A_250 = vector.shape_cast %broadcast_in_dim3A_246 : vector<16xf32> to vector<16xf32>
    tpu.vector_store %arg12[%swap3A_247], %swap3A_250 {strides = array<i32>} : memref<128xf32, #tpu.memory_space<vmem>>, vector<16xf32>,
    %broadcast_in_dim3A_251 = arith.constant 1.000000e+00 : f32
    %broadcast_in_dim3A_252 = vector.broadcast %broadcast_in_dim3A_251 : f32 to vector<16xf32>
    %swap3A_253 = arith.constant 32 : index
    %swap3A_254 = tpu.vector_load %arg12[%swap3A_253] {strides = array<i32>} : memref<128xf32, #tpu.memory_space<vmem>>, vector<16xf32>,
    %swap3A_255 = vector.shape_cast %swap3A_254 : vector<16xf32> to vector<16xf32>
    %swap3A_256 = vector.shape_cast %broadcast_in_dim3A_252 : vector<16xf32> to vector<16xf32>
    tpu.vector_store %arg12[%swap3A_253], %swap3A_256 {strides = array<i32>} : memref<128xf32, #tpu.memory_space<vmem>>, vector<16xf32>,
    %broadcast_in_dim3A_257 = arith.constant 1.000000e+00 : f32
    %broadcast_in_dim3A_258 = vector.broadcast %broadcast_in_dim3A_257 : f32 to vector<16xf32>
    %swap3A_259 = arith.constant 48 : index
    %swap3A_260 = tpu.vector_load %arg12[%swap3A_259] {strides = array<i32>} : memref<128xf32, #tpu.memory_space<vmem>>, vector<16xf32>,
    %swap3A_261 = vector.shape_cast %swap3A_260 : vector<16xf32> to vector<16xf32>
    %swap3A_262 = vector.shape_cast %broadcast_in_dim3A_258 : vector<16xf32> to vector<16xf32>
    tpu.vector_store %arg12[%swap3A_259], %swap3A_262 {strides = array<i32>} : memref<128xf32, #tpu.memory_space<vmem>>, vector<16xf32>,
    %broadcast_in_dim3A_263 = arith.constant 1.000000e+00 : f32
    %broadcast_in_dim3A_264 = vector.broadcast %broadcast_in_dim3A_263 : f32 to vector<16xf32>
    %swap3A_265 = arith.constant 64 : index
    %swap3A_266 = tpu.vector_load %arg12[%swap3A_265] {strides = array<i32>} : memref<128xf32, #tpu.memory_space<vmem>>, vector<16xf32>,
    %swap3A_267 = vector.shape_cast %swap3A_266 : vector<16xf32> to vector<16xf32>
    %swap3A_268 = vector.shape_cast %broadcast_in_dim3A_264 : vector<16xf32> to vector<16xf32>
    tpu.vector_store %arg12[%swap3A_265], %swap3A_268 {strides = array<i32>} : memref<128xf32, #tpu.memory_space<vmem>>, vector<16xf32>,
    %broadcast_in_dim3A_269 = arith.constant 1.000000e+00 : f32
    %broadcast_in_dim3A_270 = vector.broadcast %broadcast_in_dim3A_269 : f32 to vector<16xf32>
    %swap3A_271 = arith.constant 80 : index
    %swap3A_272 = tpu.vector_load %arg12[%swap3A_271] {strides = array<i32>} : memref<128xf32, #tpu.memory_space<vmem>>, vector<16xf32>,
    %swap3A_273 = vector.shape_cast %swap3A_272 : vector<16xf32> to vector<16xf32>
    %swap3A_274 = vector.shape_cast %broadcast_in_dim3A_270 : vector<16xf32> to vector<16xf32>
    tpu.vector_store %arg12[%swap3A_271], %swap3A_274 {strides = array<i32>} : memref<128xf32, #tpu.memory_space<vmem>>, vector<16xf32>,
    %broadcast_in_dim3A_275 = arith.constant 1.000000e+00 : f32
    %broadcast_in_dim3A_276 = vector.broadcast %broadcast_in_dim3A_275 : f32 to vector<16xf32>
    %swap3A_277 = arith.constant 96 : index
    %swap3A_278 = tpu.vector_load %arg12[%swap3A_277] {strides = array<i32>} : memref<128xf32, #tpu.memory_space<vmem>>, vector<16xf32>,
    %swap3A_279 = vector.shape_cast %swap3A_278 : vector<16xf32> to vector<16xf32>
    %swap3A_280 = vector.shape_cast %broadcast_in_dim3A_276 : vector<16xf32> to vector<16xf32>
    tpu.vector_store %arg12[%swap3A_277], %swap3A_280 {strides = array<i32>} : memref<128xf32, #tpu.memory_space<vmem>>, vector<16xf32>,
    %broadcast_in_dim3A_281 = arith.constant 1.000000e+00 : f32
    %broadcast_in_dim3A_282 = vector.broadcast %broadcast_in_dim3A_281 : f32 to vector<16xf32>
    %swap3A_283 = arith.constant 112 : index
    %swap3A_284 = tpu.vector_load %arg12[%swap3A_283] {strides = array<i32>} : memref<128xf32, #tpu.memory_space<vmem>>, vector<16xf32>,
    %swap3A_285 = vector.shape_cast %swap3A_284 : vector<16xf32> to vector<16xf32>
    %swap3A_286 = vector.shape_cast %broadcast_in_dim3A_282 : vector<16xf32> to vector<16xf32>
    tpu.vector_store %arg12[%swap3A_283], %swap3A_286 {strides = array<i32>} : memref<128xf32, #tpu.memory_space<vmem>>, vector<16xf32>,
    %mul3A_287 = arith.constant 640 : i32
    %mul3A_288 = arith.muli %arg1, %mul3A_287 : i32
    "tpu.region"() ({
      %run_scoped3A_369 = tpu.sem_alloc : memref<!tpu.dma_semaphore, #tpu.memory_space<semaphore_mem>>
      %dma_start3A_370 = tpu.memref_slice %arg5[%mul3A_288] : memref<10240xf32, #tpu.memory_space<vmem_shared>> -> memref<640xf32, #tpu.memory_space<vmem_shared>>
      %dma_start3A_371 = tpu.memref_slice %arg5[%mul3A_288] : memref<10240xf32, #tpu.memory_space<vmem_shared>> -> memref<640xf32, #tpu.memory_space<vmem_shared>>
      tpu.enqueue_dma source(%arg13 : memref<640xf32, #tpu.memory_space<vmem>>) target(%dma_start3A_371 : memref<640xf32, #tpu.memory_space<vmem_shared>>) target_semaphore(%run_scoped3A_369 : memref<!tpu.dma_semaphore, #tpu.memory_space<semaphore_mem>>)
      %dma_wait3A = tpu.memref_slice %arg5[%mul3A_288] : memref<10240xf32, #tpu.memory_space<vmem_shared>> -> memref<640xf32, #tpu.memory_space<vmem_shared>>
      %dma_wait3A_372 = tpu.memref_slice %arg5[%mul3A_288] : memref<10240xf32, #tpu.memory_space<vmem_shared>> -> memref<640xf32, #tpu.memory_space<vmem_shared>>
      tpu.wait_dma2 semaphore(%run_scoped3A_369 : memref<!tpu.dma_semaphore, #tpu.memory_space<semaphore_mem>>) src(%arg13 : memref<640xf32, #tpu.memory_space<vmem>>) dst(%dma_wait3A_372 : memref<640xf32, #tpu.memory_space<vmem_shared>>)
      tpu.yield
    }) : () -> ()
    %run_scoped3A = arith.constant 0 : i32
    "tpu.region"() ({
      %run_scoped3A_369 = tpu.sem_alloc : memref<!tpu.dma_semaphore, #tpu.memory_space<semaphore_mem>>
      %dma_start3A_370 = arith.constant 0 : i32
      %dma_start3A_371 = tpu.memref_slice %arg2[%run_scoped3A, %add3A, %dma_start3A_370] : memref<2x32x10000xi32, #tpu.memory_space<hbm>> -> memref<1x1x10000xi32, #tpu.memory_space<hbm>>
      %dma_start3A_372 = tpu.memref_squeeze %dma_start3A_371 : memref<1x1x10000xi32, #tpu.memory_space<hbm>> -> memref<10000xi32, #tpu.memory_space<hbm>>
      %dma_start3A_373 = arith.constant 0 : i32
      %dma_start3A_374 = tpu.memref_slice %arg2[%run_scoped3A, %add3A, %dma_start3A_373] : memref<2x32x10000xi32, #tpu.memory_space<hbm>> -> memref<1x1x10000xi32, #tpu.memory_space<hbm>>
      %dma_start3A_375 = tpu.memref_squeeze %dma_start3A_374 : memref<1x1x10000xi32, #tpu.memory_space<hbm>> -> memref<10000xi32, #tpu.memory_space<hbm>>
      tpu.enqueue_dma source(%dma_start3A_375 : memref<10000xi32, #tpu.memory_space<hbm>>) target(%arg6 : memref<10000xi32, #tpu.memory_space<vmem>>) target_semaphore(%run_scoped3A_369 : memref<!tpu.dma_semaphore, #tpu.memory_space<semaphore_mem>>)
      %dma_wait3A = arith.constant 0 : i32
      %dma_wait3A_376 = tpu.memref_slice %arg2[%run_scoped3A, %add3A, %dma_wait3A] : memref<2x32x10000xi32, #tpu.memory_space<hbm>> -> memref<1x1x10000xi32, #tpu.memory_space<hbm>>
      %dma_wait3A_377 = tpu.memref_squeeze %dma_wait3A_376 : memref<1x1x10000xi32, #tpu.memory_space<hbm>> -> memref<10000xi32, #tpu.memory_space<hbm>>
      %dma_wait3A_378 = arith.constant 0 : i32
      %dma_wait3A_379 = tpu.memref_slice %arg2[%run_scoped3A, %add3A, %dma_wait3A_378] : memref<2x32x10000xi32, #tpu.memory_space<hbm>> -> memref<1x1x10000xi32, #tpu.memory_space<hbm>>
      %dma_wait3A_380 = tpu.memref_squeeze %dma_wait3A_379 : memref<1x1x10000xi32, #tpu.memory_space<hbm>> -> memref<10000xi32, #tpu.memory_space<hbm>>
      tpu.wait_dma2 semaphore(%run_scoped3A_369 : memref<!tpu.dma_semaphore, #tpu.memory_space<semaphore_mem>>) src(%dma_wait3A_380 : memref<10000xi32, #tpu.memory_space<hbm>>) dst(%arg6 : memref<10000xi32, #tpu.memory_space<vmem>>)
      tpu.yield
    }) : () -> ()
    %run_scoped3A_289 = arith.constant 1 : i32
    "tpu.region"() ({
      %run_scoped3A_369 = tpu.sem_alloc : memref<!tpu.dma_semaphore, #tpu.memory_space<semaphore_mem>>
      %dma_start3A_370 = arith.constant 0 : i32
      %dma_start3A_371 = tpu.memref_slice %arg2[%run_scoped3A_289, %add3A, %dma_start3A_370] : memref<2x32x10000xi32, #tpu.memory_space<hbm>> -> memref<1x1x10000xi32, #tpu.memory_space<hbm>>
      %dma_start3A_372 = tpu.memref_squeeze %dma_start3A_371 : memref<1x1x10000xi32, #tpu.memory_space<hbm>> -> memref<10000xi32, #tpu.memory_space<hbm>>
      %dma_start3A_373 = arith.constant 0 : i32
      %dma_start3A_374 = tpu.memref_slice %arg2[%run_scoped3A_289, %add3A, %dma_start3A_373] : memref<2x32x10000xi32, #tpu.memory_space<hbm>> -> memref<1x1x10000xi32, #tpu.memory_space<hbm>>
      %dma_start3A_375 = tpu.memref_squeeze %dma_start3A_374 : memref<1x1x10000xi32, #tpu.memory_space<hbm>> -> memref<10000xi32, #tpu.memory_space<hbm>>
      tpu.enqueue_dma source(%dma_start3A_375 : memref<10000xi32, #tpu.memory_space<hbm>>) target(%arg7 : memref<10000xi32, #tpu.memory_space<vmem>>) target_semaphore(%run_scoped3A_369 : memref<!tpu.dma_semaphore, #tpu.memory_space<semaphore_mem>>)
      %dma_wait3A = arith.constant 0 : i32
      %dma_wait3A_376 = tpu.memref_slice %arg2[%run_scoped3A_289, %add3A, %dma_wait3A] : memref<2x32x10000xi32, #tpu.memory_space<hbm>> -> memref<1x1x10000xi32, #tpu.memory_space<hbm>>
      %dma_wait3A_377 = tpu.memref_squeeze %dma_wait3A_376 : memref<1x1x10000xi32, #tpu.memory_space<hbm>> -> memref<10000xi32, #tpu.memory_space<hbm>>
      %dma_wait3A_378 = arith.constant 0 : i32
      %dma_wait3A_379 = tpu.memref_slice %arg2[%run_scoped3A_289, %add3A, %dma_wait3A_378] : memref<2x32x10000xi32, #tpu.memory_space<hbm>> -> memref<1x1x10000xi32, #tpu.memory_space<hbm>>
      %dma_wait3A_380 = tpu.memref_squeeze %dma_wait3A_379 : memref<1x1x10000xi32, #tpu.memory_space<hbm>> -> memref<10000xi32, #tpu.memory_space<hbm>>
      tpu.wait_dma2 semaphore(%run_scoped3A_369 : memref<!tpu.dma_semaphore, #tpu.memory_space<semaphore_mem>>) src(%dma_wait3A_380 : memref<10000xi32, #tpu.memory_space<hbm>>) dst(%arg7 : memref<10000xi32, #tpu.memory_space<vmem>>)
      tpu.yield
    }) : () -> ()
    %scan3A = arith.constant 0 : i32
    %scan3A_290 = arith.constant 0 : i32
    %scan3A_291 = arith.constant 625 : i32
    %scan3A_292 = arith.addi %scan3A_290, %scan3A_291 : i32
    %scan3A_293 = arith.constant 1 : i32
    scf.for %scan3A_369 = %scan3A_290 to %scan3A_292 step %scan3A_293  : i32 {
      %mul3A_370 = arith.constant 16 : i32
      %mul3A_371 = arith.muli %scan3A_369, %mul3A_370 : i32
      %get3A_372 = arith.index_cast %mul3A_371 : i32 to index
      %get3A_373 = tpu.vector_load %arg6[%get3A_372] {strides = array<i32>} : memref<10000xi32, #tpu.memory_space<vmem>>, vector<16xi32>,
      %get3A_374 = vector.shape_cast %get3A_373 : vector<16xi32> to vector<16xi32>
      %mul3A_375 = arith.constant 16 : i32
      %mul3A_376 = arith.muli %scan3A_369, %mul3A_375 : i32
      %get3A_377 = arith.index_cast %mul3A_376 : i32 to index
      %get3A_378 = tpu.vector_load %arg7[%get3A_377] {strides = array<i32>} : memref<10000xi32, #tpu.memory_space<vmem>>, vector<16xi32>,
      %get3A_379 = vector.shape_cast %get3A_378 : vector<16xi32> to vector<16xi32>
      %shift_left3A = arith.constant 16 : i32
      %shift_left3A_380 = vector.broadcast %shift_left3A : i32 to vector<16xi32>
      %shift_left3A_381 = arith.shli %get3A_379, %shift_left3A_380 : vector<16xi32>
      %or3A = arith.ori %get3A_374, %shift_left3A_381 : vector<16xi32>
      %mul3A_382 = arith.constant 16 : i32
      %mul3A_383 = arith.muli %scan3A_369, %mul3A_382 : i32
      %swap3A_384 = arith.index_cast %mul3A_383 : i32 to index
      %swap3A_385 = tpu.vector_load %arg8[%swap3A_384] {strides = array<i32>} : memref<10000xi32, #tpu.memory_space<vmem>>, vector<16xi32>,
      %swap3A_386 = vector.shape_cast %swap3A_385 : vector<16xi32> to vector<16xi32>
      %swap3A_387 = vector.shape_cast %or3A : vector<16xi32> to vector<16xi32>
      tpu.vector_store %arg8[%swap3A_384], %swap3A_387 {strides = array<i32>} : memref<10000xi32, #tpu.memory_space<vmem>>, vector<16xi32>,
    }
    %scan3A_294 = arith.constant 625 : i32
    "tpu.region"() ({
      %run_scoped3A_369 = tpu.sem_alloc : memref<!tpu.dma_semaphore, #tpu.memory_space<semaphore_mem>>
      %dma_start3A_370 = arith.constant 0 : i32
      %dma_start3A_371 = tpu.memref_slice %arg4[%add3A, %dma_start3A_370] : memref<32x10000xi32, #tpu.memory_space<hbm>> -> memref<1x10000xi32, #tpu.memory_space<hbm>>
      %dma_start3A_372 = tpu.memref_squeeze %dma_start3A_371 : memref<1x10000xi32, #tpu.memory_space<hbm>> -> memref<10000xi32, #tpu.memory_space<hbm>>
      %dma_start3A_373 = arith.constant 0 : i32
      %dma_start3A_374 = tpu.memref_slice %arg4[%add3A, %dma_start3A_373] : memref<32x10000xi32, #tpu.memory_space<hbm>> -> memref<1x10000xi32, #tpu.memory_space<hbm>>
      %dma_start3A_375 = tpu.memref_squeeze %dma_start3A_374 : memref<1x10000xi32, #tpu.memory_space<hbm>> -> memref<10000xi32, #tpu.memory_space<hbm>>
      tpu.enqueue_dma source(%arg8 : memref<10000xi32, #tpu.memory_space<vmem>>) target(%dma_start3A_375 : memref<10000xi32, #tpu.memory_space<hbm>>) target_semaphore(%run_scoped3A_369 : memref<!tpu.dma_semaphore, #tpu.memory_space<semaphore_mem>>)
      %dma_wait3A = arith.constant 0 : i32
      %dma_wait3A_376 = tpu.memref_slice %arg4[%add3A, %dma_wait3A] : memref<32x10000xi32, #tpu.memory_space<hbm>> -> memref<1x10000xi32, #tpu.memory_space<hbm>>
      %dma_wait3A_377 = tpu.memref_squeeze %dma_wait3A_376 : memref<1x10000xi32, #tpu.memory_space<hbm>> -> memref<10000xi32, #tpu.memory_space<hbm>>
      %dma_wait3A_378 = arith.constant 0 : i32
      %dma_wait3A_379 = tpu.memref_slice %arg4[%add3A, %dma_wait3A_378] : memref<32x10000xi32, #tpu.memory_space<hbm>> -> memref<1x10000xi32, #tpu.memory_space<hbm>>
      %dma_wait3A_380 = tpu.memref_squeeze %dma_wait3A_379 : memref<1x10000xi32, #tpu.memory_space<hbm>> -> memref<10000xi32, #tpu.memory_space<hbm>>
      tpu.wait_dma2 semaphore(%run_scoped3A_369 : memref<!tpu.dma_semaphore, #tpu.memory_space<semaphore_mem>>) src(%arg8 : memref<10000xi32, #tpu.memory_space<vmem>>) dst(%dma_wait3A_380 : memref<10000xi32, #tpu.memory_space<hbm>>)
      tpu.yield
    }) : () -> ()
    %barrier3A = arith.constant 0 : index
    tpu.barrier barrier_id(%barrier3A)
    %get3A = arith.constant 0 : index
    %get3A_295 = tpu.vector_load %arg7[%get3A] {strides = array<i32>} : memref<10000xi32, #tpu.memory_space<vmem>>, vector<16xi32>,
    %get3A_296 = vector.shape_cast %get3A_295 : vector<16xi32> to vector<16xi32>
    %swap3A_297 = arith.constant 0 : index
    %swap3A_298 = tpu.vector_load %arg9[%swap3A_297] {strides = array<i32>} : memref<128xi32, #tpu.memory_space<vmem>>, vector<16xi32>,
    %swap3A_299 = vector.shape_cast %swap3A_298 : vector<16xi32> to vector<16xi32>
    %swap3A_300 = vector.shape_cast %get3A_296 : vector<16xi32> to vector<16xi32>
    tpu.vector_store %arg9[%swap3A_297], %swap3A_300 {strides = array<i32>} : memref<128xi32, #tpu.memory_space<vmem>>, vector<16xi32>,
    %get3A_301 = arith.constant 16 : index
    %get3A_302 = tpu.vector_load %arg7[%get3A_301] {strides = array<i32>} : memref<10000xi32, #tpu.memory_space<vmem>>, vector<16xi32>,
    %get3A_303 = vector.shape_cast %get3A_302 : vector<16xi32> to vector<16xi32>
    %swap3A_304 = arith.constant 16 : index
    %swap3A_305 = tpu.vector_load %arg9[%swap3A_304] {strides = array<i32>} : memref<128xi32, #tpu.memory_space<vmem>>, vector<16xi32>,
    %swap3A_306 = vector.shape_cast %swap3A_305 : vector<16xi32> to vector<16xi32>
    %swap3A_307 = vector.shape_cast %get3A_303 : vector<16xi32> to vector<16xi32>
    tpu.vector_store %arg9[%swap3A_304], %swap3A_307 {strides = array<i32>} : memref<128xi32, #tpu.memory_space<vmem>>, vector<16xi32>,
    %get3A_308 = arith.constant 32 : index
    %get3A_309 = tpu.vector_load %arg7[%get3A_308] {strides = array<i32>} : memref<10000xi32, #tpu.memory_space<vmem>>, vector<16xi32>,
    %get3A_310 = vector.shape_cast %get3A_309 : vector<16xi32> to vector<16xi32>
    %swap3A_311 = arith.constant 32 : index
    %swap3A_312 = tpu.vector_load %arg9[%swap3A_311] {strides = array<i32>} : memref<128xi32, #tpu.memory_space<vmem>>, vector<16xi32>,
    %swap3A_313 = vector.shape_cast %swap3A_312 : vector<16xi32> to vector<16xi32>
    %swap3A_314 = vector.shape_cast %get3A_310 : vector<16xi32> to vector<16xi32>
    tpu.vector_store %arg9[%swap3A_311], %swap3A_314 {strides = array<i32>} : memref<128xi32, #tpu.memory_space<vmem>>, vector<16xi32>,
    %get3A_315 = arith.constant 48 : index
    %get3A_316 = tpu.vector_load %arg7[%get3A_315] {strides = array<i32>} : memref<10000xi32, #tpu.memory_space<vmem>>, vector<16xi32>,
    %get3A_317 = vector.shape_cast %get3A_316 : vector<16xi32> to vector<16xi32>
    %swap3A_318 = arith.constant 48 : index
    %swap3A_319 = tpu.vector_load %arg9[%swap3A_318] {strides = array<i32>} : memref<128xi32, #tpu.memory_space<vmem>>, vector<16xi32>,
    %swap3A_320 = vector.shape_cast %swap3A_319 : vector<16xi32> to vector<16xi32>
    %swap3A_321 = vector.shape_cast %get3A_317 : vector<16xi32> to vector<16xi32>
    tpu.vector_store %arg9[%swap3A_318], %swap3A_321 {strides = array<i32>} : memref<128xi32, #tpu.memory_space<vmem>>, vector<16xi32>,
    %get3A_322 = arith.constant 64 : index
    %get3A_323 = tpu.vector_load %arg7[%get3A_322] {strides = array<i32>} : memref<10000xi32, #tpu.memory_space<vmem>>, vector<16xi32>,
    %get3A_324 = vector.shape_cast %get3A_323 : vector<16xi32> to vector<16xi32>
    %swap3A_325 = arith.constant 64 : index
    %swap3A_326 = tpu.vector_load %arg9[%swap3A_325] {strides = array<i32>} : memref<128xi32, #tpu.memory_space<vmem>>, vector<16xi32>,
    %swap3A_327 = vector.shape_cast %swap3A_326 : vector<16xi32> to vector<16xi32>
    %swap3A_328 = vector.shape_cast %get3A_324 : vector<16xi32> to vector<16xi32>
    tpu.vector_store %arg9[%swap3A_325], %swap3A_328 {strides = array<i32>} : memref<128xi32, #tpu.memory_space<vmem>>, vector<16xi32>,
    %get3A_329 = arith.constant 80 : index
    %get3A_330 = tpu.vector_load %arg7[%get3A_329] {strides = array<i32>} : memref<10000xi32, #tpu.memory_space<vmem>>, vector<16xi32>,
    %get3A_331 = vector.shape_cast %get3A_330 : vector<16xi32> to vector<16xi32>
    %swap3A_332 = arith.constant 80 : index
    %swap3A_333 = tpu.vector_load %arg9[%swap3A_332] {strides = array<i32>} : memref<128xi32, #tpu.memory_space<vmem>>, vector<16xi32>,
    %swap3A_334 = vector.shape_cast %swap3A_333 : vector<16xi32> to vector<16xi32>
    %swap3A_335 = vector.shape_cast %get3A_331 : vector<16xi32> to vector<16xi32>
    tpu.vector_store %arg9[%swap3A_332], %swap3A_335 {strides = array<i32>} : memref<128xi32, #tpu.memory_space<vmem>>, vector<16xi32>,
    %get3A_336 = arith.constant 96 : index
    %get3A_337 = tpu.vector_load %arg7[%get3A_336] {strides = array<i32>} : memref<10000xi32, #tpu.memory_space<vmem>>, vector<16xi32>,
    %get3A_338 = vector.shape_cast %get3A_337 : vector<16xi32> to vector<16xi32>
    %swap3A_339 = arith.constant 96 : index
    %swap3A_340 = tpu.vector_load %arg9[%swap3A_339] {strides = array<i32>} : memref<128xi32, #tpu.memory_space<vmem>>, vector<16xi32>,
    %swap3A_341 = vector.shape_cast %swap3A_340 : vector<16xi32> to vector<16xi32>
    %swap3A_342 = vector.shape_cast %get3A_338 : vector<16xi32> to vector<16xi32>
    tpu.vector_store %arg9[%swap3A_339], %swap3A_342 {strides = array<i32>} : memref<128xi32, #tpu.memory_space<vmem>>, vector<16xi32>,
    %get3A_343 = arith.constant 112 : index
    %get3A_344 = tpu.vector_load %arg7[%get3A_343] {strides = array<i32>} : memref<10000xi32, #tpu.memory_space<vmem>>, vector<16xi32>,
    %get3A_345 = vector.shape_cast %get3A_344 : vector<16xi32> to vector<16xi32>
    %swap3A_346 = arith.constant 112 : index
    %swap3A_347 = tpu.vector_load %arg9[%swap3A_346] {strides = array<i32>} : memref<128xi32, #tpu.memory_space<vmem>>, vector<16xi32>,
    %swap3A_348 = vector.shape_cast %swap3A_347 : vector<16xi32> to vector<16xi32>
    %swap3A_349 = vector.shape_cast %get3A_345 : vector<16xi32> to vector<16xi32>
    tpu.vector_store %arg9[%swap3A_346], %swap3A_349 {strides = array<i32>} : memref<128xi32, #tpu.memory_space<vmem>>, vector<16xi32>,
    %dma_start3A = arith.constant 0 : i32
    %dma_start3A_350 = tpu.memref_slice %arg5[%dma_start3A] : memref<10240xf32, #tpu.memory_space<vmem_shared>> -> memref<10240xf32, #tpu.memory_space<vmem_shared>>
    tpu.enqueue_indirect_dma source(%arg12 : memref<128xf32, #tpu.memory_space<vmem>>) target(%dma_start3A_350 : memref<10240xf32, #tpu.memory_space<vmem_shared>>) offsets(%arg9 : memref<128xi32, #tpu.memory_space<vmem>>) semaphore(%arg14 : memref<!tpu.dma_semaphore, #tpu.memory_space<semaphore_mem>>) {add = true}
    %scan3A_351 = arith.constant 0 : i32
    %scan3A_352 = arith.constant 0 : i32
    %scan3A_353 = arith.constant 39 : i32
    %scan3A_354 = arith.addi %scan3A_352, %scan3A_353 : i32
    %scan3A_355 = arith.constant 1 : i32
    scf.for %scan3A_369 = %scan3A_352 to %scan3A_354 step %scan3A_355  : i32 {
      %mul3A_370 = arith.constant 2 : i32
      %mul3A_371 = arith.muli %mul3A_370, %scan3A_369 : i32
      %add3A_372 = arith.constant 1 : i32
      %add3A_373 = arith.addi %mul3A_371, %add3A_372 : i32
      %mul3A_374 = arith.constant 128 : i32
      %mul3A_375 = arith.muli %add3A_373, %mul3A_374 : i32
      %add3A_376 = arith.constant 0 : i32
      %add3A_377 = arith.addi %mul3A_375, %add3A_376 : i32
      %get3A_378 = arith.index_cast %add3A_377 : i32 to index
      %get3A_379 = tpu.vector_load %arg7[%get3A_378] {strides = array<i32>} : memref<10000xi32, #tpu.memory_space<vmem>>, vector<16xi32>,
      %get3A_380 = vector.shape_cast %get3A_379 : vector<16xi32> to vector<16xi32>
      %swap3A_381 = arith.constant 0 : index
      %swap3A_382 = tpu.vector_load %arg10[%swap3A_381] {strides = array<i32>} : memref<128xi32, #tpu.memory_space<vmem>>, vector<16xi32>,
      %swap3A_383 = vector.shape_cast %swap3A_382 : vector<16xi32> to vector<16xi32>
      %swap3A_384 = vector.shape_cast %get3A_380 : vector<16xi32> to vector<16xi32>
      tpu.vector_store %arg10[%swap3A_381], %swap3A_384 {strides = array<i32>} : memref<128xi32, #tpu.memory_space<vmem>>, vector<16xi32>,
      %mul3A_385 = arith.constant 128 : i32
      %mul3A_386 = arith.muli %add3A_373, %mul3A_385 : i32
      %add3A_387 = arith.constant 16 : i32
      %add3A_388 = arith.addi %mul3A_386, %add3A_387 : i32
      %get3A_389 = arith.index_cast %add3A_388 : i32 to index
      %get3A_390 = tpu.vector_load %arg7[%get3A_389] {strides = array<i32>} : memref<10000xi32, #tpu.memory_space<vmem>>, vector<16xi32>,
      %get3A_391 = vector.shape_cast %get3A_390 : vector<16xi32> to vector<16xi32>
      %swap3A_392 = arith.constant 16 : index
      %swap3A_393 = tpu.vector_load %arg10[%swap3A_392] {strides = array<i32>} : memref<128xi32, #tpu.memory_space<vmem>>, vector<16xi32>,
      %swap3A_394 = vector.shape_cast %swap3A_393 : vector<16xi32> to vector<16xi32>
      %swap3A_395 = vector.shape_cast %get3A_391 : vector<16xi32> to vector<16xi32>
      tpu.vector_store %arg10[%swap3A_392], %swap3A_395 {strides = array<i32>} : memref<128xi32, #tpu.memory_space<vmem>>, vector<16xi32>,
      %mul3A_396 = arith.constant 128 : i32
      %mul3A_397 = arith.muli %add3A_373, %mul3A_396 : i32
      %add3A_398 = arith.constant 32 : i32
      %add3A_399 = arith.addi %mul3A_397, %add3A_398 : i32
      %get3A_400 = arith.index_cast %add3A_399 : i32 to index
      %get3A_401 = tpu.vector_load %arg7[%get3A_400] {strides = array<i32>} : memref<10000xi32, #tpu.memory_space<vmem>>, vector<16xi32>,
      %get3A_402 = vector.shape_cast %get3A_401 : vector<16xi32> to vector<16xi32>
      %swap3A_403 = arith.constant 32 : index
      %swap3A_404 = tpu.vector_load %arg10[%swap3A_403] {strides = array<i32>} : memref<128xi32, #tpu.memory_space<vmem>>, vector<16xi32>,
      %swap3A_405 = vector.shape_cast %swap3A_404 : vector<16xi32> to vector<16xi32>
      %swap3A_406 = vector.shape_cast %get3A_402 : vector<16xi32> to vector<16xi32>
      tpu.vector_store %arg10[%swap3A_403], %swap3A_406 {strides = array<i32>} : memref<128xi32, #tpu.memory_space<vmem>>, vector<16xi32>,
      %mul3A_407 = arith.constant 128 : i32
      %mul3A_408 = arith.muli %add3A_373, %mul3A_407 : i32
      %add3A_409 = arith.constant 48 : i32
      %add3A_410 = arith.addi %mul3A_408, %add3A_409 : i32
      %get3A_411 = arith.index_cast %add3A_410 : i32 to index
      %get3A_412 = tpu.vector_load %arg7[%get3A_411] {strides = array<i32>} : memref<10000xi32, #tpu.memory_space<vmem>>, vector<16xi32>,
      %get3A_413 = vector.shape_cast %get3A_412 : vector<16xi32> to vector<16xi32>
      %swap3A_414 = arith.constant 48 : index
      %swap3A_415 = tpu.vector_load %arg10[%swap3A_414] {strides = array<i32>} : memref<128xi32, #tpu.memory_space<vmem>>, vector<16xi32>,
      %swap3A_416 = vector.shape_cast %swap3A_415 : vector<16xi32> to vector<16xi32>
      %swap3A_417 = vector.shape_cast %get3A_413 : vector<16xi32> to vector<16xi32>
      tpu.vector_store %arg10[%swap3A_414], %swap3A_417 {strides = array<i32>} : memref<128xi32, #tpu.memory_space<vmem>>, vector<16xi32>,
      %mul3A_418 = arith.constant 128 : i32
      %mul3A_419 = arith.muli %add3A_373, %mul3A_418 : i32
      %add3A_420 = arith.constant 64 : i32
      %add3A_421 = arith.addi %mul3A_419, %add3A_420 : i32
      %get3A_422 = arith.index_cast %add3A_421 : i32 to index
      %get3A_423 = tpu.vector_load %arg7[%get3A_422] {strides = array<i32>} : memref<10000xi32, #tpu.memory_space<vmem>>, vector<16xi32>,
      %get3A_424 = vector.shape_cast %get3A_423 : vector<16xi32> to vector<16xi32>
      %swap3A_425 = arith.constant 64 : index
      %swap3A_426 = tpu.vector_load %arg10[%swap3A_425] {strides = array<i32>} : memref<128xi32, #tpu.memory_space<vmem>>, vector<16xi32>,
      %swap3A_427 = vector.shape_cast %swap3A_426 : vector<16xi32> to vector<16xi32>
      %swap3A_428 = vector.shape_cast %get3A_424 : vector<16xi32> to vector<16xi32>
      tpu.vector_store %arg10[%swap3A_425], %swap3A_428 {strides = array<i32>} : memref<128xi32, #tpu.memory_space<vmem>>, vector<16xi32>,
      %mul3A_429 = arith.constant 128 : i32
      %mul3A_430 = arith.muli %add3A_373, %mul3A_429 : i32
      %add3A_431 = arith.constant 80 : i32
      %add3A_432 = arith.addi %mul3A_430, %add3A_431 : i32
      %get3A_433 = arith.index_cast %add3A_432 : i32 to index
      %get3A_434 = tpu.vector_load %arg7[%get3A_433] {strides = array<i32>} : memref<10000xi32, #tpu.memory_space<vmem>>, vector<16xi32>,
      %get3A_435 = vector.shape_cast %get3A_434 : vector<16xi32> to vector<16xi32>
      %swap3A_436 = arith.constant 80 : index
      %swap3A_437 = tpu.vector_load %arg10[%swap3A_436] {strides = array<i32>} : memref<128xi32, #tpu.memory_space<vmem>>, vector<16xi32>,
      %swap3A_438 = vector.shape_cast %swap3A_437 : vector<16xi32> to vector<16xi32>
      %swap3A_439 = vector.shape_cast %get3A_435 : vector<16xi32> to vector<16xi32>
      tpu.vector_store %arg10[%swap3A_436], %swap3A_439 {strides = array<i32>} : memref<128xi32, #tpu.memory_space<vmem>>, vector<16xi32>,
      %mul3A_440 = arith.constant 128 : i32
      %mul3A_441 = arith.muli %add3A_373, %mul3A_440 : i32
      %add3A_442 = arith.constant 96 : i32
      %add3A_443 = arith.addi %mul3A_441, %add3A_442 : i32
      %get3A_444 = arith.index_cast %add3A_443 : i32 to index
      %get3A_445 = tpu.vector_load %arg7[%get3A_444] {strides = array<i32>} : memref<10000xi32, #tpu.memory_space<vmem>>, vector<16xi32>,
      %get3A_446 = vector.shape_cast %get3A_445 : vector<16xi32> to vector<16xi32>
      %swap3A_447 = arith.constant 96 : index
      %swap3A_448 = tpu.vector_load %arg10[%swap3A_447] {strides = array<i32>} : memref<128xi32, #tpu.memory_space<vmem>>, vector<16xi32>,
      %swap3A_449 = vector.shape_cast %swap3A_448 : vector<16xi32> to vector<16xi32>
      %swap3A_450 = vector.shape_cast %get3A_446 : vector<16xi32> to vector<16xi32>
      tpu.vector_store %arg10[%swap3A_447], %swap3A_450 {strides = array<i32>} : memref<128xi32, #tpu.memory_space<vmem>>, vector<16xi32>,
      %mul3A_451 = arith.constant 128 : i32
      %mul3A_452 = arith.muli %add3A_373, %mul3A_451 : i32
      %add3A_453 = arith.constant 112 : i32
      %add3A_454 = arith.addi %mul3A_452, %add3A_453 : i32
      %get3A_455 = arith.index_cast %add3A_454 : i32 to index
      %get3A_456 = tpu.vector_load %arg7[%get3A_455] {strides = array<i32>} : memref<10000xi32, #tpu.memory_space<vmem>>, vector<16xi32>,
      %get3A_457 = vector.shape_cast %get3A_456 : vector<16xi32> to vector<16xi32>
      %swap3A_458 = arith.constant 112 : index
      %swap3A_459 = tpu.vector_load %arg10[%swap3A_458] {strides = array<i32>} : memref<128xi32, #tpu.memory_space<vmem>>, vector<16xi32>,
      %swap3A_460 = vector.shape_cast %swap3A_459 : vector<16xi32> to vector<16xi32>
      %swap3A_461 = vector.shape_cast %get3A_457 : vector<16xi32> to vector<16xi32>
      tpu.vector_store %arg10[%swap3A_458], %swap3A_461 {strides = array<i32>} : memref<128xi32, #tpu.memory_space<vmem>>, vector<16xi32>,
      %dma_start3A_462 = arith.constant 0 : i32
      %dma_start3A_463 = tpu.memref_slice %arg5[%dma_start3A_462] : memref<10240xf32, #tpu.memory_space<vmem_shared>> -> memref<10240xf32, #tpu.memory_space<vmem_shared>>
      tpu.enqueue_indirect_dma source(%arg12 : memref<128xf32, #tpu.memory_space<vmem>>) target(%dma_start3A_463 : memref<10240xf32, #tpu.memory_space<vmem_shared>>) offsets(%arg10 : memref<128xi32, #tpu.memory_space<vmem>>) semaphore(%arg15 : memref<!tpu.dma_semaphore, #tpu.memory_space<semaphore_mem>>) {add = true}
      %dma_wait3A = arith.constant 0 : i32
      %dma_wait3A_464 = tpu.memref_slice %arg5[%dma_wait3A] : memref<10240xf32, #tpu.memory_space<vmem_shared>> -> memref<10240xf32, #tpu.memory_space<vmem_shared>>
      tpu.wait_indirect_dma semaphore(%arg14 : memref<!tpu.dma_semaphore, #tpu.memory_space<semaphore_mem>>) src(%arg12 : memref<128xf32, #tpu.memory_space<vmem>>) dst(%dma_wait3A_464 : memref<10240xf32, #tpu.memory_space<vmem_shared>>)
      %add3A_465 = arith.constant 2 : i32
      %add3A_466 = arith.addi %mul3A_371, %add3A_465 : i32
      %lt3A = arith.constant 78 : i32
      %lt3A_467 = arith.cmpi slt, %add3A_466, %lt3A : i32
      %convert_element_type3A = arith.extui %lt3A_467 : i1 to i32
      %cond3A = arith.constant 0 : i32
      %cond3A_468 = arith.cmpi ne, %convert_element_type3A, %cond3A : i32
      scf.if %cond3A_468 {
        %add3A_471 = arith.constant 2 : i32
        %add3A_472 = arith.addi %mul3A_371, %add3A_471 : i32
        %mul3A_473 = arith.constant 128 : i32
        %mul3A_474 = arith.muli %add3A_472, %mul3A_473 : i32
        %add3A_475 = arith.constant 0 : i32
        %add3A_476 = arith.addi %mul3A_474, %add3A_475 : i32
        %get3A_477 = arith.index_cast %add3A_476 : i32 to index
        %get3A_478 = tpu.vector_load %arg7[%get3A_477] {strides = array<i32>} : memref<10000xi32, #tpu.memory_space<vmem>>, vector<16xi32>,
        %get3A_479 = vector.shape_cast %get3A_478 : vector<16xi32> to vector<16xi32>
        %swap3A_480 = arith.constant 0 : index
        %swap3A_481 = tpu.vector_load %arg9[%swap3A_480] {strides = array<i32>} : memref<128xi32, #tpu.memory_space<vmem>>, vector<16xi32>,
        %swap3A_482 = vector.shape_cast %swap3A_481 : vector<16xi32> to vector<16xi32>
        %swap3A_483 = vector.shape_cast %get3A_479 : vector<16xi32> to vector<16xi32>
        tpu.vector_store %arg9[%swap3A_480], %swap3A_483 {strides = array<i32>} : memref<128xi32, #tpu.memory_space<vmem>>, vector<16xi32>,
        %mul3A_484 = arith.constant 128 : i32
        %mul3A_485 = arith.muli %add3A_472, %mul3A_484 : i32
        %add3A_486 = arith.constant 16 : i32
        %add3A_487 = arith.addi %mul3A_485, %add3A_486 : i32
        %get3A_488 = arith.index_cast %add3A_487 : i32 to index
        %get3A_489 = tpu.vector_load %arg7[%get3A_488] {strides = array<i32>} : memref<10000xi32, #tpu.memory_space<vmem>>, vector<16xi32>,
        %get3A_490 = vector.shape_cast %get3A_489 : vector<16xi32> to vector<16xi32>
        %swap3A_491 = arith.constant 16 : index
        %swap3A_492 = tpu.vector_load %arg9[%swap3A_491] {strides = array<i32>} : memref<128xi32, #tpu.memory_space<vmem>>, vector<16xi32>,
        %swap3A_493 = vector.shape_cast %swap3A_492 : vector<16xi32> to vector<16xi32>
        %swap3A_494 = vector.shape_cast %get3A_490 : vector<16xi32> to vector<16xi32>
        tpu.vector_store %arg9[%swap3A_491], %swap3A_494 {strides = array<i32>} : memref<128xi32, #tpu.memory_space<vmem>>, vector<16xi32>,
        %mul3A_495 = arith.constant 128 : i32
        %mul3A_496 = arith.muli %add3A_472, %mul3A_495 : i32
        %add3A_497 = arith.constant 32 : i32
        %add3A_498 = arith.addi %mul3A_496, %add3A_497 : i32
        %get3A_499 = arith.index_cast %add3A_498 : i32 to index
        %get3A_500 = tpu.vector_load %arg7[%get3A_499] {strides = array<i32>} : memref<10000xi32, #tpu.memory_space<vmem>>, vector<16xi32>,
        %get3A_501 = vector.shape_cast %get3A_500 : vector<16xi32> to vector<16xi32>
        %swap3A_502 = arith.constant 32 : index
        %swap3A_503 = tpu.vector_load %arg9[%swap3A_502] {strides = array<i32>} : memref<128xi32, #tpu.memory_space<vmem>>, vector<16xi32>,
        %swap3A_504 = vector.shape_cast %swap3A_503 : vector<16xi32> to vector<16xi32>
        %swap3A_505 = vector.shape_cast %get3A_501 : vector<16xi32> to vector<16xi32>
        tpu.vector_store %arg9[%swap3A_502], %swap3A_505 {strides = array<i32>} : memref<128xi32, #tpu.memory_space<vmem>>, vector<16xi32>,
        %mul3A_506 = arith.constant 128 : i32
        %mul3A_507 = arith.muli %add3A_472, %mul3A_506 : i32
        %add3A_508 = arith.constant 48 : i32
        %add3A_509 = arith.addi %mul3A_507, %add3A_508 : i32
        %get3A_510 = arith.index_cast %add3A_509 : i32 to index
        %get3A_511 = tpu.vector_load %arg7[%get3A_510] {strides = array<i32>} : memref<10000xi32, #tpu.memory_space<vmem>>, vector<16xi32>,
        %get3A_512 = vector.shape_cast %get3A_511 : vector<16xi32> to vector<16xi32>
        %swap3A_513 = arith.constant 48 : index
        %swap3A_514 = tpu.vector_load %arg9[%swap3A_513] {strides = array<i32>} : memref<128xi32, #tpu.memory_space<vmem>>, vector<16xi32>,
        %swap3A_515 = vector.shape_cast %swap3A_514 : vector<16xi32> to vector<16xi32>
        %swap3A_516 = vector.shape_cast %get3A_512 : vector<16xi32> to vector<16xi32>
        tpu.vector_store %arg9[%swap3A_513], %swap3A_516 {strides = array<i32>} : memref<128xi32, #tpu.memory_space<vmem>>, vector<16xi32>,
        %mul3A_517 = arith.constant 128 : i32
        %mul3A_518 = arith.muli %add3A_472, %mul3A_517 : i32
        %add3A_519 = arith.constant 64 : i32
        %add3A_520 = arith.addi %mul3A_518, %add3A_519 : i32
        %get3A_521 = arith.index_cast %add3A_520 : i32 to index
        %get3A_522 = tpu.vector_load %arg7[%get3A_521] {strides = array<i32>} : memref<10000xi32, #tpu.memory_space<vmem>>, vector<16xi32>,
        %get3A_523 = vector.shape_cast %get3A_522 : vector<16xi32> to vector<16xi32>
        %swap3A_524 = arith.constant 64 : index
        %swap3A_525 = tpu.vector_load %arg9[%swap3A_524] {strides = array<i32>} : memref<128xi32, #tpu.memory_space<vmem>>, vector<16xi32>,
        %swap3A_526 = vector.shape_cast %swap3A_525 : vector<16xi32> to vector<16xi32>
        %swap3A_527 = vector.shape_cast %get3A_523 : vector<16xi32> to vector<16xi32>
        tpu.vector_store %arg9[%swap3A_524], %swap3A_527 {strides = array<i32>} : memref<128xi32, #tpu.memory_space<vmem>>, vector<16xi32>,
        %mul3A_528 = arith.constant 128 : i32
        %mul3A_529 = arith.muli %add3A_472, %mul3A_528 : i32
        %add3A_530 = arith.constant 80 : i32
        %add3A_531 = arith.addi %mul3A_529, %add3A_530 : i32
        %get3A_532 = arith.index_cast %add3A_531 : i32 to index
        %get3A_533 = tpu.vector_load %arg7[%get3A_532] {strides = array<i32>} : memref<10000xi32, #tpu.memory_space<vmem>>, vector<16xi32>,
        %get3A_534 = vector.shape_cast %get3A_533 : vector<16xi32> to vector<16xi32>
        %swap3A_535 = arith.constant 80 : index
        %swap3A_536 = tpu.vector_load %arg9[%swap3A_535] {strides = array<i32>} : memref<128xi32, #tpu.memory_space<vmem>>, vector<16xi32>,
        %swap3A_537 = vector.shape_cast %swap3A_536 : vector<16xi32> to vector<16xi32>
        %swap3A_538 = vector.shape_cast %get3A_534 : vector<16xi32> to vector<16xi32>
        tpu.vector_store %arg9[%swap3A_535], %swap3A_538 {strides = array<i32>} : memref<128xi32, #tpu.memory_space<vmem>>, vector<16xi32>,
        %mul3A_539 = arith.constant 128 : i32
        %mul3A_540 = arith.muli %add3A_472, %mul3A_539 : i32
        %add3A_541 = arith.constant 96 : i32
        %add3A_542 = arith.addi %mul3A_540, %add3A_541 : i32
        %get3A_543 = arith.index_cast %add3A_542 : i32 to index
        %get3A_544 = tpu.vector_load %arg7[%get3A_543] {strides = array<i32>} : memref<10000xi32, #tpu.memory_space<vmem>>, vector<16xi32>,
        %get3A_545 = vector.shape_cast %get3A_544 : vector<16xi32> to vector<16xi32>
        %swap3A_546 = arith.constant 96 : index
        %swap3A_547 = tpu.vector_load %arg9[%swap3A_546] {strides = array<i32>} : memref<128xi32, #tpu.memory_space<vmem>>, vector<16xi32>,
        %swap3A_548 = vector.shape_cast %swap3A_547 : vector<16xi32> to vector<16xi32>
        %swap3A_549 = vector.shape_cast %get3A_545 : vector<16xi32> to vector<16xi32>
        tpu.vector_store %arg9[%swap3A_546], %swap3A_549 {strides = array<i32>} : memref<128xi32, #tpu.memory_space<vmem>>, vector<16xi32>,
        %mul3A_550 = arith.constant 128 : i32
        %mul3A_551 = arith.muli %add3A_472, %mul3A_550 : i32
        %add3A_552 = arith.constant 112 : i32
        %add3A_553 = arith.addi %mul3A_551, %add3A_552 : i32
        %get3A_554 = arith.index_cast %add3A_553 : i32 to index
        %get3A_555 = tpu.vector_load %arg7[%get3A_554] {strides = array<i32>} : memref<10000xi32, #tpu.memory_space<vmem>>, vector<16xi32>,
        %get3A_556 = vector.shape_cast %get3A_555 : vector<16xi32> to vector<16xi32>
        %swap3A_557 = arith.constant 112 : index
        %swap3A_558 = tpu.vector_load %arg9[%swap3A_557] {strides = array<i32>} : memref<128xi32, #tpu.memory_space<vmem>>, vector<16xi32>,
        %swap3A_559 = vector.shape_cast %swap3A_558 : vector<16xi32> to vector<16xi32>
        %swap3A_560 = vector.shape_cast %get3A_556 : vector<16xi32> to vector<16xi32>
        tpu.vector_store %arg9[%swap3A_557], %swap3A_560 {strides = array<i32>} : memref<128xi32, #tpu.memory_space<vmem>>, vector<16xi32>,
        %dma_start3A_561 = arith.constant 0 : i32
        %dma_start3A_562 = tpu.memref_slice %arg5[%dma_start3A_561] : memref<10240xf32, #tpu.memory_space<vmem_shared>> -> memref<10240xf32, #tpu.memory_space<vmem_shared>>
        tpu.enqueue_indirect_dma source(%arg12 : memref<128xf32, #tpu.memory_space<vmem>>) target(%dma_start3A_562 : memref<10240xf32, #tpu.memory_space<vmem_shared>>) offsets(%arg9 : memref<128xi32, #tpu.memory_space<vmem>>) semaphore(%arg14 : memref<!tpu.dma_semaphore, #tpu.memory_space<semaphore_mem>>) {add = true}
      } else {
      }
      %dma_wait3A_469 = arith.constant 0 : i32
      %dma_wait3A_470 = tpu.memref_slice %arg5[%dma_wait3A_469] : memref<10240xf32, #tpu.memory_space<vmem_shared>> -> memref<10240xf32, #tpu.memory_space<vmem_shared>>
      tpu.wait_indirect_dma semaphore(%arg15 : memref<!tpu.dma_semaphore, #tpu.memory_space<semaphore_mem>>) src(%arg12 : memref<128xf32, #tpu.memory_space<vmem>>) dst(%dma_wait3A_470 : memref<10240xf32, #tpu.memory_space<vmem_shared>>)
    }
    %scan3A_356 = arith.constant 39 : i32
    %get3A_357 = arith.constant 9984 : index
    %get3A_358 = tpu.vector_load %arg7[%get3A_357] {strides = array<i32>} : memref<10000xi32, #tpu.memory_space<vmem>>, vector<16xi32>,
    %get3A_359 = vector.shape_cast %get3A_358 : vector<16xi32> to vector<16xi32>
    %swap3A_360 = arith.constant 0 : index
    %swap3A_361 = tpu.vector_load %arg11[%swap3A_360] {strides = array<i32>} : memref<16xi32, #tpu.memory_space<vmem>>, vector<16xi32>,
    %swap3A_362 = vector.shape_cast %swap3A_361 : vector<16xi32> to vector<16xi32>
    %swap3A_363 = vector.shape_cast %get3A_359 : vector<16xi32> to vector<16xi32>
    tpu.vector_store %arg11[%swap3A_360], %swap3A_363 {strides = array<i32>} : memref<16xi32, #tpu.memory_space<vmem>>, vector<16xi32>,
    "tpu.region"() ({
      %run_scoped3A_369 = tpu.sem_alloc : memref<!tpu.dma_semaphore, #tpu.memory_space<semaphore_mem>>
      %dma_start3A_370 = arith.constant 0 : i32
      %dma_start3A_371 = tpu.memref_slice %arg12[%dma_start3A_370] : memref<128xf32, #tpu.memory_space<vmem>> -> memref<16xf32, #tpu.memory_space<vmem>>
      %dma_start3A_372 = arith.constant 0 : i32
      %dma_start3A_373 = tpu.memref_slice %arg5[%dma_start3A_372] : memref<10240xf32, #tpu.memory_space<vmem_shared>> -> memref<10240xf32, #tpu.memory_space<vmem_shared>>
      tpu.enqueue_indirect_dma source(%dma_start3A_371 : memref<16xf32, #tpu.memory_space<vmem>>) target(%dma_start3A_373 : memref<10240xf32, #tpu.memory_space<vmem_shared>>) offsets(%arg11 : memref<16xi32, #tpu.memory_space<vmem>>) semaphore(%run_scoped3A_369 : memref<!tpu.dma_semaphore, #tpu.memory_space<semaphore_mem>>) {add = true}
      %dma_wait3A = arith.constant 0 : i32
      %dma_wait3A_374 = tpu.memref_slice %arg12[%dma_wait3A] : memref<128xf32, #tpu.memory_space<vmem>> -> memref<16xf32, #tpu.memory_space<vmem>>
      %dma_wait3A_375 = arith.constant 0 : i32
      %dma_wait3A_376 = tpu.memref_slice %arg5[%dma_wait3A_375] : memref<10240xf32, #tpu.memory_space<vmem_shared>> -> memref<10240xf32, #tpu.memory_space<vmem_shared>>
      tpu.wait_indirect_dma semaphore(%run_scoped3A_369 : memref<!tpu.dma_semaphore, #tpu.memory_space<semaphore_mem>>) src(%dma_wait3A_374 : memref<16xf32, #tpu.memory_space<vmem>>) dst(%dma_wait3A_376 : memref<10240xf32, #tpu.memory_space<vmem_shared>>)
      tpu.yield
    }) : () -> ()
    %barrier3A_364 = arith.constant 0 : index
    tpu.barrier barrier_id(%barrier3A_364)
    %mul3A_365 = arith.constant 640 : i32
    %mul3A_366 = arith.muli %arg1, %mul3A_365 : i32
    %mul3A_367 = arith.constant 640 : i32
    %mul3A_368 = arith.muli %arg1, %mul3A_367 : i32
    "tpu.region"() ({
      %run_scoped3A_369 = tpu.sem_alloc : memref<!tpu.dma_semaphore, #tpu.memory_space<semaphore_mem>>
      %dma_start3A_370 = tpu.memref_slice %arg3[%arg0, %mul3A_368] : memref<2x10240xf32, #tpu.memory_space<hbm>> -> memref<1x640xf32, #tpu.memory_space<hbm>>
      %dma_start3A_371 = tpu.memref_squeeze %dma_start3A_370 : memref<1x640xf32, #tpu.memory_space<hbm>> -> memref<640xf32, #tpu.memory_space<hbm>>
      %dma_start3A_372 = tpu.memref_slice %arg5[%mul3A_366] : memref<10240xf32, #tpu.memory_space<vmem_shared>> -> memref<640xf32, #tpu.memory_space<vmem_shared>>
      tpu.enqueue_dma source(%dma_start3A_372 : memref<640xf32, #tpu.memory_space<vmem_shared>>) target(%dma_start3A_371 : memref<640xf32, #tpu.memory_space<hbm>>) target_semaphore(%run_scoped3A_369 : memref<!tpu.dma_semaphore, #tpu.memory_space<semaphore_mem>>)
      %dma_wait3A = tpu.memref_slice %arg3[%arg0, %mul3A_368] : memref<2x10240xf32, #tpu.memory_space<hbm>> -> memref<1x640xf32, #tpu.memory_space<hbm>>
      %dma_wait3A_373 = tpu.memref_squeeze %dma_wait3A : memref<1x640xf32, #tpu.memory_space<hbm>> -> memref<640xf32, #tpu.memory_space<hbm>>
      %dma_wait3A_374 = tpu.memref_slice %arg5[%mul3A_366] : memref<10240xf32, #tpu.memory_space<vmem_shared>> -> memref<640xf32, #tpu.memory_space<vmem_shared>>
      tpu.wait_dma2 semaphore(%run_scoped3A_369 : memref<!tpu.dma_semaphore, #tpu.memory_space<semaphore_mem>>) src(%dma_wait3A_374 : memref<640xf32, #tpu.memory_space<vmem_shared>>) dst(%dma_wait3A_373 : memref<640xf32, #tpu.memory_space<hbm>>)
      tpu.yield
    }) : () -> ()
    return
  }
}

#map = affine_map<(d0, d1) -> (0, 0)>
module attributes {stable_mosaic.version = 14 : i64} {
  func.func @seg(%arg0: i32, %arg1: i32, %arg2: memref<10240x64xf32, #tpu.memory_space<hbm>>, %arg3: memref<32x10000xi32, #tpu.memory_space<hbm>>, %arg4: memref<10240x64xf32, #tpu.memory_space<hbm>>, %arg5: memref<10240x64xf32, #tpu.memory_space<hbm>>, %arg6: memref<10240x64xf32, #tpu.memory_space<vmem_shared>>, %arg7: memref<10000xi32, #tpu.memory_space<vmem>>, %arg8: memref<128xi32, #tpu.memory_space<vmem>>, %arg9: memref<128xi32, #tpu.memory_space<vmem>>, %arg10: memref<128xi32, #tpu.memory_space<vmem>>, %arg11: memref<128xi32, #tpu.memory_space<vmem>>, %arg12: memref<128xi32, #tpu.memory_space<vmem>>, %arg13: memref<128xi32, #tpu.memory_space<vmem>>, %arg14: memref<16xi32, #tpu.memory_space<vmem>>, %arg15: memref<16xi32, #tpu.memory_space<vmem>>, %arg16: memref<128x64xf32, #tpu.memory_space<vmem>>, %arg17: memref<128x64xf32, #tpu.memory_space<vmem>>, %arg18: memref<128x64xf32, #tpu.memory_space<vmem>>, %arg19: memref<!tpu.dma_semaphore, #tpu.memory_space<semaphore_mem>>, %arg20: memref<!tpu.dma_semaphore, #tpu.memory_space<semaphore_mem>>, %arg21: memref<!tpu.dma_semaphore, #tpu.memory_space<semaphore_mem>>, %arg22: memref<!tpu.dma_semaphore, #tpu.memory_space<semaphore_mem>>, %arg23: memref<!tpu.dma_semaphore, #tpu.memory_space<semaphore_mem>>, %arg24: memref<!tpu.dma_semaphore, #tpu.memory_space<semaphore_mem>>) attributes {dimension_semantics = [#tpu.dimension_semantics<core_parallel>, #tpu.dimension_semantics<subcore_parallel>], iteration_bounds = array<i64: 2, 16>, scalar_prefetch = 0 : i64, scratch_operands = 19 : i64, tpu.core_type = #tpu.core_type<sc_vector_subcore>, window_params = [{transform_indices = #map}, {transform_indices = #map}, {transform_indices = #map}, {transform_indices = #map}]} {
    %mul3A = arith.constant 2 : i32
    %mul3A_0 = arith.muli %arg1, %mul3A : i32
    %add3A = arith.addi %mul3A_0, %arg0 : i32
    %scan3A = arith.constant 0 : i32
    %scan3A_1 = arith.constant 0 : i32
    %scan3A_2 = arith.constant 128 : i32
    %scan3A_3 = arith.addi %scan3A_1, %scan3A_2 : i32
    %scan3A_4 = arith.constant 1 : i32
    scf.for %scan3A_321 = %scan3A_1 to %scan3A_3 step %scan3A_4  : i32 {
      %broadcast_in_dim3A = arith.constant 0.000000e+00 : f32
      %broadcast_in_dim3A_322 = vector.broadcast %broadcast_in_dim3A : f32 to vector<16xf32>
      %swap3A_323 = arith.index_cast %scan3A_321 : i32 to index
      %swap3A_324 = arith.constant 0 : index
      %swap3A_325 = tpu.vector_load %arg16[%swap3A_323, %swap3A_324] {strides = array<i32>} : memref<128x64xf32, #tpu.memory_space<vmem>>, vector<1x16xf32>,
      %swap3A_326 = vector.shape_cast %swap3A_325 : vector<1x16xf32> to vector<16xf32>
      %swap3A_327 = vector.shape_cast %broadcast_in_dim3A_322 : vector<16xf32> to vector<1x16xf32>
      tpu.vector_store %arg16[%swap3A_323, %swap3A_324], %swap3A_327 {strides = array<i32>} : memref<128x64xf32, #tpu.memory_space<vmem>>, vector<1x16xf32>,
      %broadcast_in_dim3A_328 = arith.constant 0.000000e+00 : f32
      %broadcast_in_dim3A_329 = vector.broadcast %broadcast_in_dim3A_328 : f32 to vector<16xf32>
      %swap3A_330 = arith.index_cast %scan3A_321 : i32 to index
      %swap3A_331 = arith.constant 16 : index
      %swap3A_332 = tpu.vector_load %arg16[%swap3A_330, %swap3A_331] {strides = array<i32>} : memref<128x64xf32, #tpu.memory_space<vmem>>, vector<1x16xf32>,
      %swap3A_333 = vector.shape_cast %swap3A_332 : vector<1x16xf32> to vector<16xf32>
      %swap3A_334 = vector.shape_cast %broadcast_in_dim3A_329 : vector<16xf32> to vector<1x16xf32>
      tpu.vector_store %arg16[%swap3A_330, %swap3A_331], %swap3A_334 {strides = array<i32>} : memref<128x64xf32, #tpu.memory_space<vmem>>, vector<1x16xf32>,
      %broadcast_in_dim3A_335 = arith.constant 0.000000e+00 : f32
      %broadcast_in_dim3A_336 = vector.broadcast %broadcast_in_dim3A_335 : f32 to vector<16xf32>
      %swap3A_337 = arith.index_cast %scan3A_321 : i32 to index
      %swap3A_338 = arith.constant 32 : index
      %swap3A_339 = tpu.vector_load %arg16[%swap3A_337, %swap3A_338] {strides = array<i32>} : memref<128x64xf32, #tpu.memory_space<vmem>>, vector<1x16xf32>,
      %swap3A_340 = vector.shape_cast %swap3A_339 : vector<1x16xf32> to vector<16xf32>
      %swap3A_341 = vector.shape_cast %broadcast_in_dim3A_336 : vector<16xf32> to vector<1x16xf32>
      tpu.vector_store %arg16[%swap3A_337, %swap3A_338], %swap3A_341 {strides = array<i32>} : memref<128x64xf32, #tpu.memory_space<vmem>>, vector<1x16xf32>,
      %broadcast_in_dim3A_342 = arith.constant 0.000000e+00 : f32
      %broadcast_in_dim3A_343 = vector.broadcast %broadcast_in_dim3A_342 : f32 to vector<16xf32>
      %swap3A_344 = arith.index_cast %scan3A_321 : i32 to index
      %swap3A_345 = arith.constant 48 : index
      %swap3A_346 = tpu.vector_load %arg16[%swap3A_344, %swap3A_345] {strides = array<i32>} : memref<128x64xf32, #tpu.memory_space<vmem>>, vector<1x16xf32>,
      %swap3A_347 = vector.shape_cast %swap3A_346 : vector<1x16xf32> to vector<16xf32>
      %swap3A_348 = vector.shape_cast %broadcast_in_dim3A_343 : vector<16xf32> to vector<1x16xf32>
      tpu.vector_store %arg16[%swap3A_344, %swap3A_345], %swap3A_348 {strides = array<i32>} : memref<128x64xf32, #tpu.memory_space<vmem>>, vector<1x16xf32>,
    }
    %scan3A_5 = arith.constant 128 : i32
    %mul3A_6 = arith.constant 640 : i32
    %mul3A_7 = arith.muli %arg1, %mul3A_6 : i32
    %add3A_8 = arith.constant 0 : i32
    %add3A_9 = arith.addi %mul3A_7, %add3A_8 : i32
    "tpu.region"() ({
      %run_scoped3A = tpu.sem_alloc : memref<!tpu.dma_semaphore, #tpu.memory_space<semaphore_mem>>
      %dma_start3A_321 = arith.constant 0 : i32
      %dma_start3A_322 = tpu.memref_slice %arg6[%add3A_9, %dma_start3A_321] : memref<10240x64xf32, #tpu.memory_space<vmem_shared>> -> memref<128x64xf32, #tpu.memory_space<vmem_shared>>
      %dma_start3A_323 = arith.constant 0 : i32
      %dma_start3A_324 = tpu.memref_slice %arg6[%add3A_9, %dma_start3A_323] : memref<10240x64xf32, #tpu.memory_space<vmem_shared>> -> memref<128x64xf32, #tpu.memory_space<vmem_shared>>
      tpu.enqueue_dma source(%arg16 : memref<128x64xf32, #tpu.memory_space<vmem>>) target(%dma_start3A_324 : memref<128x64xf32, #tpu.memory_space<vmem_shared>>) target_semaphore(%run_scoped3A : memref<!tpu.dma_semaphore, #tpu.memory_space<semaphore_mem>>)
      %dma_wait3A_325 = arith.constant 0 : i32
      %dma_wait3A_326 = tpu.memref_slice %arg6[%add3A_9, %dma_wait3A_325] : memref<10240x64xf32, #tpu.memory_space<vmem_shared>> -> memref<128x64xf32, #tpu.memory_space<vmem_shared>>
      %dma_wait3A_327 = arith.constant 0 : i32
      %dma_wait3A_328 = tpu.memref_slice %arg6[%add3A_9, %dma_wait3A_327] : memref<10240x64xf32, #tpu.memory_space<vmem_shared>> -> memref<128x64xf32, #tpu.memory_space<vmem_shared>>
      tpu.wait_dma2 semaphore(%run_scoped3A : memref<!tpu.dma_semaphore, #tpu.memory_space<semaphore_mem>>) src(%arg16 : memref<128x64xf32, #tpu.memory_space<vmem>>) dst(%dma_wait3A_328 : memref<128x64xf32, #tpu.memory_space<vmem_shared>>)
      tpu.yield
    }) : () -> ()
    %mul3A_10 = arith.constant 640 : i32
    %mul3A_11 = arith.muli %arg1, %mul3A_10 : i32
    %add3A_12 = arith.constant 128 : i32
    %add3A_13 = arith.addi %mul3A_11, %add3A_12 : i32
    "tpu.region"() ({
      %run_scoped3A = tpu.sem_alloc : memref<!tpu.dma_semaphore, #tpu.memory_space<semaphore_mem>>
      %dma_start3A_321 = arith.constant 0 : i32
      %dma_start3A_322 = tpu.memref_slice %arg6[%add3A_13, %dma_start3A_321] : memref<10240x64xf32, #tpu.memory_space<vmem_shared>> -> memref<128x64xf32, #tpu.memory_space<vmem_shared>>
      %dma_start3A_323 = arith.constant 0 : i32
      %dma_start3A_324 = tpu.memref_slice %arg6[%add3A_13, %dma_start3A_323] : memref<10240x64xf32, #tpu.memory_space<vmem_shared>> -> memref<128x64xf32, #tpu.memory_space<vmem_shared>>
      tpu.enqueue_dma source(%arg16 : memref<128x64xf32, #tpu.memory_space<vmem>>) target(%dma_start3A_324 : memref<128x64xf32, #tpu.memory_space<vmem_shared>>) target_semaphore(%run_scoped3A : memref<!tpu.dma_semaphore, #tpu.memory_space<semaphore_mem>>)
      %dma_wait3A_325 = arith.constant 0 : i32
      %dma_wait3A_326 = tpu.memref_slice %arg6[%add3A_13, %dma_wait3A_325] : memref<10240x64xf32, #tpu.memory_space<vmem_shared>> -> memref<128x64xf32, #tpu.memory_space<vmem_shared>>
      %dma_wait3A_327 = arith.constant 0 : i32
      %dma_wait3A_328 = tpu.memref_slice %arg6[%add3A_13, %dma_wait3A_327] : memref<10240x64xf32, #tpu.memory_space<vmem_shared>> -> memref<128x64xf32, #tpu.memory_space<vmem_shared>>
      tpu.wait_dma2 semaphore(%run_scoped3A : memref<!tpu.dma_semaphore, #tpu.memory_space<semaphore_mem>>) src(%arg16 : memref<128x64xf32, #tpu.memory_space<vmem>>) dst(%dma_wait3A_328 : memref<128x64xf32, #tpu.memory_space<vmem_shared>>)
      tpu.yield
    }) : () -> ()
    %mul3A_14 = arith.constant 640 : i32
    %mul3A_15 = arith.muli %arg1, %mul3A_14 : i32
    %add3A_16 = arith.constant 256 : i32
    %add3A_17 = arith.addi %mul3A_15, %add3A_16 : i32
    "tpu.region"() ({
      %run_scoped3A = tpu.sem_alloc : memref<!tpu.dma_semaphore, #tpu.memory_space<semaphore_mem>>
      %dma_start3A_321 = arith.constant 0 : i32
      %dma_start3A_322 = tpu.memref_slice %arg6[%add3A_17, %dma_start3A_321] : memref<10240x64xf32, #tpu.memory_space<vmem_shared>> -> memref<128x64xf32, #tpu.memory_space<vmem_shared>>
      %dma_start3A_323 = arith.constant 0 : i32
      %dma_start3A_324 = tpu.memref_slice %arg6[%add3A_17, %dma_start3A_323] : memref<10240x64xf32, #tpu.memory_space<vmem_shared>> -> memref<128x64xf32, #tpu.memory_space<vmem_shared>>
      tpu.enqueue_dma source(%arg16 : memref<128x64xf32, #tpu.memory_space<vmem>>) target(%dma_start3A_324 : memref<128x64xf32, #tpu.memory_space<vmem_shared>>) target_semaphore(%run_scoped3A : memref<!tpu.dma_semaphore, #tpu.memory_space<semaphore_mem>>)
      %dma_wait3A_325 = arith.constant 0 : i32
      %dma_wait3A_326 = tpu.memref_slice %arg6[%add3A_17, %dma_wait3A_325] : memref<10240x64xf32, #tpu.memory_space<vmem_shared>> -> memref<128x64xf32, #tpu.memory_space<vmem_shared>>
      %dma_wait3A_327 = arith.constant 0 : i32
      %dma_wait3A_328 = tpu.memref_slice %arg6[%add3A_17, %dma_wait3A_327] : memref<10240x64xf32, #tpu.memory_space<vmem_shared>> -> memref<128x64xf32, #tpu.memory_space<vmem_shared>>
      tpu.wait_dma2 semaphore(%run_scoped3A : memref<!tpu.dma_semaphore, #tpu.memory_space<semaphore_mem>>) src(%arg16 : memref<128x64xf32, #tpu.memory_space<vmem>>) dst(%dma_wait3A_328 : memref<128x64xf32, #tpu.memory_space<vmem_shared>>)
      tpu.yield
    }) : () -> ()
    %mul3A_18 = arith.constant 640 : i32
    %mul3A_19 = arith.muli %arg1, %mul3A_18 : i32
    %add3A_20 = arith.constant 384 : i32
    %add3A_21 = arith.addi %mul3A_19, %add3A_20 : i32
    "tpu.region"() ({
      %run_scoped3A = tpu.sem_alloc : memref<!tpu.dma_semaphore, #tpu.memory_space<semaphore_mem>>
      %dma_start3A_321 = arith.constant 0 : i32
      %dma_start3A_322 = tpu.memref_slice %arg6[%add3A_21, %dma_start3A_321] : memref<10240x64xf32, #tpu.memory_space<vmem_shared>> -> memref<128x64xf32, #tpu.memory_space<vmem_shared>>
      %dma_start3A_323 = arith.constant 0 : i32
      %dma_start3A_324 = tpu.memref_slice %arg6[%add3A_21, %dma_start3A_323] : memref<10240x64xf32, #tpu.memory_space<vmem_shared>> -> memref<128x64xf32, #tpu.memory_space<vmem_shared>>
      tpu.enqueue_dma source(%arg16 : memref<128x64xf32, #tpu.memory_space<vmem>>) target(%dma_start3A_324 : memref<128x64xf32, #tpu.memory_space<vmem_shared>>) target_semaphore(%run_scoped3A : memref<!tpu.dma_semaphore, #tpu.memory_space<semaphore_mem>>)
      %dma_wait3A_325 = arith.constant 0 : i32
      %dma_wait3A_326 = tpu.memref_slice %arg6[%add3A_21, %dma_wait3A_325] : memref<10240x64xf32, #tpu.memory_space<vmem_shared>> -> memref<128x64xf32, #tpu.memory_space<vmem_shared>>
      %dma_wait3A_327 = arith.constant 0 : i32
      %dma_wait3A_328 = tpu.memref_slice %arg6[%add3A_21, %dma_wait3A_327] : memref<10240x64xf32, #tpu.memory_space<vmem_shared>> -> memref<128x64xf32, #tpu.memory_space<vmem_shared>>
      tpu.wait_dma2 semaphore(%run_scoped3A : memref<!tpu.dma_semaphore, #tpu.memory_space<semaphore_mem>>) src(%arg16 : memref<128x64xf32, #tpu.memory_space<vmem>>) dst(%dma_wait3A_328 : memref<128x64xf32, #tpu.memory_space<vmem_shared>>)
      tpu.yield
    }) : () -> ()
    %mul3A_22 = arith.constant 640 : i32
    %mul3A_23 = arith.muli %arg1, %mul3A_22 : i32
    %add3A_24 = arith.constant 512 : i32
    %add3A_25 = arith.addi %mul3A_23, %add3A_24 : i32
    "tpu.region"() ({
      %run_scoped3A = tpu.sem_alloc : memref<!tpu.dma_semaphore, #tpu.memory_space<semaphore_mem>>
      %dma_start3A_321 = arith.constant 0 : i32
      %dma_start3A_322 = tpu.memref_slice %arg6[%add3A_25, %dma_start3A_321] : memref<10240x64xf32, #tpu.memory_space<vmem_shared>> -> memref<128x64xf32, #tpu.memory_space<vmem_shared>>
      %dma_start3A_323 = arith.constant 0 : i32
      %dma_start3A_324 = tpu.memref_slice %arg6[%add3A_25, %dma_start3A_323] : memref<10240x64xf32, #tpu.memory_space<vmem_shared>> -> memref<128x64xf32, #tpu.memory_space<vmem_shared>>
      tpu.enqueue_dma source(%arg16 : memref<128x64xf32, #tpu.memory_space<vmem>>) target(%dma_start3A_324 : memref<128x64xf32, #tpu.memory_space<vmem_shared>>) target_semaphore(%run_scoped3A : memref<!tpu.dma_semaphore, #tpu.memory_space<semaphore_mem>>)
      %dma_wait3A_325 = arith.constant 0 : i32
      %dma_wait3A_326 = tpu.memref_slice %arg6[%add3A_25, %dma_wait3A_325] : memref<10240x64xf32, #tpu.memory_space<vmem_shared>> -> memref<128x64xf32, #tpu.memory_space<vmem_shared>>
      %dma_wait3A_327 = arith.constant 0 : i32
      %dma_wait3A_328 = tpu.memref_slice %arg6[%add3A_25, %dma_wait3A_327] : memref<10240x64xf32, #tpu.memory_space<vmem_shared>> -> memref<128x64xf32, #tpu.memory_space<vmem_shared>>
      tpu.wait_dma2 semaphore(%run_scoped3A : memref<!tpu.dma_semaphore, #tpu.memory_space<semaphore_mem>>) src(%arg16 : memref<128x64xf32, #tpu.memory_space<vmem>>) dst(%dma_wait3A_328 : memref<128x64xf32, #tpu.memory_space<vmem_shared>>)
      tpu.yield
    }) : () -> ()
    "tpu.region"() ({
      %run_scoped3A = tpu.sem_alloc : memref<!tpu.dma_semaphore, #tpu.memory_space<semaphore_mem>>
      %dma_start3A_321 = arith.constant 0 : i32
      %dma_start3A_322 = tpu.memref_slice %arg3[%add3A, %dma_start3A_321] : memref<32x10000xi32, #tpu.memory_space<hbm>> -> memref<1x10000xi32, #tpu.memory_space<hbm>>
      %dma_start3A_323 = tpu.memref_squeeze %dma_start3A_322 : memref<1x10000xi32, #tpu.memory_space<hbm>> -> memref<10000xi32, #tpu.memory_space<hbm>>
      %dma_start3A_324 = arith.constant 0 : i32
      %dma_start3A_325 = tpu.memref_slice %arg3[%add3A, %dma_start3A_324] : memref<32x10000xi32, #tpu.memory_space<hbm>> -> memref<1x10000xi32, #tpu.memory_space<hbm>>
      %dma_start3A_326 = tpu.memref_squeeze %dma_start3A_325 : memref<1x10000xi32, #tpu.memory_space<hbm>> -> memref<10000xi32, #tpu.memory_space<hbm>>
      tpu.enqueue_dma source(%dma_start3A_326 : memref<10000xi32, #tpu.memory_space<hbm>>) target(%arg7 : memref<10000xi32, #tpu.memory_space<vmem>>) target_semaphore(%run_scoped3A : memref<!tpu.dma_semaphore, #tpu.memory_space<semaphore_mem>>)
      %dma_wait3A_327 = arith.constant 0 : i32
      %dma_wait3A_328 = tpu.memref_slice %arg3[%add3A, %dma_wait3A_327] : memref<32x10000xi32, #tpu.memory_space<hbm>> -> memref<1x10000xi32, #tpu.memory_space<hbm>>
      %dma_wait3A_329 = tpu.memref_squeeze %dma_wait3A_328 : memref<1x10000xi32, #tpu.memory_space<hbm>> -> memref<10000xi32, #tpu.memory_space<hbm>>
      %dma_wait3A_330 = arith.constant 0 : i32
      %dma_wait3A_331 = tpu.memref_slice %arg3[%add3A, %dma_wait3A_330] : memref<32x10000xi32, #tpu.memory_space<hbm>> -> memref<1x10000xi32, #tpu.memory_space<hbm>>
      %dma_wait3A_332 = tpu.memref_squeeze %dma_wait3A_331 : memref<1x10000xi32, #tpu.memory_space<hbm>> -> memref<10000xi32, #tpu.memory_space<hbm>>
      tpu.wait_dma2 semaphore(%run_scoped3A : memref<!tpu.dma_semaphore, #tpu.memory_space<semaphore_mem>>) src(%dma_wait3A_332 : memref<10000xi32, #tpu.memory_space<hbm>>) dst(%arg7 : memref<10000xi32, #tpu.memory_space<vmem>>)
      tpu.yield
    }) : () -> ()
    %barrier3A = arith.constant 0 : index
    tpu.barrier barrier_id(%barrier3A)
    %get3A = arith.constant 0 : index
    %get3A_26 = tpu.vector_load %arg7[%get3A] {strides = array<i32>} : memref<10000xi32, #tpu.memory_space<vmem>>, vector<16xi32>,
    %get3A_27 = vector.shape_cast %get3A_26 : vector<16xi32> to vector<16xi32>
    %and3A = arith.constant 65535 : i32
    %and3A_28 = vector.broadcast %and3A : i32 to vector<16xi32>
    %and3A_29 = arith.andi %get3A_27, %and3A_28 : vector<16xi32>
    %swap3A = arith.constant 0 : index
    %swap3A_30 = tpu.vector_load %arg8[%swap3A] {strides = array<i32>} : memref<128xi32, #tpu.memory_space<vmem>>, vector<16xi32>,
    %swap3A_31 = vector.shape_cast %swap3A_30 : vector<16xi32> to vector<16xi32>
    %swap3A_32 = vector.shape_cast %and3A_29 : vector<16xi32> to vector<16xi32>
    tpu.vector_store %arg8[%swap3A], %swap3A_32 {strides = array<i32>} : memref<128xi32, #tpu.memory_space<vmem>>, vector<16xi32>,
    %get3A_33 = arith.constant 16 : index
    %get3A_34 = tpu.vector_load %arg7[%get3A_33] {strides = array<i32>} : memref<10000xi32, #tpu.memory_space<vmem>>, vector<16xi32>,
    %get3A_35 = vector.shape_cast %get3A_34 : vector<16xi32> to vector<16xi32>
    %and3A_36 = arith.constant 65535 : i32
    %and3A_37 = vector.broadcast %and3A_36 : i32 to vector<16xi32>
    %and3A_38 = arith.andi %get3A_35, %and3A_37 : vector<16xi32>
    %swap3A_39 = arith.constant 16 : index
    %swap3A_40 = tpu.vector_load %arg8[%swap3A_39] {strides = array<i32>} : memref<128xi32, #tpu.memory_space<vmem>>, vector<16xi32>,
    %swap3A_41 = vector.shape_cast %swap3A_40 : vector<16xi32> to vector<16xi32>
    %swap3A_42 = vector.shape_cast %and3A_38 : vector<16xi32> to vector<16xi32>
    tpu.vector_store %arg8[%swap3A_39], %swap3A_42 {strides = array<i32>} : memref<128xi32, #tpu.memory_space<vmem>>, vector<16xi32>,
    %get3A_43 = arith.constant 32 : index
    %get3A_44 = tpu.vector_load %arg7[%get3A_43] {strides = array<i32>} : memref<10000xi32, #tpu.memory_space<vmem>>, vector<16xi32>,
    %get3A_45 = vector.shape_cast %get3A_44 : vector<16xi32> to vector<16xi32>
    %and3A_46 = arith.constant 65535 : i32
    %and3A_47 = vector.broadcast %and3A_46 : i32 to vector<16xi32>
    %and3A_48 = arith.andi %get3A_45, %and3A_47 : vector<16xi32>
    %swap3A_49 = arith.constant 32 : index
    %swap3A_50 = tpu.vector_load %arg8[%swap3A_49] {strides = array<i32>} : memref<128xi32, #tpu.memory_space<vmem>>, vector<16xi32>,
    %swap3A_51 = vector.shape_cast %swap3A_50 : vector<16xi32> to vector<16xi32>
    %swap3A_52 = vector.shape_cast %and3A_48 : vector<16xi32> to vector<16xi32>
    tpu.vector_store %arg8[%swap3A_49], %swap3A_52 {strides = array<i32>} : memref<128xi32, #tpu.memory_space<vmem>>, vector<16xi32>,
    %get3A_53 = arith.constant 48 : index
    %get3A_54 = tpu.vector_load %arg7[%get3A_53] {strides = array<i32>} : memref<10000xi32, #tpu.memory_space<vmem>>, vector<16xi32>,
    %get3A_55 = vector.shape_cast %get3A_54 : vector<16xi32> to vector<16xi32>
    %and3A_56 = arith.constant 65535 : i32
    %and3A_57 = vector.broadcast %and3A_56 : i32 to vector<16xi32>
    %and3A_58 = arith.andi %get3A_55, %and3A_57 : vector<16xi32>
    %swap3A_59 = arith.constant 48 : index
    %swap3A_60 = tpu.vector_load %arg8[%swap3A_59] {strides = array<i32>} : memref<128xi32, #tpu.memory_space<vmem>>, vector<16xi32>,
    %swap3A_61 = vector.shape_cast %swap3A_60 : vector<16xi32> to vector<16xi32>
    %swap3A_62 = vector.shape_cast %and3A_58 : vector<16xi32> to vector<16xi32>
    tpu.vector_store %arg8[%swap3A_59], %swap3A_62 {strides = array<i32>} : memref<128xi32, #tpu.memory_space<vmem>>, vector<16xi32>,
    %get3A_63 = arith.constant 64 : index
    %get3A_64 = tpu.vector_load %arg7[%get3A_63] {strides = array<i32>} : memref<10000xi32, #tpu.memory_space<vmem>>, vector<16xi32>,
    %get3A_65 = vector.shape_cast %get3A_64 : vector<16xi32> to vector<16xi32>
    %and3A_66 = arith.constant 65535 : i32
    %and3A_67 = vector.broadcast %and3A_66 : i32 to vector<16xi32>
    %and3A_68 = arith.andi %get3A_65, %and3A_67 : vector<16xi32>
    %swap3A_69 = arith.constant 64 : index
    %swap3A_70 = tpu.vector_load %arg8[%swap3A_69] {strides = array<i32>} : memref<128xi32, #tpu.memory_space<vmem>>, vector<16xi32>,
    %swap3A_71 = vector.shape_cast %swap3A_70 : vector<16xi32> to vector<16xi32>
    %swap3A_72 = vector.shape_cast %and3A_68 : vector<16xi32> to vector<16xi32>
    tpu.vector_store %arg8[%swap3A_69], %swap3A_72 {strides = array<i32>} : memref<128xi32, #tpu.memory_space<vmem>>, vector<16xi32>,
    %get3A_73 = arith.constant 80 : index
    %get3A_74 = tpu.vector_load %arg7[%get3A_73] {strides = array<i32>} : memref<10000xi32, #tpu.memory_space<vmem>>, vector<16xi32>,
    %get3A_75 = vector.shape_cast %get3A_74 : vector<16xi32> to vector<16xi32>
    %and3A_76 = arith.constant 65535 : i32
    %and3A_77 = vector.broadcast %and3A_76 : i32 to vector<16xi32>
    %and3A_78 = arith.andi %get3A_75, %and3A_77 : vector<16xi32>
    %swap3A_79 = arith.constant 80 : index
    %swap3A_80 = tpu.vector_load %arg8[%swap3A_79] {strides = array<i32>} : memref<128xi32, #tpu.memory_space<vmem>>, vector<16xi32>,
    %swap3A_81 = vector.shape_cast %swap3A_80 : vector<16xi32> to vector<16xi32>
    %swap3A_82 = vector.shape_cast %and3A_78 : vector<16xi32> to vector<16xi32>
    tpu.vector_store %arg8[%swap3A_79], %swap3A_82 {strides = array<i32>} : memref<128xi32, #tpu.memory_space<vmem>>, vector<16xi32>,
    %get3A_83 = arith.constant 96 : index
    %get3A_84 = tpu.vector_load %arg7[%get3A_83] {strides = array<i32>} : memref<10000xi32, #tpu.memory_space<vmem>>, vector<16xi32>,
    %get3A_85 = vector.shape_cast %get3A_84 : vector<16xi32> to vector<16xi32>
    %and3A_86 = arith.constant 65535 : i32
    %and3A_87 = vector.broadcast %and3A_86 : i32 to vector<16xi32>
    %and3A_88 = arith.andi %get3A_85, %and3A_87 : vector<16xi32>
    %swap3A_89 = arith.constant 96 : index
    %swap3A_90 = tpu.vector_load %arg8[%swap3A_89] {strides = array<i32>} : memref<128xi32, #tpu.memory_space<vmem>>, vector<16xi32>,
    %swap3A_91 = vector.shape_cast %swap3A_90 : vector<16xi32> to vector<16xi32>
    %swap3A_92 = vector.shape_cast %and3A_88 : vector<16xi32> to vector<16xi32>
    tpu.vector_store %arg8[%swap3A_89], %swap3A_92 {strides = array<i32>} : memref<128xi32, #tpu.memory_space<vmem>>, vector<16xi32>,
    %get3A_93 = arith.constant 112 : index
    %get3A_94 = tpu.vector_load %arg7[%get3A_93] {strides = array<i32>} : memref<10000xi32, #tpu.memory_space<vmem>>, vector<16xi32>,
    %get3A_95 = vector.shape_cast %get3A_94 : vector<16xi32> to vector<16xi32>
    %and3A_96 = arith.constant 65535 : i32
    %and3A_97 = vector.broadcast %and3A_96 : i32 to vector<16xi32>
    %and3A_98 = arith.andi %get3A_95, %and3A_97 : vector<16xi32>
    %swap3A_99 = arith.constant 112 : index
    %swap3A_100 = tpu.vector_load %arg8[%swap3A_99] {strides = array<i32>} : memref<128xi32, #tpu.memory_space<vmem>>, vector<16xi32>,
    %swap3A_101 = vector.shape_cast %swap3A_100 : vector<16xi32> to vector<16xi32>
    %swap3A_102 = vector.shape_cast %and3A_98 : vector<16xi32> to vector<16xi32>
    tpu.vector_store %arg8[%swap3A_99], %swap3A_102 {strides = array<i32>} : memref<128xi32, #tpu.memory_space<vmem>>, vector<16xi32>,
    %dma_start3A = arith.constant 0 : i32
    %dma_start3A_103 = arith.constant 0 : i32
    %dma_start3A_104 = tpu.memref_slice %arg2[%dma_start3A, %dma_start3A_103] : memref<10240x64xf32, #tpu.memory_space<hbm>> -> memref<10240x64xf32, #tpu.memory_space<hbm>>
    tpu.enqueue_indirect_dma source(%dma_start3A_104 : memref<10240x64xf32, #tpu.memory_space<hbm>>) target(%arg16 : memref<128x64xf32, #tpu.memory_space<vmem>>) offsets(%arg8 : memref<128xi32, #tpu.memory_space<vmem>>) semaphore(%arg19 : memref<!tpu.dma_semaphore, #tpu.memory_space<semaphore_mem>>)
    %get3A_105 = arith.constant 128 : index
    %get3A_106 = tpu.vector_load %arg7[%get3A_105] {strides = array<i32>} : memref<10000xi32, #tpu.memory_space<vmem>>, vector<16xi32>,
    %get3A_107 = vector.shape_cast %get3A_106 : vector<16xi32> to vector<16xi32>
    %and3A_108 = arith.constant 65535 : i32
    %and3A_109 = vector.broadcast %and3A_108 : i32 to vector<16xi32>
    %and3A_110 = arith.andi %get3A_107, %and3A_109 : vector<16xi32>
    %swap3A_111 = arith.constant 0 : index
    %swap3A_112 = tpu.vector_load %arg9[%swap3A_111] {strides = array<i32>} : memref<128xi32, #tpu.memory_space<vmem>>, vector<16xi32>,
    %swap3A_113 = vector.shape_cast %swap3A_112 : vector<16xi32> to vector<16xi32>
    %swap3A_114 = vector.shape_cast %and3A_110 : vector<16xi32> to vector<16xi32>
    tpu.vector_store %arg9[%swap3A_111], %swap3A_114 {strides = array<i32>} : memref<128xi32, #tpu.memory_space<vmem>>, vector<16xi32>,
    %get3A_115 = arith.constant 144 : index
    %get3A_116 = tpu.vector_load %arg7[%get3A_115] {strides = array<i32>} : memref<10000xi32, #tpu.memory_space<vmem>>, vector<16xi32>,
    %get3A_117 = vector.shape_cast %get3A_116 : vector<16xi32> to vector<16xi32>
    %and3A_118 = arith.constant 65535 : i32
    %and3A_119 = vector.broadcast %and3A_118 : i32 to vector<16xi32>
    %and3A_120 = arith.andi %get3A_117, %and3A_119 : vector<16xi32>
    %swap3A_121 = arith.constant 16 : index
    %swap3A_122 = tpu.vector_load %arg9[%swap3A_121] {strides = array<i32>} : memref<128xi32, #tpu.memory_space<vmem>>, vector<16xi32>,
    %swap3A_123 = vector.shape_cast %swap3A_122 : vector<16xi32> to vector<16xi32>
    %swap3A_124 = vector.shape_cast %and3A_120 : vector<16xi32> to vector<16xi32>
    tpu.vector_store %arg9[%swap3A_121], %swap3A_124 {strides = array<i32>} : memref<128xi32, #tpu.memory_space<vmem>>, vector<16xi32>,
    %get3A_125 = arith.constant 160 : index
    %get3A_126 = tpu.vector_load %arg7[%get3A_125] {strides = array<i32>} : memref<10000xi32, #tpu.memory_space<vmem>>, vector<16xi32>,
    %get3A_127 = vector.shape_cast %get3A_126 : vector<16xi32> to vector<16xi32>
    %and3A_128 = arith.constant 65535 : i32
    %and3A_129 = vector.broadcast %and3A_128 : i32 to vector<16xi32>
    %and3A_130 = arith.andi %get3A_127, %and3A_129 : vector<16xi32>
    %swap3A_131 = arith.constant 32 : index
    %swap3A_132 = tpu.vector_load %arg9[%swap3A_131] {strides = array<i32>} : memref<128xi32, #tpu.memory_space<vmem>>, vector<16xi32>,
    %swap3A_133 = vector.shape_cast %swap3A_132 : vector<16xi32> to vector<16xi32>
    %swap3A_134 = vector.shape_cast %and3A_130 : vector<16xi32> to vector<16xi32>
    tpu.vector_store %arg9[%swap3A_131], %swap3A_134 {strides = array<i32>} : memref<128xi32, #tpu.memory_space<vmem>>, vector<16xi32>,
    %get3A_135 = arith.constant 176 : index
    %get3A_136 = tpu.vector_load %arg7[%get3A_135] {strides = array<i32>} : memref<10000xi32, #tpu.memory_space<vmem>>, vector<16xi32>,
    %get3A_137 = vector.shape_cast %get3A_136 : vector<16xi32> to vector<16xi32>
    %and3A_138 = arith.constant 65535 : i32
    %and3A_139 = vector.broadcast %and3A_138 : i32 to vector<16xi32>
    %and3A_140 = arith.andi %get3A_137, %and3A_139 : vector<16xi32>
    %swap3A_141 = arith.constant 48 : index
    %swap3A_142 = tpu.vector_load %arg9[%swap3A_141] {strides = array<i32>} : memref<128xi32, #tpu.memory_space<vmem>>, vector<16xi32>,
    %swap3A_143 = vector.shape_cast %swap3A_142 : vector<16xi32> to vector<16xi32>
    %swap3A_144 = vector.shape_cast %and3A_140 : vector<16xi32> to vector<16xi32>
    tpu.vector_store %arg9[%swap3A_141], %swap3A_144 {strides = array<i32>} : memref<128xi32, #tpu.memory_space<vmem>>, vector<16xi32>,
    %get3A_145 = arith.constant 192 : index
    %get3A_146 = tpu.vector_load %arg7[%get3A_145] {strides = array<i32>} : memref<10000xi32, #tpu.memory_space<vmem>>, vector<16xi32>,
    %get3A_147 = vector.shape_cast %get3A_146 : vector<16xi32> to vector<16xi32>
    %and3A_148 = arith.constant 65535 : i32
    %and3A_149 = vector.broadcast %and3A_148 : i32 to vector<16xi32>
    %and3A_150 = arith.andi %get3A_147, %and3A_149 : vector<16xi32>
    %swap3A_151 = arith.constant 64 : index
    %swap3A_152 = tpu.vector_load %arg9[%swap3A_151] {strides = array<i32>} : memref<128xi32, #tpu.memory_space<vmem>>, vector<16xi32>,
    %swap3A_153 = vector.shape_cast %swap3A_152 : vector<16xi32> to vector<16xi32>
    %swap3A_154 = vector.shape_cast %and3A_150 : vector<16xi32> to vector<16xi32>
    tpu.vector_store %arg9[%swap3A_151], %swap3A_154 {strides = array<i32>} : memref<128xi32, #tpu.memory_space<vmem>>, vector<16xi32>,
    %get3A_155 = arith.constant 208 : index
    %get3A_156 = tpu.vector_load %arg7[%get3A_155] {strides = array<i32>} : memref<10000xi32, #tpu.memory_space<vmem>>, vector<16xi32>,
    %get3A_157 = vector.shape_cast %get3A_156 : vector<16xi32> to vector<16xi32>
    %and3A_158 = arith.constant 65535 : i32
    %and3A_159 = vector.broadcast %and3A_158 : i32 to vector<16xi32>
    %and3A_160 = arith.andi %get3A_157, %and3A_159 : vector<16xi32>
    %swap3A_161 = arith.constant 80 : index
    %swap3A_162 = tpu.vector_load %arg9[%swap3A_161] {strides = array<i32>} : memref<128xi32, #tpu.memory_space<vmem>>, vector<16xi32>,
    %swap3A_163 = vector.shape_cast %swap3A_162 : vector<16xi32> to vector<16xi32>
    %swap3A_164 = vector.shape_cast %and3A_160 : vector<16xi32> to vector<16xi32>
    tpu.vector_store %arg9[%swap3A_161], %swap3A_164 {strides = array<i32>} : memref<128xi32, #tpu.memory_space<vmem>>, vector<16xi32>,
    %get3A_165 = arith.constant 224 : index
    %get3A_166 = tpu.vector_load %arg7[%get3A_165] {strides = array<i32>} : memref<10000xi32, #tpu.memory_space<vmem>>, vector<16xi32>,
    %get3A_167 = vector.shape_cast %get3A_166 : vector<16xi32> to vector<16xi32>
    %and3A_168 = arith.constant 65535 : i32
    %and3A_169 = vector.broadcast %and3A_168 : i32 to vector<16xi32>
    %and3A_170 = arith.andi %get3A_167, %and3A_169 : vector<16xi32>
    %swap3A_171 = arith.constant 96 : index
    %swap3A_172 = tpu.vector_load %arg9[%swap3A_171] {strides = array<i32>} : memref<128xi32, #tpu.memory_space<vmem>>, vector<16xi32>,
    %swap3A_173 = vector.shape_cast %swap3A_172 : vector<16xi32> to vector<16xi32>
    %swap3A_174 = vector.shape_cast %and3A_170 : vector<16xi32> to vector<16xi32>
    tpu.vector_store %arg9[%swap3A_171], %swap3A_174 {strides = array<i32>} : memref<128xi32, #tpu.memory_space<vmem>>, vector<16xi32>,
    %get3A_175 = arith.constant 240 : index
    %get3A_176 = tpu.vector_load %arg7[%get3A_175] {strides = array<i32>} : memref<10000xi32, #tpu.memory_space<vmem>>, vector<16xi32>,
    %get3A_177 = vector.shape_cast %get3A_176 : vector<16xi32> to vector<16xi32>
    %and3A_178 = arith.constant 65535 : i32
    %and3A_179 = vector.broadcast %and3A_178 : i32 to vector<16xi32>
    %and3A_180 = arith.andi %get3A_177, %and3A_179 : vector<16xi32>
    %swap3A_181 = arith.constant 112 : index
    %swap3A_182 = tpu.vector_load %arg9[%swap3A_181] {strides = array<i32>} : memref<128xi32, #tpu.memory_space<vmem>>, vector<16xi32>,
    %swap3A_183 = vector.shape_cast %swap3A_182 : vector<16xi32> to vector<16xi32>
    %swap3A_184 = vector.shape_cast %and3A_180 : vector<16xi32> to vector<16xi32>
    tpu.vector_store %arg9[%swap3A_181], %swap3A_184 {strides = array<i32>} : memref<128xi32, #tpu.memory_space<vmem>>, vector<16xi32>,
    %dma_start3A_185 = arith.constant 0 : i32
    %dma_start3A_186 = arith.constant 0 : i32
    %dma_start3A_187 = tpu.memref_slice %arg2[%dma_start3A_185, %dma_start3A_186] : memref<10240x64xf32, #tpu.memory_space<hbm>> -> memref<10240x64xf32, #tpu.memory_space<hbm>>
    tpu.enqueue_indirect_dma source(%dma_start3A_187 : memref<10240x64xf32, #tpu.memory_space<hbm>>) target(%arg17 : memref<128x64xf32, #tpu.memory_space<vmem>>) offsets(%arg9 : memref<128xi32, #tpu.memory_space<vmem>>) semaphore(%arg20 : memref<!tpu.dma_semaphore, #tpu.memory_space<semaphore_mem>>)
    %get3A_188 = arith.constant 256 : index
    %get3A_189 = tpu.vector_load %arg7[%get3A_188] {strides = array<i32>} : memref<10000xi32, #tpu.memory_space<vmem>>, vector<16xi32>,
    %get3A_190 = vector.shape_cast %get3A_189 : vector<16xi32> to vector<16xi32>
    %and3A_191 = arith.constant 65535 : i32
    %and3A_192 = vector.broadcast %and3A_191 : i32 to vector<16xi32>
    %and3A_193 = arith.andi %get3A_190, %and3A_192 : vector<16xi32>
    %swap3A_194 = arith.constant 0 : index
    %swap3A_195 = tpu.vector_load %arg10[%swap3A_194] {strides = array<i32>} : memref<128xi32, #tpu.memory_space<vmem>>, vector<16xi32>,
    %swap3A_196 = vector.shape_cast %swap3A_195 : vector<16xi32> to vector<16xi32>
    %swap3A_197 = vector.shape_cast %and3A_193 : vector<16xi32> to vector<16xi32>
    tpu.vector_store %arg10[%swap3A_194], %swap3A_197 {strides = array<i32>} : memref<128xi32, #tpu.memory_space<vmem>>, vector<16xi32>,
    %get3A_198 = arith.constant 272 : index
    %get3A_199 = tpu.vector_load %arg7[%get3A_198] {strides = array<i32>} : memref<10000xi32, #tpu.memory_space<vmem>>, vector<16xi32>,
    %get3A_200 = vector.shape_cast %get3A_199 : vector<16xi32> to vector<16xi32>
    %and3A_201 = arith.constant 65535 : i32
    %and3A_202 = vector.broadcast %and3A_201 : i32 to vector<16xi32>
    %and3A_203 = arith.andi %get3A_200, %and3A_202 : vector<16xi32>
    %swap3A_204 = arith.constant 16 : index
    %swap3A_205 = tpu.vector_load %arg10[%swap3A_204] {strides = array<i32>} : memref<128xi32, #tpu.memory_space<vmem>>, vector<16xi32>,
    %swap3A_206 = vector.shape_cast %swap3A_205 : vector<16xi32> to vector<16xi32>
    %swap3A_207 = vector.shape_cast %and3A_203 : vector<16xi32> to vector<16xi32>
    tpu.vector_store %arg10[%swap3A_204], %swap3A_207 {strides = array<i32>} : memref<128xi32, #tpu.memory_space<vmem>>, vector<16xi32>,
    %get3A_208 = arith.constant 288 : index
    %get3A_209 = tpu.vector_load %arg7[%get3A_208] {strides = array<i32>} : memref<10000xi32, #tpu.memory_space<vmem>>, vector<16xi32>,
    %get3A_210 = vector.shape_cast %get3A_209 : vector<16xi32> to vector<16xi32>
    %and3A_211 = arith.constant 65535 : i32
    %and3A_212 = vector.broadcast %and3A_211 : i32 to vector<16xi32>
    %and3A_213 = arith.andi %get3A_210, %and3A_212 : vector<16xi32>
    %swap3A_214 = arith.constant 32 : index
    %swap3A_215 = tpu.vector_load %arg10[%swap3A_214] {strides = array<i32>} : memref<128xi32, #tpu.memory_space<vmem>>, vector<16xi32>,
    %swap3A_216 = vector.shape_cast %swap3A_215 : vector<16xi32> to vector<16xi32>
    %swap3A_217 = vector.shape_cast %and3A_213 : vector<16xi32> to vector<16xi32>
    tpu.vector_store %arg10[%swap3A_214], %swap3A_217 {strides = array<i32>} : memref<128xi32, #tpu.memory_space<vmem>>, vector<16xi32>,
    %get3A_218 = arith.constant 304 : index
    %get3A_219 = tpu.vector_load %arg7[%get3A_218] {strides = array<i32>} : memref<10000xi32, #tpu.memory_space<vmem>>, vector<16xi32>,
    %get3A_220 = vector.shape_cast %get3A_219 : vector<16xi32> to vector<16xi32>
    %and3A_221 = arith.constant 65535 : i32
    %and3A_222 = vector.broadcast %and3A_221 : i32 to vector<16xi32>
    %and3A_223 = arith.andi %get3A_220, %and3A_222 : vector<16xi32>
    %swap3A_224 = arith.constant 48 : index
    %swap3A_225 = tpu.vector_load %arg10[%swap3A_224] {strides = array<i32>} : memref<128xi32, #tpu.memory_space<vmem>>, vector<16xi32>,
    %swap3A_226 = vector.shape_cast %swap3A_225 : vector<16xi32> to vector<16xi32>
    %swap3A_227 = vector.shape_cast %and3A_223 : vector<16xi32> to vector<16xi32>
    tpu.vector_store %arg10[%swap3A_224], %swap3A_227 {strides = array<i32>} : memref<128xi32, #tpu.memory_space<vmem>>, vector<16xi32>,
    %get3A_228 = arith.constant 320 : index
    %get3A_229 = tpu.vector_load %arg7[%get3A_228] {strides = array<i32>} : memref<10000xi32, #tpu.memory_space<vmem>>, vector<16xi32>,
    %get3A_230 = vector.shape_cast %get3A_229 : vector<16xi32> to vector<16xi32>
    %and3A_231 = arith.constant 65535 : i32
    %and3A_232 = vector.broadcast %and3A_231 : i32 to vector<16xi32>
    %and3A_233 = arith.andi %get3A_230, %and3A_232 : vector<16xi32>
    %swap3A_234 = arith.constant 64 : index
    %swap3A_235 = tpu.vector_load %arg10[%swap3A_234] {strides = array<i32>} : memref<128xi32, #tpu.memory_space<vmem>>, vector<16xi32>,
    %swap3A_236 = vector.shape_cast %swap3A_235 : vector<16xi32> to vector<16xi32>
    %swap3A_237 = vector.shape_cast %and3A_233 : vector<16xi32> to vector<16xi32>
    tpu.vector_store %arg10[%swap3A_234], %swap3A_237 {strides = array<i32>} : memref<128xi32, #tpu.memory_space<vmem>>, vector<16xi32>,
    %get3A_238 = arith.constant 336 : index
    %get3A_239 = tpu.vector_load %arg7[%get3A_238] {strides = array<i32>} : memref<10000xi32, #tpu.memory_space<vmem>>, vector<16xi32>,
    %get3A_240 = vector.shape_cast %get3A_239 : vector<16xi32> to vector<16xi32>
    %and3A_241 = arith.constant 65535 : i32
    %and3A_242 = vector.broadcast %and3A_241 : i32 to vector<16xi32>
    %and3A_243 = arith.andi %get3A_240, %and3A_242 : vector<16xi32>
    %swap3A_244 = arith.constant 80 : index
    %swap3A_245 = tpu.vector_load %arg10[%swap3A_244] {strides = array<i32>} : memref<128xi32, #tpu.memory_space<vmem>>, vector<16xi32>,
    %swap3A_246 = vector.shape_cast %swap3A_245 : vector<16xi32> to vector<16xi32>
    %swap3A_247 = vector.shape_cast %and3A_243 : vector<16xi32> to vector<16xi32>
    tpu.vector_store %arg10[%swap3A_244], %swap3A_247 {strides = array<i32>} : memref<128xi32, #tpu.memory_space<vmem>>, vector<16xi32>,
    %get3A_248 = arith.constant 352 : index
    %get3A_249 = tpu.vector_load %arg7[%get3A_248] {strides = array<i32>} : memref<10000xi32, #tpu.memory_space<vmem>>, vector<16xi32>,
    %get3A_250 = vector.shape_cast %get3A_249 : vector<16xi32> to vector<16xi32>
    %and3A_251 = arith.constant 65535 : i32
    %and3A_252 = vector.broadcast %and3A_251 : i32 to vector<16xi32>
    %and3A_253 = arith.andi %get3A_250, %and3A_252 : vector<16xi32>
    %swap3A_254 = arith.constant 96 : index
    %swap3A_255 = tpu.vector_load %arg10[%swap3A_254] {strides = array<i32>} : memref<128xi32, #tpu.memory_space<vmem>>, vector<16xi32>,
    %swap3A_256 = vector.shape_cast %swap3A_255 : vector<16xi32> to vector<16xi32>
    %swap3A_257 = vector.shape_cast %and3A_253 : vector<16xi32> to vector<16xi32>
    tpu.vector_store %arg10[%swap3A_254], %swap3A_257 {strides = array<i32>} : memref<128xi32, #tpu.memory_space<vmem>>, vector<16xi32>,
    %get3A_258 = arith.constant 368 : index
    %get3A_259 = tpu.vector_load %arg7[%get3A_258] {strides = array<i32>} : memref<10000xi32, #tpu.memory_space<vmem>>, vector<16xi32>,
    %get3A_260 = vector.shape_cast %get3A_259 : vector<16xi32> to vector<16xi32>
    %and3A_261 = arith.constant 65535 : i32
    %and3A_262 = vector.broadcast %and3A_261 : i32 to vector<16xi32>
    %and3A_263 = arith.andi %get3A_260, %and3A_262 : vector<16xi32>
    %swap3A_264 = arith.constant 112 : index
    %swap3A_265 = tpu.vector_load %arg10[%swap3A_264] {strides = array<i32>} : memref<128xi32, #tpu.memory_space<vmem>>, vector<16xi32>,
    %swap3A_266 = vector.shape_cast %swap3A_265 : vector<16xi32> to vector<16xi32>
    %swap3A_267 = vector.shape_cast %and3A_263 : vector<16xi32> to vector<16xi32>
    tpu.vector_store %arg10[%swap3A_264], %swap3A_267 {strides = array<i32>} : memref<128xi32, #tpu.memory_space<vmem>>, vector<16xi32>,
    %dma_start3A_268 = arith.constant 0 : i32
    %dma_start3A_269 = arith.constant 0 : i32
    %dma_start3A_270 = tpu.memref_slice %arg2[%dma_start3A_268, %dma_start3A_269] : memref<10240x64xf32, #tpu.memory_space<hbm>> -> memref<10240x64xf32, #tpu.memory_space<hbm>>
    tpu.enqueue_indirect_dma source(%dma_start3A_270 : memref<10240x64xf32, #tpu.memory_space<hbm>>) target(%arg18 : memref<128x64xf32, #tpu.memory_space<vmem>>) offsets(%arg10 : memref<128xi32, #tpu.memory_space<vmem>>) semaphore(%arg21 : memref<!tpu.dma_semaphore, #tpu.memory_space<semaphore_mem>>)
    %scan3A_271 = arith.constant 0 : i32
    %scan3A_272 = arith.constant 0 : i32
    %scan3A_273 = arith.constant 26 : i32
    %scan3A_274 = arith.addi %scan3A_272, %scan3A_273 : i32
    %scan3A_275 = arith.constant 1 : i32
    scf.for %scan3A_321 = %scan3A_272 to %scan3A_274 step %scan3A_275  : i32 {
      %mul3A_322 = arith.constant 3 : i32
      %mul3A_323 = arith.muli %mul3A_322, %scan3A_321 : i32
      %dma_wait3A_324 = arith.constant 0 : i32
      %dma_wait3A_325 = arith.constant 0 : i32
      %dma_wait3A_326 = tpu.memref_slice %arg2[%dma_wait3A_324, %dma_wait3A_325] : memref<10240x64xf32, #tpu.memory_space<hbm>> -> memref<10240x64xf32, #tpu.memory_space<hbm>>
      tpu.wait_indirect_dma semaphore(%arg19 : memref<!tpu.dma_semaphore, #tpu.memory_space<semaphore_mem>>) src(%dma_wait3A_326 : memref<10240x64xf32, #tpu.memory_space<hbm>>) dst(%arg16 : memref<128x64xf32, #tpu.memory_space<vmem>>)
      %add3A_327 = arith.constant 0 : i32
      %add3A_328 = arith.addi %mul3A_323, %add3A_327 : i32
      %mul3A_329 = arith.constant 128 : i32
      %mul3A_330 = arith.muli %add3A_328, %mul3A_329 : i32
      %add3A_331 = arith.constant 0 : i32
      %add3A_332 = arith.addi %mul3A_330, %add3A_331 : i32
      %get3A_333 = arith.index_cast %add3A_332 : i32 to index
      %get3A_334 = tpu.vector_load %arg7[%get3A_333] {strides = array<i32>} : memref<10000xi32, #tpu.memory_space<vmem>>, vector<16xi32>,
      %get3A_335 = vector.shape_cast %get3A_334 : vector<16xi32> to vector<16xi32>
      %shift_right_logical3A_336 = arith.constant 16 : i32
      %shift_right_logical3A_337 = vector.broadcast %shift_right_logical3A_336 : i32 to vector<16xi32>
      %shift_right_logical3A_338 = arith.shrui %get3A_335, %shift_right_logical3A_337 : vector<16xi32>
      %swap3A_339 = arith.constant 0 : index
      %swap3A_340 = tpu.vector_load %arg11[%swap3A_339] {strides = array<i32>} : memref<128xi32, #tpu.memory_space<vmem>>, vector<16xi32>,
      %swap3A_341 = vector.shape_cast %swap3A_340 : vector<16xi32> to vector<16xi32>
      %swap3A_342 = vector.shape_cast %shift_right_logical3A_338 : vector<16xi32> to vector<16xi32>
      tpu.vector_store %arg11[%swap3A_339], %swap3A_342 {strides = array<i32>} : memref<128xi32, #tpu.memory_space<vmem>>, vector<16xi32>,
      %mul3A_343 = arith.constant 128 : i32
      %mul3A_344 = arith.muli %add3A_328, %mul3A_343 : i32
      %add3A_345 = arith.constant 16 : i32
      %add3A_346 = arith.addi %mul3A_344, %add3A_345 : i32
      %get3A_347 = arith.index_cast %add3A_346 : i32 to index
      %get3A_348 = tpu.vector_load %arg7[%get3A_347] {strides = array<i32>} : memref<10000xi32, #tpu.memory_space<vmem>>, vector<16xi32>,
      %get3A_349 = vector.shape_cast %get3A_348 : vector<16xi32> to vector<16xi32>
      %shift_right_logical3A_350 = arith.constant 16 : i32
      %shift_right_logical3A_351 = vector.broadcast %shift_right_logical3A_350 : i32 to vector<16xi32>
      %shift_right_logical3A_352 = arith.shrui %get3A_349, %shift_right_logical3A_351 : vector<16xi32>
      %swap3A_353 = arith.constant 16 : index
      %swap3A_354 = tpu.vector_load %arg11[%swap3A_353] {strides = array<i32>} : memref<128xi32, #tpu.memory_space<vmem>>, vector<16xi32>,
      %swap3A_355 = vector.shape_cast %swap3A_354 : vector<16xi32> to vector<16xi32>
      %swap3A_356 = vector.shape_cast %shift_right_logical3A_352 : vector<16xi32> to vector<16xi32>
      tpu.vector_store %arg11[%swap3A_353], %swap3A_356 {strides = array<i32>} : memref<128xi32, #tpu.memory_space<vmem>>, vector<16xi32>,
      %mul3A_357 = arith.constant 128 : i32
      %mul3A_358 = arith.muli %add3A_328, %mul3A_357 : i32
      %add3A_359 = arith.constant 32 : i32
      %add3A_360 = arith.addi %mul3A_358, %add3A_359 : i32
      %get3A_361 = arith.index_cast %add3A_360 : i32 to index
      %get3A_362 = tpu.vector_load %arg7[%get3A_361] {strides = array<i32>} : memref<10000xi32, #tpu.memory_space<vmem>>, vector<16xi32>,
      %get3A_363 = vector.shape_cast %get3A_362 : vector<16xi32> to vector<16xi32>
      %shift_right_logical3A_364 = arith.constant 16 : i32
      %shift_right_logical3A_365 = vector.broadcast %shift_right_logical3A_364 : i32 to vector<16xi32>
      %shift_right_logical3A_366 = arith.shrui %get3A_363, %shift_right_logical3A_365 : vector<16xi32>
      %swap3A_367 = arith.constant 32 : index
      %swap3A_368 = tpu.vector_load %arg11[%swap3A_367] {strides = array<i32>} : memref<128xi32, #tpu.memory_space<vmem>>, vector<16xi32>,
      %swap3A_369 = vector.shape_cast %swap3A_368 : vector<16xi32> to vector<16xi32>
      %swap3A_370 = vector.shape_cast %shift_right_logical3A_366 : vector<16xi32> to vector<16xi32>
      tpu.vector_store %arg11[%swap3A_367], %swap3A_370 {strides = array<i32>} : memref<128xi32, #tpu.memory_space<vmem>>, vector<16xi32>,
      %mul3A_371 = arith.constant 128 : i32
      %mul3A_372 = arith.muli %add3A_328, %mul3A_371 : i32
      %add3A_373 = arith.constant 48 : i32
      %add3A_374 = arith.addi %mul3A_372, %add3A_373 : i32
      %get3A_375 = arith.index_cast %add3A_374 : i32 to index
      %get3A_376 = tpu.vector_load %arg7[%get3A_375] {strides = array<i32>} : memref<10000xi32, #tpu.memory_space<vmem>>, vector<16xi32>,
      %get3A_377 = vector.shape_cast %get3A_376 : vector<16xi32> to vector<16xi32>
      %shift_right_logical3A_378 = arith.constant 16 : i32
      %shift_right_logical3A_379 = vector.broadcast %shift_right_logical3A_378 : i32 to vector<16xi32>
      %shift_right_logical3A_380 = arith.shrui %get3A_377, %shift_right_logical3A_379 : vector<16xi32>
      %swap3A_381 = arith.constant 48 : index
      %swap3A_382 = tpu.vector_load %arg11[%swap3A_381] {strides = array<i32>} : memref<128xi32, #tpu.memory_space<vmem>>, vector<16xi32>,
      %swap3A_383 = vector.shape_cast %swap3A_382 : vector<16xi32> to vector<16xi32>
      %swap3A_384 = vector.shape_cast %shift_right_logical3A_380 : vector<16xi32> to vector<16xi32>
      tpu.vector_store %arg11[%swap3A_381], %swap3A_384 {strides = array<i32>} : memref<128xi32, #tpu.memory_space<vmem>>, vector<16xi32>,
      %mul3A_385 = arith.constant 128 : i32
      %mul3A_386 = arith.muli %add3A_328, %mul3A_385 : i32
      %add3A_387 = arith.constant 64 : i32
      %add3A_388 = arith.addi %mul3A_386, %add3A_387 : i32
      %get3A_389 = arith.index_cast %add3A_388 : i32 to index
      %get3A_390 = tpu.vector_load %arg7[%get3A_389] {strides = array<i32>} : memref<10000xi32, #tpu.memory_space<vmem>>, vector<16xi32>,
      %get3A_391 = vector.shape_cast %get3A_390 : vector<16xi32> to vector<16xi32>
      %shift_right_logical3A_392 = arith.constant 16 : i32
      %shift_right_logical3A_393 = vector.broadcast %shift_right_logical3A_392 : i32 to vector<16xi32>
      %shift_right_logical3A_394 = arith.shrui %get3A_391, %shift_right_logical3A_393 : vector<16xi32>
      %swap3A_395 = arith.constant 64 : index
      %swap3A_396 = tpu.vector_load %arg11[%swap3A_395] {strides = array<i32>} : memref<128xi32, #tpu.memory_space<vmem>>, vector<16xi32>,
      %swap3A_397 = vector.shape_cast %swap3A_396 : vector<16xi32> to vector<16xi32>
      %swap3A_398 = vector.shape_cast %shift_right_logical3A_394 : vector<16xi32> to vector<16xi32>
      tpu.vector_store %arg11[%swap3A_395], %swap3A_398 {strides = array<i32>} : memref<128xi32, #tpu.memory_space<vmem>>, vector<16xi32>,
      %mul3A_399 = arith.constant 128 : i32
      %mul3A_400 = arith.muli %add3A_328, %mul3A_399 : i32
      %add3A_401 = arith.constant 80 : i32
      %add3A_402 = arith.addi %mul3A_400, %add3A_401 : i32
      %get3A_403 = arith.index_cast %add3A_402 : i32 to index
      %get3A_404 = tpu.vector_load %arg7[%get3A_403] {strides = array<i32>} : memref<10000xi32, #tpu.memory_space<vmem>>, vector<16xi32>,
      %get3A_405 = vector.shape_cast %get3A_404 : vector<16xi32> to vector<16xi32>
      %shift_right_logical3A_406 = arith.constant 16 : i32
      %shift_right_logical3A_407 = vector.broadcast %shift_right_logical3A_406 : i32 to vector<16xi32>
      %shift_right_logical3A_408 = arith.shrui %get3A_405, %shift_right_logical3A_407 : vector<16xi32>
      %swap3A_409 = arith.constant 80 : index
      %swap3A_410 = tpu.vector_load %arg11[%swap3A_409] {strides = array<i32>} : memref<128xi32, #tpu.memory_space<vmem>>, vector<16xi32>,
      %swap3A_411 = vector.shape_cast %swap3A_410 : vector<16xi32> to vector<16xi32>
      %swap3A_412 = vector.shape_cast %shift_right_logical3A_408 : vector<16xi32> to vector<16xi32>
      tpu.vector_store %arg11[%swap3A_409], %swap3A_412 {strides = array<i32>} : memref<128xi32, #tpu.memory_space<vmem>>, vector<16xi32>,
      %mul3A_413 = arith.constant 128 : i32
      %mul3A_414 = arith.muli %add3A_328, %mul3A_413 : i32
      %add3A_415 = arith.constant 96 : i32
      %add3A_416 = arith.addi %mul3A_414, %add3A_415 : i32
      %get3A_417 = arith.index_cast %add3A_416 : i32 to index
      %get3A_418 = tpu.vector_load %arg7[%get3A_417] {strides = array<i32>} : memref<10000xi32, #tpu.memory_space<vmem>>, vector<16xi32>,
      %get3A_419 = vector.shape_cast %get3A_418 : vector<16xi32> to vector<16xi32>
      %shift_right_logical3A_420 = arith.constant 16 : i32
      %shift_right_logical3A_421 = vector.broadcast %shift_right_logical3A_420 : i32 to vector<16xi32>
      %shift_right_logical3A_422 = arith.shrui %get3A_419, %shift_right_logical3A_421 : vector<16xi32>
      %swap3A_423 = arith.constant 96 : index
      %swap3A_424 = tpu.vector_load %arg11[%swap3A_423] {strides = array<i32>} : memref<128xi32, #tpu.memory_space<vmem>>, vector<16xi32>,
      %swap3A_425 = vector.shape_cast %swap3A_424 : vector<16xi32> to vector<16xi32>
      %swap3A_426 = vector.shape_cast %shift_right_logical3A_422 : vector<16xi32> to vector<16xi32>
      tpu.vector_store %arg11[%swap3A_423], %swap3A_426 {strides = array<i32>} : memref<128xi32, #tpu.memory_space<vmem>>, vector<16xi32>,
      %mul3A_427 = arith.constant 128 : i32
      %mul3A_428 = arith.muli %add3A_328, %mul3A_427 : i32
      %add3A_429 = arith.constant 112 : i32
      %add3A_430 = arith.addi %mul3A_428, %add3A_429 : i32
      %get3A_431 = arith.index_cast %add3A_430 : i32 to index
      %get3A_432 = tpu.vector_load %arg7[%get3A_431] {strides = array<i32>} : memref<10000xi32, #tpu.memory_space<vmem>>, vector<16xi32>,
      %get3A_433 = vector.shape_cast %get3A_432 : vector<16xi32> to vector<16xi32>
      %shift_right_logical3A_434 = arith.constant 16 : i32
      %shift_right_logical3A_435 = vector.broadcast %shift_right_logical3A_434 : i32 to vector<16xi32>
      %shift_right_logical3A_436 = arith.shrui %get3A_433, %shift_right_logical3A_435 : vector<16xi32>
      %swap3A_437 = arith.constant 112 : index
      %swap3A_438 = tpu.vector_load %arg11[%swap3A_437] {strides = array<i32>} : memref<128xi32, #tpu.memory_space<vmem>>, vector<16xi32>,
      %swap3A_439 = vector.shape_cast %swap3A_438 : vector<16xi32> to vector<16xi32>
      %swap3A_440 = vector.shape_cast %shift_right_logical3A_436 : vector<16xi32> to vector<16xi32>
      tpu.vector_store %arg11[%swap3A_437], %swap3A_440 {strides = array<i32>} : memref<128xi32, #tpu.memory_space<vmem>>, vector<16xi32>,
      %dma_start3A_441 = arith.constant 0 : i32
      %dma_start3A_442 = arith.constant 0 : i32
      %dma_start3A_443 = tpu.memref_slice %arg6[%dma_start3A_441, %dma_start3A_442] : memref<10240x64xf32, #tpu.memory_space<vmem_shared>> -> memref<10240x64xf32, #tpu.memory_space<vmem_shared>>
      tpu.enqueue_indirect_dma source(%arg16 : memref<128x64xf32, #tpu.memory_space<vmem>>) target(%dma_start3A_443 : memref<10240x64xf32, #tpu.memory_space<vmem_shared>>) offsets(%arg11 : memref<128xi32, #tpu.memory_space<vmem>>) semaphore(%arg22 : memref<!tpu.dma_semaphore, #tpu.memory_space<semaphore_mem>>) {add = true}
      %dma_wait3A_444 = arith.constant 0 : i32
      %dma_wait3A_445 = arith.constant 0 : i32
      %dma_wait3A_446 = tpu.memref_slice %arg2[%dma_wait3A_444, %dma_wait3A_445] : memref<10240x64xf32, #tpu.memory_space<hbm>> -> memref<10240x64xf32, #tpu.memory_space<hbm>>
      tpu.wait_indirect_dma semaphore(%arg20 : memref<!tpu.dma_semaphore, #tpu.memory_space<semaphore_mem>>) src(%dma_wait3A_446 : memref<10240x64xf32, #tpu.memory_space<hbm>>) dst(%arg17 : memref<128x64xf32, #tpu.memory_space<vmem>>)
      %add3A_447 = arith.constant 1 : i32
      %add3A_448 = arith.addi %mul3A_323, %add3A_447 : i32
      %mul3A_449 = arith.constant 128 : i32
      %mul3A_450 = arith.muli %add3A_448, %mul3A_449 : i32
      %add3A_451 = arith.constant 0 : i32
      %add3A_452 = arith.addi %mul3A_450, %add3A_451 : i32
      %get3A_453 = arith.index_cast %add3A_452 : i32 to index
      %get3A_454 = tpu.vector_load %arg7[%get3A_453] {strides = array<i32>} : memref<10000xi32, #tpu.memory_space<vmem>>, vector<16xi32>,
      %get3A_455 = vector.shape_cast %get3A_454 : vector<16xi32> to vector<16xi32>
      %shift_right_logical3A_456 = arith.constant 16 : i32
      %shift_right_logical3A_457 = vector.broadcast %shift_right_logical3A_456 : i32 to vector<16xi32>
      %shift_right_logical3A_458 = arith.shrui %get3A_455, %shift_right_logical3A_457 : vector<16xi32>
      %swap3A_459 = arith.constant 0 : index
      %swap3A_460 = tpu.vector_load %arg12[%swap3A_459] {strides = array<i32>} : memref<128xi32, #tpu.memory_space<vmem>>, vector<16xi32>,
      %swap3A_461 = vector.shape_cast %swap3A_460 : vector<16xi32> to vector<16xi32>
      %swap3A_462 = vector.shape_cast %shift_right_logical3A_458 : vector<16xi32> to vector<16xi32>
      tpu.vector_store %arg12[%swap3A_459], %swap3A_462 {strides = array<i32>} : memref<128xi32, #tpu.memory_space<vmem>>, vector<16xi32>,
      %mul3A_463 = arith.constant 128 : i32
      %mul3A_464 = arith.muli %add3A_448, %mul3A_463 : i32
      %add3A_465 = arith.constant 16 : i32
      %add3A_466 = arith.addi %mul3A_464, %add3A_465 : i32
      %get3A_467 = arith.index_cast %add3A_466 : i32 to index
      %get3A_468 = tpu.vector_load %arg7[%get3A_467] {strides = array<i32>} : memref<10000xi32, #tpu.memory_space<vmem>>, vector<16xi32>,
      %get3A_469 = vector.shape_cast %get3A_468 : vector<16xi32> to vector<16xi32>
      %shift_right_logical3A_470 = arith.constant 16 : i32
      %shift_right_logical3A_471 = vector.broadcast %shift_right_logical3A_470 : i32 to vector<16xi32>
      %shift_right_logical3A_472 = arith.shrui %get3A_469, %shift_right_logical3A_471 : vector<16xi32>
      %swap3A_473 = arith.constant 16 : index
      %swap3A_474 = tpu.vector_load %arg12[%swap3A_473] {strides = array<i32>} : memref<128xi32, #tpu.memory_space<vmem>>, vector<16xi32>,
      %swap3A_475 = vector.shape_cast %swap3A_474 : vector<16xi32> to vector<16xi32>
      %swap3A_476 = vector.shape_cast %shift_right_logical3A_472 : vector<16xi32> to vector<16xi32>
      tpu.vector_store %arg12[%swap3A_473], %swap3A_476 {strides = array<i32>} : memref<128xi32, #tpu.memory_space<vmem>>, vector<16xi32>,
      %mul3A_477 = arith.constant 128 : i32
      %mul3A_478 = arith.muli %add3A_448, %mul3A_477 : i32
      %add3A_479 = arith.constant 32 : i32
      %add3A_480 = arith.addi %mul3A_478, %add3A_479 : i32
      %get3A_481 = arith.index_cast %add3A_480 : i32 to index
      %get3A_482 = tpu.vector_load %arg7[%get3A_481] {strides = array<i32>} : memref<10000xi32, #tpu.memory_space<vmem>>, vector<16xi32>,
      %get3A_483 = vector.shape_cast %get3A_482 : vector<16xi32> to vector<16xi32>
      %shift_right_logical3A_484 = arith.constant 16 : i32
      %shift_right_logical3A_485 = vector.broadcast %shift_right_logical3A_484 : i32 to vector<16xi32>
      %shift_right_logical3A_486 = arith.shrui %get3A_483, %shift_right_logical3A_485 : vector<16xi32>
      %swap3A_487 = arith.constant 32 : index
      %swap3A_488 = tpu.vector_load %arg12[%swap3A_487] {strides = array<i32>} : memref<128xi32, #tpu.memory_space<vmem>>, vector<16xi32>,
      %swap3A_489 = vector.shape_cast %swap3A_488 : vector<16xi32> to vector<16xi32>
      %swap3A_490 = vector.shape_cast %shift_right_logical3A_486 : vector<16xi32> to vector<16xi32>
      tpu.vector_store %arg12[%swap3A_487], %swap3A_490 {strides = array<i32>} : memref<128xi32, #tpu.memory_space<vmem>>, vector<16xi32>,
      %mul3A_491 = arith.constant 128 : i32
      %mul3A_492 = arith.muli %add3A_448, %mul3A_491 : i32
      %add3A_493 = arith.constant 48 : i32
      %add3A_494 = arith.addi %mul3A_492, %add3A_493 : i32
      %get3A_495 = arith.index_cast %add3A_494 : i32 to index
      %get3A_496 = tpu.vector_load %arg7[%get3A_495] {strides = array<i32>} : memref<10000xi32, #tpu.memory_space<vmem>>, vector<16xi32>,
      %get3A_497 = vector.shape_cast %get3A_496 : vector<16xi32> to vector<16xi32>
      %shift_right_logical3A_498 = arith.constant 16 : i32
      %shift_right_logical3A_499 = vector.broadcast %shift_right_logical3A_498 : i32 to vector<16xi32>
      %shift_right_logical3A_500 = arith.shrui %get3A_497, %shift_right_logical3A_499 : vector<16xi32>
      %swap3A_501 = arith.constant 48 : index
      %swap3A_502 = tpu.vector_load %arg12[%swap3A_501] {strides = array<i32>} : memref<128xi32, #tpu.memory_space<vmem>>, vector<16xi32>,
      %swap3A_503 = vector.shape_cast %swap3A_502 : vector<16xi32> to vector<16xi32>
      %swap3A_504 = vector.shape_cast %shift_right_logical3A_500 : vector<16xi32> to vector<16xi32>
      tpu.vector_store %arg12[%swap3A_501], %swap3A_504 {strides = array<i32>} : memref<128xi32, #tpu.memory_space<vmem>>, vector<16xi32>,
      %mul3A_505 = arith.constant 128 : i32
      %mul3A_506 = arith.muli %add3A_448, %mul3A_505 : i32
      %add3A_507 = arith.constant 64 : i32
      %add3A_508 = arith.addi %mul3A_506, %add3A_507 : i32
      %get3A_509 = arith.index_cast %add3A_508 : i32 to index
      %get3A_510 = tpu.vector_load %arg7[%get3A_509] {strides = array<i32>} : memref<10000xi32, #tpu.memory_space<vmem>>, vector<16xi32>,
      %get3A_511 = vector.shape_cast %get3A_510 : vector<16xi32> to vector<16xi32>
      %shift_right_logical3A_512 = arith.constant 16 : i32
      %shift_right_logical3A_513 = vector.broadcast %shift_right_logical3A_512 : i32 to vector<16xi32>
      %shift_right_logical3A_514 = arith.shrui %get3A_511, %shift_right_logical3A_513 : vector<16xi32>
      %swap3A_515 = arith.constant 64 : index
      %swap3A_516 = tpu.vector_load %arg12[%swap3A_515] {strides = array<i32>} : memref<128xi32, #tpu.memory_space<vmem>>, vector<16xi32>,
      %swap3A_517 = vector.shape_cast %swap3A_516 : vector<16xi32> to vector<16xi32>
      %swap3A_518 = vector.shape_cast %shift_right_logical3A_514 : vector<16xi32> to vector<16xi32>
      tpu.vector_store %arg12[%swap3A_515], %swap3A_518 {strides = array<i32>} : memref<128xi32, #tpu.memory_space<vmem>>, vector<16xi32>,
      %mul3A_519 = arith.constant 128 : i32
      %mul3A_520 = arith.muli %add3A_448, %mul3A_519 : i32
      %add3A_521 = arith.constant 80 : i32
      %add3A_522 = arith.addi %mul3A_520, %add3A_521 : i32
      %get3A_523 = arith.index_cast %add3A_522 : i32 to index
      %get3A_524 = tpu.vector_load %arg7[%get3A_523] {strides = array<i32>} : memref<10000xi32, #tpu.memory_space<vmem>>, vector<16xi32>,
      %get3A_525 = vector.shape_cast %get3A_524 : vector<16xi32> to vector<16xi32>
      %shift_right_logical3A_526 = arith.constant 16 : i32
      %shift_right_logical3A_527 = vector.broadcast %shift_right_logical3A_526 : i32 to vector<16xi32>
      %shift_right_logical3A_528 = arith.shrui %get3A_525, %shift_right_logical3A_527 : vector<16xi32>
      %swap3A_529 = arith.constant 80 : index
      %swap3A_530 = tpu.vector_load %arg12[%swap3A_529] {strides = array<i32>} : memref<128xi32, #tpu.memory_space<vmem>>, vector<16xi32>,
      %swap3A_531 = vector.shape_cast %swap3A_530 : vector<16xi32> to vector<16xi32>
      %swap3A_532 = vector.shape_cast %shift_right_logical3A_528 : vector<16xi32> to vector<16xi32>
      tpu.vector_store %arg12[%swap3A_529], %swap3A_532 {strides = array<i32>} : memref<128xi32, #tpu.memory_space<vmem>>, vector<16xi32>,
      %mul3A_533 = arith.constant 128 : i32
      %mul3A_534 = arith.muli %add3A_448, %mul3A_533 : i32
      %add3A_535 = arith.constant 96 : i32
      %add3A_536 = arith.addi %mul3A_534, %add3A_535 : i32
      %get3A_537 = arith.index_cast %add3A_536 : i32 to index
      %get3A_538 = tpu.vector_load %arg7[%get3A_537] {strides = array<i32>} : memref<10000xi32, #tpu.memory_space<vmem>>, vector<16xi32>,
      %get3A_539 = vector.shape_cast %get3A_538 : vector<16xi32> to vector<16xi32>
      %shift_right_logical3A_540 = arith.constant 16 : i32
      %shift_right_logical3A_541 = vector.broadcast %shift_right_logical3A_540 : i32 to vector<16xi32>
      %shift_right_logical3A_542 = arith.shrui %get3A_539, %shift_right_logical3A_541 : vector<16xi32>
      %swap3A_543 = arith.constant 96 : index
      %swap3A_544 = tpu.vector_load %arg12[%swap3A_543] {strides = array<i32>} : memref<128xi32, #tpu.memory_space<vmem>>, vector<16xi32>,
      %swap3A_545 = vector.shape_cast %swap3A_544 : vector<16xi32> to vector<16xi32>
      %swap3A_546 = vector.shape_cast %shift_right_logical3A_542 : vector<16xi32> to vector<16xi32>
      tpu.vector_store %arg12[%swap3A_543], %swap3A_546 {strides = array<i32>} : memref<128xi32, #tpu.memory_space<vmem>>, vector<16xi32>,
      %mul3A_547 = arith.constant 128 : i32
      %mul3A_548 = arith.muli %add3A_448, %mul3A_547 : i32
      %add3A_549 = arith.constant 112 : i32
      %add3A_550 = arith.addi %mul3A_548, %add3A_549 : i32
      %get3A_551 = arith.index_cast %add3A_550 : i32 to index
      %get3A_552 = tpu.vector_load %arg7[%get3A_551] {strides = array<i32>} : memref<10000xi32, #tpu.memory_space<vmem>>, vector<16xi32>,
      %get3A_553 = vector.shape_cast %get3A_552 : vector<16xi32> to vector<16xi32>
      %shift_right_logical3A_554 = arith.constant 16 : i32
      %shift_right_logical3A_555 = vector.broadcast %shift_right_logical3A_554 : i32 to vector<16xi32>
      %shift_right_logical3A_556 = arith.shrui %get3A_553, %shift_right_logical3A_555 : vector<16xi32>
      %swap3A_557 = arith.constant 112 : index
      %swap3A_558 = tpu.vector_load %arg12[%swap3A_557] {strides = array<i32>} : memref<128xi32, #tpu.memory_space<vmem>>, vector<16xi32>,
      %swap3A_559 = vector.shape_cast %swap3A_558 : vector<16xi32> to vector<16xi32>
      %swap3A_560 = vector.shape_cast %shift_right_logical3A_556 : vector<16xi32> to vector<16xi32>
      tpu.vector_store %arg12[%swap3A_557], %swap3A_560 {strides = array<i32>} : memref<128xi32, #tpu.memory_space<vmem>>, vector<16xi32>,
      %dma_start3A_561 = arith.constant 0 : i32
      %dma_start3A_562 = arith.constant 0 : i32
      %dma_start3A_563 = tpu.memref_slice %arg6[%dma_start3A_561, %dma_start3A_562] : memref<10240x64xf32, #tpu.memory_space<vmem_shared>> -> memref<10240x64xf32, #tpu.memory_space<vmem_shared>>
      tpu.enqueue_indirect_dma source(%arg17 : memref<128x64xf32, #tpu.memory_space<vmem>>) target(%dma_start3A_563 : memref<10240x64xf32, #tpu.memory_space<vmem_shared>>) offsets(%arg12 : memref<128xi32, #tpu.memory_space<vmem>>) semaphore(%arg23 : memref<!tpu.dma_semaphore, #tpu.memory_space<semaphore_mem>>) {add = true}
      %dma_wait3A_564 = arith.constant 0 : i32
      %dma_wait3A_565 = arith.constant 0 : i32
      %dma_wait3A_566 = tpu.memref_slice %arg2[%dma_wait3A_564, %dma_wait3A_565] : memref<10240x64xf32, #tpu.memory_space<hbm>> -> memref<10240x64xf32, #tpu.memory_space<hbm>>
      tpu.wait_indirect_dma semaphore(%arg21 : memref<!tpu.dma_semaphore, #tpu.memory_space<semaphore_mem>>) src(%dma_wait3A_566 : memref<10240x64xf32, #tpu.memory_space<hbm>>) dst(%arg18 : memref<128x64xf32, #tpu.memory_space<vmem>>)
      %add3A_567 = arith.constant 2 : i32
      %add3A_568 = arith.addi %mul3A_323, %add3A_567 : i32
      %mul3A_569 = arith.constant 128 : i32
      %mul3A_570 = arith.muli %add3A_568, %mul3A_569 : i32
      %add3A_571 = arith.constant 0 : i32
      %add3A_572 = arith.addi %mul3A_570, %add3A_571 : i32
      %get3A_573 = arith.index_cast %add3A_572 : i32 to index
      %get3A_574 = tpu.vector_load %arg7[%get3A_573] {strides = array<i32>} : memref<10000xi32, #tpu.memory_space<vmem>>, vector<16xi32>,
      %get3A_575 = vector.shape_cast %get3A_574 : vector<16xi32> to vector<16xi32>
      %shift_right_logical3A_576 = arith.constant 16 : i32
      %shift_right_logical3A_577 = vector.broadcast %shift_right_logical3A_576 : i32 to vector<16xi32>
      %shift_right_logical3A_578 = arith.shrui %get3A_575, %shift_right_logical3A_577 : vector<16xi32>
      %swap3A_579 = arith.constant 0 : index
      %swap3A_580 = tpu.vector_load %arg13[%swap3A_579] {strides = array<i32>} : memref<128xi32, #tpu.memory_space<vmem>>, vector<16xi32>,
      %swap3A_581 = vector.shape_cast %swap3A_580 : vector<16xi32> to vector<16xi32>
      %swap3A_582 = vector.shape_cast %shift_right_logical3A_578 : vector<16xi32> to vector<16xi32>
      tpu.vector_store %arg13[%swap3A_579], %swap3A_582 {strides = array<i32>} : memref<128xi32, #tpu.memory_space<vmem>>, vector<16xi32>,
      %mul3A_583 = arith.constant 128 : i32
      %mul3A_584 = arith.muli %add3A_568, %mul3A_583 : i32
      %add3A_585 = arith.constant 16 : i32
      %add3A_586 = arith.addi %mul3A_584, %add3A_585 : i32
      %get3A_587 = arith.index_cast %add3A_586 : i32 to index
      %get3A_588 = tpu.vector_load %arg7[%get3A_587] {strides = array<i32>} : memref<10000xi32, #tpu.memory_space<vmem>>, vector<16xi32>,
      %get3A_589 = vector.shape_cast %get3A_588 : vector<16xi32> to vector<16xi32>
      %shift_right_logical3A_590 = arith.constant 16 : i32
      %shift_right_logical3A_591 = vector.broadcast %shift_right_logical3A_590 : i32 to vector<16xi32>
      %shift_right_logical3A_592 = arith.shrui %get3A_589, %shift_right_logical3A_591 : vector<16xi32>
      %swap3A_593 = arith.constant 16 : index
      %swap3A_594 = tpu.vector_load %arg13[%swap3A_593] {strides = array<i32>} : memref<128xi32, #tpu.memory_space<vmem>>, vector<16xi32>,
      %swap3A_595 = vector.shape_cast %swap3A_594 : vector<16xi32> to vector<16xi32>
      %swap3A_596 = vector.shape_cast %shift_right_logical3A_592 : vector<16xi32> to vector<16xi32>
      tpu.vector_store %arg13[%swap3A_593], %swap3A_596 {strides = array<i32>} : memref<128xi32, #tpu.memory_space<vmem>>, vector<16xi32>,
      %mul3A_597 = arith.constant 128 : i32
      %mul3A_598 = arith.muli %add3A_568, %mul3A_597 : i32
      %add3A_599 = arith.constant 32 : i32
      %add3A_600 = arith.addi %mul3A_598, %add3A_599 : i32
      %get3A_601 = arith.index_cast %add3A_600 : i32 to index
      %get3A_602 = tpu.vector_load %arg7[%get3A_601] {strides = array<i32>} : memref<10000xi32, #tpu.memory_space<vmem>>, vector<16xi32>,
      %get3A_603 = vector.shape_cast %get3A_602 : vector<16xi32> to vector<16xi32>
      %shift_right_logical3A_604 = arith.constant 16 : i32
      %shift_right_logical3A_605 = vector.broadcast %shift_right_logical3A_604 : i32 to vector<16xi32>
      %shift_right_logical3A_606 = arith.shrui %get3A_603, %shift_right_logical3A_605 : vector<16xi32>
      %swap3A_607 = arith.constant 32 : index
      %swap3A_608 = tpu.vector_load %arg13[%swap3A_607] {strides = array<i32>} : memref<128xi32, #tpu.memory_space<vmem>>, vector<16xi32>,
      %swap3A_609 = vector.shape_cast %swap3A_608 : vector<16xi32> to vector<16xi32>
      %swap3A_610 = vector.shape_cast %shift_right_logical3A_606 : vector<16xi32> to vector<16xi32>
      tpu.vector_store %arg13[%swap3A_607], %swap3A_610 {strides = array<i32>} : memref<128xi32, #tpu.memory_space<vmem>>, vector<16xi32>,
      %mul3A_611 = arith.constant 128 : i32
      %mul3A_612 = arith.muli %add3A_568, %mul3A_611 : i32
      %add3A_613 = arith.constant 48 : i32
      %add3A_614 = arith.addi %mul3A_612, %add3A_613 : i32
      %get3A_615 = arith.index_cast %add3A_614 : i32 to index
      %get3A_616 = tpu.vector_load %arg7[%get3A_615] {strides = array<i32>} : memref<10000xi32, #tpu.memory_space<vmem>>, vector<16xi32>,
      %get3A_617 = vector.shape_cast %get3A_616 : vector<16xi32> to vector<16xi32>
      %shift_right_logical3A_618 = arith.constant 16 : i32
      %shift_right_logical3A_619 = vector.broadcast %shift_right_logical3A_618 : i32 to vector<16xi32>
      %shift_right_logical3A_620 = arith.shrui %get3A_617, %shift_right_logical3A_619 : vector<16xi32>
      %swap3A_621 = arith.constant 48 : index
      %swap3A_622 = tpu.vector_load %arg13[%swap3A_621] {strides = array<i32>} : memref<128xi32, #tpu.memory_space<vmem>>, vector<16xi32>,
      %swap3A_623 = vector.shape_cast %swap3A_622 : vector<16xi32> to vector<16xi32>
      %swap3A_624 = vector.shape_cast %shift_right_logical3A_620 : vector<16xi32> to vector<16xi32>
      tpu.vector_store %arg13[%swap3A_621], %swap3A_624 {strides = array<i32>} : memref<128xi32, #tpu.memory_space<vmem>>, vector<16xi32>,
      %mul3A_625 = arith.constant 128 : i32
      %mul3A_626 = arith.muli %add3A_568, %mul3A_625 : i32
      %add3A_627 = arith.constant 64 : i32
      %add3A_628 = arith.addi %mul3A_626, %add3A_627 : i32
      %get3A_629 = arith.index_cast %add3A_628 : i32 to index
      %get3A_630 = tpu.vector_load %arg7[%get3A_629] {strides = array<i32>} : memref<10000xi32, #tpu.memory_space<vmem>>, vector<16xi32>,
      %get3A_631 = vector.shape_cast %get3A_630 : vector<16xi32> to vector<16xi32>
      %shift_right_logical3A_632 = arith.constant 16 : i32
      %shift_right_logical3A_633 = vector.broadcast %shift_right_logical3A_632 : i32 to vector<16xi32>
      %shift_right_logical3A_634 = arith.shrui %get3A_631, %shift_right_logical3A_633 : vector<16xi32>
      %swap3A_635 = arith.constant 64 : index
      %swap3A_636 = tpu.vector_load %arg13[%swap3A_635] {strides = array<i32>} : memref<128xi32, #tpu.memory_space<vmem>>, vector<16xi32>,
      %swap3A_637 = vector.shape_cast %swap3A_636 : vector<16xi32> to vector<16xi32>
      %swap3A_638 = vector.shape_cast %shift_right_logical3A_634 : vector<16xi32> to vector<16xi32>
      tpu.vector_store %arg13[%swap3A_635], %swap3A_638 {strides = array<i32>} : memref<128xi32, #tpu.memory_space<vmem>>, vector<16xi32>,
      %mul3A_639 = arith.constant 128 : i32
      %mul3A_640 = arith.muli %add3A_568, %mul3A_639 : i32
      %add3A_641 = arith.constant 80 : i32
      %add3A_642 = arith.addi %mul3A_640, %add3A_641 : i32
      %get3A_643 = arith.index_cast %add3A_642 : i32 to index
      %get3A_644 = tpu.vector_load %arg7[%get3A_643] {strides = array<i32>} : memref<10000xi32, #tpu.memory_space<vmem>>, vector<16xi32>,
      %get3A_645 = vector.shape_cast %get3A_644 : vector<16xi32> to vector<16xi32>
      %shift_right_logical3A_646 = arith.constant 16 : i32
      %shift_right_logical3A_647 = vector.broadcast %shift_right_logical3A_646 : i32 to vector<16xi32>
      %shift_right_logical3A_648 = arith.shrui %get3A_645, %shift_right_logical3A_647 : vector<16xi32>
      %swap3A_649 = arith.constant 80 : index
      %swap3A_650 = tpu.vector_load %arg13[%swap3A_649] {strides = array<i32>} : memref<128xi32, #tpu.memory_space<vmem>>, vector<16xi32>,
      %swap3A_651 = vector.shape_cast %swap3A_650 : vector<16xi32> to vector<16xi32>
      %swap3A_652 = vector.shape_cast %shift_right_logical3A_648 : vector<16xi32> to vector<16xi32>
      tpu.vector_store %arg13[%swap3A_649], %swap3A_652 {strides = array<i32>} : memref<128xi32, #tpu.memory_space<vmem>>, vector<16xi32>,
      %mul3A_653 = arith.constant 128 : i32
      %mul3A_654 = arith.muli %add3A_568, %mul3A_653 : i32
      %add3A_655 = arith.constant 96 : i32
      %add3A_656 = arith.addi %mul3A_654, %add3A_655 : i32
      %get3A_657 = arith.index_cast %add3A_656 : i32 to index
      %get3A_658 = tpu.vector_load %arg7[%get3A_657] {strides = array<i32>} : memref<10000xi32, #tpu.memory_space<vmem>>, vector<16xi32>,
      %get3A_659 = vector.shape_cast %get3A_658 : vector<16xi32> to vector<16xi32>
      %shift_right_logical3A_660 = arith.constant 16 : i32
      %shift_right_logical3A_661 = vector.broadcast %shift_right_logical3A_660 : i32 to vector<16xi32>
      %shift_right_logical3A_662 = arith.shrui %get3A_659, %shift_right_logical3A_661 : vector<16xi32>
      %swap3A_663 = arith.constant 96 : index
      %swap3A_664 = tpu.vector_load %arg13[%swap3A_663] {strides = array<i32>} : memref<128xi32, #tpu.memory_space<vmem>>, vector<16xi32>,
      %swap3A_665 = vector.shape_cast %swap3A_664 : vector<16xi32> to vector<16xi32>
      %swap3A_666 = vector.shape_cast %shift_right_logical3A_662 : vector<16xi32> to vector<16xi32>
      tpu.vector_store %arg13[%swap3A_663], %swap3A_666 {strides = array<i32>} : memref<128xi32, #tpu.memory_space<vmem>>, vector<16xi32>,
      %mul3A_667 = arith.constant 128 : i32
      %mul3A_668 = arith.muli %add3A_568, %mul3A_667 : i32
      %add3A_669 = arith.constant 112 : i32
      %add3A_670 = arith.addi %mul3A_668, %add3A_669 : i32
      %get3A_671 = arith.index_cast %add3A_670 : i32 to index
      %get3A_672 = tpu.vector_load %arg7[%get3A_671] {strides = array<i32>} : memref<10000xi32, #tpu.memory_space<vmem>>, vector<16xi32>,
      %get3A_673 = vector.shape_cast %get3A_672 : vector<16xi32> to vector<16xi32>
      %shift_right_logical3A_674 = arith.constant 16 : i32
      %shift_right_logical3A_675 = vector.broadcast %shift_right_logical3A_674 : i32 to vector<16xi32>
      %shift_right_logical3A_676 = arith.shrui %get3A_673, %shift_right_logical3A_675 : vector<16xi32>
      %swap3A_677 = arith.constant 112 : index
      %swap3A_678 = tpu.vector_load %arg13[%swap3A_677] {strides = array<i32>} : memref<128xi32, #tpu.memory_space<vmem>>, vector<16xi32>,
      %swap3A_679 = vector.shape_cast %swap3A_678 : vector<16xi32> to vector<16xi32>
      %swap3A_680 = vector.shape_cast %shift_right_logical3A_676 : vector<16xi32> to vector<16xi32>
      tpu.vector_store %arg13[%swap3A_677], %swap3A_680 {strides = array<i32>} : memref<128xi32, #tpu.memory_space<vmem>>, vector<16xi32>,
      %dma_start3A_681 = arith.constant 0 : i32
      %dma_start3A_682 = arith.constant 0 : i32
      %dma_start3A_683 = tpu.memref_slice %arg6[%dma_start3A_681, %dma_start3A_682] : memref<10240x64xf32, #tpu.memory_space<vmem_shared>> -> memref<10240x64xf32, #tpu.memory_space<vmem_shared>>
      tpu.enqueue_indirect_dma source(%arg18 : memref<128x64xf32, #tpu.memory_space<vmem>>) target(%dma_start3A_683 : memref<10240x64xf32, #tpu.memory_space<vmem_shared>>) offsets(%arg13 : memref<128xi32, #tpu.memory_space<vmem>>) semaphore(%arg24 : memref<!tpu.dma_semaphore, #tpu.memory_space<semaphore_mem>>) {add = true}
      %add3A_684 = arith.constant 3 : i32
      %add3A_685 = arith.addi %mul3A_323, %add3A_684 : i32
      %add3A_686 = arith.constant 0 : i32
      %add3A_687 = arith.addi %add3A_685, %add3A_686 : i32
      %lt3A = arith.constant 78 : i32
      %lt3A_688 = arith.cmpi slt, %add3A_687, %lt3A : i32
      %convert_element_type3A_689 = arith.extui %lt3A_688 : i1 to i32
      %cond3A_690 = arith.constant 0 : i32
      %cond3A_691 = arith.cmpi ne, %convert_element_type3A_689, %cond3A_690 : i32
      scf.if %cond3A_691 {
        %dma_wait3A_710 = arith.constant 0 : i32
        %dma_wait3A_711 = arith.constant 0 : i32
        %dma_wait3A_712 = tpu.memref_slice %arg6[%dma_wait3A_710, %dma_wait3A_711] : memref<10240x64xf32, #tpu.memory_space<vmem_shared>> -> memref<10240x64xf32, #tpu.memory_space<vmem_shared>>
        tpu.wait_indirect_dma semaphore(%arg22 : memref<!tpu.dma_semaphore, #tpu.memory_space<semaphore_mem>>) src(%arg16 : memref<128x64xf32, #tpu.memory_space<vmem>>) dst(%dma_wait3A_712 : memref<10240x64xf32, #tpu.memory_space<vmem_shared>>)
        %add3A_713 = arith.constant 3 : i32
        %add3A_714 = arith.addi %mul3A_323, %add3A_713 : i32
        %add3A_715 = arith.constant 0 : i32
        %add3A_716 = arith.addi %add3A_714, %add3A_715 : i32
        %mul3A_717 = arith.constant 128 : i32
        %mul3A_718 = arith.muli %add3A_716, %mul3A_717 : i32
        %add3A_719 = arith.constant 0 : i32
        %add3A_720 = arith.addi %mul3A_718, %add3A_719 : i32
        %get3A_721 = arith.index_cast %add3A_720 : i32 to index
        %get3A_722 = tpu.vector_load %arg7[%get3A_721] {strides = array<i32>} : memref<10000xi32, #tpu.memory_space<vmem>>, vector<16xi32>,
        %get3A_723 = vector.shape_cast %get3A_722 : vector<16xi32> to vector<16xi32>
        %and3A_724 = arith.constant 65535 : i32
        %and3A_725 = vector.broadcast %and3A_724 : i32 to vector<16xi32>
        %and3A_726 = arith.andi %get3A_723, %and3A_725 : vector<16xi32>
        %swap3A_727 = arith.constant 0 : index
        %swap3A_728 = tpu.vector_load %arg8[%swap3A_727] {strides = array<i32>} : memref<128xi32, #tpu.memory_space<vmem>>, vector<16xi32>,
        %swap3A_729 = vector.shape_cast %swap3A_728 : vector<16xi32> to vector<16xi32>
        %swap3A_730 = vector.shape_cast %and3A_726 : vector<16xi32> to vector<16xi32>
        tpu.vector_store %arg8[%swap3A_727], %swap3A_730 {strides = array<i32>} : memref<128xi32, #tpu.memory_space<vmem>>, vector<16xi32>,
        %mul3A_731 = arith.constant 128 : i32
        %mul3A_732 = arith.muli %add3A_716, %mul3A_731 : i32
        %add3A_733 = arith.constant 16 : i32
        %add3A_734 = arith.addi %mul3A_732, %add3A_733 : i32
        %get3A_735 = arith.index_cast %add3A_734 : i32 to index
        %get3A_736 = tpu.vector_load %arg7[%get3A_735] {strides = array<i32>} : memref<10000xi32, #tpu.memory_space<vmem>>, vector<16xi32>,
        %get3A_737 = vector.shape_cast %get3A_736 : vector<16xi32> to vector<16xi32>
        %and3A_738 = arith.constant 65535 : i32
        %and3A_739 = vector.broadcast %and3A_738 : i32 to vector<16xi32>
        %and3A_740 = arith.andi %get3A_737, %and3A_739 : vector<16xi32>
        %swap3A_741 = arith.constant 16 : index
        %swap3A_742 = tpu.vector_load %arg8[%swap3A_741] {strides = array<i32>} : memref<128xi32, #tpu.memory_space<vmem>>, vector<16xi32>,
        %swap3A_743 = vector.shape_cast %swap3A_742 : vector<16xi32> to vector<16xi32>
        %swap3A_744 = vector.shape_cast %and3A_740 : vector<16xi32> to vector<16xi32>
        tpu.vector_store %arg8[%swap3A_741], %swap3A_744 {strides = array<i32>} : memref<128xi32, #tpu.memory_space<vmem>>, vector<16xi32>,
        %mul3A_745 = arith.constant 128 : i32
        %mul3A_746 = arith.muli %add3A_716, %mul3A_745 : i32
        %add3A_747 = arith.constant 32 : i32
        %add3A_748 = arith.addi %mul3A_746, %add3A_747 : i32
        %get3A_749 = arith.index_cast %add3A_748 : i32 to index
        %get3A_750 = tpu.vector_load %arg7[%get3A_749] {strides = array<i32>} : memref<10000xi32, #tpu.memory_space<vmem>>, vector<16xi32>,
        %get3A_751 = vector.shape_cast %get3A_750 : vector<16xi32> to vector<16xi32>
        %and3A_752 = arith.constant 65535 : i32
        %and3A_753 = vector.broadcast %and3A_752 : i32 to vector<16xi32>
        %and3A_754 = arith.andi %get3A_751, %and3A_753 : vector<16xi32>
        %swap3A_755 = arith.constant 32 : index
        %swap3A_756 = tpu.vector_load %arg8[%swap3A_755] {strides = array<i32>} : memref<128xi32, #tpu.memory_space<vmem>>, vector<16xi32>,
        %swap3A_757 = vector.shape_cast %swap3A_756 : vector<16xi32> to vector<16xi32>
        %swap3A_758 = vector.shape_cast %and3A_754 : vector<16xi32> to vector<16xi32>
        tpu.vector_store %arg8[%swap3A_755], %swap3A_758 {strides = array<i32>} : memref<128xi32, #tpu.memory_space<vmem>>, vector<16xi32>,
        %mul3A_759 = arith.constant 128 : i32
        %mul3A_760 = arith.muli %add3A_716, %mul3A_759 : i32
        %add3A_761 = arith.constant 48 : i32
        %add3A_762 = arith.addi %mul3A_760, %add3A_761 : i32
        %get3A_763 = arith.index_cast %add3A_762 : i32 to index
        %get3A_764 = tpu.vector_load %arg7[%get3A_763] {strides = array<i32>} : memref<10000xi32, #tpu.memory_space<vmem>>, vector<16xi32>,
        %get3A_765 = vector.shape_cast %get3A_764 : vector<16xi32> to vector<16xi32>
        %and3A_766 = arith.constant 65535 : i32
        %and3A_767 = vector.broadcast %and3A_766 : i32 to vector<16xi32>
        %and3A_768 = arith.andi %get3A_765, %and3A_767 : vector<16xi32>
        %swap3A_769 = arith.constant 48 : index
        %swap3A_770 = tpu.vector_load %arg8[%swap3A_769] {strides = array<i32>} : memref<128xi32, #tpu.memory_space<vmem>>, vector<16xi32>,
        %swap3A_771 = vector.shape_cast %swap3A_770 : vector<16xi32> to vector<16xi32>
        %swap3A_772 = vector.shape_cast %and3A_768 : vector<16xi32> to vector<16xi32>
        tpu.vector_store %arg8[%swap3A_769], %swap3A_772 {strides = array<i32>} : memref<128xi32, #tpu.memory_space<vmem>>, vector<16xi32>,
        %mul3A_773 = arith.constant 128 : i32
        %mul3A_774 = arith.muli %add3A_716, %mul3A_773 : i32
        %add3A_775 = arith.constant 64 : i32
        %add3A_776 = arith.addi %mul3A_774, %add3A_775 : i32
        %get3A_777 = arith.index_cast %add3A_776 : i32 to index
        %get3A_778 = tpu.vector_load %arg7[%get3A_777] {strides = array<i32>} : memref<10000xi32, #tpu.memory_space<vmem>>, vector<16xi32>,
        %get3A_779 = vector.shape_cast %get3A_778 : vector<16xi32> to vector<16xi32>
        %and3A_780 = arith.constant 65535 : i32
        %and3A_781 = vector.broadcast %and3A_780 : i32 to vector<16xi32>
        %and3A_782 = arith.andi %get3A_779, %and3A_781 : vector<16xi32>
        %swap3A_783 = arith.constant 64 : index
        %swap3A_784 = tpu.vector_load %arg8[%swap3A_783] {strides = array<i32>} : memref<128xi32, #tpu.memory_space<vmem>>, vector<16xi32>,
        %swap3A_785 = vector.shape_cast %swap3A_784 : vector<16xi32> to vector<16xi32>
        %swap3A_786 = vector.shape_cast %and3A_782 : vector<16xi32> to vector<16xi32>
        tpu.vector_store %arg8[%swap3A_783], %swap3A_786 {strides = array<i32>} : memref<128xi32, #tpu.memory_space<vmem>>, vector<16xi32>,
        %mul3A_787 = arith.constant 128 : i32
        %mul3A_788 = arith.muli %add3A_716, %mul3A_787 : i32
        %add3A_789 = arith.constant 80 : i32
        %add3A_790 = arith.addi %mul3A_788, %add3A_789 : i32
        %get3A_791 = arith.index_cast %add3A_790 : i32 to index
        %get3A_792 = tpu.vector_load %arg7[%get3A_791] {strides = array<i32>} : memref<10000xi32, #tpu.memory_space<vmem>>, vector<16xi32>,
        %get3A_793 = vector.shape_cast %get3A_792 : vector<16xi32> to vector<16xi32>
        %and3A_794 = arith.constant 65535 : i32
        %and3A_795 = vector.broadcast %and3A_794 : i32 to vector<16xi32>
        %and3A_796 = arith.andi %get3A_793, %and3A_795 : vector<16xi32>
        %swap3A_797 = arith.constant 80 : index
        %swap3A_798 = tpu.vector_load %arg8[%swap3A_797] {strides = array<i32>} : memref<128xi32, #tpu.memory_space<vmem>>, vector<16xi32>,
        %swap3A_799 = vector.shape_cast %swap3A_798 : vector<16xi32> to vector<16xi32>
        %swap3A_800 = vector.shape_cast %and3A_796 : vector<16xi32> to vector<16xi32>
        tpu.vector_store %arg8[%swap3A_797], %swap3A_800 {strides = array<i32>} : memref<128xi32, #tpu.memory_space<vmem>>, vector<16xi32>,
        %mul3A_801 = arith.constant 128 : i32
        %mul3A_802 = arith.muli %add3A_716, %mul3A_801 : i32
        %add3A_803 = arith.constant 96 : i32
        %add3A_804 = arith.addi %mul3A_802, %add3A_803 : i32
        %get3A_805 = arith.index_cast %add3A_804 : i32 to index
        %get3A_806 = tpu.vector_load %arg7[%get3A_805] {strides = array<i32>} : memref<10000xi32, #tpu.memory_space<vmem>>, vector<16xi32>,
        %get3A_807 = vector.shape_cast %get3A_806 : vector<16xi32> to vector<16xi32>
        %and3A_808 = arith.constant 65535 : i32
        %and3A_809 = vector.broadcast %and3A_808 : i32 to vector<16xi32>
        %and3A_810 = arith.andi %get3A_807, %and3A_809 : vector<16xi32>
        %swap3A_811 = arith.constant 96 : index
        %swap3A_812 = tpu.vector_load %arg8[%swap3A_811] {strides = array<i32>} : memref<128xi32, #tpu.memory_space<vmem>>, vector<16xi32>,
        %swap3A_813 = vector.shape_cast %swap3A_812 : vector<16xi32> to vector<16xi32>
        %swap3A_814 = vector.shape_cast %and3A_810 : vector<16xi32> to vector<16xi32>
        tpu.vector_store %arg8[%swap3A_811], %swap3A_814 {strides = array<i32>} : memref<128xi32, #tpu.memory_space<vmem>>, vector<16xi32>,
        %mul3A_815 = arith.constant 128 : i32
        %mul3A_816 = arith.muli %add3A_716, %mul3A_815 : i32
        %add3A_817 = arith.constant 112 : i32
        %add3A_818 = arith.addi %mul3A_816, %add3A_817 : i32
        %get3A_819 = arith.index_cast %add3A_818 : i32 to index
        %get3A_820 = tpu.vector_load %arg7[%get3A_819] {strides = array<i32>} : memref<10000xi32, #tpu.memory_space<vmem>>, vector<16xi32>,
        %get3A_821 = vector.shape_cast %get3A_820 : vector<16xi32> to vector<16xi32>
        %and3A_822 = arith.constant 65535 : i32
        %and3A_823 = vector.broadcast %and3A_822 : i32 to vector<16xi32>
        %and3A_824 = arith.andi %get3A_821, %and3A_823 : vector<16xi32>
        %swap3A_825 = arith.constant 112 : index
        %swap3A_826 = tpu.vector_load %arg8[%swap3A_825] {strides = array<i32>} : memref<128xi32, #tpu.memory_space<vmem>>, vector<16xi32>,
        %swap3A_827 = vector.shape_cast %swap3A_826 : vector<16xi32> to vector<16xi32>
        %swap3A_828 = vector.shape_cast %and3A_824 : vector<16xi32> to vector<16xi32>
        tpu.vector_store %arg8[%swap3A_825], %swap3A_828 {strides = array<i32>} : memref<128xi32, #tpu.memory_space<vmem>>, vector<16xi32>,
        %dma_start3A_829 = arith.constant 0 : i32
        %dma_start3A_830 = arith.constant 0 : i32
        %dma_start3A_831 = tpu.memref_slice %arg2[%dma_start3A_829, %dma_start3A_830] : memref<10240x64xf32, #tpu.memory_space<hbm>> -> memref<10240x64xf32, #tpu.memory_space<hbm>>
        tpu.enqueue_indirect_dma source(%dma_start3A_831 : memref<10240x64xf32, #tpu.memory_space<hbm>>) target(%arg16 : memref<128x64xf32, #tpu.memory_space<vmem>>) offsets(%arg8 : memref<128xi32, #tpu.memory_space<vmem>>) semaphore(%arg19 : memref<!tpu.dma_semaphore, #tpu.memory_space<semaphore_mem>>)
      } else {
      }
      %add3A_692 = arith.constant 3 : i32
      %add3A_693 = arith.addi %mul3A_323, %add3A_692 : i32
      %add3A_694 = arith.constant 1 : i32
      %add3A_695 = arith.addi %add3A_693, %add3A_694 : i32
      %lt3A_696 = arith.constant 78 : i32
      %lt3A_697 = arith.cmpi slt, %add3A_695, %lt3A_696 : i32
      %convert_element_type3A_698 = arith.extui %lt3A_697 : i1 to i32
      %cond3A_699 = arith.constant 0 : i32
      %cond3A_700 = arith.cmpi ne, %convert_element_type3A_698, %cond3A_699 : i32
      scf.if %cond3A_700 {
        %dma_wait3A_710 = arith.constant 0 : i32
        %dma_wait3A_711 = arith.constant 0 : i32
        %dma_wait3A_712 = tpu.memref_slice %arg6[%dma_wait3A_710, %dma_wait3A_711] : memref<10240x64xf32, #tpu.memory_space<vmem_shared>> -> memref<10240x64xf32, #tpu.memory_space<vmem_shared>>
        tpu.wait_indirect_dma semaphore(%arg23 : memref<!tpu.dma_semaphore, #tpu.memory_space<semaphore_mem>>) src(%arg17 : memref<128x64xf32, #tpu.memory_space<vmem>>) dst(%dma_wait3A_712 : memref<10240x64xf32, #tpu.memory_space<vmem_shared>>)
        %add3A_713 = arith.constant 3 : i32
        %add3A_714 = arith.addi %mul3A_323, %add3A_713 : i32
        %add3A_715 = arith.constant 1 : i32
        %add3A_716 = arith.addi %add3A_714, %add3A_715 : i32
        %mul3A_717 = arith.constant 128 : i32
        %mul3A_718 = arith.muli %add3A_716, %mul3A_717 : i32
        %add3A_719 = arith.constant 0 : i32
        %add3A_720 = arith.addi %mul3A_718, %add3A_719 : i32
        %get3A_721 = arith.index_cast %add3A_720 : i32 to index
        %get3A_722 = tpu.vector_load %arg7[%get3A_721] {strides = array<i32>} : memref<10000xi32, #tpu.memory_space<vmem>>, vector<16xi32>,
        %get3A_723 = vector.shape_cast %get3A_722 : vector<16xi32> to vector<16xi32>
        %and3A_724 = arith.constant 65535 : i32
        %and3A_725 = vector.broadcast %and3A_724 : i32 to vector<16xi32>
        %and3A_726 = arith.andi %get3A_723, %and3A_725 : vector<16xi32>
        %swap3A_727 = arith.constant 0 : index
        %swap3A_728 = tpu.vector_load %arg9[%swap3A_727] {strides = array<i32>} : memref<128xi32, #tpu.memory_space<vmem>>, vector<16xi32>,
        %swap3A_729 = vector.shape_cast %swap3A_728 : vector<16xi32> to vector<16xi32>
        %swap3A_730 = vector.shape_cast %and3A_726 : vector<16xi32> to vector<16xi32>
        tpu.vector_store %arg9[%swap3A_727], %swap3A_730 {strides = array<i32>} : memref<128xi32, #tpu.memory_space<vmem>>, vector<16xi32>,
        %mul3A_731 = arith.constant 128 : i32
        %mul3A_732 = arith.muli %add3A_716, %mul3A_731 : i32
        %add3A_733 = arith.constant 16 : i32
        %add3A_734 = arith.addi %mul3A_732, %add3A_733 : i32
        %get3A_735 = arith.index_cast %add3A_734 : i32 to index
        %get3A_736 = tpu.vector_load %arg7[%get3A_735] {strides = array<i32>} : memref<10000xi32, #tpu.memory_space<vmem>>, vector<16xi32>,
        %get3A_737 = vector.shape_cast %get3A_736 : vector<16xi32> to vector<16xi32>
        %and3A_738 = arith.constant 65535 : i32
        %and3A_739 = vector.broadcast %and3A_738 : i32 to vector<16xi32>
        %and3A_740 = arith.andi %get3A_737, %and3A_739 : vector<16xi32>
        %swap3A_741 = arith.constant 16 : index
        %swap3A_742 = tpu.vector_load %arg9[%swap3A_741] {strides = array<i32>} : memref<128xi32, #tpu.memory_space<vmem>>, vector<16xi32>,
        %swap3A_743 = vector.shape_cast %swap3A_742 : vector<16xi32> to vector<16xi32>
        %swap3A_744 = vector.shape_cast %and3A_740 : vector<16xi32> to vector<16xi32>
        tpu.vector_store %arg9[%swap3A_741], %swap3A_744 {strides = array<i32>} : memref<128xi32, #tpu.memory_space<vmem>>, vector<16xi32>,
        %mul3A_745 = arith.constant 128 : i32
        %mul3A_746 = arith.muli %add3A_716, %mul3A_745 : i32
        %add3A_747 = arith.constant 32 : i32
        %add3A_748 = arith.addi %mul3A_746, %add3A_747 : i32
        %get3A_749 = arith.index_cast %add3A_748 : i32 to index
        %get3A_750 = tpu.vector_load %arg7[%get3A_749] {strides = array<i32>} : memref<10000xi32, #tpu.memory_space<vmem>>, vector<16xi32>,
        %get3A_751 = vector.shape_cast %get3A_750 : vector<16xi32> to vector<16xi32>
        %and3A_752 = arith.constant 65535 : i32
        %and3A_753 = vector.broadcast %and3A_752 : i32 to vector<16xi32>
        %and3A_754 = arith.andi %get3A_751, %and3A_753 : vector<16xi32>
        %swap3A_755 = arith.constant 32 : index
        %swap3A_756 = tpu.vector_load %arg9[%swap3A_755] {strides = array<i32>} : memref<128xi32, #tpu.memory_space<vmem>>, vector<16xi32>,
        %swap3A_757 = vector.shape_cast %swap3A_756 : vector<16xi32> to vector<16xi32>
        %swap3A_758 = vector.shape_cast %and3A_754 : vector<16xi32> to vector<16xi32>
        tpu.vector_store %arg9[%swap3A_755], %swap3A_758 {strides = array<i32>} : memref<128xi32, #tpu.memory_space<vmem>>, vector<16xi32>,
        %mul3A_759 = arith.constant 128 : i32
        %mul3A_760 = arith.muli %add3A_716, %mul3A_759 : i32
        %add3A_761 = arith.constant 48 : i32
        %add3A_762 = arith.addi %mul3A_760, %add3A_761 : i32
        %get3A_763 = arith.index_cast %add3A_762 : i32 to index
        %get3A_764 = tpu.vector_load %arg7[%get3A_763] {strides = array<i32>} : memref<10000xi32, #tpu.memory_space<vmem>>, vector<16xi32>,
        %get3A_765 = vector.shape_cast %get3A_764 : vector<16xi32> to vector<16xi32>
        %and3A_766 = arith.constant 65535 : i32
        %and3A_767 = vector.broadcast %and3A_766 : i32 to vector<16xi32>
        %and3A_768 = arith.andi %get3A_765, %and3A_767 : vector<16xi32>
        %swap3A_769 = arith.constant 48 : index
        %swap3A_770 = tpu.vector_load %arg9[%swap3A_769] {strides = array<i32>} : memref<128xi32, #tpu.memory_space<vmem>>, vector<16xi32>,
        %swap3A_771 = vector.shape_cast %swap3A_770 : vector<16xi32> to vector<16xi32>
        %swap3A_772 = vector.shape_cast %and3A_768 : vector<16xi32> to vector<16xi32>
        tpu.vector_store %arg9[%swap3A_769], %swap3A_772 {strides = array<i32>} : memref<128xi32, #tpu.memory_space<vmem>>, vector<16xi32>,
        %mul3A_773 = arith.constant 128 : i32
        %mul3A_774 = arith.muli %add3A_716, %mul3A_773 : i32
        %add3A_775 = arith.constant 64 : i32
        %add3A_776 = arith.addi %mul3A_774, %add3A_775 : i32
        %get3A_777 = arith.index_cast %add3A_776 : i32 to index
        %get3A_778 = tpu.vector_load %arg7[%get3A_777] {strides = array<i32>} : memref<10000xi32, #tpu.memory_space<vmem>>, vector<16xi32>,
        %get3A_779 = vector.shape_cast %get3A_778 : vector<16xi32> to vector<16xi32>
        %and3A_780 = arith.constant 65535 : i32
        %and3A_781 = vector.broadcast %and3A_780 : i32 to vector<16xi32>
        %and3A_782 = arith.andi %get3A_779, %and3A_781 : vector<16xi32>
        %swap3A_783 = arith.constant 64 : index
        %swap3A_784 = tpu.vector_load %arg9[%swap3A_783] {strides = array<i32>} : memref<128xi32, #tpu.memory_space<vmem>>, vector<16xi32>,
        %swap3A_785 = vector.shape_cast %swap3A_784 : vector<16xi32> to vector<16xi32>
        %swap3A_786 = vector.shape_cast %and3A_782 : vector<16xi32> to vector<16xi32>
        tpu.vector_store %arg9[%swap3A_783], %swap3A_786 {strides = array<i32>} : memref<128xi32, #tpu.memory_space<vmem>>, vector<16xi32>,
        %mul3A_787 = arith.constant 128 : i32
        %mul3A_788 = arith.muli %add3A_716, %mul3A_787 : i32
        %add3A_789 = arith.constant 80 : i32
        %add3A_790 = arith.addi %mul3A_788, %add3A_789 : i32
        %get3A_791 = arith.index_cast %add3A_790 : i32 to index
        %get3A_792 = tpu.vector_load %arg7[%get3A_791] {strides = array<i32>} : memref<10000xi32, #tpu.memory_space<vmem>>, vector<16xi32>,
        %get3A_793 = vector.shape_cast %get3A_792 : vector<16xi32> to vector<16xi32>
        %and3A_794 = arith.constant 65535 : i32
        %and3A_795 = vector.broadcast %and3A_794 : i32 to vector<16xi32>
        %and3A_796 = arith.andi %get3A_793, %and3A_795 : vector<16xi32>
        %swap3A_797 = arith.constant 80 : index
        %swap3A_798 = tpu.vector_load %arg9[%swap3A_797] {strides = array<i32>} : memref<128xi32, #tpu.memory_space<vmem>>, vector<16xi32>,
        %swap3A_799 = vector.shape_cast %swap3A_798 : vector<16xi32> to vector<16xi32>
        %swap3A_800 = vector.shape_cast %and3A_796 : vector<16xi32> to vector<16xi32>
        tpu.vector_store %arg9[%swap3A_797], %swap3A_800 {strides = array<i32>} : memref<128xi32, #tpu.memory_space<vmem>>, vector<16xi32>,
        %mul3A_801 = arith.constant 128 : i32
        %mul3A_802 = arith.muli %add3A_716, %mul3A_801 : i32
        %add3A_803 = arith.constant 96 : i32
        %add3A_804 = arith.addi %mul3A_802, %add3A_803 : i32
        %get3A_805 = arith.index_cast %add3A_804 : i32 to index
        %get3A_806 = tpu.vector_load %arg7[%get3A_805] {strides = array<i32>} : memref<10000xi32, #tpu.memory_space<vmem>>, vector<16xi32>,
        %get3A_807 = vector.shape_cast %get3A_806 : vector<16xi32> to vector<16xi32>
        %and3A_808 = arith.constant 65535 : i32
        %and3A_809 = vector.broadcast %and3A_808 : i32 to vector<16xi32>
        %and3A_810 = arith.andi %get3A_807, %and3A_809 : vector<16xi32>
        %swap3A_811 = arith.constant 96 : index
        %swap3A_812 = tpu.vector_load %arg9[%swap3A_811] {strides = array<i32>} : memref<128xi32, #tpu.memory_space<vmem>>, vector<16xi32>,
        %swap3A_813 = vector.shape_cast %swap3A_812 : vector<16xi32> to vector<16xi32>
        %swap3A_814 = vector.shape_cast %and3A_810 : vector<16xi32> to vector<16xi32>
        tpu.vector_store %arg9[%swap3A_811], %swap3A_814 {strides = array<i32>} : memref<128xi32, #tpu.memory_space<vmem>>, vector<16xi32>,
        %mul3A_815 = arith.constant 128 : i32
        %mul3A_816 = arith.muli %add3A_716, %mul3A_815 : i32
        %add3A_817 = arith.constant 112 : i32
        %add3A_818 = arith.addi %mul3A_816, %add3A_817 : i32
        %get3A_819 = arith.index_cast %add3A_818 : i32 to index
        %get3A_820 = tpu.vector_load %arg7[%get3A_819] {strides = array<i32>} : memref<10000xi32, #tpu.memory_space<vmem>>, vector<16xi32>,
        %get3A_821 = vector.shape_cast %get3A_820 : vector<16xi32> to vector<16xi32>
        %and3A_822 = arith.constant 65535 : i32
        %and3A_823 = vector.broadcast %and3A_822 : i32 to vector<16xi32>
        %and3A_824 = arith.andi %get3A_821, %and3A_823 : vector<16xi32>
        %swap3A_825 = arith.constant 112 : index
        %swap3A_826 = tpu.vector_load %arg9[%swap3A_825] {strides = array<i32>} : memref<128xi32, #tpu.memory_space<vmem>>, vector<16xi32>,
        %swap3A_827 = vector.shape_cast %swap3A_826 : vector<16xi32> to vector<16xi32>
        %swap3A_828 = vector.shape_cast %and3A_824 : vector<16xi32> to vector<16xi32>
        tpu.vector_store %arg9[%swap3A_825], %swap3A_828 {strides = array<i32>} : memref<128xi32, #tpu.memory_space<vmem>>, vector<16xi32>,
        %dma_start3A_829 = arith.constant 0 : i32
        %dma_start3A_830 = arith.constant 0 : i32
        %dma_start3A_831 = tpu.memref_slice %arg2[%dma_start3A_829, %dma_start3A_830] : memref<10240x64xf32, #tpu.memory_space<hbm>> -> memref<10240x64xf32, #tpu.memory_space<hbm>>
        tpu.enqueue_indirect_dma source(%dma_start3A_831 : memref<10240x64xf32, #tpu.memory_space<hbm>>) target(%arg17 : memref<128x64xf32, #tpu.memory_space<vmem>>) offsets(%arg9 : memref<128xi32, #tpu.memory_space<vmem>>) semaphore(%arg20 : memref<!tpu.dma_semaphore, #tpu.memory_space<semaphore_mem>>)
      } else {
      }
      %add3A_701 = arith.constant 3 : i32
      %add3A_702 = arith.addi %mul3A_323, %add3A_701 : i32
      %add3A_703 = arith.constant 2 : i32
      %add3A_704 = arith.addi %add3A_702, %add3A_703 : i32
      %lt3A_705 = arith.constant 78 : i32
      %lt3A_706 = arith.cmpi slt, %add3A_704, %lt3A_705 : i32
      %convert_element_type3A_707 = arith.extui %lt3A_706 : i1 to i32
      %cond3A_708 = arith.constant 0 : i32
      %cond3A_709 = arith.cmpi ne, %convert_element_type3A_707, %cond3A_708 : i32
      scf.if %cond3A_709 {
        %dma_wait3A_710 = arith.constant 0 : i32
        %dma_wait3A_711 = arith.constant 0 : i32
        %dma_wait3A_712 = tpu.memref_slice %arg6[%dma_wait3A_710, %dma_wait3A_711] : memref<10240x64xf32, #tpu.memory_space<vmem_shared>> -> memref<10240x64xf32, #tpu.memory_space<vmem_shared>>
        tpu.wait_indirect_dma semaphore(%arg24 : memref<!tpu.dma_semaphore, #tpu.memory_space<semaphore_mem>>) src(%arg18 : memref<128x64xf32, #tpu.memory_space<vmem>>) dst(%dma_wait3A_712 : memref<10240x64xf32, #tpu.memory_space<vmem_shared>>)
        %add3A_713 = arith.constant 3 : i32
        %add3A_714 = arith.addi %mul3A_323, %add3A_713 : i32
        %add3A_715 = arith.constant 2 : i32
        %add3A_716 = arith.addi %add3A_714, %add3A_715 : i32
        %mul3A_717 = arith.constant 128 : i32
        %mul3A_718 = arith.muli %add3A_716, %mul3A_717 : i32
        %add3A_719 = arith.constant 0 : i32
        %add3A_720 = arith.addi %mul3A_718, %add3A_719 : i32
        %get3A_721 = arith.index_cast %add3A_720 : i32 to index
        %get3A_722 = tpu.vector_load %arg7[%get3A_721] {strides = array<i32>} : memref<10000xi32, #tpu.memory_space<vmem>>, vector<16xi32>,
        %get3A_723 = vector.shape_cast %get3A_722 : vector<16xi32> to vector<16xi32>
        %and3A_724 = arith.constant 65535 : i32
        %and3A_725 = vector.broadcast %and3A_724 : i32 to vector<16xi32>
        %and3A_726 = arith.andi %get3A_723, %and3A_725 : vector<16xi32>
        %swap3A_727 = arith.constant 0 : index
        %swap3A_728 = tpu.vector_load %arg10[%swap3A_727] {strides = array<i32>} : memref<128xi32, #tpu.memory_space<vmem>>, vector<16xi32>,
        %swap3A_729 = vector.shape_cast %swap3A_728 : vector<16xi32> to vector<16xi32>
        %swap3A_730 = vector.shape_cast %and3A_726 : vector<16xi32> to vector<16xi32>
        tpu.vector_store %arg10[%swap3A_727], %swap3A_730 {strides = array<i32>} : memref<128xi32, #tpu.memory_space<vmem>>, vector<16xi32>,
        %mul3A_731 = arith.constant 128 : i32
        %mul3A_732 = arith.muli %add3A_716, %mul3A_731 : i32
        %add3A_733 = arith.constant 16 : i32
        %add3A_734 = arith.addi %mul3A_732, %add3A_733 : i32
        %get3A_735 = arith.index_cast %add3A_734 : i32 to index
        %get3A_736 = tpu.vector_load %arg7[%get3A_735] {strides = array<i32>} : memref<10000xi32, #tpu.memory_space<vmem>>, vector<16xi32>,
        %get3A_737 = vector.shape_cast %get3A_736 : vector<16xi32> to vector<16xi32>
        %and3A_738 = arith.constant 65535 : i32
        %and3A_739 = vector.broadcast %and3A_738 : i32 to vector<16xi32>
        %and3A_740 = arith.andi %get3A_737, %and3A_739 : vector<16xi32>
        %swap3A_741 = arith.constant 16 : index
        %swap3A_742 = tpu.vector_load %arg10[%swap3A_741] {strides = array<i32>} : memref<128xi32, #tpu.memory_space<vmem>>, vector<16xi32>,
        %swap3A_743 = vector.shape_cast %swap3A_742 : vector<16xi32> to vector<16xi32>
        %swap3A_744 = vector.shape_cast %and3A_740 : vector<16xi32> to vector<16xi32>
        tpu.vector_store %arg10[%swap3A_741], %swap3A_744 {strides = array<i32>} : memref<128xi32, #tpu.memory_space<vmem>>, vector<16xi32>,
        %mul3A_745 = arith.constant 128 : i32
        %mul3A_746 = arith.muli %add3A_716, %mul3A_745 : i32
        %add3A_747 = arith.constant 32 : i32
        %add3A_748 = arith.addi %mul3A_746, %add3A_747 : i32
        %get3A_749 = arith.index_cast %add3A_748 : i32 to index
        %get3A_750 = tpu.vector_load %arg7[%get3A_749] {strides = array<i32>} : memref<10000xi32, #tpu.memory_space<vmem>>, vector<16xi32>,
        %get3A_751 = vector.shape_cast %get3A_750 : vector<16xi32> to vector<16xi32>
        %and3A_752 = arith.constant 65535 : i32
        %and3A_753 = vector.broadcast %and3A_752 : i32 to vector<16xi32>
        %and3A_754 = arith.andi %get3A_751, %and3A_753 : vector<16xi32>
        %swap3A_755 = arith.constant 32 : index
        %swap3A_756 = tpu.vector_load %arg10[%swap3A_755] {strides = array<i32>} : memref<128xi32, #tpu.memory_space<vmem>>, vector<16xi32>,
        %swap3A_757 = vector.shape_cast %swap3A_756 : vector<16xi32> to vector<16xi32>
        %swap3A_758 = vector.shape_cast %and3A_754 : vector<16xi32> to vector<16xi32>
        tpu.vector_store %arg10[%swap3A_755], %swap3A_758 {strides = array<i32>} : memref<128xi32, #tpu.memory_space<vmem>>, vector<16xi32>,
        %mul3A_759 = arith.constant 128 : i32
        %mul3A_760 = arith.muli %add3A_716, %mul3A_759 : i32
        %add3A_761 = arith.constant 48 : i32
        %add3A_762 = arith.addi %mul3A_760, %add3A_761 : i32
        %get3A_763 = arith.index_cast %add3A_762 : i32 to index
        %get3A_764 = tpu.vector_load %arg7[%get3A_763] {strides = array<i32>} : memref<10000xi32, #tpu.memory_space<vmem>>, vector<16xi32>,
        %get3A_765 = vector.shape_cast %get3A_764 : vector<16xi32> to vector<16xi32>
        %and3A_766 = arith.constant 65535 : i32
        %and3A_767 = vector.broadcast %and3A_766 : i32 to vector<16xi32>
        %and3A_768 = arith.andi %get3A_765, %and3A_767 : vector<16xi32>
        %swap3A_769 = arith.constant 48 : index
        %swap3A_770 = tpu.vector_load %arg10[%swap3A_769] {strides = array<i32>} : memref<128xi32, #tpu.memory_space<vmem>>, vector<16xi32>,
        %swap3A_771 = vector.shape_cast %swap3A_770 : vector<16xi32> to vector<16xi32>
        %swap3A_772 = vector.shape_cast %and3A_768 : vector<16xi32> to vector<16xi32>
        tpu.vector_store %arg10[%swap3A_769], %swap3A_772 {strides = array<i32>} : memref<128xi32, #tpu.memory_space<vmem>>, vector<16xi32>,
        %mul3A_773 = arith.constant 128 : i32
        %mul3A_774 = arith.muli %add3A_716, %mul3A_773 : i32
        %add3A_775 = arith.constant 64 : i32
        %add3A_776 = arith.addi %mul3A_774, %add3A_775 : i32
        %get3A_777 = arith.index_cast %add3A_776 : i32 to index
        %get3A_778 = tpu.vector_load %arg7[%get3A_777] {strides = array<i32>} : memref<10000xi32, #tpu.memory_space<vmem>>, vector<16xi32>,
        %get3A_779 = vector.shape_cast %get3A_778 : vector<16xi32> to vector<16xi32>
        %and3A_780 = arith.constant 65535 : i32
        %and3A_781 = vector.broadcast %and3A_780 : i32 to vector<16xi32>
        %and3A_782 = arith.andi %get3A_779, %and3A_781 : vector<16xi32>
        %swap3A_783 = arith.constant 64 : index
        %swap3A_784 = tpu.vector_load %arg10[%swap3A_783] {strides = array<i32>} : memref<128xi32, #tpu.memory_space<vmem>>, vector<16xi32>,
        %swap3A_785 = vector.shape_cast %swap3A_784 : vector<16xi32> to vector<16xi32>
        %swap3A_786 = vector.shape_cast %and3A_782 : vector<16xi32> to vector<16xi32>
        tpu.vector_store %arg10[%swap3A_783], %swap3A_786 {strides = array<i32>} : memref<128xi32, #tpu.memory_space<vmem>>, vector<16xi32>,
        %mul3A_787 = arith.constant 128 : i32
        %mul3A_788 = arith.muli %add3A_716, %mul3A_787 : i32
        %add3A_789 = arith.constant 80 : i32
        %add3A_790 = arith.addi %mul3A_788, %add3A_789 : i32
        %get3A_791 = arith.index_cast %add3A_790 : i32 to index
        %get3A_792 = tpu.vector_load %arg7[%get3A_791] {strides = array<i32>} : memref<10000xi32, #tpu.memory_space<vmem>>, vector<16xi32>,
        %get3A_793 = vector.shape_cast %get3A_792 : vector<16xi32> to vector<16xi32>
        %and3A_794 = arith.constant 65535 : i32
        %and3A_795 = vector.broadcast %and3A_794 : i32 to vector<16xi32>
        %and3A_796 = arith.andi %get3A_793, %and3A_795 : vector<16xi32>
        %swap3A_797 = arith.constant 80 : index
        %swap3A_798 = tpu.vector_load %arg10[%swap3A_797] {strides = array<i32>} : memref<128xi32, #tpu.memory_space<vmem>>, vector<16xi32>,
        %swap3A_799 = vector.shape_cast %swap3A_798 : vector<16xi32> to vector<16xi32>
        %swap3A_800 = vector.shape_cast %and3A_796 : vector<16xi32> to vector<16xi32>
        tpu.vector_store %arg10[%swap3A_797], %swap3A_800 {strides = array<i32>} : memref<128xi32, #tpu.memory_space<vmem>>, vector<16xi32>,
        %mul3A_801 = arith.constant 128 : i32
        %mul3A_802 = arith.muli %add3A_716, %mul3A_801 : i32
        %add3A_803 = arith.constant 96 : i32
        %add3A_804 = arith.addi %mul3A_802, %add3A_803 : i32
        %get3A_805 = arith.index_cast %add3A_804 : i32 to index
        %get3A_806 = tpu.vector_load %arg7[%get3A_805] {strides = array<i32>} : memref<10000xi32, #tpu.memory_space<vmem>>, vector<16xi32>,
        %get3A_807 = vector.shape_cast %get3A_806 : vector<16xi32> to vector<16xi32>
        %and3A_808 = arith.constant 65535 : i32
        %and3A_809 = vector.broadcast %and3A_808 : i32 to vector<16xi32>
        %and3A_810 = arith.andi %get3A_807, %and3A_809 : vector<16xi32>
        %swap3A_811 = arith.constant 96 : index
        %swap3A_812 = tpu.vector_load %arg10[%swap3A_811] {strides = array<i32>} : memref<128xi32, #tpu.memory_space<vmem>>, vector<16xi32>,
        %swap3A_813 = vector.shape_cast %swap3A_812 : vector<16xi32> to vector<16xi32>
        %swap3A_814 = vector.shape_cast %and3A_810 : vector<16xi32> to vector<16xi32>
        tpu.vector_store %arg10[%swap3A_811], %swap3A_814 {strides = array<i32>} : memref<128xi32, #tpu.memory_space<vmem>>, vector<16xi32>,
        %mul3A_815 = arith.constant 128 : i32
        %mul3A_816 = arith.muli %add3A_716, %mul3A_815 : i32
        %add3A_817 = arith.constant 112 : i32
        %add3A_818 = arith.addi %mul3A_816, %add3A_817 : i32
        %get3A_819 = arith.index_cast %add3A_818 : i32 to index
        %get3A_820 = tpu.vector_load %arg7[%get3A_819] {strides = array<i32>} : memref<10000xi32, #tpu.memory_space<vmem>>, vector<16xi32>,
        %get3A_821 = vector.shape_cast %get3A_820 : vector<16xi32> to vector<16xi32>
        %and3A_822 = arith.constant 65535 : i32
        %and3A_823 = vector.broadcast %and3A_822 : i32 to vector<16xi32>
        %and3A_824 = arith.andi %get3A_821, %and3A_823 : vector<16xi32>
        %swap3A_825 = arith.constant 112 : index
        %swap3A_826 = tpu.vector_load %arg10[%swap3A_825] {strides = array<i32>} : memref<128xi32, #tpu.memory_space<vmem>>, vector<16xi32>,
        %swap3A_827 = vector.shape_cast %swap3A_826 : vector<16xi32> to vector<16xi32>
        %swap3A_828 = vector.shape_cast %and3A_824 : vector<16xi32> to vector<16xi32>
        tpu.vector_store %arg10[%swap3A_825], %swap3A_828 {strides = array<i32>} : memref<128xi32, #tpu.memory_space<vmem>>, vector<16xi32>,
        %dma_start3A_829 = arith.constant 0 : i32
        %dma_start3A_830 = arith.constant 0 : i32
        %dma_start3A_831 = tpu.memref_slice %arg2[%dma_start3A_829, %dma_start3A_830] : memref<10240x64xf32, #tpu.memory_space<hbm>> -> memref<10240x64xf32, #tpu.memory_space<hbm>>
        tpu.enqueue_indirect_dma source(%dma_start3A_831 : memref<10240x64xf32, #tpu.memory_space<hbm>>) target(%arg18 : memref<128x64xf32, #tpu.memory_space<vmem>>) offsets(%arg10 : memref<128xi32, #tpu.memory_space<vmem>>) semaphore(%arg21 : memref<!tpu.dma_semaphore, #tpu.memory_space<semaphore_mem>>)
      } else {
      }
    }
    %scan3A_276 = arith.constant 26 : i32
    %dma_wait3A = arith.constant 0 : i32
    %dma_wait3A_277 = arith.constant 0 : i32
    %dma_wait3A_278 = tpu.memref_slice %arg6[%dma_wait3A, %dma_wait3A_277] : memref<10240x64xf32, #tpu.memory_space<vmem_shared>> -> memref<10240x64xf32, #tpu.memory_space<vmem_shared>>
    tpu.wait_indirect_dma semaphore(%arg22 : memref<!tpu.dma_semaphore, #tpu.memory_space<semaphore_mem>>) src(%arg16 : memref<128x64xf32, #tpu.memory_space<vmem>>) dst(%dma_wait3A_278 : memref<10240x64xf32, #tpu.memory_space<vmem_shared>>)
    %dma_wait3A_279 = arith.constant 0 : i32
    %dma_wait3A_280 = arith.constant 0 : i32
    %dma_wait3A_281 = tpu.memref_slice %arg6[%dma_wait3A_279, %dma_wait3A_280] : memref<10240x64xf32, #tpu.memory_space<vmem_shared>> -> memref<10240x64xf32, #tpu.memory_space<vmem_shared>>
    tpu.wait_indirect_dma semaphore(%arg23 : memref<!tpu.dma_semaphore, #tpu.memory_space<semaphore_mem>>) src(%arg17 : memref<128x64xf32, #tpu.memory_space<vmem>>) dst(%dma_wait3A_281 : memref<10240x64xf32, #tpu.memory_space<vmem_shared>>)
    %dma_wait3A_282 = arith.constant 0 : i32
    %dma_wait3A_283 = arith.constant 0 : i32
    %dma_wait3A_284 = tpu.memref_slice %arg6[%dma_wait3A_282, %dma_wait3A_283] : memref<10240x64xf32, #tpu.memory_space<vmem_shared>> -> memref<10240x64xf32, #tpu.memory_space<vmem_shared>>
    tpu.wait_indirect_dma semaphore(%arg24 : memref<!tpu.dma_semaphore, #tpu.memory_space<semaphore_mem>>) src(%arg18 : memref<128x64xf32, #tpu.memory_space<vmem>>) dst(%dma_wait3A_284 : memref<10240x64xf32, #tpu.memory_space<vmem_shared>>)
    %get3A_285 = arith.constant 9984 : index
    %get3A_286 = tpu.vector_load %arg7[%get3A_285] {strides = array<i32>} : memref<10000xi32, #tpu.memory_space<vmem>>, vector<16xi32>,
    %get3A_287 = vector.shape_cast %get3A_286 : vector<16xi32> to vector<16xi32>
    %and3A_288 = arith.constant 65535 : i32
    %and3A_289 = vector.broadcast %and3A_288 : i32 to vector<16xi32>
    %and3A_290 = arith.andi %get3A_287, %and3A_289 : vector<16xi32>
    %swap3A_291 = arith.constant 0 : index
    %swap3A_292 = tpu.vector_load %arg14[%swap3A_291] {strides = array<i32>} : memref<16xi32, #tpu.memory_space<vmem>>, vector<16xi32>,
    %swap3A_293 = vector.shape_cast %swap3A_292 : vector<16xi32> to vector<16xi32>
    %swap3A_294 = vector.shape_cast %and3A_290 : vector<16xi32> to vector<16xi32>
    tpu.vector_store %arg14[%swap3A_291], %swap3A_294 {strides = array<i32>} : memref<16xi32, #tpu.memory_space<vmem>>, vector<16xi32>,
    %shift_right_logical3A = arith.constant 16 : i32
    %shift_right_logical3A_295 = vector.broadcast %shift_right_logical3A : i32 to vector<16xi32>
    %shift_right_logical3A_296 = arith.shrui %get3A_287, %shift_right_logical3A_295 : vector<16xi32>
    %swap3A_297 = arith.constant 0 : index
    %swap3A_298 = tpu.vector_load %arg15[%swap3A_297] {strides = array<i32>} : memref<16xi32, #tpu.memory_space<vmem>>, vector<16xi32>,
    %swap3A_299 = vector.shape_cast %swap3A_298 : vector<16xi32> to vector<16xi32>
    %swap3A_300 = vector.shape_cast %shift_right_logical3A_296 : vector<16xi32> to vector<16xi32>
    tpu.vector_store %arg15[%swap3A_297], %swap3A_300 {strides = array<i32>} : memref<16xi32, #tpu.memory_space<vmem>>, vector<16xi32>,
    %dma_start3A_301 = arith.constant 0 : i32
    %dma_start3A_302 = arith.constant 0 : i32
    %dma_start3A_303 = tpu.memref_slice %arg16[%dma_start3A_301, %dma_start3A_302] : memref<128x64xf32, #tpu.memory_space<vmem>> -> memref<16x64xf32, #tpu.memory_space<vmem>>
    %dma_start3A_304 = arith.constant 0 : i32
    %dma_start3A_305 = arith.constant 0 : i32
    %dma_start3A_306 = tpu.memref_slice %arg2[%dma_start3A_304, %dma_start3A_305] : memref<10240x64xf32, #tpu.memory_space<hbm>> -> memref<10240x64xf32, #tpu.memory_space<hbm>>
    tpu.enqueue_indirect_dma source(%dma_start3A_306 : memref<10240x64xf32, #tpu.memory_space<hbm>>) target(%dma_start3A_303 : memref<16x64xf32, #tpu.memory_space<vmem>>) offsets(%arg14 : memref<16xi32, #tpu.memory_space<vmem>>) semaphore(%arg19 : memref<!tpu.dma_semaphore, #tpu.memory_space<semaphore_mem>>)
    %dma_wait3A_307 = arith.constant 0 : i32
    %dma_wait3A_308 = arith.constant 0 : i32
    %dma_wait3A_309 = tpu.memref_slice %arg16[%dma_wait3A_307, %dma_wait3A_308] : memref<128x64xf32, #tpu.memory_space<vmem>> -> memref<16x64xf32, #tpu.memory_space<vmem>>
    %dma_wait3A_310 = arith.constant 0 : i32
    %dma_wait3A_311 = arith.constant 0 : i32
    %dma_wait3A_312 = tpu.memref_slice %arg2[%dma_wait3A_310, %dma_wait3A_311] : memref<10240x64xf32, #tpu.memory_space<hbm>> -> memref<10240x64xf32, #tpu.memory_space<hbm>>
    tpu.wait_indirect_dma semaphore(%arg19 : memref<!tpu.dma_semaphore, #tpu.memory_space<semaphore_mem>>) src(%dma_wait3A_312 : memref<10240x64xf32, #tpu.memory_space<hbm>>) dst(%dma_wait3A_309 : memref<16x64xf32, #tpu.memory_space<vmem>>)
    "tpu.region"() ({
      %run_scoped3A = tpu.sem_alloc : memref<!tpu.dma_semaphore, #tpu.memory_space<semaphore_mem>>
      %dma_start3A_321 = arith.constant 0 : i32
      %dma_start3A_322 = arith.constant 0 : i32
      %dma_start3A_323 = tpu.memref_slice %arg16[%dma_start3A_321, %dma_start3A_322] : memref<128x64xf32, #tpu.memory_space<vmem>> -> memref<16x64xf32, #tpu.memory_space<vmem>>
      %dma_start3A_324 = arith.constant 0 : i32
      %dma_start3A_325 = arith.constant 0 : i32
      %dma_start3A_326 = tpu.memref_slice %arg6[%dma_start3A_324, %dma_start3A_325] : memref<10240x64xf32, #tpu.memory_space<vmem_shared>> -> memref<10240x64xf32, #tpu.memory_space<vmem_shared>>
      tpu.enqueue_indirect_dma source(%dma_start3A_323 : memref<16x64xf32, #tpu.memory_space<vmem>>) target(%dma_start3A_326 : memref<10240x64xf32, #tpu.memory_space<vmem_shared>>) offsets(%arg15 : memref<16xi32, #tpu.memory_space<vmem>>) semaphore(%run_scoped3A : memref<!tpu.dma_semaphore, #tpu.memory_space<semaphore_mem>>) {add = true}
      %dma_wait3A_327 = arith.constant 0 : i32
      %dma_wait3A_328 = arith.constant 0 : i32
      %dma_wait3A_329 = tpu.memref_slice %arg16[%dma_wait3A_327, %dma_wait3A_328] : memref<128x64xf32, #tpu.memory_space<vmem>> -> memref<16x64xf32, #tpu.memory_space<vmem>>
      %dma_wait3A_330 = arith.constant 0 : i32
      %dma_wait3A_331 = arith.constant 0 : i32
      %dma_wait3A_332 = tpu.memref_slice %arg6[%dma_wait3A_330, %dma_wait3A_331] : memref<10240x64xf32, #tpu.memory_space<vmem_shared>> -> memref<10240x64xf32, #tpu.memory_space<vmem_shared>>
      tpu.wait_indirect_dma semaphore(%run_scoped3A : memref<!tpu.dma_semaphore, #tpu.memory_space<semaphore_mem>>) src(%dma_wait3A_329 : memref<16x64xf32, #tpu.memory_space<vmem>>) dst(%dma_wait3A_332 : memref<10240x64xf32, #tpu.memory_space<vmem_shared>>)
      tpu.yield
    }) : () -> ()
    %barrier3A_313 = arith.constant 0 : index
    tpu.barrier barrier_id(%barrier3A_313)
    %eq3A = arith.constant 0 : i32
    %eq3A_314 = arith.cmpi eq, %arg0, %eq3A : i32
    %convert_element_type3A = arith.extui %eq3A_314 : i1 to i32
    %cond3A = arith.constant 0 : i32
    %cond3A_315 = arith.cmpi ne, %convert_element_type3A, %cond3A : i32
    scf.if %cond3A_315 {
      %mul3A_321 = arith.constant 640 : i32
      %mul3A_322 = arith.muli %arg1, %mul3A_321 : i32
      %mul3A_323 = arith.constant 640 : i32
      %mul3A_324 = arith.muli %arg1, %mul3A_323 : i32
      "tpu.region"() ({
        %run_scoped3A = tpu.sem_alloc : memref<!tpu.dma_semaphore, #tpu.memory_space<semaphore_mem>>
        %dma_start3A_325 = arith.constant 0 : i32
        %dma_start3A_326 = tpu.memref_slice %arg4[%mul3A_324, %dma_start3A_325] : memref<10240x64xf32, #tpu.memory_space<hbm>> -> memref<640x64xf32, #tpu.memory_space<hbm>>
        %dma_start3A_327 = arith.constant 0 : i32
        %dma_start3A_328 = tpu.memref_slice %arg6[%mul3A_322, %dma_start3A_327] : memref<10240x64xf32, #tpu.memory_space<vmem_shared>> -> memref<640x64xf32, #tpu.memory_space<vmem_shared>>
        tpu.enqueue_dma source(%dma_start3A_328 : memref<640x64xf32, #tpu.memory_space<vmem_shared>>) target(%dma_start3A_326 : memref<640x64xf32, #tpu.memory_space<hbm>>) target_semaphore(%run_scoped3A : memref<!tpu.dma_semaphore, #tpu.memory_space<semaphore_mem>>)
        %dma_wait3A_329 = arith.constant 0 : i32
        %dma_wait3A_330 = tpu.memref_slice %arg4[%mul3A_324, %dma_wait3A_329] : memref<10240x64xf32, #tpu.memory_space<hbm>> -> memref<640x64xf32, #tpu.memory_space<hbm>>
        %dma_wait3A_331 = arith.constant 0 : i32
        %dma_wait3A_332 = tpu.memref_slice %arg6[%mul3A_322, %dma_wait3A_331] : memref<10240x64xf32, #tpu.memory_space<vmem_shared>> -> memref<640x64xf32, #tpu.memory_space<vmem_shared>>
        tpu.wait_dma2 semaphore(%run_scoped3A : memref<!tpu.dma_semaphore, #tpu.memory_space<semaphore_mem>>) src(%dma_wait3A_332 : memref<640x64xf32, #tpu.memory_space<vmem_shared>>) dst(%dma_wait3A_330 : memref<640x64xf32, #tpu.memory_space<hbm>>)
        tpu.yield
      }) : () -> ()
    } else {
    }
    %eq3A_316 = arith.constant 1 : i32
    %eq3A_317 = arith.cmpi eq, %arg0, %eq3A_316 : i32
    %convert_element_type3A_318 = arith.extui %eq3A_317 : i1 to i32
    %cond3A_319 = arith.constant 0 : i32
    %cond3A_320 = arith.cmpi ne, %convert_element_type3A_318, %cond3A_319 : i32
    scf.if %cond3A_320 {
      %mul3A_321 = arith.constant 640 : i32
      %mul3A_322 = arith.muli %arg1, %mul3A_321 : i32
      %mul3A_323 = arith.constant 640 : i32
      %mul3A_324 = arith.muli %arg1, %mul3A_323 : i32
      "tpu.region"() ({
        %run_scoped3A = tpu.sem_alloc : memref<!tpu.dma_semaphore, #tpu.memory_space<semaphore_mem>>
        %dma_start3A_325 = arith.constant 0 : i32
        %dma_start3A_326 = tpu.memref_slice %arg5[%mul3A_324, %dma_start3A_325] : memref<10240x64xf32, #tpu.memory_space<hbm>> -> memref<640x64xf32, #tpu.memory_space<hbm>>
        %dma_start3A_327 = arith.constant 0 : i32
        %dma_start3A_328 = tpu.memref_slice %arg6[%mul3A_322, %dma_start3A_327] : memref<10240x64xf32, #tpu.memory_space<vmem_shared>> -> memref<640x64xf32, #tpu.memory_space<vmem_shared>>
        tpu.enqueue_dma source(%dma_start3A_328 : memref<640x64xf32, #tpu.memory_space<vmem_shared>>) target(%dma_start3A_326 : memref<640x64xf32, #tpu.memory_space<hbm>>) target_semaphore(%run_scoped3A : memref<!tpu.dma_semaphore, #tpu.memory_space<semaphore_mem>>)
        %dma_wait3A_329 = arith.constant 0 : i32
        %dma_wait3A_330 = tpu.memref_slice %arg5[%mul3A_324, %dma_wait3A_329] : memref<10240x64xf32, #tpu.memory_space<hbm>> -> memref<640x64xf32, #tpu.memory_space<hbm>>
        %dma_wait3A_331 = arith.constant 0 : i32
        %dma_wait3A_332 = tpu.memref_slice %arg6[%mul3A_322, %dma_wait3A_331] : memref<10240x64xf32, #tpu.memory_space<vmem_shared>> -> memref<640x64xf32, #tpu.memory_space<vmem_shared>>
        tpu.wait_dma2 semaphore(%run_scoped3A : memref<!tpu.dma_semaphore, #tpu.memory_space<semaphore_mem>>) src(%dma_wait3A_332 : memref<640x64xf32, #tpu.memory_space<vmem_shared>>) dst(%dma_wait3A_330 : memref<640x64xf32, #tpu.memory_space<hbm>>)
        tpu.yield
      }) : () -> ()
    } else {
    }
    return
  }
}

#map = affine_map<(d0, d1) -> (0, 0)>
module attributes {stable_mosaic.version = 14 : i64} {
  func.func @seg(%arg0: i32, %arg1: i32, %arg2: memref<10240x128xf32, #tpu.memory_space<hbm>>, %arg3: memref<32x10000xi32, #tpu.memory_space<hbm>>, %arg4: memref<10240x128xf32, #tpu.memory_space<hbm>>, %arg5: memref<10240x128xf32, #tpu.memory_space<hbm>>, %arg6: memref<10240x128xf32, #tpu.memory_space<vmem_shared>>, %arg7: memref<10000xi32, #tpu.memory_space<vmem>>, %arg8: memref<128xi32, #tpu.memory_space<vmem>>, %arg9: memref<128xi32, #tpu.memory_space<vmem>>, %arg10: memref<128xi32, #tpu.memory_space<vmem>>, %arg11: memref<16xi32, #tpu.memory_space<vmem>>, %arg12: memref<16xi32, #tpu.memory_space<vmem>>, %arg13: memref<128x128xf32, #tpu.memory_space<vmem>>, %arg14: memref<128x128xf32, #tpu.memory_space<vmem>>, %arg15: memref<!tpu.dma_semaphore, #tpu.memory_space<semaphore_mem>>, %arg16: memref<!tpu.dma_semaphore, #tpu.memory_space<semaphore_mem>>) attributes {dimension_semantics = [#tpu.dimension_semantics<core_parallel>, #tpu.dimension_semantics<subcore_parallel>], iteration_bounds = array<i64: 2, 16>, scalar_prefetch = 0 : i64, scratch_operands = 11 : i64, tpu.core_type = #tpu.core_type<sc_vector_subcore>, window_params = [{transform_indices = #map}, {transform_indices = #map}, {transform_indices = #map}, {transform_indices = #map}]} {
    %mul3A = arith.constant 2 : i32
    %mul3A_0 = arith.muli %arg1, %mul3A : i32
    %add3A = arith.addi %mul3A_0, %arg0 : i32
    %scan3A = arith.constant 0 : i32
    %scan3A_1 = arith.constant 0 : i32
    %scan3A_2 = arith.constant 128 : i32
    %scan3A_3 = arith.addi %scan3A_1, %scan3A_2 : i32
    %scan3A_4 = arith.constant 1 : i32
    scf.for %scan3A_149 = %scan3A_1 to %scan3A_3 step %scan3A_4  : i32 {
      %broadcast_in_dim3A = arith.constant 0.000000e+00 : f32
      %broadcast_in_dim3A_150 = vector.broadcast %broadcast_in_dim3A : f32 to vector<16xf32>
      %swap3A_151 = arith.index_cast %scan3A_149 : i32 to index
      %swap3A_152 = arith.constant 0 : index
      %swap3A_153 = tpu.vector_load %arg13[%swap3A_151, %swap3A_152] {strides = array<i32>} : memref<128x128xf32, #tpu.memory_space<vmem>>, vector<1x16xf32>,
      %swap3A_154 = vector.shape_cast %swap3A_153 : vector<1x16xf32> to vector<16xf32>
      %swap3A_155 = vector.shape_cast %broadcast_in_dim3A_150 : vector<16xf32> to vector<1x16xf32>
      tpu.vector_store %arg13[%swap3A_151, %swap3A_152], %swap3A_155 {strides = array<i32>} : memref<128x128xf32, #tpu.memory_space<vmem>>, vector<1x16xf32>,
      %broadcast_in_dim3A_156 = arith.constant 0.000000e+00 : f32
      %broadcast_in_dim3A_157 = vector.broadcast %broadcast_in_dim3A_156 : f32 to vector<16xf32>
      %swap3A_158 = arith.index_cast %scan3A_149 : i32 to index
      %swap3A_159 = arith.constant 16 : index
      %swap3A_160 = tpu.vector_load %arg13[%swap3A_158, %swap3A_159] {strides = array<i32>} : memref<128x128xf32, #tpu.memory_space<vmem>>, vector<1x16xf32>,
      %swap3A_161 = vector.shape_cast %swap3A_160 : vector<1x16xf32> to vector<16xf32>
      %swap3A_162 = vector.shape_cast %broadcast_in_dim3A_157 : vector<16xf32> to vector<1x16xf32>
      tpu.vector_store %arg13[%swap3A_158, %swap3A_159], %swap3A_162 {strides = array<i32>} : memref<128x128xf32, #tpu.memory_space<vmem>>, vector<1x16xf32>,
      %broadcast_in_dim3A_163 = arith.constant 0.000000e+00 : f32
      %broadcast_in_dim3A_164 = vector.broadcast %broadcast_in_dim3A_163 : f32 to vector<16xf32>
      %swap3A_165 = arith.index_cast %scan3A_149 : i32 to index
      %swap3A_166 = arith.constant 32 : index
      %swap3A_167 = tpu.vector_load %arg13[%swap3A_165, %swap3A_166] {strides = array<i32>} : memref<128x128xf32, #tpu.memory_space<vmem>>, vector<1x16xf32>,
      %swap3A_168 = vector.shape_cast %swap3A_167 : vector<1x16xf32> to vector<16xf32>
      %swap3A_169 = vector.shape_cast %broadcast_in_dim3A_164 : vector<16xf32> to vector<1x16xf32>
      tpu.vector_store %arg13[%swap3A_165, %swap3A_166], %swap3A_169 {strides = array<i32>} : memref<128x128xf32, #tpu.memory_space<vmem>>, vector<1x16xf32>,
      %broadcast_in_dim3A_170 = arith.constant 0.000000e+00 : f32
      %broadcast_in_dim3A_171 = vector.broadcast %broadcast_in_dim3A_170 : f32 to vector<16xf32>
      %swap3A_172 = arith.index_cast %scan3A_149 : i32 to index
      %swap3A_173 = arith.constant 48 : index
      %swap3A_174 = tpu.vector_load %arg13[%swap3A_172, %swap3A_173] {strides = array<i32>} : memref<128x128xf32, #tpu.memory_space<vmem>>, vector<1x16xf32>,
      %swap3A_175 = vector.shape_cast %swap3A_174 : vector<1x16xf32> to vector<16xf32>
      %swap3A_176 = vector.shape_cast %broadcast_in_dim3A_171 : vector<16xf32> to vector<1x16xf32>
      tpu.vector_store %arg13[%swap3A_172, %swap3A_173], %swap3A_176 {strides = array<i32>} : memref<128x128xf32, #tpu.memory_space<vmem>>, vector<1x16xf32>,
      %broadcast_in_dim3A_177 = arith.constant 0.000000e+00 : f32
      %broadcast_in_dim3A_178 = vector.broadcast %broadcast_in_dim3A_177 : f32 to vector<16xf32>
      %swap3A_179 = arith.index_cast %scan3A_149 : i32 to index
      %swap3A_180 = arith.constant 64 : index
      %swap3A_181 = tpu.vector_load %arg13[%swap3A_179, %swap3A_180] {strides = array<i32>} : memref<128x128xf32, #tpu.memory_space<vmem>>, vector<1x16xf32>,
      %swap3A_182 = vector.shape_cast %swap3A_181 : vector<1x16xf32> to vector<16xf32>
      %swap3A_183 = vector.shape_cast %broadcast_in_dim3A_178 : vector<16xf32> to vector<1x16xf32>
      tpu.vector_store %arg13[%swap3A_179, %swap3A_180], %swap3A_183 {strides = array<i32>} : memref<128x128xf32, #tpu.memory_space<vmem>>, vector<1x16xf32>,
      %broadcast_in_dim3A_184 = arith.constant 0.000000e+00 : f32
      %broadcast_in_dim3A_185 = vector.broadcast %broadcast_in_dim3A_184 : f32 to vector<16xf32>
      %swap3A_186 = arith.index_cast %scan3A_149 : i32 to index
      %swap3A_187 = arith.constant 80 : index
      %swap3A_188 = tpu.vector_load %arg13[%swap3A_186, %swap3A_187] {strides = array<i32>} : memref<128x128xf32, #tpu.memory_space<vmem>>, vector<1x16xf32>,
      %swap3A_189 = vector.shape_cast %swap3A_188 : vector<1x16xf32> to vector<16xf32>
      %swap3A_190 = vector.shape_cast %broadcast_in_dim3A_185 : vector<16xf32> to vector<1x16xf32>
      tpu.vector_store %arg13[%swap3A_186, %swap3A_187], %swap3A_190 {strides = array<i32>} : memref<128x128xf32, #tpu.memory_space<vmem>>, vector<1x16xf32>,
      %broadcast_in_dim3A_191 = arith.constant 0.000000e+00 : f32
      %broadcast_in_dim3A_192 = vector.broadcast %broadcast_in_dim3A_191 : f32 to vector<16xf32>
      %swap3A_193 = arith.index_cast %scan3A_149 : i32 to index
      %swap3A_194 = arith.constant 96 : index
      %swap3A_195 = tpu.vector_load %arg13[%swap3A_193, %swap3A_194] {strides = array<i32>} : memref<128x128xf32, #tpu.memory_space<vmem>>, vector<1x16xf32>,
      %swap3A_196 = vector.shape_cast %swap3A_195 : vector<1x16xf32> to vector<16xf32>
      %swap3A_197 = vector.shape_cast %broadcast_in_dim3A_192 : vector<16xf32> to vector<1x16xf32>
      tpu.vector_store %arg13[%swap3A_193, %swap3A_194], %swap3A_197 {strides = array<i32>} : memref<128x128xf32, #tpu.memory_space<vmem>>, vector<1x16xf32>,
      %broadcast_in_dim3A_198 = arith.constant 0.000000e+00 : f32
      %broadcast_in_dim3A_199 = vector.broadcast %broadcast_in_dim3A_198 : f32 to vector<16xf32>
      %swap3A_200 = arith.index_cast %scan3A_149 : i32 to index
      %swap3A_201 = arith.constant 112 : index
      %swap3A_202 = tpu.vector_load %arg13[%swap3A_200, %swap3A_201] {strides = array<i32>} : memref<128x128xf32, #tpu.memory_space<vmem>>, vector<1x16xf32>,
      %swap3A_203 = vector.shape_cast %swap3A_202 : vector<1x16xf32> to vector<16xf32>
      %swap3A_204 = vector.shape_cast %broadcast_in_dim3A_199 : vector<16xf32> to vector<1x16xf32>
      tpu.vector_store %arg13[%swap3A_200, %swap3A_201], %swap3A_204 {strides = array<i32>} : memref<128x128xf32, #tpu.memory_space<vmem>>, vector<1x16xf32>,
    }
    %scan3A_5 = arith.constant 128 : i32
    %mul3A_6 = arith.constant 640 : i32
    %mul3A_7 = arith.muli %arg1, %mul3A_6 : i32
    %add3A_8 = arith.constant 0 : i32
    %add3A_9 = arith.addi %mul3A_7, %add3A_8 : i32
    "tpu.region"() ({
      %run_scoped3A = tpu.sem_alloc : memref<!tpu.dma_semaphore, #tpu.memory_space<semaphore_mem>>
      %dma_start3A_149 = arith.constant 0 : i32
      %dma_start3A_150 = tpu.memref_slice %arg6[%add3A_9, %dma_start3A_149] : memref<10240x128xf32, #tpu.memory_space<vmem_shared>> -> memref<128x128xf32, #tpu.memory_space<vmem_shared>>
      %dma_start3A_151 = arith.constant 0 : i32
      %dma_start3A_152 = tpu.memref_slice %arg6[%add3A_9, %dma_start3A_151] : memref<10240x128xf32, #tpu.memory_space<vmem_shared>> -> memref<128x128xf32, #tpu.memory_space<vmem_shared>>
      tpu.enqueue_dma source(%arg13 : memref<128x128xf32, #tpu.memory_space<vmem>>) target(%dma_start3A_152 : memref<128x128xf32, #tpu.memory_space<vmem_shared>>) target_semaphore(%run_scoped3A : memref<!tpu.dma_semaphore, #tpu.memory_space<semaphore_mem>>)
      %dma_wait3A_153 = arith.constant 0 : i32
      %dma_wait3A_154 = tpu.memref_slice %arg6[%add3A_9, %dma_wait3A_153] : memref<10240x128xf32, #tpu.memory_space<vmem_shared>> -> memref<128x128xf32, #tpu.memory_space<vmem_shared>>
      %dma_wait3A_155 = arith.constant 0 : i32
      %dma_wait3A_156 = tpu.memref_slice %arg6[%add3A_9, %dma_wait3A_155] : memref<10240x128xf32, #tpu.memory_space<vmem_shared>> -> memref<128x128xf32, #tpu.memory_space<vmem_shared>>
      tpu.wait_dma2 semaphore(%run_scoped3A : memref<!tpu.dma_semaphore, #tpu.memory_space<semaphore_mem>>) src(%arg13 : memref<128x128xf32, #tpu.memory_space<vmem>>) dst(%dma_wait3A_156 : memref<128x128xf32, #tpu.memory_space<vmem_shared>>)
      tpu.yield
    }) : () -> ()
    %mul3A_10 = arith.constant 640 : i32
    %mul3A_11 = arith.muli %arg1, %mul3A_10 : i32
    %add3A_12 = arith.constant 128 : i32
    %add3A_13 = arith.addi %mul3A_11, %add3A_12 : i32
    "tpu.region"() ({
      %run_scoped3A = tpu.sem_alloc : memref<!tpu.dma_semaphore, #tpu.memory_space<semaphore_mem>>
      %dma_start3A_149 = arith.constant 0 : i32
      %dma_start3A_150 = tpu.memref_slice %arg6[%add3A_13, %dma_start3A_149] : memref<10240x128xf32, #tpu.memory_space<vmem_shared>> -> memref<128x128xf32, #tpu.memory_space<vmem_shared>>
      %dma_start3A_151 = arith.constant 0 : i32
      %dma_start3A_152 = tpu.memref_slice %arg6[%add3A_13, %dma_start3A_151] : memref<10240x128xf32, #tpu.memory_space<vmem_shared>> -> memref<128x128xf32, #tpu.memory_space<vmem_shared>>
      tpu.enqueue_dma source(%arg13 : memref<128x128xf32, #tpu.memory_space<vmem>>) target(%dma_start3A_152 : memref<128x128xf32, #tpu.memory_space<vmem_shared>>) target_semaphore(%run_scoped3A : memref<!tpu.dma_semaphore, #tpu.memory_space<semaphore_mem>>)
      %dma_wait3A_153 = arith.constant 0 : i32
      %dma_wait3A_154 = tpu.memref_slice %arg6[%add3A_13, %dma_wait3A_153] : memref<10240x128xf32, #tpu.memory_space<vmem_shared>> -> memref<128x128xf32, #tpu.memory_space<vmem_shared>>
      %dma_wait3A_155 = arith.constant 0 : i32
      %dma_wait3A_156 = tpu.memref_slice %arg6[%add3A_13, %dma_wait3A_155] : memref<10240x128xf32, #tpu.memory_space<vmem_shared>> -> memref<128x128xf32, #tpu.memory_space<vmem_shared>>
      tpu.wait_dma2 semaphore(%run_scoped3A : memref<!tpu.dma_semaphore, #tpu.memory_space<semaphore_mem>>) src(%arg13 : memref<128x128xf32, #tpu.memory_space<vmem>>) dst(%dma_wait3A_156 : memref<128x128xf32, #tpu.memory_space<vmem_shared>>)
      tpu.yield
    }) : () -> ()
    %mul3A_14 = arith.constant 640 : i32
    %mul3A_15 = arith.muli %arg1, %mul3A_14 : i32
    %add3A_16 = arith.constant 256 : i32
    %add3A_17 = arith.addi %mul3A_15, %add3A_16 : i32
    "tpu.region"() ({
      %run_scoped3A = tpu.sem_alloc : memref<!tpu.dma_semaphore, #tpu.memory_space<semaphore_mem>>
      %dma_start3A_149 = arith.constant 0 : i32
      %dma_start3A_150 = tpu.memref_slice %arg6[%add3A_17, %dma_start3A_149] : memref<10240x128xf32, #tpu.memory_space<vmem_shared>> -> memref<128x128xf32, #tpu.memory_space<vmem_shared>>
      %dma_start3A_151 = arith.constant 0 : i32
      %dma_start3A_152 = tpu.memref_slice %arg6[%add3A_17, %dma_start3A_151] : memref<10240x128xf32, #tpu.memory_space<vmem_shared>> -> memref<128x128xf32, #tpu.memory_space<vmem_shared>>
      tpu.enqueue_dma source(%arg13 : memref<128x128xf32, #tpu.memory_space<vmem>>) target(%dma_start3A_152 : memref<128x128xf32, #tpu.memory_space<vmem_shared>>) target_semaphore(%run_scoped3A : memref<!tpu.dma_semaphore, #tpu.memory_space<semaphore_mem>>)
      %dma_wait3A_153 = arith.constant 0 : i32
      %dma_wait3A_154 = tpu.memref_slice %arg6[%add3A_17, %dma_wait3A_153] : memref<10240x128xf32, #tpu.memory_space<vmem_shared>> -> memref<128x128xf32, #tpu.memory_space<vmem_shared>>
      %dma_wait3A_155 = arith.constant 0 : i32
      %dma_wait3A_156 = tpu.memref_slice %arg6[%add3A_17, %dma_wait3A_155] : memref<10240x128xf32, #tpu.memory_space<vmem_shared>> -> memref<128x128xf32, #tpu.memory_space<vmem_shared>>
      tpu.wait_dma2 semaphore(%run_scoped3A : memref<!tpu.dma_semaphore, #tpu.memory_space<semaphore_mem>>) src(%arg13 : memref<128x128xf32, #tpu.memory_space<vmem>>) dst(%dma_wait3A_156 : memref<128x128xf32, #tpu.memory_space<vmem_shared>>)
      tpu.yield
    }) : () -> ()
    %mul3A_18 = arith.constant 640 : i32
    %mul3A_19 = arith.muli %arg1, %mul3A_18 : i32
    %add3A_20 = arith.constant 384 : i32
    %add3A_21 = arith.addi %mul3A_19, %add3A_20 : i32
    "tpu.region"() ({
      %run_scoped3A = tpu.sem_alloc : memref<!tpu.dma_semaphore, #tpu.memory_space<semaphore_mem>>
      %dma_start3A_149 = arith.constant 0 : i32
      %dma_start3A_150 = tpu.memref_slice %arg6[%add3A_21, %dma_start3A_149] : memref<10240x128xf32, #tpu.memory_space<vmem_shared>> -> memref<128x128xf32, #tpu.memory_space<vmem_shared>>
      %dma_start3A_151 = arith.constant 0 : i32
      %dma_start3A_152 = tpu.memref_slice %arg6[%add3A_21, %dma_start3A_151] : memref<10240x128xf32, #tpu.memory_space<vmem_shared>> -> memref<128x128xf32, #tpu.memory_space<vmem_shared>>
      tpu.enqueue_dma source(%arg13 : memref<128x128xf32, #tpu.memory_space<vmem>>) target(%dma_start3A_152 : memref<128x128xf32, #tpu.memory_space<vmem_shared>>) target_semaphore(%run_scoped3A : memref<!tpu.dma_semaphore, #tpu.memory_space<semaphore_mem>>)
      %dma_wait3A_153 = arith.constant 0 : i32
      %dma_wait3A_154 = tpu.memref_slice %arg6[%add3A_21, %dma_wait3A_153] : memref<10240x128xf32, #tpu.memory_space<vmem_shared>> -> memref<128x128xf32, #tpu.memory_space<vmem_shared>>
      %dma_wait3A_155 = arith.constant 0 : i32
      %dma_wait3A_156 = tpu.memref_slice %arg6[%add3A_21, %dma_wait3A_155] : memref<10240x128xf32, #tpu.memory_space<vmem_shared>> -> memref<128x128xf32, #tpu.memory_space<vmem_shared>>
      tpu.wait_dma2 semaphore(%run_scoped3A : memref<!tpu.dma_semaphore, #tpu.memory_space<semaphore_mem>>) src(%arg13 : memref<128x128xf32, #tpu.memory_space<vmem>>) dst(%dma_wait3A_156 : memref<128x128xf32, #tpu.memory_space<vmem_shared>>)
      tpu.yield
    }) : () -> ()
    %mul3A_22 = arith.constant 640 : i32
    %mul3A_23 = arith.muli %arg1, %mul3A_22 : i32
    %add3A_24 = arith.constant 512 : i32
    %add3A_25 = arith.addi %mul3A_23, %add3A_24 : i32
    "tpu.region"() ({
      %run_scoped3A = tpu.sem_alloc : memref<!tpu.dma_semaphore, #tpu.memory_space<semaphore_mem>>
      %dma_start3A_149 = arith.constant 0 : i32
      %dma_start3A_150 = tpu.memref_slice %arg6[%add3A_25, %dma_start3A_149] : memref<10240x128xf32, #tpu.memory_space<vmem_shared>> -> memref<128x128xf32, #tpu.memory_space<vmem_shared>>
      %dma_start3A_151 = arith.constant 0 : i32
      %dma_start3A_152 = tpu.memref_slice %arg6[%add3A_25, %dma_start3A_151] : memref<10240x128xf32, #tpu.memory_space<vmem_shared>> -> memref<128x128xf32, #tpu.memory_space<vmem_shared>>
      tpu.enqueue_dma source(%arg13 : memref<128x128xf32, #tpu.memory_space<vmem>>) target(%dma_start3A_152 : memref<128x128xf32, #tpu.memory_space<vmem_shared>>) target_semaphore(%run_scoped3A : memref<!tpu.dma_semaphore, #tpu.memory_space<semaphore_mem>>)
      %dma_wait3A_153 = arith.constant 0 : i32
      %dma_wait3A_154 = tpu.memref_slice %arg6[%add3A_25, %dma_wait3A_153] : memref<10240x128xf32, #tpu.memory_space<vmem_shared>> -> memref<128x128xf32, #tpu.memory_space<vmem_shared>>
      %dma_wait3A_155 = arith.constant 0 : i32
      %dma_wait3A_156 = tpu.memref_slice %arg6[%add3A_25, %dma_wait3A_155] : memref<10240x128xf32, #tpu.memory_space<vmem_shared>> -> memref<128x128xf32, #tpu.memory_space<vmem_shared>>
      tpu.wait_dma2 semaphore(%run_scoped3A : memref<!tpu.dma_semaphore, #tpu.memory_space<semaphore_mem>>) src(%arg13 : memref<128x128xf32, #tpu.memory_space<vmem>>) dst(%dma_wait3A_156 : memref<128x128xf32, #tpu.memory_space<vmem_shared>>)
      tpu.yield
    }) : () -> ()
    "tpu.region"() ({
      %run_scoped3A = tpu.sem_alloc : memref<!tpu.dma_semaphore, #tpu.memory_space<semaphore_mem>>
      %dma_start3A_149 = arith.constant 0 : i32
      %dma_start3A_150 = tpu.memref_slice %arg3[%add3A, %dma_start3A_149] : memref<32x10000xi32, #tpu.memory_space<hbm>> -> memref<1x10000xi32, #tpu.memory_space<hbm>>
      %dma_start3A_151 = tpu.memref_squeeze %dma_start3A_150 : memref<1x10000xi32, #tpu.memory_space<hbm>> -> memref<10000xi32, #tpu.memory_space<hbm>>
      %dma_start3A_152 = arith.constant 0 : i32
      %dma_start3A_153 = tpu.memref_slice %arg3[%add3A, %dma_start3A_152] : memref<32x10000xi32, #tpu.memory_space<hbm>> -> memref<1x10000xi32, #tpu.memory_space<hbm>>
      %dma_start3A_154 = tpu.memref_squeeze %dma_start3A_153 : memref<1x10000xi32, #tpu.memory_space<hbm>> -> memref<10000xi32, #tpu.memory_space<hbm>>
      tpu.enqueue_dma source(%dma_start3A_154 : memref<10000xi32, #tpu.memory_space<hbm>>) target(%arg7 : memref<10000xi32, #tpu.memory_space<vmem>>) target_semaphore(%run_scoped3A : memref<!tpu.dma_semaphore, #tpu.memory_space<semaphore_mem>>)
      %dma_wait3A_155 = arith.constant 0 : i32
      %dma_wait3A_156 = tpu.memref_slice %arg3[%add3A, %dma_wait3A_155] : memref<32x10000xi32, #tpu.memory_space<hbm>> -> memref<1x10000xi32, #tpu.memory_space<hbm>>
      %dma_wait3A_157 = tpu.memref_squeeze %dma_wait3A_156 : memref<1x10000xi32, #tpu.memory_space<hbm>> -> memref<10000xi32, #tpu.memory_space<hbm>>
      %dma_wait3A_158 = arith.constant 0 : i32
      %dma_wait3A_159 = tpu.memref_slice %arg3[%add3A, %dma_wait3A_158] : memref<32x10000xi32, #tpu.memory_space<hbm>> -> memref<1x10000xi32, #tpu.memory_space<hbm>>
      %dma_wait3A_160 = tpu.memref_squeeze %dma_wait3A_159 : memref<1x10000xi32, #tpu.memory_space<hbm>> -> memref<10000xi32, #tpu.memory_space<hbm>>
      tpu.wait_dma2 semaphore(%run_scoped3A : memref<!tpu.dma_semaphore, #tpu.memory_space<semaphore_mem>>) src(%dma_wait3A_160 : memref<10000xi32, #tpu.memory_space<hbm>>) dst(%arg7 : memref<10000xi32, #tpu.memory_space<vmem>>)
      tpu.yield
    }) : () -> ()
    %barrier3A = arith.constant 0 : index
    tpu.barrier barrier_id(%barrier3A)
    %get3A = arith.constant 0 : index
    %get3A_26 = tpu.vector_load %arg7[%get3A] {strides = array<i32>} : memref<10000xi32, #tpu.memory_space<vmem>>, vector<16xi32>,
    %get3A_27 = vector.shape_cast %get3A_26 : vector<16xi32> to vector<16xi32>
    %and3A = arith.constant 65535 : i32
    %and3A_28 = vector.broadcast %and3A : i32 to vector<16xi32>
    %and3A_29 = arith.andi %get3A_27, %and3A_28 : vector<16xi32>
    %swap3A = arith.constant 0 : index
    %swap3A_30 = tpu.vector_load %arg8[%swap3A] {strides = array<i32>} : memref<128xi32, #tpu.memory_space<vmem>>, vector<16xi32>,
    %swap3A_31 = vector.shape_cast %swap3A_30 : vector<16xi32> to vector<16xi32>
    %swap3A_32 = vector.shape_cast %and3A_29 : vector<16xi32> to vector<16xi32>
    tpu.vector_store %arg8[%swap3A], %swap3A_32 {strides = array<i32>} : memref<128xi32, #tpu.memory_space<vmem>>, vector<16xi32>,
    %get3A_33 = arith.constant 16 : index
    %get3A_34 = tpu.vector_load %arg7[%get3A_33] {strides = array<i32>} : memref<10000xi32, #tpu.memory_space<vmem>>, vector<16xi32>,
    %get3A_35 = vector.shape_cast %get3A_34 : vector<16xi32> to vector<16xi32>
    %and3A_36 = arith.constant 65535 : i32
    %and3A_37 = vector.broadcast %and3A_36 : i32 to vector<16xi32>
    %and3A_38 = arith.andi %get3A_35, %and3A_37 : vector<16xi32>
    %swap3A_39 = arith.constant 16 : index
    %swap3A_40 = tpu.vector_load %arg8[%swap3A_39] {strides = array<i32>} : memref<128xi32, #tpu.memory_space<vmem>>, vector<16xi32>,
    %swap3A_41 = vector.shape_cast %swap3A_40 : vector<16xi32> to vector<16xi32>
    %swap3A_42 = vector.shape_cast %and3A_38 : vector<16xi32> to vector<16xi32>
    tpu.vector_store %arg8[%swap3A_39], %swap3A_42 {strides = array<i32>} : memref<128xi32, #tpu.memory_space<vmem>>, vector<16xi32>,
    %get3A_43 = arith.constant 32 : index
    %get3A_44 = tpu.vector_load %arg7[%get3A_43] {strides = array<i32>} : memref<10000xi32, #tpu.memory_space<vmem>>, vector<16xi32>,
    %get3A_45 = vector.shape_cast %get3A_44 : vector<16xi32> to vector<16xi32>
    %and3A_46 = arith.constant 65535 : i32
    %and3A_47 = vector.broadcast %and3A_46 : i32 to vector<16xi32>
    %and3A_48 = arith.andi %get3A_45, %and3A_47 : vector<16xi32>
    %swap3A_49 = arith.constant 32 : index
    %swap3A_50 = tpu.vector_load %arg8[%swap3A_49] {strides = array<i32>} : memref<128xi32, #tpu.memory_space<vmem>>, vector<16xi32>,
    %swap3A_51 = vector.shape_cast %swap3A_50 : vector<16xi32> to vector<16xi32>
    %swap3A_52 = vector.shape_cast %and3A_48 : vector<16xi32> to vector<16xi32>
    tpu.vector_store %arg8[%swap3A_49], %swap3A_52 {strides = array<i32>} : memref<128xi32, #tpu.memory_space<vmem>>, vector<16xi32>,
    %get3A_53 = arith.constant 48 : index
    %get3A_54 = tpu.vector_load %arg7[%get3A_53] {strides = array<i32>} : memref<10000xi32, #tpu.memory_space<vmem>>, vector<16xi32>,
    %get3A_55 = vector.shape_cast %get3A_54 : vector<16xi32> to vector<16xi32>
    %and3A_56 = arith.constant 65535 : i32
    %and3A_57 = vector.broadcast %and3A_56 : i32 to vector<16xi32>
    %and3A_58 = arith.andi %get3A_55, %and3A_57 : vector<16xi32>
    %swap3A_59 = arith.constant 48 : index
    %swap3A_60 = tpu.vector_load %arg8[%swap3A_59] {strides = array<i32>} : memref<128xi32, #tpu.memory_space<vmem>>, vector<16xi32>,
    %swap3A_61 = vector.shape_cast %swap3A_60 : vector<16xi32> to vector<16xi32>
    %swap3A_62 = vector.shape_cast %and3A_58 : vector<16xi32> to vector<16xi32>
    tpu.vector_store %arg8[%swap3A_59], %swap3A_62 {strides = array<i32>} : memref<128xi32, #tpu.memory_space<vmem>>, vector<16xi32>,
    %get3A_63 = arith.constant 64 : index
    %get3A_64 = tpu.vector_load %arg7[%get3A_63] {strides = array<i32>} : memref<10000xi32, #tpu.memory_space<vmem>>, vector<16xi32>,
    %get3A_65 = vector.shape_cast %get3A_64 : vector<16xi32> to vector<16xi32>
    %and3A_66 = arith.constant 65535 : i32
    %and3A_67 = vector.broadcast %and3A_66 : i32 to vector<16xi32>
    %and3A_68 = arith.andi %get3A_65, %and3A_67 : vector<16xi32>
    %swap3A_69 = arith.constant 64 : index
    %swap3A_70 = tpu.vector_load %arg8[%swap3A_69] {strides = array<i32>} : memref<128xi32, #tpu.memory_space<vmem>>, vector<16xi32>,
    %swap3A_71 = vector.shape_cast %swap3A_70 : vector<16xi32> to vector<16xi32>
    %swap3A_72 = vector.shape_cast %and3A_68 : vector<16xi32> to vector<16xi32>
    tpu.vector_store %arg8[%swap3A_69], %swap3A_72 {strides = array<i32>} : memref<128xi32, #tpu.memory_space<vmem>>, vector<16xi32>,
    %get3A_73 = arith.constant 80 : index
    %get3A_74 = tpu.vector_load %arg7[%get3A_73] {strides = array<i32>} : memref<10000xi32, #tpu.memory_space<vmem>>, vector<16xi32>,
    %get3A_75 = vector.shape_cast %get3A_74 : vector<16xi32> to vector<16xi32>
    %and3A_76 = arith.constant 65535 : i32
    %and3A_77 = vector.broadcast %and3A_76 : i32 to vector<16xi32>
    %and3A_78 = arith.andi %get3A_75, %and3A_77 : vector<16xi32>
    %swap3A_79 = arith.constant 80 : index
    %swap3A_80 = tpu.vector_load %arg8[%swap3A_79] {strides = array<i32>} : memref<128xi32, #tpu.memory_space<vmem>>, vector<16xi32>,
    %swap3A_81 = vector.shape_cast %swap3A_80 : vector<16xi32> to vector<16xi32>
    %swap3A_82 = vector.shape_cast %and3A_78 : vector<16xi32> to vector<16xi32>
    tpu.vector_store %arg8[%swap3A_79], %swap3A_82 {strides = array<i32>} : memref<128xi32, #tpu.memory_space<vmem>>, vector<16xi32>,
    %get3A_83 = arith.constant 96 : index
    %get3A_84 = tpu.vector_load %arg7[%get3A_83] {strides = array<i32>} : memref<10000xi32, #tpu.memory_space<vmem>>, vector<16xi32>,
    %get3A_85 = vector.shape_cast %get3A_84 : vector<16xi32> to vector<16xi32>
    %and3A_86 = arith.constant 65535 : i32
    %and3A_87 = vector.broadcast %and3A_86 : i32 to vector<16xi32>
    %and3A_88 = arith.andi %get3A_85, %and3A_87 : vector<16xi32>
    %swap3A_89 = arith.constant 96 : index
    %swap3A_90 = tpu.vector_load %arg8[%swap3A_89] {strides = array<i32>} : memref<128xi32, #tpu.memory_space<vmem>>, vector<16xi32>,
    %swap3A_91 = vector.shape_cast %swap3A_90 : vector<16xi32> to vector<16xi32>
    %swap3A_92 = vector.shape_cast %and3A_88 : vector<16xi32> to vector<16xi32>
    tpu.vector_store %arg8[%swap3A_89], %swap3A_92 {strides = array<i32>} : memref<128xi32, #tpu.memory_space<vmem>>, vector<16xi32>,
    %get3A_93 = arith.constant 112 : index
    %get3A_94 = tpu.vector_load %arg7[%get3A_93] {strides = array<i32>} : memref<10000xi32, #tpu.memory_space<vmem>>, vector<16xi32>,
    %get3A_95 = vector.shape_cast %get3A_94 : vector<16xi32> to vector<16xi32>
    %and3A_96 = arith.constant 65535 : i32
    %and3A_97 = vector.broadcast %and3A_96 : i32 to vector<16xi32>
    %and3A_98 = arith.andi %get3A_95, %and3A_97 : vector<16xi32>
    %swap3A_99 = arith.constant 112 : index
    %swap3A_100 = tpu.vector_load %arg8[%swap3A_99] {strides = array<i32>} : memref<128xi32, #tpu.memory_space<vmem>>, vector<16xi32>,
    %swap3A_101 = vector.shape_cast %swap3A_100 : vector<16xi32> to vector<16xi32>
    %swap3A_102 = vector.shape_cast %and3A_98 : vector<16xi32> to vector<16xi32>
    tpu.vector_store %arg8[%swap3A_99], %swap3A_102 {strides = array<i32>} : memref<128xi32, #tpu.memory_space<vmem>>, vector<16xi32>,
    %dma_start3A = arith.constant 0 : i32
    %dma_start3A_103 = arith.constant 0 : i32
    %dma_start3A_104 = tpu.memref_slice %arg2[%dma_start3A, %dma_start3A_103] : memref<10240x128xf32, #tpu.memory_space<hbm>> -> memref<10240x128xf32, #tpu.memory_space<hbm>>
    tpu.enqueue_indirect_dma source(%dma_start3A_104 : memref<10240x128xf32, #tpu.memory_space<hbm>>) target(%arg13 : memref<128x128xf32, #tpu.memory_space<vmem>>) offsets(%arg8 : memref<128xi32, #tpu.memory_space<vmem>>) semaphore(%arg15 : memref<!tpu.dma_semaphore, #tpu.memory_space<semaphore_mem>>)
    %scan3A_105 = arith.constant 0 : i32
    %scan3A_106 = arith.constant 0 : i32
    %scan3A_107 = arith.constant 39 : i32
    %scan3A_108 = arith.addi %scan3A_106, %scan3A_107 : i32
    %scan3A_109 = arith.constant 1 : i32
    scf.for %scan3A_149 = %scan3A_106 to %scan3A_108 step %scan3A_109  : i32 {
      %mul3A_150 = arith.constant 2 : i32
      %mul3A_151 = arith.muli %mul3A_150, %scan3A_149 : i32
      %add3A_152 = arith.constant 1 : i32
      %add3A_153 = arith.addi %mul3A_151, %add3A_152 : i32
      %mul3A_154 = arith.constant 128 : i32
      %mul3A_155 = arith.muli %add3A_153, %mul3A_154 : i32
      %add3A_156 = arith.constant 0 : i32
      %add3A_157 = arith.addi %mul3A_155, %add3A_156 : i32
      %get3A_158 = arith.index_cast %add3A_157 : i32 to index
      %get3A_159 = tpu.vector_load %arg7[%get3A_158] {strides = array<i32>} : memref<10000xi32, #tpu.memory_space<vmem>>, vector<16xi32>,
      %get3A_160 = vector.shape_cast %get3A_159 : vector<16xi32> to vector<16xi32>
      %and3A_161 = arith.constant 65535 : i32
      %and3A_162 = vector.broadcast %and3A_161 : i32 to vector<16xi32>
      %and3A_163 = arith.andi %get3A_160, %and3A_162 : vector<16xi32>
      %swap3A_164 = arith.constant 0 : index
      %swap3A_165 = tpu.vector_load %arg9[%swap3A_164] {strides = array<i32>} : memref<128xi32, #tpu.memory_space<vmem>>, vector<16xi32>,
      %swap3A_166 = vector.shape_cast %swap3A_165 : vector<16xi32> to vector<16xi32>
      %swap3A_167 = vector.shape_cast %and3A_163 : vector<16xi32> to vector<16xi32>
      tpu.vector_store %arg9[%swap3A_164], %swap3A_167 {strides = array<i32>} : memref<128xi32, #tpu.memory_space<vmem>>, vector<16xi32>,
      %mul3A_168 = arith.constant 128 : i32
      %mul3A_169 = arith.muli %add3A_153, %mul3A_168 : i32
      %add3A_170 = arith.constant 16 : i32
      %add3A_171 = arith.addi %mul3A_169, %add3A_170 : i32
      %get3A_172 = arith.index_cast %add3A_171 : i32 to index
      %get3A_173 = tpu.vector_load %arg7[%get3A_172] {strides = array<i32>} : memref<10000xi32, #tpu.memory_space<vmem>>, vector<16xi32>,
      %get3A_174 = vector.shape_cast %get3A_173 : vector<16xi32> to vector<16xi32>
      %and3A_175 = arith.constant 65535 : i32
      %and3A_176 = vector.broadcast %and3A_175 : i32 to vector<16xi32>
      %and3A_177 = arith.andi %get3A_174, %and3A_176 : vector<16xi32>
      %swap3A_178 = arith.constant 16 : index
      %swap3A_179 = tpu.vector_load %arg9[%swap3A_178] {strides = array<i32>} : memref<128xi32, #tpu.memory_space<vmem>>, vector<16xi32>,
      %swap3A_180 = vector.shape_cast %swap3A_179 : vector<16xi32> to vector<16xi32>
      %swap3A_181 = vector.shape_cast %and3A_177 : vector<16xi32> to vector<16xi32>
      tpu.vector_store %arg9[%swap3A_178], %swap3A_181 {strides = array<i32>} : memref<128xi32, #tpu.memory_space<vmem>>, vector<16xi32>,
      %mul3A_182 = arith.constant 128 : i32
      %mul3A_183 = arith.muli %add3A_153, %mul3A_182 : i32
      %add3A_184 = arith.constant 32 : i32
      %add3A_185 = arith.addi %mul3A_183, %add3A_184 : i32
      %get3A_186 = arith.index_cast %add3A_185 : i32 to index
      %get3A_187 = tpu.vector_load %arg7[%get3A_186] {strides = array<i32>} : memref<10000xi32, #tpu.memory_space<vmem>>, vector<16xi32>,
      %get3A_188 = vector.shape_cast %get3A_187 : vector<16xi32> to vector<16xi32>
      %and3A_189 = arith.constant 65535 : i32
      %and3A_190 = vector.broadcast %and3A_189 : i32 to vector<16xi32>
      %and3A_191 = arith.andi %get3A_188, %and3A_190 : vector<16xi32>
      %swap3A_192 = arith.constant 32 : index
      %swap3A_193 = tpu.vector_load %arg9[%swap3A_192] {strides = array<i32>} : memref<128xi32, #tpu.memory_space<vmem>>, vector<16xi32>,
      %swap3A_194 = vector.shape_cast %swap3A_193 : vector<16xi32> to vector<16xi32>
      %swap3A_195 = vector.shape_cast %and3A_191 : vector<16xi32> to vector<16xi32>
      tpu.vector_store %arg9[%swap3A_192], %swap3A_195 {strides = array<i32>} : memref<128xi32, #tpu.memory_space<vmem>>, vector<16xi32>,
      %mul3A_196 = arith.constant 128 : i32
      %mul3A_197 = arith.muli %add3A_153, %mul3A_196 : i32
      %add3A_198 = arith.constant 48 : i32
      %add3A_199 = arith.addi %mul3A_197, %add3A_198 : i32
      %get3A_200 = arith.index_cast %add3A_199 : i32 to index
      %get3A_201 = tpu.vector_load %arg7[%get3A_200] {strides = array<i32>} : memref<10000xi32, #tpu.memory_space<vmem>>, vector<16xi32>,
      %get3A_202 = vector.shape_cast %get3A_201 : vector<16xi32> to vector<16xi32>
      %and3A_203 = arith.constant 65535 : i32
      %and3A_204 = vector.broadcast %and3A_203 : i32 to vector<16xi32>
      %and3A_205 = arith.andi %get3A_202, %and3A_204 : vector<16xi32>
      %swap3A_206 = arith.constant 48 : index
      %swap3A_207 = tpu.vector_load %arg9[%swap3A_206] {strides = array<i32>} : memref<128xi32, #tpu.memory_space<vmem>>, vector<16xi32>,
      %swap3A_208 = vector.shape_cast %swap3A_207 : vector<16xi32> to vector<16xi32>
      %swap3A_209 = vector.shape_cast %and3A_205 : vector<16xi32> to vector<16xi32>
      tpu.vector_store %arg9[%swap3A_206], %swap3A_209 {strides = array<i32>} : memref<128xi32, #tpu.memory_space<vmem>>, vector<16xi32>,
      %mul3A_210 = arith.constant 128 : i32
      %mul3A_211 = arith.muli %add3A_153, %mul3A_210 : i32
      %add3A_212 = arith.constant 64 : i32
      %add3A_213 = arith.addi %mul3A_211, %add3A_212 : i32
      %get3A_214 = arith.index_cast %add3A_213 : i32 to index
      %get3A_215 = tpu.vector_load %arg7[%get3A_214] {strides = array<i32>} : memref<10000xi32, #tpu.memory_space<vmem>>, vector<16xi32>,
      %get3A_216 = vector.shape_cast %get3A_215 : vector<16xi32> to vector<16xi32>
      %and3A_217 = arith.constant 65535 : i32
      %and3A_218 = vector.broadcast %and3A_217 : i32 to vector<16xi32>
      %and3A_219 = arith.andi %get3A_216, %and3A_218 : vector<16xi32>
      %swap3A_220 = arith.constant 64 : index
      %swap3A_221 = tpu.vector_load %arg9[%swap3A_220] {strides = array<i32>} : memref<128xi32, #tpu.memory_space<vmem>>, vector<16xi32>,
      %swap3A_222 = vector.shape_cast %swap3A_221 : vector<16xi32> to vector<16xi32>
      %swap3A_223 = vector.shape_cast %and3A_219 : vector<16xi32> to vector<16xi32>
      tpu.vector_store %arg9[%swap3A_220], %swap3A_223 {strides = array<i32>} : memref<128xi32, #tpu.memory_space<vmem>>, vector<16xi32>,
      %mul3A_224 = arith.constant 128 : i32
      %mul3A_225 = arith.muli %add3A_153, %mul3A_224 : i32
      %add3A_226 = arith.constant 80 : i32
      %add3A_227 = arith.addi %mul3A_225, %add3A_226 : i32
      %get3A_228 = arith.index_cast %add3A_227 : i32 to index
      %get3A_229 = tpu.vector_load %arg7[%get3A_228] {strides = array<i32>} : memref<10000xi32, #tpu.memory_space<vmem>>, vector<16xi32>,
      %get3A_230 = vector.shape_cast %get3A_229 : vector<16xi32> to vector<16xi32>
      %and3A_231 = arith.constant 65535 : i32
      %and3A_232 = vector.broadcast %and3A_231 : i32 to vector<16xi32>
      %and3A_233 = arith.andi %get3A_230, %and3A_232 : vector<16xi32>
      %swap3A_234 = arith.constant 80 : index
      %swap3A_235 = tpu.vector_load %arg9[%swap3A_234] {strides = array<i32>} : memref<128xi32, #tpu.memory_space<vmem>>, vector<16xi32>,
      %swap3A_236 = vector.shape_cast %swap3A_235 : vector<16xi32> to vector<16xi32>
      %swap3A_237 = vector.shape_cast %and3A_233 : vector<16xi32> to vector<16xi32>
      tpu.vector_store %arg9[%swap3A_234], %swap3A_237 {strides = array<i32>} : memref<128xi32, #tpu.memory_space<vmem>>, vector<16xi32>,
      %mul3A_238 = arith.constant 128 : i32
      %mul3A_239 = arith.muli %add3A_153, %mul3A_238 : i32
      %add3A_240 = arith.constant 96 : i32
      %add3A_241 = arith.addi %mul3A_239, %add3A_240 : i32
      %get3A_242 = arith.index_cast %add3A_241 : i32 to index
      %get3A_243 = tpu.vector_load %arg7[%get3A_242] {strides = array<i32>} : memref<10000xi32, #tpu.memory_space<vmem>>, vector<16xi32>,
      %get3A_244 = vector.shape_cast %get3A_243 : vector<16xi32> to vector<16xi32>
      %and3A_245 = arith.constant 65535 : i32
      %and3A_246 = vector.broadcast %and3A_245 : i32 to vector<16xi32>
      %and3A_247 = arith.andi %get3A_244, %and3A_246 : vector<16xi32>
      %swap3A_248 = arith.constant 96 : index
      %swap3A_249 = tpu.vector_load %arg9[%swap3A_248] {strides = array<i32>} : memref<128xi32, #tpu.memory_space<vmem>>, vector<16xi32>,
      %swap3A_250 = vector.shape_cast %swap3A_249 : vector<16xi32> to vector<16xi32>
      %swap3A_251 = vector.shape_cast %and3A_247 : vector<16xi32> to vector<16xi32>
      tpu.vector_store %arg9[%swap3A_248], %swap3A_251 {strides = array<i32>} : memref<128xi32, #tpu.memory_space<vmem>>, vector<16xi32>,
      %mul3A_252 = arith.constant 128 : i32
      %mul3A_253 = arith.muli %add3A_153, %mul3A_252 : i32
      %add3A_254 = arith.constant 112 : i32
      %add3A_255 = arith.addi %mul3A_253, %add3A_254 : i32
      %get3A_256 = arith.index_cast %add3A_255 : i32 to index
      %get3A_257 = tpu.vector_load %arg7[%get3A_256] {strides = array<i32>} : memref<10000xi32, #tpu.memory_space<vmem>>, vector<16xi32>,
      %get3A_258 = vector.shape_cast %get3A_257 : vector<16xi32> to vector<16xi32>
      %and3A_259 = arith.constant 65535 : i32
      %and3A_260 = vector.broadcast %and3A_259 : i32 to vector<16xi32>
      %and3A_261 = arith.andi %get3A_258, %and3A_260 : vector<16xi32>
      %swap3A_262 = arith.constant 112 : index
      %swap3A_263 = tpu.vector_load %arg9[%swap3A_262] {strides = array<i32>} : memref<128xi32, #tpu.memory_space<vmem>>, vector<16xi32>,
      %swap3A_264 = vector.shape_cast %swap3A_263 : vector<16xi32> to vector<16xi32>
      %swap3A_265 = vector.shape_cast %and3A_261 : vector<16xi32> to vector<16xi32>
      tpu.vector_store %arg9[%swap3A_262], %swap3A_265 {strides = array<i32>} : memref<128xi32, #tpu.memory_space<vmem>>, vector<16xi32>,
      %dma_start3A_266 = arith.constant 0 : i32
      %dma_start3A_267 = arith.constant 0 : i32
      %dma_start3A_268 = tpu.memref_slice %arg2[%dma_start3A_266, %dma_start3A_267] : memref<10240x128xf32, #tpu.memory_space<hbm>> -> memref<10240x128xf32, #tpu.memory_space<hbm>>
      tpu.enqueue_indirect_dma source(%dma_start3A_268 : memref<10240x128xf32, #tpu.memory_space<hbm>>) target(%arg14 : memref<128x128xf32, #tpu.memory_space<vmem>>) offsets(%arg9 : memref<128xi32, #tpu.memory_space<vmem>>) semaphore(%arg16 : memref<!tpu.dma_semaphore, #tpu.memory_space<semaphore_mem>>)
      %dma_wait3A_269 = arith.constant 0 : i32
      %dma_wait3A_270 = arith.constant 0 : i32
      %dma_wait3A_271 = tpu.memref_slice %arg2[%dma_wait3A_269, %dma_wait3A_270] : memref<10240x128xf32, #tpu.memory_space<hbm>> -> memref<10240x128xf32, #tpu.memory_space<hbm>>
      tpu.wait_indirect_dma semaphore(%arg15 : memref<!tpu.dma_semaphore, #tpu.memory_space<semaphore_mem>>) src(%dma_wait3A_271 : memref<10240x128xf32, #tpu.memory_space<hbm>>) dst(%arg13 : memref<128x128xf32, #tpu.memory_space<vmem>>)
      %mul3A_272 = arith.constant 128 : i32
      %mul3A_273 = arith.muli %mul3A_151, %mul3A_272 : i32
      %add3A_274 = arith.constant 0 : i32
      %add3A_275 = arith.addi %mul3A_273, %add3A_274 : i32
      %get3A_276 = arith.index_cast %add3A_275 : i32 to index
      %get3A_277 = tpu.vector_load %arg7[%get3A_276] {strides = array<i32>} : memref<10000xi32, #tpu.memory_space<vmem>>, vector<16xi32>,
      %get3A_278 = vector.shape_cast %get3A_277 : vector<16xi32> to vector<16xi32>
      %shift_right_logical3A_279 = arith.constant 16 : i32
      %shift_right_logical3A_280 = vector.broadcast %shift_right_logical3A_279 : i32 to vector<16xi32>
      %shift_right_logical3A_281 = arith.shrui %get3A_278, %shift_right_logical3A_280 : vector<16xi32>
      %swap3A_282 = arith.constant 0 : index
      %swap3A_283 = tpu.vector_load %arg10[%swap3A_282] {strides = array<i32>} : memref<128xi32, #tpu.memory_space<vmem>>, vector<16xi32>,
      %swap3A_284 = vector.shape_cast %swap3A_283 : vector<16xi32> to vector<16xi32>
      %swap3A_285 = vector.shape_cast %shift_right_logical3A_281 : vector<16xi32> to vector<16xi32>
      tpu.vector_store %arg10[%swap3A_282], %swap3A_285 {strides = array<i32>} : memref<128xi32, #tpu.memory_space<vmem>>, vector<16xi32>,
      %mul3A_286 = arith.constant 128 : i32
      %mul3A_287 = arith.muli %mul3A_151, %mul3A_286 : i32
      %add3A_288 = arith.constant 16 : i32
      %add3A_289 = arith.addi %mul3A_287, %add3A_288 : i32
      %get3A_290 = arith.index_cast %add3A_289 : i32 to index
      %get3A_291 = tpu.vector_load %arg7[%get3A_290] {strides = array<i32>} : memref<10000xi32, #tpu.memory_space<vmem>>, vector<16xi32>,
      %get3A_292 = vector.shape_cast %get3A_291 : vector<16xi32> to vector<16xi32>
      %shift_right_logical3A_293 = arith.constant 16 : i32
      %shift_right_logical3A_294 = vector.broadcast %shift_right_logical3A_293 : i32 to vector<16xi32>
      %shift_right_logical3A_295 = arith.shrui %get3A_292, %shift_right_logical3A_294 : vector<16xi32>
      %swap3A_296 = arith.constant 16 : index
      %swap3A_297 = tpu.vector_load %arg10[%swap3A_296] {strides = array<i32>} : memref<128xi32, #tpu.memory_space<vmem>>, vector<16xi32>,
      %swap3A_298 = vector.shape_cast %swap3A_297 : vector<16xi32> to vector<16xi32>
      %swap3A_299 = vector.shape_cast %shift_right_logical3A_295 : vector<16xi32> to vector<16xi32>
      tpu.vector_store %arg10[%swap3A_296], %swap3A_299 {strides = array<i32>} : memref<128xi32, #tpu.memory_space<vmem>>, vector<16xi32>,
      %mul3A_300 = arith.constant 128 : i32
      %mul3A_301 = arith.muli %mul3A_151, %mul3A_300 : i32
      %add3A_302 = arith.constant 32 : i32
      %add3A_303 = arith.addi %mul3A_301, %add3A_302 : i32
      %get3A_304 = arith.index_cast %add3A_303 : i32 to index
      %get3A_305 = tpu.vector_load %arg7[%get3A_304] {strides = array<i32>} : memref<10000xi32, #tpu.memory_space<vmem>>, vector<16xi32>,
      %get3A_306 = vector.shape_cast %get3A_305 : vector<16xi32> to vector<16xi32>
      %shift_right_logical3A_307 = arith.constant 16 : i32
      %shift_right_logical3A_308 = vector.broadcast %shift_right_logical3A_307 : i32 to vector<16xi32>
      %shift_right_logical3A_309 = arith.shrui %get3A_306, %shift_right_logical3A_308 : vector<16xi32>
      %swap3A_310 = arith.constant 32 : index
      %swap3A_311 = tpu.vector_load %arg10[%swap3A_310] {strides = array<i32>} : memref<128xi32, #tpu.memory_space<vmem>>, vector<16xi32>,
      %swap3A_312 = vector.shape_cast %swap3A_311 : vector<16xi32> to vector<16xi32>
      %swap3A_313 = vector.shape_cast %shift_right_logical3A_309 : vector<16xi32> to vector<16xi32>
      tpu.vector_store %arg10[%swap3A_310], %swap3A_313 {strides = array<i32>} : memref<128xi32, #tpu.memory_space<vmem>>, vector<16xi32>,
      %mul3A_314 = arith.constant 128 : i32
      %mul3A_315 = arith.muli %mul3A_151, %mul3A_314 : i32
      %add3A_316 = arith.constant 48 : i32
      %add3A_317 = arith.addi %mul3A_315, %add3A_316 : i32
      %get3A_318 = arith.index_cast %add3A_317 : i32 to index
      %get3A_319 = tpu.vector_load %arg7[%get3A_318] {strides = array<i32>} : memref<10000xi32, #tpu.memory_space<vmem>>, vector<16xi32>,
      %get3A_320 = vector.shape_cast %get3A_319 : vector<16xi32> to vector<16xi32>
      %shift_right_logical3A_321 = arith.constant 16 : i32
      %shift_right_logical3A_322 = vector.broadcast %shift_right_logical3A_321 : i32 to vector<16xi32>
      %shift_right_logical3A_323 = arith.shrui %get3A_320, %shift_right_logical3A_322 : vector<16xi32>
      %swap3A_324 = arith.constant 48 : index
      %swap3A_325 = tpu.vector_load %arg10[%swap3A_324] {strides = array<i32>} : memref<128xi32, #tpu.memory_space<vmem>>, vector<16xi32>,
      %swap3A_326 = vector.shape_cast %swap3A_325 : vector<16xi32> to vector<16xi32>
      %swap3A_327 = vector.shape_cast %shift_right_logical3A_323 : vector<16xi32> to vector<16xi32>
      tpu.vector_store %arg10[%swap3A_324], %swap3A_327 {strides = array<i32>} : memref<128xi32, #tpu.memory_space<vmem>>, vector<16xi32>,
      %mul3A_328 = arith.constant 128 : i32
      %mul3A_329 = arith.muli %mul3A_151, %mul3A_328 : i32
      %add3A_330 = arith.constant 64 : i32
      %add3A_331 = arith.addi %mul3A_329, %add3A_330 : i32
      %get3A_332 = arith.index_cast %add3A_331 : i32 to index
      %get3A_333 = tpu.vector_load %arg7[%get3A_332] {strides = array<i32>} : memref<10000xi32, #tpu.memory_space<vmem>>, vector<16xi32>,
      %get3A_334 = vector.shape_cast %get3A_333 : vector<16xi32> to vector<16xi32>
      %shift_right_logical3A_335 = arith.constant 16 : i32
      %shift_right_logical3A_336 = vector.broadcast %shift_right_logical3A_335 : i32 to vector<16xi32>
      %shift_right_logical3A_337 = arith.shrui %get3A_334, %shift_right_logical3A_336 : vector<16xi32>
      %swap3A_338 = arith.constant 64 : index
      %swap3A_339 = tpu.vector_load %arg10[%swap3A_338] {strides = array<i32>} : memref<128xi32, #tpu.memory_space<vmem>>, vector<16xi32>,
      %swap3A_340 = vector.shape_cast %swap3A_339 : vector<16xi32> to vector<16xi32>
      %swap3A_341 = vector.shape_cast %shift_right_logical3A_337 : vector<16xi32> to vector<16xi32>
      tpu.vector_store %arg10[%swap3A_338], %swap3A_341 {strides = array<i32>} : memref<128xi32, #tpu.memory_space<vmem>>, vector<16xi32>,
      %mul3A_342 = arith.constant 128 : i32
      %mul3A_343 = arith.muli %mul3A_151, %mul3A_342 : i32
      %add3A_344 = arith.constant 80 : i32
      %add3A_345 = arith.addi %mul3A_343, %add3A_344 : i32
      %get3A_346 = arith.index_cast %add3A_345 : i32 to index
      %get3A_347 = tpu.vector_load %arg7[%get3A_346] {strides = array<i32>} : memref<10000xi32, #tpu.memory_space<vmem>>, vector<16xi32>,
      %get3A_348 = vector.shape_cast %get3A_347 : vector<16xi32> to vector<16xi32>
      %shift_right_logical3A_349 = arith.constant 16 : i32
      %shift_right_logical3A_350 = vector.broadcast %shift_right_logical3A_349 : i32 to vector<16xi32>
      %shift_right_logical3A_351 = arith.shrui %get3A_348, %shift_right_logical3A_350 : vector<16xi32>
      %swap3A_352 = arith.constant 80 : index
      %swap3A_353 = tpu.vector_load %arg10[%swap3A_352] {strides = array<i32>} : memref<128xi32, #tpu.memory_space<vmem>>, vector<16xi32>,
      %swap3A_354 = vector.shape_cast %swap3A_353 : vector<16xi32> to vector<16xi32>
      %swap3A_355 = vector.shape_cast %shift_right_logical3A_351 : vector<16xi32> to vector<16xi32>
      tpu.vector_store %arg10[%swap3A_352], %swap3A_355 {strides = array<i32>} : memref<128xi32, #tpu.memory_space<vmem>>, vector<16xi32>,
      %mul3A_356 = arith.constant 128 : i32
      %mul3A_357 = arith.muli %mul3A_151, %mul3A_356 : i32
      %add3A_358 = arith.constant 96 : i32
      %add3A_359 = arith.addi %mul3A_357, %add3A_358 : i32
      %get3A_360 = arith.index_cast %add3A_359 : i32 to index
      %get3A_361 = tpu.vector_load %arg7[%get3A_360] {strides = array<i32>} : memref<10000xi32, #tpu.memory_space<vmem>>, vector<16xi32>,
      %get3A_362 = vector.shape_cast %get3A_361 : vector<16xi32> to vector<16xi32>
      %shift_right_logical3A_363 = arith.constant 16 : i32
      %shift_right_logical3A_364 = vector.broadcast %shift_right_logical3A_363 : i32 to vector<16xi32>
      %shift_right_logical3A_365 = arith.shrui %get3A_362, %shift_right_logical3A_364 : vector<16xi32>
      %swap3A_366 = arith.constant 96 : index
      %swap3A_367 = tpu.vector_load %arg10[%swap3A_366] {strides = array<i32>} : memref<128xi32, #tpu.memory_space<vmem>>, vector<16xi32>,
      %swap3A_368 = vector.shape_cast %swap3A_367 : vector<16xi32> to vector<16xi32>
      %swap3A_369 = vector.shape_cast %shift_right_logical3A_365 : vector<16xi32> to vector<16xi32>
      tpu.vector_store %arg10[%swap3A_366], %swap3A_369 {strides = array<i32>} : memref<128xi32, #tpu.memory_space<vmem>>, vector<16xi32>,
      %mul3A_370 = arith.constant 128 : i32
      %mul3A_371 = arith.muli %mul3A_151, %mul3A_370 : i32
      %add3A_372 = arith.constant 112 : i32
      %add3A_373 = arith.addi %mul3A_371, %add3A_372 : i32
      %get3A_374 = arith.index_cast %add3A_373 : i32 to index
      %get3A_375 = tpu.vector_load %arg7[%get3A_374] {strides = array<i32>} : memref<10000xi32, #tpu.memory_space<vmem>>, vector<16xi32>,
      %get3A_376 = vector.shape_cast %get3A_375 : vector<16xi32> to vector<16xi32>
      %shift_right_logical3A_377 = arith.constant 16 : i32
      %shift_right_logical3A_378 = vector.broadcast %shift_right_logical3A_377 : i32 to vector<16xi32>
      %shift_right_logical3A_379 = arith.shrui %get3A_376, %shift_right_logical3A_378 : vector<16xi32>
      %swap3A_380 = arith.constant 112 : index
      %swap3A_381 = tpu.vector_load %arg10[%swap3A_380] {strides = array<i32>} : memref<128xi32, #tpu.memory_space<vmem>>, vector<16xi32>,
      %swap3A_382 = vector.shape_cast %swap3A_381 : vector<16xi32> to vector<16xi32>
      %swap3A_383 = vector.shape_cast %shift_right_logical3A_379 : vector<16xi32> to vector<16xi32>
      tpu.vector_store %arg10[%swap3A_380], %swap3A_383 {strides = array<i32>} : memref<128xi32, #tpu.memory_space<vmem>>, vector<16xi32>,
      "tpu.region"() ({
        %run_scoped3A = tpu.sem_alloc : memref<!tpu.dma_semaphore, #tpu.memory_space<semaphore_mem>>
        %dma_start3A_629 = arith.constant 0 : i32
        %dma_start3A_630 = arith.constant 0 : i32
        %dma_start3A_631 = tpu.memref_slice %arg6[%dma_start3A_629, %dma_start3A_630] : memref<10240x128xf32, #tpu.memory_space<vmem_shared>> -> memref<10240x128xf32, #tpu.memory_space<vmem_shared>>
        tpu.enqueue_indirect_dma source(%arg13 : memref<128x128xf32, #tpu.memory_space<vmem>>) target(%dma_start3A_631 : memref<10240x128xf32, #tpu.memory_space<vmem_shared>>) offsets(%arg10 : memref<128xi32, #tpu.memory_space<vmem>>) semaphore(%run_scoped3A : memref<!tpu.dma_semaphore, #tpu.memory_space<semaphore_mem>>) {add = true}
        %dma_wait3A_632 = arith.constant 0 : i32
        %dma_wait3A_633 = arith.constant 0 : i32
        %dma_wait3A_634 = tpu.memref_slice %arg6[%dma_wait3A_632, %dma_wait3A_633] : memref<10240x128xf32, #tpu.memory_space<vmem_shared>> -> memref<10240x128xf32, #tpu.memory_space<vmem_shared>>
        tpu.wait_indirect_dma semaphore(%run_scoped3A : memref<!tpu.dma_semaphore, #tpu.memory_space<semaphore_mem>>) src(%arg13 : memref<128x128xf32, #tpu.memory_space<vmem>>) dst(%dma_wait3A_634 : memref<10240x128xf32, #tpu.memory_space<vmem_shared>>)
        tpu.yield
      }) : () -> ()
      %add3A_384 = arith.constant 2 : i32
      %add3A_385 = arith.addi %mul3A_151, %add3A_384 : i32
      %jit3A = arith.constant 78 : i32
      %eq3A_386 = arith.constant 0 : i32
      %eq3A_387 = arith.cmpi eq, %jit3A, %eq3A_386 : i32
      %jit3A_388 = arith.constant 1 : i32
      %select_n3A = arith.select %eq3A_387, %jit3A_388, %jit3A : i32
      %rem3A = arith.remsi %add3A_385, %select_n3A : i32
      %ne3A = arith.constant 0 : i32
      %ne3A_389 = arith.cmpi ne, %rem3A, %ne3A : i32
      %lt3A = arith.constant 0 : i32
      %lt3A_390 = arith.cmpi slt, %rem3A, %lt3A : i32
      %lt3A_391 = arith.constant 0 : i32
      %lt3A_392 = arith.cmpi slt, %select_n3A, %lt3A_391 : i32
      %ne3A_393 = arith.xori %lt3A_390, %lt3A_392 : i1
      %and3A_394 = arith.andi %ne3A_393, %ne3A_389 : i1
      %add3A_395 = arith.addi %rem3A, %select_n3A : i32
      %select_n3A_396 = arith.select %and3A_394, %add3A_395, %rem3A : i32
      %mul3A_397 = arith.constant 128 : i32
      %mul3A_398 = arith.muli %select_n3A_396, %mul3A_397 : i32
      %add3A_399 = arith.constant 0 : i32
      %add3A_400 = arith.addi %mul3A_398, %add3A_399 : i32
      %get3A_401 = arith.index_cast %add3A_400 : i32 to index
      %get3A_402 = tpu.vector_load %arg7[%get3A_401] {strides = array<i32>} : memref<10000xi32, #tpu.memory_space<vmem>>, vector<16xi32>,
      %get3A_403 = vector.shape_cast %get3A_402 : vector<16xi32> to vector<16xi32>
      %and3A_404 = arith.constant 65535 : i32
      %and3A_405 = vector.broadcast %and3A_404 : i32 to vector<16xi32>
      %and3A_406 = arith.andi %get3A_403, %and3A_405 : vector<16xi32>
      %swap3A_407 = arith.constant 0 : index
      %swap3A_408 = tpu.vector_load %arg8[%swap3A_407] {strides = array<i32>} : memref<128xi32, #tpu.memory_space<vmem>>, vector<16xi32>,
      %swap3A_409 = vector.shape_cast %swap3A_408 : vector<16xi32> to vector<16xi32>
      %swap3A_410 = vector.shape_cast %and3A_406 : vector<16xi32> to vector<16xi32>
      tpu.vector_store %arg8[%swap3A_407], %swap3A_410 {strides = array<i32>} : memref<128xi32, #tpu.memory_space<vmem>>, vector<16xi32>,
      %mul3A_411 = arith.constant 128 : i32
      %mul3A_412 = arith.muli %select_n3A_396, %mul3A_411 : i32
      %add3A_413 = arith.constant 16 : i32
      %add3A_414 = arith.addi %mul3A_412, %add3A_413 : i32
      %get3A_415 = arith.index_cast %add3A_414 : i32 to index
      %get3A_416 = tpu.vector_load %arg7[%get3A_415] {strides = array<i32>} : memref<10000xi32, #tpu.memory_space<vmem>>, vector<16xi32>,
      %get3A_417 = vector.shape_cast %get3A_416 : vector<16xi32> to vector<16xi32>
      %and3A_418 = arith.constant 65535 : i32
      %and3A_419 = vector.broadcast %and3A_418 : i32 to vector<16xi32>
      %and3A_420 = arith.andi %get3A_417, %and3A_419 : vector<16xi32>
      %swap3A_421 = arith.constant 16 : index
      %swap3A_422 = tpu.vector_load %arg8[%swap3A_421] {strides = array<i32>} : memref<128xi32, #tpu.memory_space<vmem>>, vector<16xi32>,
      %swap3A_423 = vector.shape_cast %swap3A_422 : vector<16xi32> to vector<16xi32>
      %swap3A_424 = vector.shape_cast %and3A_420 : vector<16xi32> to vector<16xi32>
      tpu.vector_store %arg8[%swap3A_421], %swap3A_424 {strides = array<i32>} : memref<128xi32, #tpu.memory_space<vmem>>, vector<16xi32>,
      %mul3A_425 = arith.constant 128 : i32
      %mul3A_426 = arith.muli %select_n3A_396, %mul3A_425 : i32
      %add3A_427 = arith.constant 32 : i32
      %add3A_428 = arith.addi %mul3A_426, %add3A_427 : i32
      %get3A_429 = arith.index_cast %add3A_428 : i32 to index
      %get3A_430 = tpu.vector_load %arg7[%get3A_429] {strides = array<i32>} : memref<10000xi32, #tpu.memory_space<vmem>>, vector<16xi32>,
      %get3A_431 = vector.shape_cast %get3A_430 : vector<16xi32> to vector<16xi32>
      %and3A_432 = arith.constant 65535 : i32
      %and3A_433 = vector.broadcast %and3A_432 : i32 to vector<16xi32>
      %and3A_434 = arith.andi %get3A_431, %and3A_433 : vector<16xi32>
      %swap3A_435 = arith.constant 32 : index
      %swap3A_436 = tpu.vector_load %arg8[%swap3A_435] {strides = array<i32>} : memref<128xi32, #tpu.memory_space<vmem>>, vector<16xi32>,
      %swap3A_437 = vector.shape_cast %swap3A_436 : vector<16xi32> to vector<16xi32>
      %swap3A_438 = vector.shape_cast %and3A_434 : vector<16xi32> to vector<16xi32>
      tpu.vector_store %arg8[%swap3A_435], %swap3A_438 {strides = array<i32>} : memref<128xi32, #tpu.memory_space<vmem>>, vector<16xi32>,
      %mul3A_439 = arith.constant 128 : i32
      %mul3A_440 = arith.muli %select_n3A_396, %mul3A_439 : i32
      %add3A_441 = arith.constant 48 : i32
      %add3A_442 = arith.addi %mul3A_440, %add3A_441 : i32
      %get3A_443 = arith.index_cast %add3A_442 : i32 to index
      %get3A_444 = tpu.vector_load %arg7[%get3A_443] {strides = array<i32>} : memref<10000xi32, #tpu.memory_space<vmem>>, vector<16xi32>,
      %get3A_445 = vector.shape_cast %get3A_444 : vector<16xi32> to vector<16xi32>
      %and3A_446 = arith.constant 65535 : i32
      %and3A_447 = vector.broadcast %and3A_446 : i32 to vector<16xi32>
      %and3A_448 = arith.andi %get3A_445, %and3A_447 : vector<16xi32>
      %swap3A_449 = arith.constant 48 : index
      %swap3A_450 = tpu.vector_load %arg8[%swap3A_449] {strides = array<i32>} : memref<128xi32, #tpu.memory_space<vmem>>, vector<16xi32>,
      %swap3A_451 = vector.shape_cast %swap3A_450 : vector<16xi32> to vector<16xi32>
      %swap3A_452 = vector.shape_cast %and3A_448 : vector<16xi32> to vector<16xi32>
      tpu.vector_store %arg8[%swap3A_449], %swap3A_452 {strides = array<i32>} : memref<128xi32, #tpu.memory_space<vmem>>, vector<16xi32>,
      %mul3A_453 = arith.constant 128 : i32
      %mul3A_454 = arith.muli %select_n3A_396, %mul3A_453 : i32
      %add3A_455 = arith.constant 64 : i32
      %add3A_456 = arith.addi %mul3A_454, %add3A_455 : i32
      %get3A_457 = arith.index_cast %add3A_456 : i32 to index
      %get3A_458 = tpu.vector_load %arg7[%get3A_457] {strides = array<i32>} : memref<10000xi32, #tpu.memory_space<vmem>>, vector<16xi32>,
      %get3A_459 = vector.shape_cast %get3A_458 : vector<16xi32> to vector<16xi32>
      %and3A_460 = arith.constant 65535 : i32
      %and3A_461 = vector.broadcast %and3A_460 : i32 to vector<16xi32>
      %and3A_462 = arith.andi %get3A_459, %and3A_461 : vector<16xi32>
      %swap3A_463 = arith.constant 64 : index
      %swap3A_464 = tpu.vector_load %arg8[%swap3A_463] {strides = array<i32>} : memref<128xi32, #tpu.memory_space<vmem>>, vector<16xi32>,
      %swap3A_465 = vector.shape_cast %swap3A_464 : vector<16xi32> to vector<16xi32>
      %swap3A_466 = vector.shape_cast %and3A_462 : vector<16xi32> to vector<16xi32>
      tpu.vector_store %arg8[%swap3A_463], %swap3A_466 {strides = array<i32>} : memref<128xi32, #tpu.memory_space<vmem>>, vector<16xi32>,
      %mul3A_467 = arith.constant 128 : i32
      %mul3A_468 = arith.muli %select_n3A_396, %mul3A_467 : i32
      %add3A_469 = arith.constant 80 : i32
      %add3A_470 = arith.addi %mul3A_468, %add3A_469 : i32
      %get3A_471 = arith.index_cast %add3A_470 : i32 to index
      %get3A_472 = tpu.vector_load %arg7[%get3A_471] {strides = array<i32>} : memref<10000xi32, #tpu.memory_space<vmem>>, vector<16xi32>,
      %get3A_473 = vector.shape_cast %get3A_472 : vector<16xi32> to vector<16xi32>
      %and3A_474 = arith.constant 65535 : i32
      %and3A_475 = vector.broadcast %and3A_474 : i32 to vector<16xi32>
      %and3A_476 = arith.andi %get3A_473, %and3A_475 : vector<16xi32>
      %swap3A_477 = arith.constant 80 : index
      %swap3A_478 = tpu.vector_load %arg8[%swap3A_477] {strides = array<i32>} : memref<128xi32, #tpu.memory_space<vmem>>, vector<16xi32>,
      %swap3A_479 = vector.shape_cast %swap3A_478 : vector<16xi32> to vector<16xi32>
      %swap3A_480 = vector.shape_cast %and3A_476 : vector<16xi32> to vector<16xi32>
      tpu.vector_store %arg8[%swap3A_477], %swap3A_480 {strides = array<i32>} : memref<128xi32, #tpu.memory_space<vmem>>, vector<16xi32>,
      %mul3A_481 = arith.constant 128 : i32
      %mul3A_482 = arith.muli %select_n3A_396, %mul3A_481 : i32
      %add3A_483 = arith.constant 96 : i32
      %add3A_484 = arith.addi %mul3A_482, %add3A_483 : i32
      %get3A_485 = arith.index_cast %add3A_484 : i32 to index
      %get3A_486 = tpu.vector_load %arg7[%get3A_485] {strides = array<i32>} : memref<10000xi32, #tpu.memory_space<vmem>>, vector<16xi32>,
      %get3A_487 = vector.shape_cast %get3A_486 : vector<16xi32> to vector<16xi32>
      %and3A_488 = arith.constant 65535 : i32
      %and3A_489 = vector.broadcast %and3A_488 : i32 to vector<16xi32>
      %and3A_490 = arith.andi %get3A_487, %and3A_489 : vector<16xi32>
      %swap3A_491 = arith.constant 96 : index
      %swap3A_492 = tpu.vector_load %arg8[%swap3A_491] {strides = array<i32>} : memref<128xi32, #tpu.memory_space<vmem>>, vector<16xi32>,
      %swap3A_493 = vector.shape_cast %swap3A_492 : vector<16xi32> to vector<16xi32>
      %swap3A_494 = vector.shape_cast %and3A_490 : vector<16xi32> to vector<16xi32>
      tpu.vector_store %arg8[%swap3A_491], %swap3A_494 {strides = array<i32>} : memref<128xi32, #tpu.memory_space<vmem>>, vector<16xi32>,
      %mul3A_495 = arith.constant 128 : i32
      %mul3A_496 = arith.muli %select_n3A_396, %mul3A_495 : i32
      %add3A_497 = arith.constant 112 : i32
      %add3A_498 = arith.addi %mul3A_496, %add3A_497 : i32
      %get3A_499 = arith.index_cast %add3A_498 : i32 to index
      %get3A_500 = tpu.vector_load %arg7[%get3A_499] {strides = array<i32>} : memref<10000xi32, #tpu.memory_space<vmem>>, vector<16xi32>,
      %get3A_501 = vector.shape_cast %get3A_500 : vector<16xi32> to vector<16xi32>
      %and3A_502 = arith.constant 65535 : i32
      %and3A_503 = vector.broadcast %and3A_502 : i32 to vector<16xi32>
      %and3A_504 = arith.andi %get3A_501, %and3A_503 : vector<16xi32>
      %swap3A_505 = arith.constant 112 : index
      %swap3A_506 = tpu.vector_load %arg8[%swap3A_505] {strides = array<i32>} : memref<128xi32, #tpu.memory_space<vmem>>, vector<16xi32>,
      %swap3A_507 = vector.shape_cast %swap3A_506 : vector<16xi32> to vector<16xi32>
      %swap3A_508 = vector.shape_cast %and3A_504 : vector<16xi32> to vector<16xi32>
      tpu.vector_store %arg8[%swap3A_505], %swap3A_508 {strides = array<i32>} : memref<128xi32, #tpu.memory_space<vmem>>, vector<16xi32>,
      %dma_start3A_509 = arith.constant 0 : i32
      %dma_start3A_510 = arith.constant 0 : i32
      %dma_start3A_511 = tpu.memref_slice %arg2[%dma_start3A_509, %dma_start3A_510] : memref<10240x128xf32, #tpu.memory_space<hbm>> -> memref<10240x128xf32, #tpu.memory_space<hbm>>
      tpu.enqueue_indirect_dma source(%dma_start3A_511 : memref<10240x128xf32, #tpu.memory_space<hbm>>) target(%arg13 : memref<128x128xf32, #tpu.memory_space<vmem>>) offsets(%arg8 : memref<128xi32, #tpu.memory_space<vmem>>) semaphore(%arg15 : memref<!tpu.dma_semaphore, #tpu.memory_space<semaphore_mem>>)
      %dma_wait3A_512 = arith.constant 0 : i32
      %dma_wait3A_513 = arith.constant 0 : i32
      %dma_wait3A_514 = tpu.memref_slice %arg2[%dma_wait3A_512, %dma_wait3A_513] : memref<10240x128xf32, #tpu.memory_space<hbm>> -> memref<10240x128xf32, #tpu.memory_space<hbm>>
      tpu.wait_indirect_dma semaphore(%arg16 : memref<!tpu.dma_semaphore, #tpu.memory_space<semaphore_mem>>) src(%dma_wait3A_514 : memref<10240x128xf32, #tpu.memory_space<hbm>>) dst(%arg14 : memref<128x128xf32, #tpu.memory_space<vmem>>)
      %add3A_515 = arith.constant 1 : i32
      %add3A_516 = arith.addi %mul3A_151, %add3A_515 : i32
      %mul3A_517 = arith.constant 128 : i32
      %mul3A_518 = arith.muli %add3A_516, %mul3A_517 : i32
      %add3A_519 = arith.constant 0 : i32
      %add3A_520 = arith.addi %mul3A_518, %add3A_519 : i32
      %get3A_521 = arith.index_cast %add3A_520 : i32 to index
      %get3A_522 = tpu.vector_load %arg7[%get3A_521] {strides = array<i32>} : memref<10000xi32, #tpu.memory_space<vmem>>, vector<16xi32>,
      %get3A_523 = vector.shape_cast %get3A_522 : vector<16xi32> to vector<16xi32>
      %shift_right_logical3A_524 = arith.constant 16 : i32
      %shift_right_logical3A_525 = vector.broadcast %shift_right_logical3A_524 : i32 to vector<16xi32>
      %shift_right_logical3A_526 = arith.shrui %get3A_523, %shift_right_logical3A_525 : vector<16xi32>
      %swap3A_527 = arith.constant 0 : index
      %swap3A_528 = tpu.vector_load %arg10[%swap3A_527] {strides = array<i32>} : memref<128xi32, #tpu.memory_space<vmem>>, vector<16xi32>,
      %swap3A_529 = vector.shape_cast %swap3A_528 : vector<16xi32> to vector<16xi32>
      %swap3A_530 = vector.shape_cast %shift_right_logical3A_526 : vector<16xi32> to vector<16xi32>
      tpu.vector_store %arg10[%swap3A_527], %swap3A_530 {strides = array<i32>} : memref<128xi32, #tpu.memory_space<vmem>>, vector<16xi32>,
      %mul3A_531 = arith.constant 128 : i32
      %mul3A_532 = arith.muli %add3A_516, %mul3A_531 : i32
      %add3A_533 = arith.constant 16 : i32
      %add3A_534 = arith.addi %mul3A_532, %add3A_533 : i32
      %get3A_535 = arith.index_cast %add3A_534 : i32 to index
      %get3A_536 = tpu.vector_load %arg7[%get3A_535] {strides = array<i32>} : memref<10000xi32, #tpu.memory_space<vmem>>, vector<16xi32>,
      %get3A_537 = vector.shape_cast %get3A_536 : vector<16xi32> to vector<16xi32>
      %shift_right_logical3A_538 = arith.constant 16 : i32
      %shift_right_logical3A_539 = vector.broadcast %shift_right_logical3A_538 : i32 to vector<16xi32>
      %shift_right_logical3A_540 = arith.shrui %get3A_537, %shift_right_logical3A_539 : vector<16xi32>
      %swap3A_541 = arith.constant 16 : index
      %swap3A_542 = tpu.vector_load %arg10[%swap3A_541] {strides = array<i32>} : memref<128xi32, #tpu.memory_space<vmem>>, vector<16xi32>,
      %swap3A_543 = vector.shape_cast %swap3A_542 : vector<16xi32> to vector<16xi32>
      %swap3A_544 = vector.shape_cast %shift_right_logical3A_540 : vector<16xi32> to vector<16xi32>
      tpu.vector_store %arg10[%swap3A_541], %swap3A_544 {strides = array<i32>} : memref<128xi32, #tpu.memory_space<vmem>>, vector<16xi32>,
      %mul3A_545 = arith.constant 128 : i32
      %mul3A_546 = arith.muli %add3A_516, %mul3A_545 : i32
      %add3A_547 = arith.constant 32 : i32
      %add3A_548 = arith.addi %mul3A_546, %add3A_547 : i32
      %get3A_549 = arith.index_cast %add3A_548 : i32 to index
      %get3A_550 = tpu.vector_load %arg7[%get3A_549] {strides = array<i32>} : memref<10000xi32, #tpu.memory_space<vmem>>, vector<16xi32>,
      %get3A_551 = vector.shape_cast %get3A_550 : vector<16xi32> to vector<16xi32>
      %shift_right_logical3A_552 = arith.constant 16 : i32
      %shift_right_logical3A_553 = vector.broadcast %shift_right_logical3A_552 : i32 to vector<16xi32>
      %shift_right_logical3A_554 = arith.shrui %get3A_551, %shift_right_logical3A_553 : vector<16xi32>
      %swap3A_555 = arith.constant 32 : index
      %swap3A_556 = tpu.vector_load %arg10[%swap3A_555] {strides = array<i32>} : memref<128xi32, #tpu.memory_space<vmem>>, vector<16xi32>,
      %swap3A_557 = vector.shape_cast %swap3A_556 : vector<16xi32> to vector<16xi32>
      %swap3A_558 = vector.shape_cast %shift_right_logical3A_554 : vector<16xi32> to vector<16xi32>
      tpu.vector_store %arg10[%swap3A_555], %swap3A_558 {strides = array<i32>} : memref<128xi32, #tpu.memory_space<vmem>>, vector<16xi32>,
      %mul3A_559 = arith.constant 128 : i32
      %mul3A_560 = arith.muli %add3A_516, %mul3A_559 : i32
      %add3A_561 = arith.constant 48 : i32
      %add3A_562 = arith.addi %mul3A_560, %add3A_561 : i32
      %get3A_563 = arith.index_cast %add3A_562 : i32 to index
      %get3A_564 = tpu.vector_load %arg7[%get3A_563] {strides = array<i32>} : memref<10000xi32, #tpu.memory_space<vmem>>, vector<16xi32>,
      %get3A_565 = vector.shape_cast %get3A_564 : vector<16xi32> to vector<16xi32>
      %shift_right_logical3A_566 = arith.constant 16 : i32
      %shift_right_logical3A_567 = vector.broadcast %shift_right_logical3A_566 : i32 to vector<16xi32>
      %shift_right_logical3A_568 = arith.shrui %get3A_565, %shift_right_logical3A_567 : vector<16xi32>
      %swap3A_569 = arith.constant 48 : index
      %swap3A_570 = tpu.vector_load %arg10[%swap3A_569] {strides = array<i32>} : memref<128xi32, #tpu.memory_space<vmem>>, vector<16xi32>,
      %swap3A_571 = vector.shape_cast %swap3A_570 : vector<16xi32> to vector<16xi32>
      %swap3A_572 = vector.shape_cast %shift_right_logical3A_568 : vector<16xi32> to vector<16xi32>
      tpu.vector_store %arg10[%swap3A_569], %swap3A_572 {strides = array<i32>} : memref<128xi32, #tpu.memory_space<vmem>>, vector<16xi32>,
      %mul3A_573 = arith.constant 128 : i32
      %mul3A_574 = arith.muli %add3A_516, %mul3A_573 : i32
      %add3A_575 = arith.constant 64 : i32
      %add3A_576 = arith.addi %mul3A_574, %add3A_575 : i32
      %get3A_577 = arith.index_cast %add3A_576 : i32 to index
      %get3A_578 = tpu.vector_load %arg7[%get3A_577] {strides = array<i32>} : memref<10000xi32, #tpu.memory_space<vmem>>, vector<16xi32>,
      %get3A_579 = vector.shape_cast %get3A_578 : vector<16xi32> to vector<16xi32>
      %shift_right_logical3A_580 = arith.constant 16 : i32
      %shift_right_logical3A_581 = vector.broadcast %shift_right_logical3A_580 : i32 to vector<16xi32>
      %shift_right_logical3A_582 = arith.shrui %get3A_579, %shift_right_logical3A_581 : vector<16xi32>
      %swap3A_583 = arith.constant 64 : index
      %swap3A_584 = tpu.vector_load %arg10[%swap3A_583] {strides = array<i32>} : memref<128xi32, #tpu.memory_space<vmem>>, vector<16xi32>,
      %swap3A_585 = vector.shape_cast %swap3A_584 : vector<16xi32> to vector<16xi32>
      %swap3A_586 = vector.shape_cast %shift_right_logical3A_582 : vector<16xi32> to vector<16xi32>
      tpu.vector_store %arg10[%swap3A_583], %swap3A_586 {strides = array<i32>} : memref<128xi32, #tpu.memory_space<vmem>>, vector<16xi32>,
      %mul3A_587 = arith.constant 128 : i32
      %mul3A_588 = arith.muli %add3A_516, %mul3A_587 : i32
      %add3A_589 = arith.constant 80 : i32
      %add3A_590 = arith.addi %mul3A_588, %add3A_589 : i32
      %get3A_591 = arith.index_cast %add3A_590 : i32 to index
      %get3A_592 = tpu.vector_load %arg7[%get3A_591] {strides = array<i32>} : memref<10000xi32, #tpu.memory_space<vmem>>, vector<16xi32>,
      %get3A_593 = vector.shape_cast %get3A_592 : vector<16xi32> to vector<16xi32>
      %shift_right_logical3A_594 = arith.constant 16 : i32
      %shift_right_logical3A_595 = vector.broadcast %shift_right_logical3A_594 : i32 to vector<16xi32>
      %shift_right_logical3A_596 = arith.shrui %get3A_593, %shift_right_logical3A_595 : vector<16xi32>
      %swap3A_597 = arith.constant 80 : index
      %swap3A_598 = tpu.vector_load %arg10[%swap3A_597] {strides = array<i32>} : memref<128xi32, #tpu.memory_space<vmem>>, vector<16xi32>,
      %swap3A_599 = vector.shape_cast %swap3A_598 : vector<16xi32> to vector<16xi32>
      %swap3A_600 = vector.shape_cast %shift_right_logical3A_596 : vector<16xi32> to vector<16xi32>
      tpu.vector_store %arg10[%swap3A_597], %swap3A_600 {strides = array<i32>} : memref<128xi32, #tpu.memory_space<vmem>>, vector<16xi32>,
      %mul3A_601 = arith.constant 128 : i32
      %mul3A_602 = arith.muli %add3A_516, %mul3A_601 : i32
      %add3A_603 = arith.constant 96 : i32
      %add3A_604 = arith.addi %mul3A_602, %add3A_603 : i32
      %get3A_605 = arith.index_cast %add3A_604 : i32 to index
      %get3A_606 = tpu.vector_load %arg7[%get3A_605] {strides = array<i32>} : memref<10000xi32, #tpu.memory_space<vmem>>, vector<16xi32>,
      %get3A_607 = vector.shape_cast %get3A_606 : vector<16xi32> to vector<16xi32>
      %shift_right_logical3A_608 = arith.constant 16 : i32
      %shift_right_logical3A_609 = vector.broadcast %shift_right_logical3A_608 : i32 to vector<16xi32>
      %shift_right_logical3A_610 = arith.shrui %get3A_607, %shift_right_logical3A_609 : vector<16xi32>
      %swap3A_611 = arith.constant 96 : index
      %swap3A_612 = tpu.vector_load %arg10[%swap3A_611] {strides = array<i32>} : memref<128xi32, #tpu.memory_space<vmem>>, vector<16xi32>,
      %swap3A_613 = vector.shape_cast %swap3A_612 : vector<16xi32> to vector<16xi32>
      %swap3A_614 = vector.shape_cast %shift_right_logical3A_610 : vector<16xi32> to vector<16xi32>
      tpu.vector_store %arg10[%swap3A_611], %swap3A_614 {strides = array<i32>} : memref<128xi32, #tpu.memory_space<vmem>>, vector<16xi32>,
      %mul3A_615 = arith.constant 128 : i32
      %mul3A_616 = arith.muli %add3A_516, %mul3A_615 : i32
      %add3A_617 = arith.constant 112 : i32
      %add3A_618 = arith.addi %mul3A_616, %add3A_617 : i32
      %get3A_619 = arith.index_cast %add3A_618 : i32 to index
      %get3A_620 = tpu.vector_load %arg7[%get3A_619] {strides = array<i32>} : memref<10000xi32, #tpu.memory_space<vmem>>, vector<16xi32>,
      %get3A_621 = vector.shape_cast %get3A_620 : vector<16xi32> to vector<16xi32>
      %shift_right_logical3A_622 = arith.constant 16 : i32
      %shift_right_logical3A_623 = vector.broadcast %shift_right_logical3A_622 : i32 to vector<16xi32>
      %shift_right_logical3A_624 = arith.shrui %get3A_621, %shift_right_logical3A_623 : vector<16xi32>
      %swap3A_625 = arith.constant 112 : index
      %swap3A_626 = tpu.vector_load %arg10[%swap3A_625] {strides = array<i32>} : memref<128xi32, #tpu.memory_space<vmem>>, vector<16xi32>,
      %swap3A_627 = vector.shape_cast %swap3A_626 : vector<16xi32> to vector<16xi32>
      %swap3A_628 = vector.shape_cast %shift_right_logical3A_624 : vector<16xi32> to vector<16xi32>
      tpu.vector_store %arg10[%swap3A_625], %swap3A_628 {strides = array<i32>} : memref<128xi32, #tpu.memory_space<vmem>>, vector<16xi32>,
      "tpu.region"() ({
        %run_scoped3A = tpu.sem_alloc : memref<!tpu.dma_semaphore, #tpu.memory_space<semaphore_mem>>
        %dma_start3A_629 = arith.constant 0 : i32
        %dma_start3A_630 = arith.constant 0 : i32
        %dma_start3A_631 = tpu.memref_slice %arg6[%dma_start3A_629, %dma_start3A_630] : memref<10240x128xf32, #tpu.memory_space<vmem_shared>> -> memref<10240x128xf32, #tpu.memory_space<vmem_shared>>
        tpu.enqueue_indirect_dma source(%arg14 : memref<128x128xf32, #tpu.memory_space<vmem>>) target(%dma_start3A_631 : memref<10240x128xf32, #tpu.memory_space<vmem_shared>>) offsets(%arg10 : memref<128xi32, #tpu.memory_space<vmem>>) semaphore(%run_scoped3A : memref<!tpu.dma_semaphore, #tpu.memory_space<semaphore_mem>>) {add = true}
        %dma_wait3A_632 = arith.constant 0 : i32
        %dma_wait3A_633 = arith.constant 0 : i32
        %dma_wait3A_634 = tpu.memref_slice %arg6[%dma_wait3A_632, %dma_wait3A_633] : memref<10240x128xf32, #tpu.memory_space<vmem_shared>> -> memref<10240x128xf32, #tpu.memory_space<vmem_shared>>
        tpu.wait_indirect_dma semaphore(%run_scoped3A : memref<!tpu.dma_semaphore, #tpu.memory_space<semaphore_mem>>) src(%arg14 : memref<128x128xf32, #tpu.memory_space<vmem>>) dst(%dma_wait3A_634 : memref<10240x128xf32, #tpu.memory_space<vmem_shared>>)
        tpu.yield
      }) : () -> ()
    }
    %scan3A_110 = arith.constant 39 : i32
    %dma_wait3A = arith.constant 0 : i32
    %dma_wait3A_111 = arith.constant 0 : i32
    %dma_wait3A_112 = tpu.memref_slice %arg2[%dma_wait3A, %dma_wait3A_111] : memref<10240x128xf32, #tpu.memory_space<hbm>> -> memref<10240x128xf32, #tpu.memory_space<hbm>>
    tpu.wait_indirect_dma semaphore(%arg15 : memref<!tpu.dma_semaphore, #tpu.memory_space<semaphore_mem>>) src(%dma_wait3A_112 : memref<10240x128xf32, #tpu.memory_space<hbm>>) dst(%arg13 : memref<128x128xf32, #tpu.memory_space<vmem>>)
    %get3A_113 = arith.constant 9984 : index
    %get3A_114 = tpu.vector_load %arg7[%get3A_113] {strides = array<i32>} : memref<10000xi32, #tpu.memory_space<vmem>>, vector<16xi32>,
    %get3A_115 = vector.shape_cast %get3A_114 : vector<16xi32> to vector<16xi32>
    %and3A_116 = arith.constant 65535 : i32
    %and3A_117 = vector.broadcast %and3A_116 : i32 to vector<16xi32>
    %and3A_118 = arith.andi %get3A_115, %and3A_117 : vector<16xi32>
    %swap3A_119 = arith.constant 0 : index
    %swap3A_120 = tpu.vector_load %arg11[%swap3A_119] {strides = array<i32>} : memref<16xi32, #tpu.memory_space<vmem>>, vector<16xi32>,
    %swap3A_121 = vector.shape_cast %swap3A_120 : vector<16xi32> to vector<16xi32>
    %swap3A_122 = vector.shape_cast %and3A_118 : vector<16xi32> to vector<16xi32>
    tpu.vector_store %arg11[%swap3A_119], %swap3A_122 {strides = array<i32>} : memref<16xi32, #tpu.memory_space<vmem>>, vector<16xi32>,
    %shift_right_logical3A = arith.constant 16 : i32
    %shift_right_logical3A_123 = vector.broadcast %shift_right_logical3A : i32 to vector<16xi32>
    %shift_right_logical3A_124 = arith.shrui %get3A_115, %shift_right_logical3A_123 : vector<16xi32>
    %swap3A_125 = arith.constant 0 : index
    %swap3A_126 = tpu.vector_load %arg12[%swap3A_125] {strides = array<i32>} : memref<16xi32, #tpu.memory_space<vmem>>, vector<16xi32>,
    %swap3A_127 = vector.shape_cast %swap3A_126 : vector<16xi32> to vector<16xi32>
    %swap3A_128 = vector.shape_cast %shift_right_logical3A_124 : vector<16xi32> to vector<16xi32>
    tpu.vector_store %arg12[%swap3A_125], %swap3A_128 {strides = array<i32>} : memref<16xi32, #tpu.memory_space<vmem>>, vector<16xi32>,
    %dma_start3A_129 = arith.constant 0 : i32
    %dma_start3A_130 = arith.constant 0 : i32
    %dma_start3A_131 = tpu.memref_slice %arg13[%dma_start3A_129, %dma_start3A_130] : memref<128x128xf32, #tpu.memory_space<vmem>> -> memref<16x128xf32, #tpu.memory_space<vmem>>
    %dma_start3A_132 = arith.constant 0 : i32
    %dma_start3A_133 = arith.constant 0 : i32
    %dma_start3A_134 = tpu.memref_slice %arg2[%dma_start3A_132, %dma_start3A_133] : memref<10240x128xf32, #tpu.memory_space<hbm>> -> memref<10240x128xf32, #tpu.memory_space<hbm>>
    tpu.enqueue_indirect_dma source(%dma_start3A_134 : memref<10240x128xf32, #tpu.memory_space<hbm>>) target(%dma_start3A_131 : memref<16x128xf32, #tpu.memory_space<vmem>>) offsets(%arg11 : memref<16xi32, #tpu.memory_space<vmem>>) semaphore(%arg15 : memref<!tpu.dma_semaphore, #tpu.memory_space<semaphore_mem>>)
    %dma_wait3A_135 = arith.constant 0 : i32
    %dma_wait3A_136 = arith.constant 0 : i32
    %dma_wait3A_137 = tpu.memref_slice %arg13[%dma_wait3A_135, %dma_wait3A_136] : memref<128x128xf32, #tpu.memory_space<vmem>> -> memref<16x128xf32, #tpu.memory_space<vmem>>
    %dma_wait3A_138 = arith.constant 0 : i32
    %dma_wait3A_139 = arith.constant 0 : i32
    %dma_wait3A_140 = tpu.memref_slice %arg2[%dma_wait3A_138, %dma_wait3A_139] : memref<10240x128xf32, #tpu.memory_space<hbm>> -> memref<10240x128xf32, #tpu.memory_space<hbm>>
    tpu.wait_indirect_dma semaphore(%arg15 : memref<!tpu.dma_semaphore, #tpu.memory_space<semaphore_mem>>) src(%dma_wait3A_140 : memref<10240x128xf32, #tpu.memory_space<hbm>>) dst(%dma_wait3A_137 : memref<16x128xf32, #tpu.memory_space<vmem>>)
    "tpu.region"() ({
      %run_scoped3A = tpu.sem_alloc : memref<!tpu.dma_semaphore, #tpu.memory_space<semaphore_mem>>
      %dma_start3A_149 = arith.constant 0 : i32
      %dma_start3A_150 = arith.constant 0 : i32
      %dma_start3A_151 = tpu.memref_slice %arg13[%dma_start3A_149, %dma_start3A_150] : memref<128x128xf32, #tpu.memory_space<vmem>> -> memref<16x128xf32, #tpu.memory_space<vmem>>
      %dma_start3A_152 = arith.constant 0 : i32
      %dma_start3A_153 = arith.constant 0 : i32
      %dma_start3A_154 = tpu.memref_slice %arg6[%dma_start3A_152, %dma_start3A_153] : memref<10240x128xf32, #tpu.memory_space<vmem_shared>> -> memref<10240x128xf32, #tpu.memory_space<vmem_shared>>
      tpu.enqueue_indirect_dma source(%dma_start3A_151 : memref<16x128xf32, #tpu.memory_space<vmem>>) target(%dma_start3A_154 : memref<10240x128xf32, #tpu.memory_space<vmem_shared>>) offsets(%arg12 : memref<16xi32, #tpu.memory_space<vmem>>) semaphore(%run_scoped3A : memref<!tpu.dma_semaphore, #tpu.memory_space<semaphore_mem>>) {add = true}
      %dma_wait3A_155 = arith.constant 0 : i32
      %dma_wait3A_156 = arith.constant 0 : i32
      %dma_wait3A_157 = tpu.memref_slice %arg13[%dma_wait3A_155, %dma_wait3A_156] : memref<128x128xf32, #tpu.memory_space<vmem>> -> memref<16x128xf32, #tpu.memory_space<vmem>>
      %dma_wait3A_158 = arith.constant 0 : i32
      %dma_wait3A_159 = arith.constant 0 : i32
      %dma_wait3A_160 = tpu.memref_slice %arg6[%dma_wait3A_158, %dma_wait3A_159] : memref<10240x128xf32, #tpu.memory_space<vmem_shared>> -> memref<10240x128xf32, #tpu.memory_space<vmem_shared>>
      tpu.wait_indirect_dma semaphore(%run_scoped3A : memref<!tpu.dma_semaphore, #tpu.memory_space<semaphore_mem>>) src(%dma_wait3A_157 : memref<16x128xf32, #tpu.memory_space<vmem>>) dst(%dma_wait3A_160 : memref<10240x128xf32, #tpu.memory_space<vmem_shared>>)
      tpu.yield
    }) : () -> ()
    %barrier3A_141 = arith.constant 0 : index
    tpu.barrier barrier_id(%barrier3A_141)
    %eq3A = arith.constant 0 : i32
    %eq3A_142 = arith.cmpi eq, %arg0, %eq3A : i32
    %convert_element_type3A = arith.extui %eq3A_142 : i1 to i32
    %cond3A = arith.constant 0 : i32
    %cond3A_143 = arith.cmpi ne, %convert_element_type3A, %cond3A : i32
    scf.if %cond3A_143 {
      %mul3A_149 = arith.constant 640 : i32
      %mul3A_150 = arith.muli %arg1, %mul3A_149 : i32
      %mul3A_151 = arith.constant 640 : i32
      %mul3A_152 = arith.muli %arg1, %mul3A_151 : i32
      "tpu.region"() ({
        %run_scoped3A = tpu.sem_alloc : memref<!tpu.dma_semaphore, #tpu.memory_space<semaphore_mem>>
        %dma_start3A_153 = arith.constant 0 : i32
        %dma_start3A_154 = tpu.memref_slice %arg4[%mul3A_152, %dma_start3A_153] : memref<10240x128xf32, #tpu.memory_space<hbm>> -> memref<640x128xf32, #tpu.memory_space<hbm>>
        %dma_start3A_155 = arith.constant 0 : i32
        %dma_start3A_156 = tpu.memref_slice %arg6[%mul3A_150, %dma_start3A_155] : memref<10240x128xf32, #tpu.memory_space<vmem_shared>> -> memref<640x128xf32, #tpu.memory_space<vmem_shared>>
        tpu.enqueue_dma source(%dma_start3A_156 : memref<640x128xf32, #tpu.memory_space<vmem_shared>>) target(%dma_start3A_154 : memref<640x128xf32, #tpu.memory_space<hbm>>) target_semaphore(%run_scoped3A : memref<!tpu.dma_semaphore, #tpu.memory_space<semaphore_mem>>)
        %dma_wait3A_157 = arith.constant 0 : i32
        %dma_wait3A_158 = tpu.memref_slice %arg4[%mul3A_152, %dma_wait3A_157] : memref<10240x128xf32, #tpu.memory_space<hbm>> -> memref<640x128xf32, #tpu.memory_space<hbm>>
        %dma_wait3A_159 = arith.constant 0 : i32
        %dma_wait3A_160 = tpu.memref_slice %arg6[%mul3A_150, %dma_wait3A_159] : memref<10240x128xf32, #tpu.memory_space<vmem_shared>> -> memref<640x128xf32, #tpu.memory_space<vmem_shared>>
        tpu.wait_dma2 semaphore(%run_scoped3A : memref<!tpu.dma_semaphore, #tpu.memory_space<semaphore_mem>>) src(%dma_wait3A_160 : memref<640x128xf32, #tpu.memory_space<vmem_shared>>) dst(%dma_wait3A_158 : memref<640x128xf32, #tpu.memory_space<hbm>>)
        tpu.yield
      }) : () -> ()
    } else {
    }
    %eq3A_144 = arith.constant 1 : i32
    %eq3A_145 = arith.cmpi eq, %arg0, %eq3A_144 : i32
    %convert_element_type3A_146 = arith.extui %eq3A_145 : i1 to i32
    %cond3A_147 = arith.constant 0 : i32
    %cond3A_148 = arith.cmpi ne, %convert_element_type3A_146, %cond3A_147 : i32
    scf.if %cond3A_148 {
      %mul3A_149 = arith.constant 640 : i32
      %mul3A_150 = arith.muli %arg1, %mul3A_149 : i32
      %mul3A_151 = arith.constant 640 : i32
      %mul3A_152 = arith.muli %arg1, %mul3A_151 : i32
      "tpu.region"() ({
        %run_scoped3A = tpu.sem_alloc : memref<!tpu.dma_semaphore, #tpu.memory_space<semaphore_mem>>
        %dma_start3A_153 = arith.constant 0 : i32
        %dma_start3A_154 = tpu.memref_slice %arg5[%mul3A_152, %dma_start3A_153] : memref<10240x128xf32, #tpu.memory_space<hbm>> -> memref<640x128xf32, #tpu.memory_space<hbm>>
        %dma_start3A_155 = arith.constant 0 : i32
        %dma_start3A_156 = tpu.memref_slice %arg6[%mul3A_150, %dma_start3A_155] : memref<10240x128xf32, #tpu.memory_space<vmem_shared>> -> memref<640x128xf32, #tpu.memory_space<vmem_shared>>
        tpu.enqueue_dma source(%dma_start3A_156 : memref<640x128xf32, #tpu.memory_space<vmem_shared>>) target(%dma_start3A_154 : memref<640x128xf32, #tpu.memory_space<hbm>>) target_semaphore(%run_scoped3A : memref<!tpu.dma_semaphore, #tpu.memory_space<semaphore_mem>>)
        %dma_wait3A_157 = arith.constant 0 : i32
        %dma_wait3A_158 = tpu.memref_slice %arg5[%mul3A_152, %dma_wait3A_157] : memref<10240x128xf32, #tpu.memory_space<hbm>> -> memref<640x128xf32, #tpu.memory_space<hbm>>
        %dma_wait3A_159 = arith.constant 0 : i32
        %dma_wait3A_160 = tpu.memref_slice %arg6[%mul3A_150, %dma_wait3A_159] : memref<10240x128xf32, #tpu.memory_space<vmem_shared>> -> memref<640x128xf32, #tpu.memory_space<vmem_shared>>
        tpu.wait_dma2 semaphore(%run_scoped3A : memref<!tpu.dma_semaphore, #tpu.memory_space<semaphore_mem>>) src(%dma_wait3A_160 : memref<640x128xf32, #tpu.memory_space<vmem_shared>>) dst(%dma_wait3A_158 : memref<640x128xf32, #tpu.memory_space<hbm>>)
        tpu.yield
      }) : () -> ()
    } else {
    }
    return
  }
}

module attributes {stable_mosaic.version = 14 : i64} {
  func.func @_mm1_body(%arg0: i32, %arg1: memref<5120x128xf32, #tpu.memory_space<vmem>>, %arg2: memref<128x128xf32, #tpu.memory_space<vmem>>, %arg3: memref<5120x1xf32, #tpu.memory_space<vmem>>, %arg4: memref<5120x1xf32, #tpu.memory_space<vmem>>, %arg5: memref<5120x128xf32, #tpu.memory_space<vmem>>) attributes {dimension_semantics = [#tpu.dimension_semantics<arbitrary>], iteration_bounds = array<i64: 2>, scalar_prefetch = 0 : i64, scratch_operands = 0 : i64, tpu.core_type = #tpu.core_type<tc>, window_params = [{transform_indices = @transform_0, window_bounds = array<i64: 5120, 128>}, {pipeline_mode = #tpu.pipeline_mode<synchronous>, transform_indices = @transform_1, window_bounds = array<i64: 128, 128>}, {transform_indices = @transform_2, window_bounds = array<i64: 5120, 1>}, {transform_indices = @transform_3, window_bounds = array<i64: 5120, 1>}, {transform_indices = @transform_4, window_bounds = array<i64: 5120, 128>}]} {
    %get3A = arith.constant 0 : index
    %get3A_0 = arith.constant 0 : index
    %get3A_1 = vector.load %arg3[%get3A, %get3A_0] : memref<5120x1xf32, #tpu.memory_space<vmem>>, vector<5120x1xf32>
    %get3A_2 = arith.constant 0 : index
    %get3A_3 = arith.constant 0 : index
    %get3A_4 = vector.load %arg4[%get3A_2, %get3A_3] : memref<5120x1xf32, #tpu.memory_space<vmem>>, vector<5120x1xf32>
    %add3A = arith.addf %get3A_1, %get3A_4 : vector<5120x1xf32>
    %add3A_5 = arith.constant 1.000000e+00 : f32
    %add3A_6 = vector.broadcast %add3A_5 : f32 to vector<5120x1xf32>
    %add3A_7 = arith.addf %add3A, %add3A_6 : vector<5120x1xf32>
    %rsqrt3A = math.rsqrt %add3A_7 : vector<5120x1xf32>
    %get3A_8 = arith.constant 0 : index
    %get3A_9 = arith.constant 0 : index
    %get3A_10 = vector.load %arg1[%get3A_8, %get3A_9] : memref<5120x128xf32, #tpu.memory_space<vmem>>, vector<5120x128xf32>
    %get3A_11 = arith.constant 0 : index
    %get3A_12 = arith.constant 0 : index
    %get3A_13 = vector.load %arg2[%get3A_11, %get3A_12] : memref<128x128xf32, #tpu.memory_space<vmem>>, vector<128x128xf32>
    %dot_general3A = arith.constant dense<0.000000e+00> : vector<5120x128xf32>
    %dot_general3A_14 = tpu.matmul %get3A_10, %get3A_13, %dot_general3A {dimension_numbers = #tpu.dot_dimension_numbers<[1], [0], [0], [1], [0, 0, 1, 1], [], []>, transpose_lhs_hint = false} : vector<5120x128xf32>, vector<128x128xf32>, vector<5120x128xf32> -> vector<5120x128xf32>
    %mul3A = vector.broadcast %rsqrt3A : vector<5120x1xf32> to vector<5120x128xf32>
    %mul3A_15 = arith.mulf %mul3A, %dot_general3A_14 : vector<5120x128xf32>
    %swap3A = arith.constant 0 : index
    %swap3A_16 = arith.constant 0 : index
    %swap3A_17 = vector.load %arg5[%swap3A, %swap3A_16] : memref<5120x128xf32, #tpu.memory_space<vmem>>, vector<5120x128xf32>
    tpu.vector_store %arg5[%swap3A, %swap3A_16], %mul3A_15 {strides = array<i32>} : memref<5120x128xf32, #tpu.memory_space<vmem>>, vector<5120x128xf32>,
    return
  }
  func.func @transform_0(%arg0: i32) -> (i32, i32) {
    %c0_i32 = arith.constant 0 : i32
    %c0_i32_0 = arith.constant 0 : i32
    return %arg0, %c0_i32 : i32, i32
  }
  func.func @transform_1(%arg0: i32) -> (i32, i32) {
    %c0_i32 = arith.constant 0 : i32
    %c0_i32_0 = arith.constant 0 : i32
    %c0_i32_1 = arith.constant 0 : i32
    return %c0_i32, %c0_i32_0 : i32, i32
  }
  func.func @transform_2(%arg0: i32) -> (i32, i32) {
    %c0_i32 = arith.constant 0 : i32
    %c0_i32_0 = arith.constant 0 : i32
    return %arg0, %c0_i32 : i32, i32
  }
  func.func @transform_3(%arg0: i32) -> (i32, i32) {
    %c0_i32 = arith.constant 0 : i32
    %c0_i32_0 = arith.constant 0 : i32
    return %arg0, %c0_i32 : i32, i32
  }
  func.func @transform_4(%arg0: i32) -> (i32, i32) {
    %c0_i32 = arith.constant 0 : i32
    %c0_i32_0 = arith.constant 0 : i32
    return %arg0, %c0_i32 : i32, i32
  }
}

module attributes {stable_mosaic.version = 14 : i64} {
  func.func @_mm2_body(%arg0: i32, %arg1: memref<5120x128xf32, #tpu.memory_space<vmem>>, %arg2: memref<5120x128xf32, #tpu.memory_space<vmem>>, %arg3: memref<5120x128xf32, #tpu.memory_space<vmem>>, %arg4: memref<5120x1xf32, #tpu.memory_space<vmem>>, %arg5: memref<5120x1xf32, #tpu.memory_space<vmem>>, %arg6: memref<1x128xf32, #tpu.memory_space<vmem>>, %arg7: memref<128x64xf32, #tpu.memory_space<vmem>>, %arg8: memref<5120x64xf32, #tpu.memory_space<vmem>>) attributes {dimension_semantics = [#tpu.dimension_semantics<arbitrary>], iteration_bounds = array<i64: 2>, scalar_prefetch = 0 : i64, scratch_operands = 0 : i64, tpu.core_type = #tpu.core_type<tc>, window_params = [{transform_indices = @transform_0, window_bounds = array<i64: 5120, 128>}, {transform_indices = @transform_1, window_bounds = array<i64: 5120, 128>}, {transform_indices = @transform_2, window_bounds = array<i64: 5120, 128>}, {transform_indices = @transform_3, window_bounds = array<i64: 5120, 1>}, {transform_indices = @transform_4, window_bounds = array<i64: 5120, 1>}, {pipeline_mode = #tpu.pipeline_mode<synchronous>, transform_indices = @transform_5, window_bounds = array<i64: 1, 128>}, {pipeline_mode = #tpu.pipeline_mode<synchronous>, transform_indices = @transform_6, window_bounds = array<i64: 128, 64>}, {transform_indices = @transform_7, window_bounds = array<i64: 5120, 64>}]} {
    %get3A = arith.constant 0 : index
    %get3A_0 = arith.constant 0 : index
    %get3A_1 = vector.load %arg4[%get3A, %get3A_0] : memref<5120x1xf32, #tpu.memory_space<vmem>>, vector<5120x1xf32>
    %get3A_2 = arith.constant 0 : index
    %get3A_3 = arith.constant 0 : index
    %get3A_4 = vector.load %arg5[%get3A_2, %get3A_3] : memref<5120x1xf32, #tpu.memory_space<vmem>>, vector<5120x1xf32>
    %add3A = arith.addf %get3A_1, %get3A_4 : vector<5120x1xf32>
    %add3A_5 = arith.constant 1.000000e+00 : f32
    %add3A_6 = vector.broadcast %add3A_5 : f32 to vector<5120x1xf32>
    %add3A_7 = arith.addf %add3A, %add3A_6 : vector<5120x1xf32>
    %rsqrt3A = math.rsqrt %add3A_7 : vector<5120x1xf32>
    %get3A_8 = arith.constant 0 : index
    %get3A_9 = arith.constant 0 : index
    %get3A_10 = vector.load %arg1[%get3A_8, %get3A_9] : memref<5120x128xf32, #tpu.memory_space<vmem>>, vector<5120x128xf32>
    %get3A_11 = arith.constant 0 : index
    %get3A_12 = arith.constant 0 : index
    %get3A_13 = vector.load %arg2[%get3A_11, %get3A_12] : memref<5120x128xf32, #tpu.memory_space<vmem>>, vector<5120x128xf32>
    %add3A_14 = arith.addf %get3A_10, %get3A_13 : vector<5120x128xf32>
    %get3A_15 = arith.constant 0 : index
    %get3A_16 = arith.constant 0 : index
    %get3A_17 = vector.load %arg3[%get3A_15, %get3A_16] : memref<5120x128xf32, #tpu.memory_space<vmem>>, vector<5120x128xf32>
    %add3A_18 = arith.addf %add3A_14, %get3A_17 : vector<5120x128xf32>
    %mul3A = vector.broadcast %rsqrt3A : vector<5120x1xf32> to vector<5120x128xf32>
    %mul3A_19 = arith.mulf %mul3A, %add3A_18 : vector<5120x128xf32>
    %get3A_20 = arith.constant 0 : index
    %get3A_21 = arith.constant 0 : index
    %get3A_22 = vector.load %arg6[%get3A_20, %get3A_21] : memref<1x128xf32, #tpu.memory_space<vmem>>, vector<1x128xf32>
    %add3A_23 = vector.broadcast %get3A_22 : vector<1x128xf32> to vector<5120x128xf32>
    %add3A_24 = arith.addf %mul3A_19, %add3A_23 : vector<5120x128xf32>
    %max3A = arith.constant 0.000000e+00 : f32
    %max3A_25 = vector.broadcast %max3A : f32 to vector<5120x128xf32>
    %max3A_26 = arith.maximumf %add3A_24, %max3A_25 : vector<5120x128xf32>
    %get3A_27 = arith.constant 0 : index
    %get3A_28 = arith.constant 0 : index
    %get3A_29 = vector.load %arg7[%get3A_27, %get3A_28] : memref<128x64xf32, #tpu.memory_space<vmem>>, vector<128x64xf32>
    %dot_general3A = arith.constant dense<0.000000e+00> : vector<5120x64xf32>
    %dot_general3A_30 = tpu.matmul %max3A_26, %get3A_29, %dot_general3A {dimension_numbers = #tpu.dot_dimension_numbers<[1], [0], [0], [1], [0, 0, 1, 1], [], []>, transpose_lhs_hint = false} : vector<5120x128xf32>, vector<128x64xf32>, vector<5120x64xf32> -> vector<5120x64xf32>
    %mul3A_31 = vector.broadcast %rsqrt3A : vector<5120x1xf32> to vector<5120x64xf32>
    %mul3A_32 = arith.mulf %mul3A_31, %dot_general3A_30 : vector<5120x64xf32>
    %swap3A = arith.constant 0 : index
    %swap3A_33 = arith.constant 0 : index
    %swap3A_34 = vector.load %arg8[%swap3A, %swap3A_33] : memref<5120x64xf32, #tpu.memory_space<vmem>>, vector<5120x64xf32>
    tpu.vector_store %arg8[%swap3A, %swap3A_33], %mul3A_32 {strides = array<i32>} : memref<5120x64xf32, #tpu.memory_space<vmem>>, vector<5120x64xf32>,
    return
  }
  func.func @transform_0(%arg0: i32) -> (i32, i32) {
    %c0_i32 = arith.constant 0 : i32
    %c0_i32_0 = arith.constant 0 : i32
    return %arg0, %c0_i32 : i32, i32
  }
  func.func @transform_1(%arg0: i32) -> (i32, i32) {
    %c0_i32 = arith.constant 0 : i32
    %c0_i32_0 = arith.constant 0 : i32
    return %arg0, %c0_i32 : i32, i32
  }
  func.func @transform_2(%arg0: i32) -> (i32, i32) {
    %c0_i32 = arith.constant 0 : i32
    %c0_i32_0 = arith.constant 0 : i32
    return %arg0, %c0_i32 : i32, i32
  }
  func.func @transform_3(%arg0: i32) -> (i32, i32) {
    %c0_i32 = arith.constant 0 : i32
    %c0_i32_0 = arith.constant 0 : i32
    return %arg0, %c0_i32 : i32, i32
  }
  func.func @transform_4(%arg0: i32) -> (i32, i32) {
    %c0_i32 = arith.constant 0 : i32
    %c0_i32_0 = arith.constant 0 : i32
    return %arg0, %c0_i32 : i32, i32
  }
  func.func @transform_5(%arg0: i32) -> (i32, i32) {
    %c0_i32 = arith.constant 0 : i32
    %c0_i32_0 = arith.constant 0 : i32
    %c0_i32_1 = arith.constant 0 : i32
    return %c0_i32, %c0_i32_0 : i32, i32
  }
  func.func @transform_6(%arg0: i32) -> (i32, i32) {
    %c0_i32 = arith.constant 0 : i32
    %c0_i32_0 = arith.constant 0 : i32
    %c0_i32_1 = arith.constant 0 : i32
    return %c0_i32, %c0_i32_0 : i32, i32
  }
  func.func @transform_7(%arg0: i32) -> (i32, i32) {
    %c0_i32 = arith.constant 0 : i32
    %c0_i32_0 = arith.constant 0 : i32
    return %arg0, %c0_i32 : i32, i32
  }
}

module attributes {stable_mosaic.version = 14 : i64} {
  func.func @_ew3_body(%arg0: i32, %arg1: memref<5120x64xf32, #tpu.memory_space<vmem>>, %arg2: memref<5120x64xf32, #tpu.memory_space<vmem>>, %arg3: memref<5120x64xf32, #tpu.memory_space<vmem>>, %arg4: memref<5120x1xf32, #tpu.memory_space<vmem>>, %arg5: memref<5120x1xf32, #tpu.memory_space<vmem>>, %arg6: memref<1x64xf32, #tpu.memory_space<vmem>>, %arg7: memref<5120x64xf32, #tpu.memory_space<vmem>>) attributes {dimension_semantics = [#tpu.dimension_semantics<arbitrary>], iteration_bounds = array<i64: 2>, scalar_prefetch = 0 : i64, scratch_operands = 0 : i64, tpu.core_type = #tpu.core_type<tc>, window_params = [{transform_indices = @transform_0, window_bounds = array<i64: 5120, 64>}, {transform_indices = @transform_1, window_bounds = array<i64: 5120, 64>}, {transform_indices = @transform_2, window_bounds = array<i64: 5120, 64>}, {transform_indices = @transform_3, window_bounds = array<i64: 5120, 1>}, {transform_indices = @transform_4, window_bounds = array<i64: 5120, 1>}, {pipeline_mode = #tpu.pipeline_mode<synchronous>, transform_indices = @transform_5, window_bounds = array<i64: 1, 64>}, {transform_indices = @transform_6, window_bounds = array<i64: 5120, 64>}]} {
    %get3A = arith.constant 0 : index
    %get3A_0 = arith.constant 0 : index
    %get3A_1 = vector.load %arg4[%get3A, %get3A_0] : memref<5120x1xf32, #tpu.memory_space<vmem>>, vector<5120x1xf32>
    %get3A_2 = arith.constant 0 : index
    %get3A_3 = arith.constant 0 : index
    %get3A_4 = vector.load %arg5[%get3A_2, %get3A_3] : memref<5120x1xf32, #tpu.memory_space<vmem>>, vector<5120x1xf32>
    %add3A = arith.addf %get3A_1, %get3A_4 : vector<5120x1xf32>
    %add3A_5 = arith.constant 1.000000e+00 : f32
    %add3A_6 = vector.broadcast %add3A_5 : f32 to vector<5120x1xf32>
    %add3A_7 = arith.addf %add3A, %add3A_6 : vector<5120x1xf32>
    %rsqrt3A = math.rsqrt %add3A_7 : vector<5120x1xf32>
    %get3A_8 = arith.constant 0 : index
    %get3A_9 = arith.constant 0 : index
    %get3A_10 = vector.load %arg1[%get3A_8, %get3A_9] : memref<5120x64xf32, #tpu.memory_space<vmem>>, vector<5120x64xf32>
    %get3A_11 = arith.constant 0 : index
    %get3A_12 = arith.constant 0 : index
    %get3A_13 = vector.load %arg2[%get3A_11, %get3A_12] : memref<5120x64xf32, #tpu.memory_space<vmem>>, vector<5120x64xf32>
    %add3A_14 = arith.addf %get3A_10, %get3A_13 : vector<5120x64xf32>
    %get3A_15 = arith.constant 0 : index
    %get3A_16 = arith.constant 0 : index
    %get3A_17 = vector.load %arg3[%get3A_15, %get3A_16] : memref<5120x64xf32, #tpu.memory_space<vmem>>, vector<5120x64xf32>
    %add3A_18 = arith.addf %add3A_14, %get3A_17 : vector<5120x64xf32>
    %mul3A = vector.broadcast %rsqrt3A : vector<5120x1xf32> to vector<5120x64xf32>
    %mul3A_19 = arith.mulf %mul3A, %add3A_18 : vector<5120x64xf32>
    %get3A_20 = arith.constant 0 : index
    %get3A_21 = arith.constant 0 : index
    %get3A_22 = vector.load %arg6[%get3A_20, %get3A_21] : memref<1x64xf32, #tpu.memory_space<vmem>>, vector<1x64xf32>
    %add3A_23 = vector.broadcast %get3A_22 : vector<1x64xf32> to vector<5120x64xf32>
    %add3A_24 = arith.addf %mul3A_19, %add3A_23 : vector<5120x64xf32>
    %max3A = arith.constant 0.000000e+00 : f32
    %max3A_25 = vector.broadcast %max3A : f32 to vector<5120x64xf32>
    %max3A_26 = arith.maximumf %add3A_24, %max3A_25 : vector<5120x64xf32>
    %mul3A_27 = vector.broadcast %rsqrt3A : vector<5120x1xf32> to vector<5120x64xf32>
    %mul3A_28 = arith.mulf %mul3A_27, %max3A_26 : vector<5120x64xf32>
    %swap3A = arith.constant 0 : index
    %swap3A_29 = arith.constant 0 : index
    %swap3A_30 = vector.load %arg7[%swap3A, %swap3A_29] : memref<5120x64xf32, #tpu.memory_space<vmem>>, vector<5120x64xf32>
    tpu.vector_store %arg7[%swap3A, %swap3A_29], %mul3A_28 {strides = array<i32>} : memref<5120x64xf32, #tpu.memory_space<vmem>>, vector<5120x64xf32>,
    return
  }
  func.func @transform_0(%arg0: i32) -> (i32, i32) {
    %c0_i32 = arith.constant 0 : i32
    %c0_i32_0 = arith.constant 0 : i32
    return %arg0, %c0_i32 : i32, i32
  }
  func.func @transform_1(%arg0: i32) -> (i32, i32) {
    %c0_i32 = arith.constant 0 : i32
    %c0_i32_0 = arith.constant 0 : i32
    return %arg0, %c0_i32 : i32, i32
  }
  func.func @transform_2(%arg0: i32) -> (i32, i32) {
    %c0_i32 = arith.constant 0 : i32
    %c0_i32_0 = arith.constant 0 : i32
    return %arg0, %c0_i32 : i32, i32
  }
  func.func @transform_3(%arg0: i32) -> (i32, i32) {
    %c0_i32 = arith.constant 0 : i32
    %c0_i32_0 = arith.constant 0 : i32
    return %arg0, %c0_i32 : i32, i32
  }
  func.func @transform_4(%arg0: i32) -> (i32, i32) {
    %c0_i32 = arith.constant 0 : i32
    %c0_i32_0 = arith.constant 0 : i32
    return %arg0, %c0_i32 : i32, i32
  }
  func.func @transform_5(%arg0: i32) -> (i32, i32) {
    %c0_i32 = arith.constant 0 : i32
    %c0_i32_0 = arith.constant 0 : i32
    %c0_i32_1 = arith.constant 0 : i32
    return %c0_i32, %c0_i32_0 : i32, i32
  }
  func.func @transform_6(%arg0: i32) -> (i32, i32) {
    %c0_i32 = arith.constant 0 : i32
    %c0_i32_0 = arith.constant 0 : i32
    return %arg0, %c0_i32 : i32, i32
  }
}

module attributes {stable_mosaic.version = 14 : i64} {
  func.func @_mm3_body(%arg0: i32, %arg1: memref<5000x64xf32, #tpu.memory_space<vmem>>, %arg2: memref<5000x64xf32, #tpu.memory_space<vmem>>, %arg3: memref<5000x64xf32, #tpu.memory_space<vmem>>, %arg4: memref<5000x1xf32, #tpu.memory_space<vmem>>, %arg5: memref<5000x1xf32, #tpu.memory_space<vmem>>, %arg6: memref<64x512xf32, #tpu.memory_space<vmem>>, %arg7: memref<1x512xf32, #tpu.memory_space<vmem>>, %arg8: memref<5000x512xf32, #tpu.memory_space<vmem>>) attributes {dimension_semantics = [#tpu.dimension_semantics<arbitrary>], iteration_bounds = array<i64: 2>, scalar_prefetch = 0 : i64, scratch_operands = 0 : i64, tpu.core_type = #tpu.core_type<tc>, window_params = [{transform_indices = @transform_0, window_bounds = array<i64: 5000, 64>}, {transform_indices = @transform_1, window_bounds = array<i64: 5000, 64>}, {transform_indices = @transform_2, window_bounds = array<i64: 5000, 64>}, {transform_indices = @transform_3, window_bounds = array<i64: 5000, 1>}, {transform_indices = @transform_4, window_bounds = array<i64: 5000, 1>}, {pipeline_mode = #tpu.pipeline_mode<synchronous>, transform_indices = @transform_5, window_bounds = array<i64: 64, 512>}, {pipeline_mode = #tpu.pipeline_mode<synchronous>, transform_indices = @transform_6, window_bounds = array<i64: 1, 512>}, {transform_indices = @transform_7, window_bounds = array<i64: 5000, 512>}]} {
    %get3A = arith.constant 0 : index
    %get3A_0 = arith.constant 0 : index
    %get3A_1 = vector.load %arg4[%get3A, %get3A_0] : memref<5000x1xf32, #tpu.memory_space<vmem>>, vector<5000x1xf32>
    %get3A_2 = arith.constant 0 : index
    %get3A_3 = arith.constant 0 : index
    %get3A_4 = vector.load %arg5[%get3A_2, %get3A_3] : memref<5000x1xf32, #tpu.memory_space<vmem>>, vector<5000x1xf32>
    %add3A = arith.addf %get3A_1, %get3A_4 : vector<5000x1xf32>
    %add3A_5 = arith.constant 1.000000e+00 : f32
    %add3A_6 = vector.broadcast %add3A_5 : f32 to vector<5000x1xf32>
    %add3A_7 = arith.addf %add3A, %add3A_6 : vector<5000x1xf32>
    %rsqrt3A = math.rsqrt %add3A_7 : vector<5000x1xf32>
    %get3A_8 = arith.constant 0 : index
    %get3A_9 = arith.constant 0 : index
    %get3A_10 = vector.load %arg1[%get3A_8, %get3A_9] : memref<5000x64xf32, #tpu.memory_space<vmem>>, vector<5000x64xf32>
    %get3A_11 = arith.constant 0 : index
    %get3A_12 = arith.constant 0 : index
    %get3A_13 = vector.load %arg2[%get3A_11, %get3A_12] : memref<5000x64xf32, #tpu.memory_space<vmem>>, vector<5000x64xf32>
    %add3A_14 = arith.addf %get3A_10, %get3A_13 : vector<5000x64xf32>
    %get3A_15 = arith.constant 0 : index
    %get3A_16 = arith.constant 0 : index
    %get3A_17 = vector.load %arg3[%get3A_15, %get3A_16] : memref<5000x64xf32, #tpu.memory_space<vmem>>, vector<5000x64xf32>
    %add3A_18 = arith.addf %add3A_14, %get3A_17 : vector<5000x64xf32>
    %mul3A = vector.broadcast %rsqrt3A : vector<5000x1xf32> to vector<5000x64xf32>
    %mul3A_19 = arith.mulf %mul3A, %add3A_18 : vector<5000x64xf32>
    %get3A_20 = arith.constant 0 : index
    %get3A_21 = arith.constant 0 : index
    %get3A_22 = vector.load %arg6[%get3A_20, %get3A_21] : memref<64x512xf32, #tpu.memory_space<vmem>>, vector<64x512xf32>
    %dot_general3A = arith.constant dense<0.000000e+00> : vector<5000x512xf32>
    %dot_general3A_23 = tpu.matmul %mul3A_19, %get3A_22, %dot_general3A {dimension_numbers = #tpu.dot_dimension_numbers<[1], [0], [0], [1], [0, 0, 1, 1], [], []>, transpose_lhs_hint = false} : vector<5000x64xf32>, vector<64x512xf32>, vector<5000x512xf32> -> vector<5000x512xf32>
    %get3A_24 = arith.constant 0 : index
    %get3A_25 = arith.constant 0 : index
    %get3A_26 = vector.load %arg7[%get3A_24, %get3A_25] : memref<1x512xf32, #tpu.memory_space<vmem>>, vector<1x512xf32>
    %add3A_27 = vector.broadcast %get3A_26 : vector<1x512xf32> to vector<5000x512xf32>
    %add3A_28 = arith.addf %dot_general3A_23, %add3A_27 : vector<5000x512xf32>
    %swap3A = arith.constant 0 : index
    %swap3A_29 = arith.constant 0 : index
    %swap3A_30 = vector.load %arg8[%swap3A, %swap3A_29] : memref<5000x512xf32, #tpu.memory_space<vmem>>, vector<5000x512xf32>
    tpu.vector_store %arg8[%swap3A, %swap3A_29], %add3A_28 {strides = array<i32>} : memref<5000x512xf32, #tpu.memory_space<vmem>>, vector<5000x512xf32>,
    return
  }
  func.func @transform_0(%arg0: i32) -> (i32, i32) {
    %c0_i32 = arith.constant 0 : i32
    %c0_i32_0 = arith.constant 0 : i32
    return %arg0, %c0_i32 : i32, i32
  }
  func.func @transform_1(%arg0: i32) -> (i32, i32) {
    %c0_i32 = arith.constant 0 : i32
    %c0_i32_0 = arith.constant 0 : i32
    return %arg0, %c0_i32 : i32, i32
  }
  func.func @transform_2(%arg0: i32) -> (i32, i32) {
    %c0_i32 = arith.constant 0 : i32
    %c0_i32_0 = arith.constant 0 : i32
    return %arg0, %c0_i32 : i32, i32
  }
  func.func @transform_3(%arg0: i32) -> (i32, i32) {
    %c0_i32 = arith.constant 0 : i32
    %c0_i32_0 = arith.constant 0 : i32
    return %arg0, %c0_i32 : i32, i32
  }
  func.func @transform_4(%arg0: i32) -> (i32, i32) {
    %c0_i32 = arith.constant 0 : i32
    %c0_i32_0 = arith.constant 0 : i32
    return %arg0, %c0_i32 : i32, i32
  }
  func.func @transform_5(%arg0: i32) -> (i32, i32) {
    %c0_i32 = arith.constant 0 : i32
    %c0_i32_0 = arith.constant 0 : i32
    %c0_i32_1 = arith.constant 0 : i32
    return %c0_i32, %c0_i32_0 : i32, i32
  }
  func.func @transform_6(%arg0: i32) -> (i32, i32) {
    %c0_i32 = arith.constant 0 : i32
    %c0_i32_0 = arith.constant 0 : i32
    %c0_i32_1 = arith.constant 0 : i32
    return %c0_i32, %c0_i32_0 : i32, i32
  }
  func.func @transform_7(%arg0: i32) -> (i32, i32) {
    %c0_i32 = arith.constant 0 : i32
    %c0_i32_0 = arith.constant 0 : i32
    return %arg0, %c0_i32 : i32, i32
  }
}

</mosaic_0001>

<sc_bundles>
// kernel: kernel.10.cloned.1.call-start
scs
__scs_entry_jumppad:
0x0: {  	(pc) =	sbr.rel $0x88, $3  }
0x1: {  	(tag) =	ssettag $0x0;
	lr =	simm.s32 $0x1  }
0x2: {  	[smem:$0x3F99] =	sst lr;
	_ =	strace $0xD0000000  }
0x3: {  	_ = 	snop  }
0x4: {  	_ = 	snop  }
0x5: {  	_ = 	snop  }
0x6: {  	_ = 	snop  }
0x7: {  	_ = 	snop  }
__scs_overlays_trampoline_lowered:
0x8: {  	[smem:$0x3FA8] =	sst s0  }
0x9: {  	[smem:$0x3FA9] =	sst s1  }
0xa: {  	[smem:$0x3FAA] =	sst s2  }
0xb: {  	[smem:$0x3FAB] =	sst s3  }
0xc: {  	[smem:$0x3FAC] =	sst s4  }
0xd: {  	[smem:$0x3FAD] =	sst s5  }
0xe: {  	[smem:$0x3FAE] =	sst s6  }
0xf: {  	[smem:$0x3FAF] =	sst s7  }
0x10: {  	[smem:$0x3FB0] =	sst s8  }
0x11: {  	[smem:$0x3FB1] =	sst s9;
	s0 =	simm.s32 @!p0 $0x0  }
0x12: {  	s1 =	sld [smem:$0x3F97];
	s0 =	simm.s32 @p0 $0x1  }
0x13: {  	[smem:$0x3FB2] =	sst s0;
	s0 =	simm.s32 @!p1 $0x0  }
0x14: {  	s2 =	sld [smem:$0x3F96];
	s0 =	simm.s32 @p1 $0x1  }
0x15: {  	[smem:$0x3FB3] =	sst s0;
	s0 =	simm.s32 @!p2 $0x0  }
0x16: {  	s3 =	sld [smem:$0x3FDB];
	s0 =	simm.s32 @p2 $0x1  }
0x17: {  	s4 =	simm.s32 $0x1BF5;
	[smem:$0x3FB5] =	sst s0  }
0x18: {  	s0 =	sld [smem:$0x3F98];
	_ =	swait.ge [sflag:s4], $0x0  }
0x19: {  	s7 =	sld [smem:$0x3F99]  }
0x1a: {  	s8 =	sadd.s32 $0xFFFFE003, lr  }
0x1b: {  	s9 =	sadd.s32 $0xFFFFFEF7, lr;
	s5 =	simm.s32 $0xFFFFFFFF;
	p2 =	slt.u32 s8, $0xFFFFF086  }
0x1c: {  	p1 =	slt.u32 s9, $0xF7A;
	s5 =	simm.s32 @!p2 $0x0  }
0x1d: {  	s5 =	simm.s32 @p1 $0x1;
	p0 =	seq.s32 s7, s2  }
0x1e: {  	s7 =	smul.u32 @!p0 $0xF7A, s2;
	p2 =	seq.s32 @!p0 s5, $0x0  }
0x1f: {  	s9 =	smul.u32 $0xF7A, s1;
	s8 =	simm.s32 @!p0 $0x1BF5;
	p2 =	por !p2, p0  }
0x20: {  	[sflag:s8] =	ssyncset.s32 @!p0 $0xFFFFF086;
	s6 =	sadd.s32 @!p0 s3, s7;
	s7 =	simm.s32 @!p0 $0x108  }
0x21: {  	s3 =	sadd.s32 s3, s9;
	s6 =	sadd.s32 @!p0 $0x88, s6;
	s7 =	simm.s32 @p2 $0x1082  }
0x22: {  	[simem:s7], [sflag:s8] =	dma.local @!p0 [hbm:s6], $0xF7A  }
0x23: {  	s9 =	sor.u32 $0xD0000000, s2;
	s6 =	simm.s32 $0x108;
	_ =	swait.ge @!p0 [sflag:s8], $0x0  }
0x24: {  	s3 =	sadd.s32 $0x88, s3;
	s6 =	simm.s32 @!p1 $0x1082;
	[sflag:s4] =	ssyncset.s32 $0xFFFFF086  }
0x25: {  	[simem:s6], [sflag:s4] =	dma.local [hbm:s3], $0xF7A  }
0x26: {  	[smem:$0x3F99] =	sst s1;
	(tag) =	ssettag s2;
	_ =	strace s9  }
0x27: {  	s1 =	sld [smem:$0x3FA9]  }
0x28: {  	s2 =	sld [smem:$0x3FAA]  }
0x29: {  	s4 =	sld [smem:$0x3FAC]  }
0x2a: {  	p0 =	seq.s32 s5, $0x0;
	s5 =	sld [smem:$0x3FAD]  }
0x2b: {  	s6 =	sld [smem:$0x3FAE]  }
0x2c: {  	s7 =	sld [smem:$0x3FAF]  }
0x2d: {  	s3 =	simm.s32 $0x108;
	s8 =	sld [smem:$0x3FB0]  }
0x2e: {  	s3 =	simm.s32 @!p0 $0x1082;
	s9 =	sld [smem:$0x3FB1]  }
0x2f: {  	lr =	sadd.s32 s0, s3;
	s0 =	sld [smem:$0x3FA8]  }
0x30: {  	s3 =	sld [smem:$0x3FAB]  }
0x31: {  	[smem:$0x3FB4] =	sst s10  }
0x32: {  	s10 =	sld [smem:$0x3FB2];
	_ =	sdelay $0x3  }
0x33: {  	p0 =	seq.s32 s10, $0x1;
	s10 =	sld [smem:$0x3FB4];
	_ =	sdelay $0x3  }
0x34: {  	[smem:$0x3FB4] =	sst s10  }
0x35: {  	s10 =	sld [smem:$0x3FB3];
	_ =	sdelay $0x3  }
0x36: {  	p1 =	seq.s32 s10, $0x1;
	s10 =	sld [smem:$0x3FB4];
	_ =	sdelay $0x3  }
0x37: {  	[smem:$0x3FB4] =	sst s10  }
0x38: {  	s10 =	sld [smem:$0x3FB5]  }
0x39: {  	_ = 	snop;
	(pc) =	sbr.ind lr, $3  }
0x3a: {  	_ = 	snop  }
0x3b: {  	_ = 	snop  }
0x3c: {  	p2 =	seq.s32 s10, $0x1;
	s10 =	sld [smem:$0x3FB4]  }
0x3d: {  	_ =	shalt  }
0x3e: {  	_ =	shalt  }
0x3f: {  	_ =	shalt  }
0x40: {  	_ =	shalt  }
0x41: {  	_ =	shalt  }
0x42: {  	_ =	shalt  }
0x43: {  	_ =	shalt  }
0x44: {  	_ =	shalt  }
0x45: {  	_ =	shalt  }
0x46: {  	_ =	shalt  }
0x47: {  	_ =	shalt  }
0x48: {  	_ =	shalt  }
0x49: {  	_ =	shalt  }
0x4a: {  	_ =	shalt  }
0x4b: {  	_ =	shalt  }
0x4c: {  	_ =	shalt  }
0x4d: {  	_ =	shalt  }
0x4e: {  	_ =	shalt  }
0x4f: {  	_ =	shalt  }
0x50: {  	_ =	shalt  }
0x51: {  	_ =	shalt  }
0x52: {  	_ =	shalt  }
0x53: {  	_ =	shalt  }
0x54: {  	_ =	shalt  }
0x55: {  	_ =	shalt  }
0x56: {  	_ =	shalt  }
0x57: {  	_ =	shalt  }
0x58: {  	_ =	shalt  }
0x59: {  	_ =	shalt  }
0x5a: {  	_ =	shalt  }
0x5b: {  	_ =	shalt  }
0x5c: {  	_ =	shalt  }
0x5d: {  	_ =	shalt  }
0x5e: {  	_ =	shalt  }
0x5f: {  	_ =	shalt  }
0x60: {  	_ =	shalt  }
0x61: {  	_ =	shalt  }
0x62: {  	_ =	shalt  }
0x63: {  	_ =	shalt  }
0x64: {  	_ =	shalt  }
0x65: {  	_ =	shalt  }
0x66: {  	_ =	shalt  }
0x67: {  	_ =	shalt  }
0x68: {  	_ =	shalt  }
0x69: {  	_ =	shalt  }
0x6a: {  	_ =	shalt  }
0x6b: {  	_ =	shalt  }
0x6c: {  	_ =	shalt  }
0x6d: {  	_ =	shalt  }
0x6e: {  	_ =	shalt  }
0x6f: {  	_ =	shalt  }
0x70: {  	_ =	shalt  }
0x71: {  	_ =	shalt  }
0x72: {  	_ =	shalt  }
0x73: {  	_ =	shalt  }
0x74: {  	_ =	shalt  }
0x75: {  	_ =	shalt  }
0x76: {  	_ =	shalt  }
0x77: {  	_ =	shalt  }
0x78: {  	_ =	shalt  }
0x79: {  	_ =	shalt  }
0x7a: {  	_ =	shalt  }
0x7b: {  	_ =	shalt  }
0x7c: {  	_ =	shalt  }
0x7d: {  	_ =	shalt  }
0x7e: {  	_ =	shalt  }
0x7f: {  	_ =	shalt  }
0x80: {  	_ =	shalt  }
0x81: {  	_ =	shalt  }
0x82: {  	_ =	shalt  }
0x83: {  	_ =	shalt  }
0x84: {  	_ =	shalt  }
0x85: {  	_ =	shalt  }
0x86: {  	_ =	shalt  }
0x87: {  	_ =	shalt  }
.Lfunc_end0:
.L_simem_size_0:
called_computation_lowered:
.L_overlay_start_0:
0x88: {  	s2 =	sld [smem:$0x3FD9]  }
0x89: {  	s3 =	sld [smem:$0x3FFE];
	_ =	sdelay $0x1  }
0x8a: {  	s1 =	srdreg.scid  }
0x8b: {  	s0 =	sand.u32 $0x1, s1  }
0x8c: {  	s17 =	sshll.u32 s0, $0xA;
	s2 =	sadd.s32 s3, s2  }
0x8d: {  	s2 =	sadd.s32 s2, s17  }
0x8e: {  	[smem:$0x3FC0] =	sst s2  }
0x8f: {  	_ = 	snop  }
0x90: {  	s2 =	sld [smem:$0x3FD0];
	(tm) =	ssettm $0x1  }
0x91: {  	s18 =	sld [smem:$0x3FFB];
	_ =	sdelay $0x3  }
0x92: {  	_ =	strace s18  }
0x93: {  	s3 =	sld [smem:$0x3FFC];
	_ =	sdelay $0x3  }
0x94: {  	_ =	strace s3  }
0x95: {  	s3 =	sld [smem:$0x3FFD];
	_ =	sdelay $0x3  }
0x96: {  	_ =	strace s3  }
0x97: {  	_ =	strace $0x8FFFFFFF  }
0x98: {  	s19 =	sld [smem:$0x3FDB];
	_ =	sdelay $0x1  }
0x99: {  	s4 =	simm.s32 $_scs_section_size  }
0x9a: {  	s5 =	simm.s32 $_size__tile_overlayer_lowered;
	s6 =	simm.s32 $_tile_overlayer_lowered  }
0x9b: {  	s22 =	simm.s32 $0x1BFF;
	s21 =	sshll.u32 s6, $0x1;
	s3 =	sadd.s32 s4, s19  }
0x9c: {  	s7 =	simm.s32 $0x0;
	s20 =	sshll.u32 s5, $0x1;
	s5 =	sadd.s32 s21, s3  }
0x9d: {  	[timem:s7], [sflag:s22] =	dma.local [hbm:s5], s20  }
0x9e: {  	_ =	swait.ge [sflag:s22], s20  }
0x9f: {  	s4 =	ssub.s32 $0x0, s20;
	[sflag:s22] =	ssyncset.done $0x0  }
0xa0: {  	[sflag:s22] =	ssyncadd.s32 s4;
	_ =	sdelay $0x1  }
0xa1: {  	s23 =	simm.s32 $0x1B8B  }
0xa2: {  	_ =	swait.ge [sflag:s23], $0x1  }
0xa3: {  	[sflag:s23] =	ssyncset.done $0x0  }
0xa4: {  	s25 =	simm.s32 $0x1B8E;
	s24 =	sld [smem:$0x3FFE];
	[sflag:s23] =	ssyncadd.s32 $0xFFFFFFFF  }
0xa5: {  	s26 =	simm.s32 $execute0_lowered;
	[smem:$0x3FD2] =	sst s25  }
0xa6: {  	s5 =	sshll.u32 s26, $0x1;
	_ =	strace $0x80000046;
	[dreg:$0x1] =	wrdreg $0xFFFFFFFF  }
0xa7: {  	s28 =	simm.s32 $_size_execute0_lowered;
	s3 =	sadd.s32 s3, s5;
	[dreg:$0x0] =	wrdreg $0x0  }
0xa8: {  	s5 =	sshll.u32 s28, $0x1;
	[dreg:$0x2] =	wrdreg s3  }
0xa9: {  	[dreg:$0x3] =	wrdreg s5  }
0xaa: {  	[dreg:$0x4] =	wrdreg $0xC0  }
0xab: {  	_ =	task [dreg:s7], $0x5FFFF  }
0xac: {  	[dreg:$0x1] =	wrdreg $0xFFFFFFFF  }
0xad: {  	[dreg:$0x0] =	wrdreg $0x60  }
0xae: {  	[dreg:$0x2] =	wrdreg s2  }
0xaf: {  	[dreg:$0x3] =	wrdreg s24  }
0xb0: {  	[dreg:$0x4] =	wrdreg $0x0  }
0xb1: {  	[dreg:$0x5] =	wrdreg $0x9  }
0xb2: {  	_ =	task.clear_ibuf [dreg:s7], $0x6FFFF;
	_ =	strace $0x90000046  }
0xb3: {  	s29 =	simm.s32 $0x9;
	_ =	strace $0x80000048  }
0xb4: {  	_ =	swait.ge [sflag:s29], $0x1  }
0xb5: {  	[sflag:s29] =	ssyncadd.s32 $0xFFFFFFFF  }
0xb6: {  	_ =	strace $0x90000048  }
0xb7: {  	_ =	sfence  }
0xb8: {  	s30 =	sld [smem:$0x0];
	_ =	sdelay $0x2  }
0xb9: {  	s31 =	sshll.u32 s1, $0xD;
	s1 =	sshrl.u32 s1, $0x2  }
0xba: {  	s3 =	sand.u32 $0x4000, s31;
	s1 =	sadd.s32 s1, s30  }
0xbb: {  	s0 =	sor.u32 s3, s0;
	s1 =	sshll.u32 s1, $0x11  }
0xbc: {  	s0 =	sor.u32 s1, s0  }
0xbd: {  	s0 =	sadd.s32 $0x8F2B, s0  }
0xbe: {  	[sflag:s0] =	ssyncadd.remote.s32 $0x1  }
0xbf: {  	_ =	sfence.sel $0xFFFF  }
0xc0: {  	[dreg:$0x0] =	wrdreg $0xFFFFFFFF;
	(pc) =	sbr.abs _section_cstart, $3  }
0xc1: {  	[dreg:$0x1] =	wrdreg $0xFFFFFFFF  }
0xc2: {  	_ =	task.clear_ibuf [dreg:s7], $0x2FFFF;
	_ =	strace $0x9FFFFFFF  }
0xc3: {  	(tm) =	ssettm $0x7FFFFFFF  }
tec
execute0_lowered:
.L_overlay_start_1:
0x0: {  	(tag) =	ssettag $0x1  }
0x1: {  	s6 =	rddreg [dreg:$0x0]  }
0x2: {  	s4 =	rddreg [dreg:$0x1]  }
0x3: {  	s2 =	rddreg [dreg:$0x2]  }
0x4: {  	s0 =	rddreg [dreg:$0x3]  }
0x5: {  	s5 =	srdreg.scid;
	s1 =	stileid.u32  }
0x6: {  	s3 =	simm.s32 $0x0;
	s13 =	simm.s32 $0x400;
	s14 =	simm.s32 $0x280  }
0x7: {  	s15 =	simm.s32 $0x2A00;
	s16 =	simm.s32 $0x5180;
	s17 =	simm.s32 $0x7900  }
0x8: {  	s18 =	simm.s32 $0x7A80;
	s19 =	simm.s32 $0x7980;
	s20 =	simm.s32 $0x1  }
0x9: {  	s21 =	simm.s32 $0x2;
	s22 =	simm.s32 $0x10;
	s23 =	simm.s32 $0x7A00  }
0xa: {  	s24 =	simm.s32 $0x20;
	s5 =	sand.u32 $0x1, s5;
	s7 =	smul.u32 $0x500, s1  }
0xb: {  	s9 =	sshrl.u32 s1, $0x2;
	s10 =	sshll.u32 s1, $0x8;
	s29 =	smul.u32 $0xA00, s1  }
0xc: {  	[smem:$0x7FF] =	sst s3;
	s8 =	sshll.u32 s5, $0x7;
	s9 =	smul.u32 $0x13C00, s9  }
0xd: {  	s10 =	sand.u32 $0x300, s10;
	_ =	strace $0x80000047;
	s5 =	ssub.s32 $0x2, s5  }
0xe: {  	s7 =	sor.u32 s8, s7;
	s8 =	sor.u32 s8, s10;
	s30 =	sshrl.u32 s5, $0x1  }
0xf: {  	s31 =	sshrl.u32 s29, $0x2;
	s10 =	simm.s32 $0x7B00;
	s7 =	sshrl.u32 s7, $0x3  }
0x10: {  	s28 =	sor.u32 s9, s8;
	s12 =	ssub.s32 s5, s30;
	s26 =	sadd.s32 s7, s4  }
0x11: {  	s8 =	sshrl.u32 s28, $0x3;
	s7 =	sadd.s32 $0x4F000, s28;
	s9 =	smax.u32 s12, $0x1  }
0x12: {  	s12 =	simm.s32 $0x80;
	s11 =	sadd.s32 s8, s4;
	s7 =	sshrl.u32 s7, $0x3  }
0x13: {  	s4 =	sadd.s32 s31, s2;
	s5 =	sadd.s32 s6, s8;
	s8 =	sadd.s32 $0x5600, s26  }
0x14: {  	v0 =	vimm.f32 $0.0e+00;
	v1 =	vimm.f32 $1.000000000e+00;
	s6 =	sadd.s32 s6, s7;
	s7 =	sadd.s32 $0x6000, s11;
	s11 =	simm.s32 $0x3  }
.LBB2_1:
0x15: {  	[tilespmem:$0x7B00] =	vst v0  }
0x16: {  	[tilespmem:$0x7B10] =	vst v0  }
0x17: {  	[tilespmem:$0x7B20] =	vst v0  }
0x18: {  	[tilespmem:$0x7B30] =	vst v0  }
0x19: {  	[tilespmem:$0x7B40] =	vst v0  }
0x1a: {  	[tilespmem:$0x7B50] =	vst v0  }
0x1b: {  	[tilespmem:$0x7B60] =	vst v0  }
0x1c: {  	[tilespmem:$0x7B70] =	vst v0  }
0x1d: {  	[tilespmem:$0x7B80] =	vst v0  }
0x1e: {  	[tilespmem:$0x7B90] =	vst v0  }
0x1f: {  	[tilespmem:$0x7BA0] =	vst v0  }
0x20: {  	[tilespmem:$0x7BB0] =	vst v0  }
0x21: {  	[tilespmem:$0x7BC0] =	vst v0  }
0x22: {  	[tilespmem:$0x7BD0] =	vst v0  }
0x23: {  	[tilespmem:$0x7BE0] =	vst v0  }
0x24: {  	[tilespmem:$0x7BF0] =	vst v0  }
0x25: {  	[tilespmem:$0x7C00] =	vst v0  }
0x26: {  	[tilespmem:$0x7C10] =	vst v0  }
0x27: {  	[tilespmem:$0x7C20] =	vst v0  }
0x28: {  	[tilespmem:$0x7C30] =	vst v0  }
0x29: {  	[tilespmem:$0x7C40] =	vst v0  }
0x2a: {  	[tilespmem:$0x7C50] =	vst v0  }
0x2b: {  	[tilespmem:$0x7C60] =	vst v0  }
0x2c: {  	[tilespmem:$0x7C70] =	vst v0  }
0x2d: {  	[tilespmem:$0x7C80] =	vst v0  }
0x2e: {  	[tilespmem:$0x7C90] =	vst v0  }
0x2f: {  	[tilespmem:$0x7CA0] =	vst v0  }
0x30: {  	[tilespmem:$0x7CB0] =	vst v0  }
0x31: {  	[tilespmem:$0x7CC0] =	vst v0  }
0x32: {  	[tilespmem:$0x7CD0] =	vst v0  }
0x33: {  	[tilespmem:$0x7CE0] =	vst v0  }
0x34: {  	[tilespmem:$0x7CF0] =	vst v0  }
0x35: {  	[tilespmem:$0x7D00] =	vst v0  }
0x36: {  	[tilespmem:$0x7D10] =	vst v0  }
0x37: {  	[tilespmem:$0x7D20] =	vst v0  }
0x38: {  	[tilespmem:$0x7D30] =	vst v0  }
0x39: {  	[tilespmem:$0x7D40] =	vst v0  }
0x3a: {  	[tilespmem:$0x7D50] =	vst v0  }
0x3b: {  	[tilespmem:$0x7D60] =	vst v0  }
0x3c: {  	[tilespmem:$0x7D70] =	vst v0  }
0x3d: {  	[tilespmem:$0x7A80] =	vst v1  }
0x3e: {  	[tilespmem:$0x7A90] =	vst v1  }
0x3f: {  	[tilespmem:$0x7AA0] =	vst v1  }
0x40: {  	[tilespmem:$0x7AB0] =	vst v1  }
0x41: {  	[tilespmem:$0x7AC0] =	vst v1  }
0x42: {  	[tilespmem:$0x7AD0] =	vst v1  }
0x43: {  	[tilespmem:$0x7AE0] =	vst v1  }
0x44: {  	[tilespmem:$0x7AF0] =	vst v1  }
0x45: {  	[spmem:s4] =	stream.linear.scatter [tilespmem:s10], [sflag:$0x3], $0x280, $0x38;
	[tilespmem:$0x7D80] =	vst v63  }
0x46: {  	_ =	swait.ge [sflag:s11], $0x280  }
0x47: {  	[sflag:s11] =	ssyncset.done $0x0  }
0x48: {  	[sflag:s11] =	ssyncadd.s32 $0xFFFFFD80  }
0x49: {  	[tilespmem:s14], [sflag:$0x3] =	stream.strided.gather [hbm4b:s5+s12], $0x2780, s13, s12, $0x38;
	[tilespmem:$0x7D80] =	vst v63  }
0x4a: {  	_ =	swait.ge [sflag:s11], $0x2780  }
0x4b: {  	[sflag:s11] =	ssyncset.done $0x0  }
0x4c: {  	[sflag:s11] =	ssyncadd.s32 $0xFFFFD880  }
0x4d: {  	[tilespmem:s15], [sflag:$0x3] =	stream.strided.gather [hbm4b:s6+s12], $0x2780, s13, s12, $0x38;
	[tilespmem:$0x7D80] =	vst v63  }
0x4e: {  	_ =	swait.ge [sflag:s11], $0x2780  }
0x4f: {  	[sflag:s11] =	ssyncset.done $0x0  }
0x50: {  	s25 =	simm.s32 $0x0;
	[sflag:s11] =	ssyncadd.s32 $0xFFFFD880  }
0x51: {  	v2 =	vld [tilespmem:s25+$0x2A00]  }
0x52: {  	s26 =	simm.s32 $0x40;
	v3 =	vld [tilespmem:s25+$0x280]  }
.LBB2_2:
0x53: {  	p0 =	sne.s32 s26, $0x9C00  }
.Ltmp0:
0x54: {  	_ = 	snop;
	(pc) =	sbr.rel @p0 .LBB2_2-.Ltmp0, $4  }
0x55: {  	_ = 	snop  }
0x56: {  	s28 =	sshra.s32 s26, $0x2;
	s26 =	sadd.s32 $0x40, s26;
	v4 =	vshll.u32 v2, $0x10  }
0x57: {  	v2 =	vld [tilespmem:s28+$0x2A00];
	v4 =	vor.u32 v3, v4  }
0x58: {  	v3 =	vld [tilespmem:s28+$0x280];
	[tilespmem:s25+$0x5180] =	vst v4;
	s25 =	smov.u32 s28  }
0x59: {  	_ =	sdelay $0x2  }
0x5a: {  	v2 =	vshll.u32 v2, $0x10  }
0x5b: {  	v2 =	vor.u32 v3, v2  }
0x5c: {  	[tilespmem:s25+$0x5180] =	vst v2  }
0x5d: {  	[hbm4b:s7+s12] =	stream.strided.scatter [tilespmem:s16], [sflag:$0x3], $0x2780, s13, s12, $0x38;
	[tilespmem:$0x7D80] =	vst v63  }
0x5e: {  	_ =	swait.ge [sflag:s11], $0x2780  }
0x5f: {  	[sflag:s11] =	ssyncset.done $0x0  }
0x60: {  	[sflag:s11] =	ssyncadd.s32 $0xFFFFD880  }
0x61: {  	[bflag:$0x0] =	sbarrier.arrive $0xFFFF  }
0x62: {  	v2 =	vld [tilespmem:$0x2A00]  }
0x63: {  	v3 =	vld [tilespmem:$0x2A10]  }
0x64: {  	v4 =	vld [tilespmem:$0x2A20]  }
0x65: {  	v5 =	vld [tilespmem:$0x2A30]  }
0x66: {  	v6 =	vld [tilespmem:$0x2A40]  }
0x67: {  	v63 =	vld [tilespmem:$0x2A70];
	[tilespmem:$0x7900] =	vst v2  }
0x68: {  	v2 =	vld [tilespmem:$0x2A50];
	[tilespmem:$0x7910] =	vst v3  }
0x69: {  	v3 =	vld [tilespmem:$0x2A60];
	[tilespmem:$0x7920] =	vst v4  }
0x6a: {  	[tilespmem:$0x7930] =	vst v5  }
0x6b: {  	[tilespmem:$0x7940] =	vst v6  }
0x6c: {  	[tilespmem:$0x7970] =	vst v63  }
0x6d: {  	[tilespmem:$0x7950] =	vst v2  }
0x6e: {  	s31 =	simm.s32 $0x170;
	[tilespmem:$0x7960] =	vst v3  }
0x6f: {  	[spmem:s2] =	stream.indirect.scatter.add.f32 [tilespmem:s18], [sflag:$0x1], $0x1, s17, s12, $0xb8;
	[tilespmem:$0x7D80] =	vst v63  }
0x70: {  	v2 =	vld [tilespmem:s31+$0x2910];
	_ =	sdelay $0x4  }
0x71: {  	[tilespmem:$0x7980] =	vst v2  }
0x72: {  	v2 =	vld [tilespmem:s31+$0x2920];
	_ =	sdelay $0x4  }
0x73: {  	[tilespmem:$0x7990] =	vst v2  }
0x74: {  	v2 =	vld [tilespmem:s31+$0x2930];
	_ =	sdelay $0x4  }
0x75: {  	[tilespmem:$0x79A0] =	vst v2  }
0x76: {  	v2 =	vld [tilespmem:s31+$0x2940];
	_ =	sdelay $0x4  }
0x77: {  	[tilespmem:$0x79B0] =	vst v2  }
0x78: {  	v2 =	vld [tilespmem:s31+$0x2950];
	_ =	sdelay $0x4  }
0x79: {  	[tilespmem:$0x79C0] =	vst v2  }
0x7a: {  	v2 =	vld [tilespmem:s31+$0x2960];
	_ =	sdelay $0x4  }
0x7b: {  	[tilespmem:$0x79D0] =	vst v2  }
0x7c: {  	v2 =	vld [tilespmem:s31+$0x2970];
	_ =	sdelay $0x4  }
0x7d: {  	[tilespmem:$0x79E0] =	vst v2  }
0x7e: {  	v2 =	vld [tilespmem:s31+$0x2980];
	_ =	sdelay $0x4  }
0x7f: {  	[tilespmem:$0x79F0] =	vst v2  }
0x80: {  	[spmem:s2] =	stream.indirect.scatter.add.f32 [tilespmem:s18], [sflag:$0x2], $0x1, s19, s12, $0xb8;
	[tilespmem:$0x7D80] =	vst v63  }
0x81: {  	_ =	swait.ge [sflag:s20], $0x80  }
0x82: {  	[sflag:s20] =	ssyncset.done $0x0  }
0x83: {  	[sflag:s20] =	ssyncadd.s32 $0xFFFFFF80  }
0x84: {  	v2 =	vld [tilespmem:s31+$0x2990];
	_ =	sdelay $0x4  }
0x85: {  	[tilespmem:$0x7900] =	vst v2  }
0x86: {  	v2 =	vld [tilespmem:s31+$0x29A0];
	_ =	sdelay $0x4  }
0x87: {  	[tilespmem:$0x7910] =	vst v2  }
0x88: {  	v2 =	vld [tilespmem:s31+$0x29B0];
	_ =	sdelay $0x4  }
0x89: {  	[tilespmem:$0x7920] =	vst v2  }
0x8a: {  	v2 =	vld [tilespmem:s31+$0x29C0];
	_ =	sdelay $0x4  }
0x8b: {  	[tilespmem:$0x7930] =	vst v2  }
0x8c: {  	v2 =	vld [tilespmem:s31+$0x29D0];
	_ =	sdelay $0x4  }
0x8d: {  	[tilespmem:$0x7940] =	vst v2  }
0x8e: {  	v2 =	vld [tilespmem:s31+$0x29E0];
	_ =	sdelay $0x4  }
0x8f: {  	[tilespmem:$0x7950] =	vst v2  }
0x90: {  	v2 =	vld [tilespmem:s31+$0x29F0];
	_ =	sdelay $0x4  }
0x91: {  	[tilespmem:$0x7960] =	vst v2  }
0x92: {  	v2 =	vld [tilespmem:s31+$0x2A00];
	_ =	sdelay $0x4  }
0x93: {  	[tilespmem:$0x7970] =	vst v2  }
0x94: {  	[spmem:s2] =	stream.indirect.scatter.add.f32 [tilespmem:s18], [sflag:$0x1], $0x1, s17, s12, $0xb8;
	[tilespmem:$0x7D80] =	vst v63  }
0x95: {  	_ =	swait.ge [sflag:s21], $0x80  }
0x96: {  	s29 =	simm.s32 $0xDC0;
	s25 =	simm.s32 $0x9C0;
	[sflag:s21] =	ssyncset.done $0x0  }
.LBB2_4:
0x97: {  	s28 =	sshra.s32 s25, $0x2  }
0x98: {  	[sflag:s21] =	ssyncadd.s32 $0xFFFFFF80;
	s25 =	smov.u32 s29;
	s26 =	sadd.s32 $0x400, s29  }
0x99: {  	p0 =	sne.s32 s29, $0x99C0;
	v2 =	vld [tilespmem:s28+$0x2910];
	_ =	sdelay $0x4  }
0x9a: {  	[tilespmem:$0x7980] =	vst v2  }
0x9b: {  	v2 =	vld [tilespmem:s28+$0x2920];
	_ =	sdelay $0x4  }
0x9c: {  	[tilespmem:$0x7990] =	vst v2  }
0x9d: {  	v2 =	vld [tilespmem:s28+$0x2930];
	_ =	sdelay $0x4  }
0x9e: {  	[tilespmem:$0x79A0] =	vst v2  }
0x9f: {  	v2 =	vld [tilespmem:s28+$0x2940];
	_ =	sdelay $0x4  }
0xa0: {  	[tilespmem:$0x79B0] =	vst v2  }
0xa1: {  	v2 =	vld [tilespmem:s28+$0x2950];
	_ =	sdelay $0x4  }
0xa2: {  	[tilespmem:$0x79C0] =	vst v2  }
0xa3: {  	v2 =	vld [tilespmem:s28+$0x2960];
	_ =	sdelay $0x4  }
0xa4: {  	[tilespmem:$0x79D0] =	vst v2  }
0xa5: {  	v2 =	vld [tilespmem:s28+$0x2970];
	_ =	sdelay $0x4  }
0xa6: {  	[tilespmem:$0x79E0] =	vst v2  }
0xa7: {  	v2 =	vld [tilespmem:s28+$0x2980];
	_ =	sdelay $0x4  }
0xa8: {  	[tilespmem:$0x79F0] =	vst v2  }
0xa9: {  	[spmem:s2] =	stream.indirect.scatter.add.f32 [tilespmem:s18], [sflag:$0x2], $0x1, s19, s12, $0xb8;
	[tilespmem:$0x7D80] =	vst v63  }
0xaa: {  	_ =	swait.ge [sflag:s20], $0x80  }
0xab: {  	[sflag:s20] =	ssyncset.done $0x0  }
0xac: {  	[sflag:s20] =	ssyncadd.s32 $0xFFFFFF80  }
0xad: {  	v2 =	vld [tilespmem:s28+$0x2990];
	_ =	sdelay $0x4  }
0xae: {  	[tilespmem:$0x7900] =	vst v2  }
0xaf: {  	v2 =	vld [tilespmem:s28+$0x29A0];
	_ =	sdelay $0x4  }
0xb0: {  	[tilespmem:$0x7910] =	vst v2  }
0xb1: {  	v2 =	vld [tilespmem:s28+$0x29B0];
	_ =	sdelay $0x4  }
0xb2: {  	[tilespmem:$0x7920] =	vst v2  }
0xb3: {  	v2 =	vld [tilespmem:s28+$0x29C0];
	_ =	sdelay $0x4  }
0xb4: {  	[tilespmem:$0x7930] =	vst v2  }
0xb5: {  	v2 =	vld [tilespmem:s28+$0x29D0];
	_ =	sdelay $0x4  }
0xb6: {  	[tilespmem:$0x7940] =	vst v2  }
0xb7: {  	v2 =	vld [tilespmem:s28+$0x29E0];
	_ =	sdelay $0x4  }
0xb8: {  	[tilespmem:$0x7950] =	vst v2  }
0xb9: {  	v2 =	vld [tilespmem:s28+$0x29F0];
	_ =	sdelay $0x4  }
0xba: {  	[tilespmem:$0x7960] =	vst v2  }
0xbb: {  	v2 =	vld [tilespmem:s28+$0x2A00];
	_ =	sdelay $0x3  }
.Ltmp1:
0xbc: {  	(pc) =	sbr.rel @p0 .LBB2_4-.Ltmp1, $4  }
0xbd: {  	[tilespmem:$0x7970] =	vst v2  }
0xbe: {  	[spmem:s2] =	stream.indirect.scatter.add.f32 [tilespmem:s18], [sflag:$0x1], $0x1, s17, s12, $0xb8;
	[tilespmem:$0x7D80] =	vst v63  }
0xbf: {  	_ =	swait.ge [sflag:s21], $0x80  }
0xc0: {  	s29 =	smov.u32 s26;
	[sflag:s21] =	ssyncset.done $0x0  }
0xc1: {  	s25 =	sshra.s32 s25, $0x2;
	[sflag:s21] =	ssyncadd.s32 $0xFFFFFF80  }
0xc2: {  	v2 =	vld [tilespmem:s25+$0x2910];
	_ =	sdelay $0x4  }
0xc3: {  	[tilespmem:$0x7980] =	vst v2  }
0xc4: {  	v2 =	vld [tilespmem:s25+$0x2920];
	_ =	sdelay $0x4  }
0xc5: {  	[tilespmem:$0x7990] =	vst v2  }
0xc6: {  	v2 =	vld [tilespmem:s25+$0x2930];
	_ =	sdelay $0x4  }
0xc7: {  	[tilespmem:$0x79A0] =	vst v2  }
0xc8: {  	v2 =	vld [tilespmem:s25+$0x2940];
	_ =	sdelay $0x4  }
0xc9: {  	[tilespmem:$0x79B0] =	vst v2  }
0xca: {  	v2 =	vld [tilespmem:s25+$0x2950];
	_ =	sdelay $0x4  }
0xcb: {  	[tilespmem:$0x79C0] =	vst v2  }
0xcc: {  	v2 =	vld [tilespmem:s25+$0x2960];
	_ =	sdelay $0x4  }
0xcd: {  	[tilespmem:$0x79D0] =	vst v2  }
0xce: {  	v2 =	vld [tilespmem:s25+$0x2970];
	_ =	sdelay $0x4  }
0xcf: {  	[tilespmem:$0x79E0] =	vst v2  }
0xd0: {  	v2 =	vld [tilespmem:s25+$0x2980];
	_ =	sdelay $0x4  }
0xd1: {  	[tilespmem:$0x79F0] =	vst v2  }
0xd2: {  	[spmem:s2] =	stream.indirect.scatter.add.f32 [tilespmem:s18], [sflag:$0x2], $0x1, s19, s12, $0xb8;
	[tilespmem:$0x7D80] =	vst v63  }
0xd3: {  	_ =	swait.ge [sflag:s20], $0x80  }
0xd4: {  	[sflag:s20] =	ssyncset.done $0x0  }
0xd5: {  	[sflag:s20] =	ssyncadd.s32 $0xFFFFFF80  }
0xd6: {  	v2 =	vld [tilespmem:s25+$0x2990];
	_ =	sdelay $0x4  }
0xd7: {  	[tilespmem:$0x7900] =	vst v2  }
0xd8: {  	v2 =	vld [tilespmem:s25+$0x29A0];
	_ =	sdelay $0x4  }
0xd9: {  	[tilespmem:$0x7910] =	vst v2  }
0xda: {  	v2 =	vld [tilespmem:s25+$0x29B0];
	_ =	sdelay $0x4  }
0xdb: {  	[tilespmem:$0x7920] =	vst v2  }
0xdc: {  	v2 =	vld [tilespmem:s25+$0x29C0];
	_ =	sdelay $0x4  }
0xdd: {  	[tilespmem:$0x7930] =	vst v2  }
0xde: {  	v2 =	vld [tilespmem:s25+$0x29D0];
	_ =	sdelay $0x4  }
0xdf: {  	[tilespmem:$0x7940] =	vst v2  }
0xe0: {  	v2 =	vld [tilespmem:s25+$0x29E0];
	_ =	sdelay $0x4  }
0xe1: {  	[tilespmem:$0x7950] =	vst v2  }
0xe2: {  	v2 =	vld [tilespmem:s25+$0x29F0];
	_ =	sdelay $0x4  }
0xe3: {  	[tilespmem:$0x7960] =	vst v2  }
0xe4: {  	v2 =	vld [tilespmem:s25+$0x2A00];
	_ =	sdelay $0x4  }
0xe5: {  	[tilespmem:$0x7970] =	vst v2  }
0xe6: {  	[spmem:s2] =	stream.indirect.scatter.add.f32 [tilespmem:s18], [sflag:$0x1], $0x1, s17, s12, $0xb8;
	[tilespmem:$0x7D80] =	vst v63  }
0xe7: {  	_ =	swait.ge [sflag:s21], $0x80  }
0xe8: {  	[sflag:s21] =	ssyncset.done $0x0  }
0xe9: {  	[sflag:s21] =	ssyncadd.s32 $0xFFFFFF80  }
0xea: {  	v2 =	vld [tilespmem:$0x5080]  }
0xeb: {  	v3 =	vld [tilespmem:$0x5090]  }
0xec: {  	v4 =	vld [tilespmem:$0x50A0]  }
0xed: {  	v5 =	vld [tilespmem:$0x50B0]  }
0xee: {  	v6 =	vld [tilespmem:$0x50C0]  }
0xef: {  	v63 =	vld [tilespmem:$0x50F0];
	[tilespmem:$0x7980] =	vst v2  }
0xf0: {  	v2 =	vld [tilespmem:$0x50D0];
	[tilespmem:$0x7990] =	vst v3  }
0xf1: {  	v3 =	vld [tilespmem:$0x50E0];
	[tilespmem:$0x79A0] =	vst v4  }
0xf2: {  	[tilespmem:$0x79B0] =	vst v5  }
0xf3: {  	[tilespmem:$0x79C0] =	vst v6  }
0xf4: {  	[tilespmem:$0x79F0] =	vst v63  }
0xf5: {  	[tilespmem:$0x79D0] =	vst v2  }
0xf6: {  	[tilespmem:$0x79E0] =	vst v3  }
0xf7: {  	[spmem:s2] =	stream.indirect.scatter.add.f32 [tilespmem:s18], [sflag:$0x2], $0x1, s19, s12, $0xb8;
	[tilespmem:$0x7D80] =	vst v63  }
0xf8: {  	_ =	swait.ge [sflag:s20], $0x80  }
0xf9: {  	[sflag:s20] =	ssyncset.done $0x0  }
0xfa: {  	[sflag:s20] =	ssyncadd.s32 $0xFFFFFF80  }
0xfb: {  	_ =	swait.ge [sflag:s21], $0x80  }
0xfc: {  	[sflag:s21] =	ssyncset.done $0x0  }
0xfd: {  	[sflag:s21] =	ssyncadd.s32 $0xFFFFFF80  }
0xfe: {  	v2 =	vld [tilespmem:$0x5100];
	_ =	sdelay $0x4  }
0xff: {  	[tilespmem:$0x7A00] =	vst v2  }
0x100: {  	[spmem:s2] =	stream.indirect.scatter.add.f32 [tilespmem:s18], [sflag:$0x3], $0x1, s23, s22, $0xb8;
	[tilespmem:$0x7D80] =	vst v63  }
0x101: {  	_ =	swait.ge [sflag:s11], $0x10  }
0x102: {  	s31 =	sshll.u32 s1, $0x6;
	s3 =	sadd.s32 $0x1, s3;
	[sflag:s11] =	ssyncset.done $0x0  }
0x103: {  	s26 =	sshrl.u32 s4, $0x3;
	p0 =	sne.s32 s3, s9;
	[sflag:s11] =	ssyncadd.s32 $0xFFFFFFF0  }
.Ltmp2:
0x104: {  	s25 =	sor.u32 $0x1C03, s31;
	[bflag:$0x0] =	sbarrier.arrive $0xFFFF;
	(pc) =	sbr.rel @p0 .LBB2_1-.Ltmp2, $4  }
0x105: {  	[hbm:s8@s24], [sflag:s25] =	dma.strided [spmem:s26@s22], $0x50, s20, $0x10   }
0x106: {  	_ =	swait.ge [sflag:s11], $0x50  }
0x107: {  	[sflag:s11] =	ssyncset.done $0x0  }
0x108: {  	[sflag:s11] =	ssyncadd.s32 $0xFFFFFFB0  }
0x109: {  	_ =	sfence.sel $0x180000  }
0x10a: {  	[bflag:$0x0] =	sbarrier.arrive $0xFFFF  }
0x10b: {  	p0 =	sne.s32 s1, $0x0;
	_ =	strace $0x90000047  }
0x10c: {  	s0 =	sadd.s32 @!p0 $0x100000, s0;
	[bflag:$0x2] =	sbarrier.arrive $0xFFFF  }
0x10d: {  	[sflag:s0] =	ssyncadd.tile.s32 @!p0 $0x1;
	_ =	shalt  }
.Lfunc_end2:
_tile_overlayer_lowered:
.L_overlay_start_2:
0x10e: {  	(tag) =	ssettag $0x2  }
0x10f: {  	s0 =	rddreg [dreg:$0x0];
	s2 =	stileid.u32  }
0x110: {  	s1 =	rddreg [dreg:$0x1];
	p0 =	sne.s32 s2, $0x0  }
0x111: {  	s3 =	rddreg [dreg:$0x2];
	[bflag:$0x3] =	sbarrier.arrive $0xFFFF;
	s2 =	simm.s32 @!p0 $0x1C03  }
0x112: {  	[timem:s3], [sflag:s2] =	dma.local @!p0 [hbm:s0], s1  }
0x113: {  	s0 =	simm.s32 @!p0 $0x3  }
0x114: {  	_ =	swait.ge @!p0 [sflag:s0], s1  }
0x115: {  	s1 =	ssub.s32 @!p0 $0x0, s1;
	[sflag:s0] =	ssyncset.done @!p0 $0x0  }
0x116: {  	[sflag:s0] =	ssyncadd.s32 @!p0 s1  }
0x117: {  	[bflag:$0x3] =	sbarrier.arrive $0xFFFF  }
0x118: {  	_ =	shalt  }

// kernel: kernel.13.cloned.1.call-start
scs
__scs_entry_jumppad:
0x0: {  	(pc) =	sbr.rel $0x88, $3  }
0x1: {  	(tag) =	ssettag $0x0;
	lr =	simm.s32 $0x1  }
0x2: {  	[smem:$0x3F99] =	sst lr;
	_ =	strace $0xD0000000  }
0x3: {  	_ = 	snop  }
0x4: {  	_ = 	snop  }
0x5: {  	_ = 	snop  }
0x6: {  	_ = 	snop  }
0x7: {  	_ = 	snop  }
__scs_overlays_trampoline_lowered:
0x8: {  	[smem:$0x3FA8] =	sst s0  }
0x9: {  	[smem:$0x3FA9] =	sst s1  }
0xa: {  	[smem:$0x3FAA] =	sst s2  }
0xb: {  	[smem:$0x3FAB] =	sst s3  }
0xc: {  	[smem:$0x3FAC] =	sst s4  }
0xd: {  	[smem:$0x3FAD] =	sst s5  }
0xe: {  	[smem:$0x3FAE] =	sst s6  }
0xf: {  	[smem:$0x3FAF] =	sst s7  }
0x10: {  	[smem:$0x3FB0] =	sst s8  }
0x11: {  	[smem:$0x3FB1] =	sst s9;
	s0 =	simm.s32 @!p0 $0x0  }
0x12: {  	s1 =	sld [smem:$0x3F97];
	s0 =	simm.s32 @p0 $0x1  }
0x13: {  	[smem:$0x3FB2] =	sst s0;
	s0 =	simm.s32 @!p1 $0x0  }
0x14: {  	s2 =	sld [smem:$0x3F96];
	s0 =	simm.s32 @p1 $0x1  }
0x15: {  	[smem:$0x3FB3] =	sst s0;
	s0 =	simm.s32 @!p2 $0x0  }
0x16: {  	s3 =	sld [smem:$0x3FDB];
	s0 =	simm.s32 @p2 $0x1  }
0x17: {  	s4 =	simm.s32 $0x1BF5;
	[smem:$0x3FB5] =	sst s0  }
0x18: {  	s0 =	sld [smem:$0x3F98];
	_ =	swait.ge [sflag:s4], $0x0  }
0x19: {  	s7 =	sld [smem:$0x3F99]  }
0x1a: {  	s8 =	sadd.s32 $0xFFFFE003, lr  }
0x1b: {  	s9 =	sadd.s32 $0xFFFFFEF7, lr;
	s5 =	simm.s32 $0xFFFFFFFF;
	p2 =	slt.u32 s8, $0xFFFFF086  }
0x1c: {  	p1 =	slt.u32 s9, $0xF7A;
	s5 =	simm.s32 @!p2 $0x0  }
0x1d: {  	s5 =	simm.s32 @p1 $0x1;
	p0 =	seq.s32 s7, s2  }
0x1e: {  	s7 =	smul.u32 @!p0 $0xF7A, s2;
	p2 =	seq.s32 @!p0 s5, $0x0  }
0x1f: {  	s9 =	smul.u32 $0xF7A, s1;
	s8 =	simm.s32 @!p0 $0x1BF5;
	p2 =	por !p2, p0  }
0x20: {  	[sflag:s8] =	ssyncset.s32 @!p0 $0xFFFFF086;
	s6 =	sadd.s32 @!p0 s3, s7;
	s7 =	simm.s32 @!p0 $0x108  }
0x21: {  	s3 =	sadd.s32 s3, s9;
	s6 =	sadd.s32 @!p0 $0x88, s6;
	s7 =	simm.s32 @p2 $0x1082  }
0x22: {  	[simem:s7], [sflag:s8] =	dma.local @!p0 [hbm:s6], $0xF7A  }
0x23: {  	s9 =	sor.u32 $0xD0000000, s2;
	s6 =	simm.s32 $0x108;
	_ =	swait.ge @!p0 [sflag:s8], $0x0  }
0x24: {  	s3 =	sadd.s32 $0x88, s3;
	s6 =	simm.s32 @!p1 $0x1082;
	[sflag:s4] =	ssyncset.s32 $0xFFFFF086  }
0x25: {  	[simem:s6], [sflag:s4] =	dma.local [hbm:s3], $0xF7A  }
0x26: {  	[smem:$0x3F99] =	sst s1;
	(tag) =	ssettag s2;
	_ =	strace s9  }
0x27: {  	s1 =	sld [smem:$0x3FA9]  }
0x28: {  	s2 =	sld [smem:$0x3FAA]  }
0x29: {  	s4 =	sld [smem:$0x3FAC]  }
0x2a: {  	p0 =	seq.s32 s5, $0x0;
	s5 =	sld [smem:$0x3FAD]  }
0x2b: {  	s6 =	sld [smem:$0x3FAE]  }
0x2c: {  	s7 =	sld [smem:$0x3FAF]  }
0x2d: {  	s3 =	simm.s32 $0x108;
	s8 =	sld [smem:$0x3FB0]  }
0x2e: {  	s3 =	simm.s32 @!p0 $0x1082;
	s9 =	sld [smem:$0x3FB1]  }
0x2f: {  	lr =	sadd.s32 s0, s3;
	s0 =	sld [smem:$0x3FA8]  }
0x30: {  	s3 =	sld [smem:$0x3FAB]  }
0x31: {  	[smem:$0x3FB4] =	sst s10  }
0x32: {  	s10 =	sld [smem:$0x3FB2];
	_ =	sdelay $0x3  }
0x33: {  	p0 =	seq.s32 s10, $0x1;
	s10 =	sld [smem:$0x3FB4];
	_ =	sdelay $0x3  }
0x34: {  	[smem:$0x3FB4] =	sst s10  }
0x35: {  	s10 =	sld [smem:$0x3FB3];
	_ =	sdelay $0x3  }
0x36: {  	p1 =	seq.s32 s10, $0x1;
	s10 =	sld [smem:$0x3FB4];
	_ =	sdelay $0x3  }
0x37: {  	[smem:$0x3FB4] =	sst s10  }
0x38: {  	s10 =	sld [smem:$0x3FB5]  }
0x39: {  	_ = 	snop;
	(pc) =	sbr.ind lr, $3  }
0x3a: {  	_ = 	snop  }
0x3b: {  	_ = 	snop  }
0x3c: {  	p2 =	seq.s32 s10, $0x1;
	s10 =	sld [smem:$0x3FB4]  }
0x3d: {  	_ =	shalt  }
0x3e: {  	_ =	shalt  }
0x3f: {  	_ =	shalt  }
0x40: {  	_ =	shalt  }
0x41: {  	_ =	shalt  }
0x42: {  	_ =	shalt  }
0x43: {  	_ =	shalt  }
0x44: {  	_ =	shalt  }
0x45: {  	_ =	shalt  }
0x46: {  	_ =	shalt  }
0x47: {  	_ =	shalt  }
0x48: {  	_ =	shalt  }
0x49: {  	_ =	shalt  }
0x4a: {  	_ =	shalt  }
0x4b: {  	_ =	shalt  }
0x4c: {  	_ =	shalt  }
0x4d: {  	_ =	shalt  }
0x4e: {  	_ =	shalt  }
0x4f: {  	_ =	shalt  }
0x50: {  	_ =	shalt  }
0x51: {  	_ =	shalt  }
0x52: {  	_ =	shalt  }
0x53: {  	_ =	shalt  }
0x54: {  	_ =	shalt  }
0x55: {  	_ =	shalt  }
0x56: {  	_ =	shalt  }
0x57: {  	_ =	shalt  }
0x58: {  	_ =	shalt  }
0x59: {  	_ =	shalt  }
0x5a: {  	_ =	shalt  }
0x5b: {  	_ =	shalt  }
0x5c: {  	_ =	shalt  }
0x5d: {  	_ =	shalt  }
0x5e: {  	_ =	shalt  }
0x5f: {  	_ =	shalt  }
0x60: {  	_ =	shalt  }
0x61: {  	_ =	shalt  }
0x62: {  	_ =	shalt  }
0x63: {  	_ =	shalt  }
0x64: {  	_ =	shalt  }
0x65: {  	_ =	shalt  }
0x66: {  	_ =	shalt  }
0x67: {  	_ =	shalt  }
0x68: {  	_ =	shalt  }
0x69: {  	_ =	shalt  }
0x6a: {  	_ =	shalt  }
0x6b: {  	_ =	shalt  }
0x6c: {  	_ =	shalt  }
0x6d: {  	_ =	shalt  }
0x6e: {  	_ =	shalt  }
0x6f: {  	_ =	shalt  }
0x70: {  	_ =	shalt  }
0x71: {  	_ =	shalt  }
0x72: {  	_ =	shalt  }
0x73: {  	_ =	shalt  }
0x74: {  	_ =	shalt  }
0x75: {  	_ =	shalt  }
0x76: {  	_ =	shalt  }
0x77: {  	_ =	shalt  }
0x78: {  	_ =	shalt  }
0x79: {  	_ =	shalt  }
0x7a: {  	_ =	shalt  }
0x7b: {  	_ =	shalt  }
0x7c: {  	_ =	shalt  }
0x7d: {  	_ =	shalt  }
0x7e: {  	_ =	shalt  }
0x7f: {  	_ =	shalt  }
0x80: {  	_ =	shalt  }
0x81: {  	_ =	shalt  }
0x82: {  	_ =	shalt  }
0x83: {  	_ =	shalt  }
0x84: {  	_ =	shalt  }
0x85: {  	_ =	shalt  }
0x86: {  	_ =	shalt  }
0x87: {  	_ =	shalt  }
.Lfunc_end0:
.L_simem_size_0:
called_computation.1_lowered:
.L_overlay_start_0:
0x88: {  	s2 =	sld [smem:$0x3FD9]  }
0x89: {  	s3 =	sld [smem:$0x3FFE];
	_ =	sdelay $0x1  }
0x8a: {  	s1 =	srdreg.scid  }
0x8b: {  	s0 =	sand.u32 $0x1, s1  }
0x8c: {  	s17 =	sshll.u32 s0, $0xA;
	s2 =	sadd.s32 s3, s2  }
0x8d: {  	s2 =	sadd.s32 s2, s17  }
0x8e: {  	[smem:$0x3FC0] =	sst s2  }
0x8f: {  	_ = 	snop  }
0x90: {  	s2 =	sld [smem:$0x3FD0];
	(tm) =	ssettm $0x1  }
0x91: {  	s18 =	sld [smem:$0x3FFB];
	_ =	sdelay $0x3  }
0x92: {  	_ =	strace s18  }
0x93: {  	s3 =	sld [smem:$0x3FFC];
	_ =	sdelay $0x3  }
0x94: {  	_ =	strace s3  }
0x95: {  	s3 =	sld [smem:$0x3FFD];
	_ =	sdelay $0x3  }
0x96: {  	_ =	strace s3  }
0x97: {  	_ =	strace $0x8FFFFFFF  }
0x98: {  	s19 =	sld [smem:$0x3FDB];
	_ =	sdelay $0x1  }
0x99: {  	s4 =	simm.s32 $_scs_section_size  }
0x9a: {  	s5 =	simm.s32 $_size__tile_overlayer_lowered;
	s6 =	simm.s32 $_tile_overlayer_lowered  }
0x9b: {  	s22 =	simm.s32 $0x1BFF;
	s21 =	sshll.u32 s6, $0x1;
	s3 =	sadd.s32 s4, s19  }
0x9c: {  	s7 =	simm.s32 $0x0;
	s20 =	sshll.u32 s5, $0x1;
	s5 =	sadd.s32 s21, s3  }
0x9d: {  	[timem:s7], [sflag:s22] =	dma.local [hbm:s5], s20  }
0x9e: {  	_ =	swait.ge [sflag:s22], s20  }
0x9f: {  	s4 =	ssub.s32 $0x0, s20;
	[sflag:s22] =	ssyncset.done $0x0  }
0xa0: {  	[sflag:s22] =	ssyncadd.s32 s4;
	_ =	sdelay $0x1  }
0xa1: {  	s23 =	simm.s32 $0x1B8B  }
0xa2: {  	_ =	swait.ge [sflag:s23], $0x1  }
0xa3: {  	[sflag:s23] =	ssyncset.done $0x0  }
0xa4: {  	s25 =	simm.s32 $0x1B8E;
	s24 =	sld [smem:$0x3FFE];
	[sflag:s23] =	ssyncadd.s32 $0xFFFFFFFF  }
0xa5: {  	s26 =	simm.s32 $execute0_lowered;
	[smem:$0x3FD2] =	sst s25  }
0xa6: {  	s5 =	sshll.u32 s26, $0x1;
	_ =	strace $0x80000049;
	[dreg:$0x1] =	wrdreg $0xFFFFFFFF  }
0xa7: {  	s28 =	simm.s32 $_size_execute0_lowered;
	s3 =	sadd.s32 s3, s5;
	[dreg:$0x0] =	wrdreg $0x0  }
0xa8: {  	s5 =	sshll.u32 s28, $0x1;
	[dreg:$0x2] =	wrdreg s3  }
0xa9: {  	[dreg:$0x3] =	wrdreg s5  }
0xaa: {  	[dreg:$0x4] =	wrdreg $0xC0  }
0xab: {  	_ =	task [dreg:s7], $0x5FFFF  }
0xac: {  	[dreg:$0x1] =	wrdreg $0xFFFFFFFF  }
0xad: {  	[dreg:$0x0] =	wrdreg $0x60  }
0xae: {  	[dreg:$0x2] =	wrdreg s2  }
0xaf: {  	[dreg:$0x3] =	wrdreg s24  }
0xb0: {  	[dreg:$0x4] =	wrdreg $0x0  }
0xb1: {  	[dreg:$0x5] =	wrdreg $0x9  }
0xb2: {  	_ =	task.clear_ibuf [dreg:s7], $0x6FFFF;
	_ =	strace $0x90000049  }
0xb3: {  	s29 =	simm.s32 $0x9;
	_ =	strace $0x8000004B  }
0xb4: {  	_ =	swait.ge [sflag:s29], $0x1  }
0xb5: {  	[sflag:s29] =	ssyncadd.s32 $0xFFFFFFFF  }
0xb6: {  	_ =	strace $0x9000004B  }
0xb7: {  	_ =	sfence  }
0xb8: {  	s30 =	sld [smem:$0x0];
	_ =	sdelay $0x2  }
0xb9: {  	s31 =	sshll.u32 s1, $0xD;
	s1 =	sshrl.u32 s1, $0x2  }
0xba: {  	s3 =	sand.u32 $0x4000, s31;
	s1 =	sadd.s32 s1, s30  }
0xbb: {  	s0 =	sor.u32 s3, s0;
	s1 =	sshll.u32 s1, $0x11  }
0xbc: {  	s0 =	sor.u32 s1, s0  }
0xbd: {  	s0 =	sadd.s32 $0x8F2B, s0  }
0xbe: {  	[sflag:s0] =	ssyncadd.remote.s32 $0x1  }
0xbf: {  	_ =	sfence.sel $0xFFFF  }
0xc0: {  	[dreg:$0x0] =	wrdreg $0xFFFFFFFF;
	(pc) =	sbr.abs _section_cstart, $3  }
0xc1: {  	[dreg:$0x1] =	wrdreg $0xFFFFFFFF  }
0xc2: {  	_ =	task.clear_ibuf [dreg:s7], $0x2FFFF;
	_ =	strace $0x9FFFFFFF  }
0xc3: {  	(tm) =	ssettm $0x7FFFFFFF  }
tec
execute0_lowered:
.L_overlay_start_1:
0x0: {  	(tag) =	ssettag $0x1  }
0x1: {  	s1 =	rddreg [dreg:$0x0]  }
0x2: {  	s12 =	rddreg [dreg:$0x1]  }
0x3: {  	s3 =	rddreg [dreg:$0x2]  }
0x4: {  	s0 =	rddreg [dreg:$0x3];
	s4 =	simm.s32 $0x0;
	s5 =	srdreg.scid  }
0x5: {  	s2 =	stileid.u32;
	s13 =	simm.s32 $0x87E00;
	s15 =	simm.s32 $0x80  }
0x6: {  	s16 =	simm.s32 $0x400;
	s17 =	simm.s32 $0x14000;
	s18 =	simm.s32 $0x16780  }
0x7: {  	s19 =	simm.s32 $0x16800;
	s20 =	simm.s32 $0x1AA00;
	s21 =	simm.s32 $0x1  }
0x8: {  	s22 =	simm.s32 $0x16880;
	s23 =	simm.s32 $0x2;
	s24 =	simm.s32 $0x10  }
0x9: {  	s25 =	simm.s32 $0x16900;
	s26 =	simm.s32 $0x16980;
	s30 =	smul.u32 $0x50000, s2  }
0xa: {  	s9 =	sand.u32 $0x1, s5;
	s29 =	sshrl.u32 s2, $0x2;
	s14 =	smul.u32 $0x2800, s2  }
0xb: {  	s6 =	sshll.u32 s2, $0x8;
	[smem:$0x7FF] =	sst s4;
	s5 =	smul.u32 $0x13C00, s29  }
0xc: {  	s7 =	sshll.u32 s9, $0x7;
	s6 =	sand.u32 $0x300, s6;
	_ =	strace $0x8000004A  }
0xd: {  	s31 =	ssub.s32 $0x2, s9;
	p0 =	seq.s32 s9, $0x1;
	s6 =	sor.u32 s7, s6  }
0xe: {  	s7 =	sshrl.u32 s30, $0x2;
	s8 =	sshrl.u32 s31, $0x1;
	s5 =	sor.u32 s5, s6  }
0xf: {  	s13 =	simm.s32 @!p0 $0x5FE00;
	s11 =	ssub.s32 s31, s8;
	s5 =	sshrl.u32 s5, $0x3  }
0x10: {  	s11 =	smax.u32 s11, $0x1;
	s10 =	sadd.s32 s5, s12;
	s5 =	sadd.s32 s7, s3  }
0x11: {  	s12 =	sadd.s32 s13, s12;
	s13 =	simm.s32 $0x16A00;
	s6 =	sadd.s32 $0x4000, s5  }
0x12: {  	s7 =	sadd.s32 $0x8000, s5;
	s8 =	sadd.s32 $0xC000, s5;
	s9 =	sadd.s32 $0x10000, s5  }
0x13: {  	v0 =	vimm.f32 $0.0e+00;
	s10 =	sadd.s32 $0x6000, s10;
	s12 =	sadd.s32 s12, s14;
	s14 =	simm.s32 $0x3  }
.LBB2_1:
0x14: {  	s28 =	simm.s32 $0x0;
	s29 =	simm.s32 $0x200  }
.LBB2_2:
0x15: {  	p0 =	sne.s32 s29, $0xFE00;
	[tilespmem:s28+$0x16A70] =	vst v0  }
0x16: {  	[tilespmem:s28+$0x16A00] =	vst v0  }
0x17: {  	[tilespmem:s28+$0x16A10] =	vst v0  }
.Ltmp0:
0x18: {  	[tilespmem:s28+$0x16A20] =	vst v0;
	(pc) =	sbr.rel @p0 .LBB2_2-.Ltmp0, $4  }
0x19: {  	[tilespmem:s28+$0x16A30] =	vst v0  }
0x1a: {  	[tilespmem:s28+$0x16A40] =	vst v0  }
0x1b: {  	[tilespmem:s28+$0x16A50] =	vst v0  }
0x1c: {  	[tilespmem:s28+$0x16A60] =	vst v0;
	s28 =	sshra.s32 s29, $0x2;
	s29 =	sadd.s32 $0x200, s29  }
0x1d: {  	[tilespmem:s28+$0x16A70] =	vst v0  }
0x1e: {  	[tilespmem:s28+$0x16A00] =	vst v0  }
0x1f: {  	[tilespmem:s28+$0x16A10] =	vst v0  }
0x20: {  	[tilespmem:s28+$0x16A20] =	vst v0  }
0x21: {  	[tilespmem:s28+$0x16A30] =	vst v0  }
0x22: {  	[tilespmem:s28+$0x16A40] =	vst v0  }
0x23: {  	[tilespmem:s28+$0x16A50] =	vst v0  }
0x24: {  	[tilespmem:s28+$0x16A60] =	vst v0  }
0x25: {  	[spmem:s5] =	stream.linear.scatter [tilespmem:s13], [sflag:$0x3], $0x4000, $0x38;
	[tilespmem:$0x1EA00] =	vst v63  }
0x26: {  	_ =	swait.ge [sflag:s14], $0x4000  }
0x27: {  	[sflag:s14] =	ssyncset.done $0x0  }
0x28: {  	[sflag:s14] =	ssyncadd.s32 $0xFFFFC000  }
0x29: {  	[spmem:s6] =	stream.linear.scatter [tilespmem:s13], [sflag:$0x3], $0x4000, $0x38;
	[tilespmem:$0x1EA00] =	vst v63  }
0x2a: {  	_ =	swait.ge [sflag:s14], $0x4000  }
0x2b: {  	[sflag:s14] =	ssyncset.done $0x0  }
0x2c: {  	[sflag:s14] =	ssyncadd.s32 $0xFFFFC000  }
0x2d: {  	[spmem:s7] =	stream.linear.scatter [tilespmem:s13], [sflag:$0x3], $0x4000, $0x38;
	[tilespmem:$0x1EA00] =	vst v63  }
0x2e: {  	_ =	swait.ge [sflag:s14], $0x4000  }
0x2f: {  	[sflag:s14] =	ssyncset.done $0x0  }
0x30: {  	[sflag:s14] =	ssyncadd.s32 $0xFFFFC000  }
0x31: {  	[spmem:s8] =	stream.linear.scatter [tilespmem:s13], [sflag:$0x3], $0x4000, $0x38;
	[tilespmem:$0x1EA00] =	vst v63  }
0x32: {  	_ =	swait.ge [sflag:s14], $0x4000  }
0x33: {  	[sflag:s14] =	ssyncset.done $0x0  }
0x34: {  	[sflag:s14] =	ssyncadd.s32 $0xFFFFC000  }
0x35: {  	[spmem:s9] =	stream.linear.scatter [tilespmem:s13], [sflag:$0x3], $0x4000, $0x38;
	[tilespmem:$0x1EA00] =	vst v63  }
0x36: {  	_ =	swait.ge [sflag:s14], $0x4000  }
0x37: {  	[sflag:s14] =	ssyncset.done $0x0  }
0x38: {  	[sflag:s14] =	ssyncadd.s32 $0xFFFFC000  }
0x39: {  	[tilespmem:s17], [sflag:$0x3] =	stream.strided.gather [hbm4b:s10+s15], $0x2780, s16, s15, $0x38;
	[tilespmem:$0x1EA00] =	vst v63  }
0x3a: {  	_ =	swait.ge [sflag:s14], $0x2780  }
0x3b: {  	[sflag:s14] =	ssyncset.done $0x0  }
0x3c: {  	[sflag:s14] =	ssyncadd.s32 $0xFFFFD880  }
0x3d: {  	[bflag:$0x0] =	sbarrier.arrive $0xFFFF  }
0x3e: {  	v1 =	vld [tilespmem:$0x14000]  }
0x3f: {  	v2 =	vld [tilespmem:$0x14010]  }
0x40: {  	v3 =	vld [tilespmem:$0x14020]  }
0x41: {  	v4 =	vld [tilespmem:$0x14030]  }
0x42: {  	v5 =	vld [tilespmem:$0x14040]  }
0x43: {  	v6 =	vld [tilespmem:$0x14050];
	v1 =	vand.u32 $0xFFFF, v1  }
0x44: {  	[tilespmem:$0x16780] =	vst v1;
	v1 =	vand.u32 $0xFFFF, v2;
	v2 =	vld [tilespmem:$0x14060]  }
0x45: {  	[tilespmem:$0x16790] =	vst v1;
	v1 =	vand.u32 $0xFFFF, v3;
	v3 =	vld [tilespmem:$0x14070]  }
0x46: {  	[tilespmem:$0x167A0] =	vst v1;
	v1 =	vand.u32 $0xFFFF, v4  }
0x47: {  	[tilespmem:$0x167B0] =	vst v1;
	v1 =	vand.u32 $0xFFFF, v5  }
0x48: {  	[tilespmem:$0x167C0] =	vst v1;
	v1 =	vand.u32 $0xFFFF, v6  }
0x49: {  	[tilespmem:$0x167D0] =	vst v1;
	v1 =	vand.u32 $0xFFFF, v2  }
0x4a: {  	[tilespmem:$0x167E0] =	vst v1;
	v1 =	vand.u32 $0xFFFF, v3  }
0x4b: {  	s28 =	simm.s32 $0x14080;
	[tilespmem:$0x167F0] =	vst v1  }
0x4c: {  	[tilespmem:s13], [sflag:$0x1] =	stream.indirect.gather [hbm4b:s1+s15], $0x80, s18, s15, $0xb8;
	[tilespmem:$0x1EA00] =	vst v63  }
0x4d: {  	v1 =	vld [tilespmem:s28+$0x0];
	_ =	sdelay $0x4  }
0x4e: {  	v1 =	vand.u32 $0xFFFF, v1  }
0x4f: {  	[tilespmem:$0x16800] =	vst v1  }
0x50: {  	v1 =	vld [tilespmem:s28+$0x10];
	_ =	sdelay $0x4  }
0x51: {  	v1 =	vand.u32 $0xFFFF, v1  }
0x52: {  	[tilespmem:$0x16810] =	vst v1  }
0x53: {  	v1 =	vld [tilespmem:s28+$0x20];
	_ =	sdelay $0x4  }
0x54: {  	v1 =	vand.u32 $0xFFFF, v1  }
0x55: {  	[tilespmem:$0x16820] =	vst v1  }
0x56: {  	v1 =	vld [tilespmem:s28+$0x30];
	_ =	sdelay $0x4  }
0x57: {  	v1 =	vand.u32 $0xFFFF, v1  }
0x58: {  	[tilespmem:$0x16830] =	vst v1  }
0x59: {  	v1 =	vld [tilespmem:s28+$0x40];
	_ =	sdelay $0x4  }
0x5a: {  	v1 =	vand.u32 $0xFFFF, v1  }
0x5b: {  	[tilespmem:$0x16840] =	vst v1  }
0x5c: {  	v1 =	vld [tilespmem:s28+$0x50];
	_ =	sdelay $0x4  }
0x5d: {  	v1 =	vand.u32 $0xFFFF, v1  }
0x5e: {  	[tilespmem:$0x16850] =	vst v1  }
0x5f: {  	v1 =	vld [tilespmem:s28+$0x60];
	_ =	sdelay $0x4  }
0x60: {  	v1 =	vand.u32 $0xFFFF, v1  }
0x61: {  	[tilespmem:$0x16860] =	vst v1  }
0x62: {  	v1 =	vld [tilespmem:s28+$0x70];
	_ =	sdelay $0x4  }
0x63: {  	v1 =	vand.u32 $0xFFFF, v1  }
0x64: {  	[tilespmem:$0x16870] =	vst v1  }
0x65: {  	[tilespmem:s20], [sflag:$0x2] =	stream.indirect.gather [hbm4b:s1+s15], $0x80, s19, s15, $0xb8;
	[tilespmem:$0x1EA00] =	vst v63  }
0x66: {  	_ =	swait.ge [sflag:s21], $0x4000  }
0x67: {  	[sflag:s21] =	ssyncset.done $0x0  }
0x68: {  	[sflag:s21] =	ssyncadd.s32 $0xFFFFC000  }
0x69: {  	v1 =	vld [tilespmem:s28+$0xFFFFFF80];
	_ =	sdelay $0x4  }
0x6a: {  	v1 =	vshrl.u32 v1, $0x10  }
0x6b: {  	[tilespmem:$0x16880] =	vst v1  }
0x6c: {  	v1 =	vld [tilespmem:s28+$0xFFFFFF90];
	_ =	sdelay $0x4  }
0x6d: {  	v1 =	vshrl.u32 v1, $0x10  }
0x6e: {  	[tilespmem:$0x16890] =	vst v1  }
0x6f: {  	v1 =	vld [tilespmem:s28+$0xFFFFFFA0];
	_ =	sdelay $0x4  }
0x70: {  	v1 =	vshrl.u32 v1, $0x10  }
0x71: {  	[tilespmem:$0x168A0] =	vst v1  }
0x72: {  	v1 =	vld [tilespmem:s28+$0xFFFFFFB0];
	_ =	sdelay $0x4  }
0x73: {  	v1 =	vshrl.u32 v1, $0x10  }
0x74: {  	[tilespmem:$0x168B0] =	vst v1  }
0x75: {  	v1 =	vld [tilespmem:s28+$0xFFFFFFC0];
	_ =	sdelay $0x4  }
0x76: {  	v1 =	vshrl.u32 v1, $0x10  }
0x77: {  	[tilespmem:$0x168C0] =	vst v1  }
0x78: {  	v1 =	vld [tilespmem:s28+$0xFFFFFFD0];
	_ =	sdelay $0x4  }
0x79: {  	v1 =	vshrl.u32 v1, $0x10  }
0x7a: {  	[tilespmem:$0x168D0] =	vst v1  }
0x7b: {  	v1 =	vld [tilespmem:s28+$0xFFFFFFE0];
	_ =	sdelay $0x4  }
0x7c: {  	v1 =	vshrl.u32 v1, $0x10  }
0x7d: {  	[tilespmem:$0x168E0] =	vst v1  }
0x7e: {  	v1 =	vld [tilespmem:s28+$0xFFFFFFF0];
	_ =	sdelay $0x4  }
0x7f: {  	v1 =	vshrl.u32 v1, $0x10  }
0x80: {  	[tilespmem:$0x168F0] =	vst v1  }
0x81: {  	[spmem:s3] =	stream.indirect.scatter.add.f32 [tilespmem:s13], [sflag:$0x3], $0x80, s22, s15, $0xb8;
	[tilespmem:$0x1EA00] =	vst v63  }
0x82: {  	_ =	swait.ge [sflag:s14], $0x4000  }
0x83: {  	s29 =	simm.s32 $0x100;
	p0 =	por $0x0, $0x0;
	[sflag:s14] =	ssyncset.done $0x0  }
0x84: {  	s29 =	simm.s32 @p0 $0x0;
	[sflag:s14] =	ssyncadd.s32 $0xFFFFC000  }
0x85: {  	v1 =	vld [tilespmem:s29+$0x14000];
	_ =	sdelay $0x4  }
0x86: {  	v1 =	vand.u32 $0xFFFF, v1  }
0x87: {  	[tilespmem:$0x16780] =	vst v1  }
0x88: {  	v1 =	vld [tilespmem:s29+$0x14010];
	_ =	sdelay $0x4  }
0x89: {  	v1 =	vand.u32 $0xFFFF, v1  }
0x8a: {  	[tilespmem:$0x16790] =	vst v1  }
0x8b: {  	v1 =	vld [tilespmem:s29+$0x14020];
	_ =	sdelay $0x4  }
0x8c: {  	v1 =	vand.u32 $0xFFFF, v1  }
0x8d: {  	[tilespmem:$0x167A0] =	vst v1  }
0x8e: {  	v1 =	vld [tilespmem:s29+$0x14030];
	_ =	sdelay $0x4  }
0x8f: {  	v1 =	vand.u32 $0xFFFF, v1  }
0x90: {  	[tilespmem:$0x167B0] =	vst v1  }
0x91: {  	v1 =	vld [tilespmem:s29+$0x14040];
	_ =	sdelay $0x4  }
0x92: {  	v1 =	vand.u32 $0xFFFF, v1  }
0x93: {  	[tilespmem:$0x167C0] =	vst v1  }
0x94: {  	v1 =	vld [tilespmem:s29+$0x14050];
	_ =	sdelay $0x4  }
0x95: {  	v1 =	vand.u32 $0xFFFF, v1  }
0x96: {  	[tilespmem:$0x167D0] =	vst v1  }
0x97: {  	v1 =	vld [tilespmem:s29+$0x14060];
	_ =	sdelay $0x4  }
0x98: {  	v1 =	vand.u32 $0xFFFF, v1  }
0x99: {  	[tilespmem:$0x167E0] =	vst v1  }
0x9a: {  	v1 =	vld [tilespmem:s29+$0x14070];
	_ =	sdelay $0x4  }
0x9b: {  	v1 =	vand.u32 $0xFFFF, v1  }
0x9c: {  	[tilespmem:$0x167F0] =	vst v1  }
0x9d: {  	[tilespmem:s13], [sflag:$0x1] =	stream.indirect.gather [hbm4b:s1+s15], $0x80, s18, s15, $0xb8;
	[tilespmem:$0x1EA00] =	vst v63  }
0x9e: {  	_ =	swait.ge [sflag:s23], $0x4000  }
0x9f: {  	[sflag:s23] =	ssyncset.done $0x0  }
0xa0: {  	[sflag:s23] =	ssyncadd.s32 $0xFFFFC000  }
0xa1: {  	v1 =	vld [tilespmem:s28+$0x0];
	_ =	sdelay $0x4  }
0xa2: {  	v1 =	vshrl.u32 v1, $0x10  }
0xa3: {  	[tilespmem:$0x16880] =	vst v1  }
0xa4: {  	v1 =	vld [tilespmem:s28+$0x10];
	_ =	sdelay $0x4  }
0xa5: {  	v1 =	vshrl.u32 v1, $0x10  }
0xa6: {  	[tilespmem:$0x16890] =	vst v1  }
0xa7: {  	v1 =	vld [tilespmem:s28+$0x20];
	_ =	sdelay $0x4  }
0xa8: {  	v1 =	vshrl.u32 v1, $0x10  }
0xa9: {  	[tilespmem:$0x168A0] =	vst v1  }
0xaa: {  	v1 =	vld [tilespmem:s28+$0x30];
	_ =	sdelay $0x4  }
0xab: {  	v1 =	vshrl.u32 v1, $0x10  }
0xac: {  	[tilespmem:$0x168B0] =	vst v1  }
0xad: {  	v1 =	vld [tilespmem:s28+$0x40];
	_ =	sdelay $0x4  }
0xae: {  	v1 =	vshrl.u32 v1, $0x10  }
0xaf: {  	[tilespmem:$0x168C0] =	vst v1  }
0xb0: {  	v1 =	vld [tilespmem:s28+$0x50];
	_ =	sdelay $0x4  }
0xb1: {  	v1 =	vshrl.u32 v1, $0x10  }
0xb2: {  	[tilespmem:$0x168D0] =	vst v1  }
0xb3: {  	v1 =	vld [tilespmem:s28+$0x60];
	_ =	sdelay $0x4  }
0xb4: {  	v1 =	vshrl.u32 v1, $0x10  }
0xb5: {  	[tilespmem:$0x168E0] =	vst v1  }
0xb6: {  	v1 =	vld [tilespmem:s28+$0x70];
	_ =	sdelay $0x4  }
0xb7: {  	v1 =	vshrl.u32 v1, $0x10  }
0xb8: {  	[tilespmem:$0x168F0] =	vst v1  }
0xb9: {  	[spmem:s3] =	stream.indirect.scatter.add.f32 [tilespmem:s20], [sflag:$0x3], $0x80, s22, s15, $0xb8;
	[tilespmem:$0x1EA00] =	vst v63  }
0xba: {  	_ =	swait.ge [sflag:s14], $0x4000  }
0xbb: {  	s29 =	simm.s32 $0x14180;
	s28 =	simm.s32 $0x200;
	[sflag:s14] =	ssyncset.done $0x0  }
.LBB2_4:
0xbc: {  	p0 =	sne.s32 s28, $0x2700  }
0xbd: {  	[sflag:s14] =	ssyncadd.s32 $0xFFFFC000;
	s30 =	smov.u32 s28;
	s28 =	sadd.s32 $0x100, s28  }
0xbe: {  	v1 =	vld [tilespmem:s29+$0x0];
	_ =	sdelay $0x4  }
0xbf: {  	v1 =	vand.u32 $0xFFFF, v1  }
0xc0: {  	[tilespmem:$0x16800] =	vst v1  }
0xc1: {  	v1 =	vld [tilespmem:s29+$0x10];
	_ =	sdelay $0x4  }
0xc2: {  	v1 =	vand.u32 $0xFFFF, v1  }
0xc3: {  	[tilespmem:$0x16810] =	vst v1  }
0xc4: {  	v1 =	vld [tilespmem:s29+$0x20];
	_ =	sdelay $0x4  }
0xc5: {  	v1 =	vand.u32 $0xFFFF, v1  }
0xc6: {  	[tilespmem:$0x16820] =	vst v1  }
0xc7: {  	v1 =	vld [tilespmem:s29+$0x30];
	_ =	sdelay $0x4  }
0xc8: {  	v1 =	vand.u32 $0xFFFF, v1  }
0xc9: {  	[tilespmem:$0x16830] =	vst v1  }
0xca: {  	v1 =	vld [tilespmem:s29+$0x40];
	_ =	sdelay $0x4  }
0xcb: {  	v1 =	vand.u32 $0xFFFF, v1  }
0xcc: {  	[tilespmem:$0x16840] =	vst v1  }
0xcd: {  	v1 =	vld [tilespmem:s29+$0x50];
	_ =	sdelay $0x4  }
0xce: {  	v1 =	vand.u32 $0xFFFF, v1  }
0xcf: {  	[tilespmem:$0x16850] =	vst v1  }
0xd0: {  	v1 =	vld [tilespmem:s29+$0x60];
	_ =	sdelay $0x4  }
0xd1: {  	v1 =	vand.u32 $0xFFFF, v1  }
0xd2: {  	[tilespmem:$0x16860] =	vst v1  }
0xd3: {  	v1 =	vld [tilespmem:s29+$0x70];
	_ =	sdelay $0x4  }
0xd4: {  	v1 =	vand.u32 $0xFFFF, v1  }
0xd5: {  	[tilespmem:$0x16870] =	vst v1  }
0xd6: {  	[tilespmem:s20], [sflag:$0x2] =	stream.indirect.gather [hbm4b:s1+s15], $0x80, s19, s15, $0xb8;
	[tilespmem:$0x1EA00] =	vst v63  }
0xd7: {  	_ =	swait.ge [sflag:s21], $0x4000  }
0xd8: {  	[sflag:s21] =	ssyncset.done $0x0  }
0xd9: {  	[sflag:s21] =	ssyncadd.s32 $0xFFFFC000  }
0xda: {  	v1 =	vld [tilespmem:s29+$0xFFFFFF80];
	_ =	sdelay $0x4  }
0xdb: {  	v1 =	vshrl.u32 v1, $0x10  }
0xdc: {  	[tilespmem:$0x16880] =	vst v1  }
0xdd: {  	v1 =	vld [tilespmem:s29+$0xFFFFFF90];
	_ =	sdelay $0x4  }
0xde: {  	v1 =	vshrl.u32 v1, $0x10  }
0xdf: {  	[tilespmem:$0x16890] =	vst v1  }
0xe0: {  	v1 =	vld [tilespmem:s29+$0xFFFFFFA0];
	_ =	sdelay $0x4  }
0xe1: {  	v1 =	vshrl.u32 v1, $0x10  }
0xe2: {  	[tilespmem:$0x168A0] =	vst v1  }
0xe3: {  	v1 =	vld [tilespmem:s29+$0xFFFFFFB0];
	_ =	sdelay $0x4  }
0xe4: {  	v1 =	vshrl.u32 v1, $0x10  }
0xe5: {  	[tilespmem:$0x168B0] =	vst v1  }
0xe6: {  	v1 =	vld [tilespmem:s29+$0xFFFFFFC0];
	_ =	sdelay $0x4  }
0xe7: {  	v1 =	vshrl.u32 v1, $0x10  }
0xe8: {  	[tilespmem:$0x168C0] =	vst v1  }
0xe9: {  	v1 =	vld [tilespmem:s29+$0xFFFFFFD0];
	_ =	sdelay $0x4  }
0xea: {  	v1 =	vshrl.u32 v1, $0x10  }
0xeb: {  	[tilespmem:$0x168D0] =	vst v1  }
0xec: {  	v1 =	vld [tilespmem:s29+$0xFFFFFFE0];
	_ =	sdelay $0x4  }
0xed: {  	v1 =	vshrl.u32 v1, $0x10  }
0xee: {  	[tilespmem:$0x168E0] =	vst v1  }
0xef: {  	v1 =	vld [tilespmem:s29+$0xFFFFFFF0];
	_ =	sdelay $0x4  }
0xf0: {  	v1 =	vshrl.u32 v1, $0x10  }
0xf1: {  	[tilespmem:$0x168F0] =	vst v1  }
0xf2: {  	[spmem:s3] =	stream.indirect.scatter.add.f32 [tilespmem:s13], [sflag:$0x3], $0x80, s22, s15, $0xb8;
	[tilespmem:$0x1EA00] =	vst v63  }
0xf3: {  	_ =	swait.ge [sflag:s14], $0x4000  }
0xf4: {  	p1 =	seq.s32 s30, $0x2700;
	[sflag:s14] =	ssyncset.done $0x0  }
0xf5: {  	s30 =	simm.s32 @p1 $0x0;
	[sflag:s14] =	ssyncadd.s32 $0xFFFFC000  }
0xf6: {  	v1 =	vld [tilespmem:s30+$0x14000];
	_ =	sdelay $0x4  }
0xf7: {  	v1 =	vand.u32 $0xFFFF, v1  }
0xf8: {  	[tilespmem:$0x16780] =	vst v1  }
0xf9: {  	v1 =	vld [tilespmem:s30+$0x14010];
	_ =	sdelay $0x4  }
0xfa: {  	v1 =	vand.u32 $0xFFFF, v1  }
0xfb: {  	[tilespmem:$0x16790] =	vst v1  }
0xfc: {  	v1 =	vld [tilespmem:s30+$0x14020];
	_ =	sdelay $0x4  }
0xfd: {  	v1 =	vand.u32 $0xFFFF, v1  }
0xfe: {  	[tilespmem:$0x167A0] =	vst v1  }
0xff: {  	v1 =	vld [tilespmem:s30+$0x14030];
	_ =	sdelay $0x4  }
0x100: {  	v1 =	vand.u32 $0xFFFF, v1  }
0x101: {  	[tilespmem:$0x167B0] =	vst v1  }
0x102: {  	v1 =	vld [tilespmem:s30+$0x14040];
	_ =	sdelay $0x4  }
0x103: {  	v1 =	vand.u32 $0xFFFF, v1  }
0x104: {  	[tilespmem:$0x167C0] =	vst v1  }
0x105: {  	v1 =	vld [tilespmem:s30+$0x14050];
	_ =	sdelay $0x4  }
0x106: {  	v1 =	vand.u32 $0xFFFF, v1  }
0x107: {  	[tilespmem:$0x167D0] =	vst v1  }
0x108: {  	v1 =	vld [tilespmem:s30+$0x14060];
	_ =	sdelay $0x4  }
0x109: {  	v1 =	vand.u32 $0xFFFF, v1  }
0x10a: {  	[tilespmem:$0x167E0] =	vst v1  }
0x10b: {  	v1 =	vld [tilespmem:s30+$0x14070];
	_ =	sdelay $0x4  }
0x10c: {  	v1 =	vand.u32 $0xFFFF, v1  }
0x10d: {  	[tilespmem:$0x167F0] =	vst v1  }
0x10e: {  	[tilespmem:s13], [sflag:$0x1] =	stream.indirect.gather [hbm4b:s1+s15], $0x80, s18, s15, $0xb8;
	[tilespmem:$0x1EA00] =	vst v63  }
0x10f: {  	_ =	swait.ge [sflag:s23], $0x4000  }
0x110: {  	[sflag:s23] =	ssyncset.done $0x0  }
0x111: {  	[sflag:s23] =	ssyncadd.s32 $0xFFFFC000  }
0x112: {  	v1 =	vld [tilespmem:s29+$0x0];
	_ =	sdelay $0x4  }
0x113: {  	v1 =	vshrl.u32 v1, $0x10  }
0x114: {  	[tilespmem:$0x16880] =	vst v1  }
0x115: {  	v1 =	vld [tilespmem:s29+$0x10];
	_ =	sdelay $0x4  }
0x116: {  	v1 =	vshrl.u32 v1, $0x10  }
0x117: {  	[tilespmem:$0x16890] =	vst v1  }
0x118: {  	v1 =	vld [tilespmem:s29+$0x20];
	_ =	sdelay $0x4  }
0x119: {  	v1 =	vshrl.u32 v1, $0x10  }
0x11a: {  	[tilespmem:$0x168A0] =	vst v1  }
0x11b: {  	v1 =	vld [tilespmem:s29+$0x30];
	_ =	sdelay $0x4  }
0x11c: {  	v1 =	vshrl.u32 v1, $0x10  }
0x11d: {  	[tilespmem:$0x168B0] =	vst v1  }
0x11e: {  	v1 =	vld [tilespmem:s29+$0x40];
	_ =	sdelay $0x4  }
0x11f: {  	v1 =	vshrl.u32 v1, $0x10  }
0x120: {  	[tilespmem:$0x168C0] =	vst v1  }
0x121: {  	v1 =	vld [tilespmem:s29+$0x50];
	_ =	sdelay $0x4  }
0x122: {  	v1 =	vshrl.u32 v1, $0x10  }
0x123: {  	[tilespmem:$0x168D0] =	vst v1  }
0x124: {  	v1 =	vld [tilespmem:s29+$0x60];
	_ =	sdelay $0x4  }
0x125: {  	v1 =	vshrl.u32 v1, $0x10  }
0x126: {  	[tilespmem:$0x168E0] =	vst v1  }
0x127: {  	v1 =	vld [tilespmem:s29+$0x70];
	_ =	sdelay $0x4  }
.Ltmp1:
0x128: {  	v1 =	vshrl.u32 v1, $0x10;
	(pc) =	sbr.rel @p0 .LBB2_4-.Ltmp1, $4  }
0x129: {  	[tilespmem:$0x168F0] =	vst v1  }
0x12a: {  	[spmem:s3] =	stream.indirect.scatter.add.f32 [tilespmem:s20], [sflag:$0x3], $0x80, s22, s15, $0xb8;
	[tilespmem:$0x1EA00] =	vst v63  }
0x12b: {  	_ =	swait.ge [sflag:s14], $0x4000  }
0x12c: {  	s29 =	sadd.s32 $0x100, s29;
	[sflag:s14] =	ssyncset.done $0x0  }
0x12d: {  	[sflag:s14] =	ssyncadd.s32 $0xFFFFC000  }
0x12e: {  	_ =	swait.ge [sflag:s21], $0x4000  }
0x12f: {  	[sflag:s21] =	ssyncset.done $0x0  }
0x130: {  	[sflag:s21] =	ssyncadd.s32 $0xFFFFC000  }
0x131: {  	v1 =	vld [tilespmem:$0x16700];
	_ =	sdelay $0x4  }
0x132: {  	v2 =	vand.u32 $0xFFFF, v1  }
0x133: {  	v1 =	vshrl.u32 v1, $0x10;
	[tilespmem:$0x16900] =	vst v2  }
0x134: {  	[tilespmem:$0x16980] =	vst v1  }
0x135: {  	[tilespmem:s13], [sflag:$0x1] =	stream.indirect.gather [hbm4b:s1+s24], $0x80, s25, s24, $0xb8;
	[tilespmem:$0x1EA00] =	vst v63  }
0x136: {  	_ =	swait.ge [sflag:s21], $0x800  }
0x137: {  	[sflag:s21] =	ssyncset.done $0x0  }
0x138: {  	[sflag:s21] =	ssyncadd.s32 $0xFFFFF800  }
0x139: {  	[spmem:s3] =	stream.indirect.scatter.add.f32 [tilespmem:s13], [sflag:$0x3], $0x80, s26, s24, $0xb8;
	[tilespmem:$0x1EA00] =	vst v63  }
0x13a: {  	_ =	swait.ge [sflag:s14], $0x800  }
0x13b: {  	s28 =	sshll.u32 s2, $0x6;
	s4 =	sadd.s32 $0x1, s4;
	[sflag:s14] =	ssyncset.done $0x0  }
0x13c: {  	s29 =	sshrl.u32 s5, $0x3;
	p0 =	sne.s32 s4, s11;
	[sflag:s14] =	ssyncadd.s32 $0xFFFFF800  }
.Ltmp2:
0x13d: {  	s28 =	sor.u32 $0x1C03, s28;
	[bflag:$0x0] =	sbarrier.arrive $0xFFFF;
	(pc) =	sbr.rel @p0 .LBB2_1-.Ltmp2, $4  }
0x13e: {  	[hbm:s12], [sflag:s28] =	dma.local [spmem:s29], $0x2800  }
0x13f: {  	_ =	swait.ge [sflag:s14], $0x2800  }
0x140: {  	[sflag:s14] =	ssyncset.done $0x0  }
0x141: {  	[sflag:s14] =	ssyncadd.s32 $0xFFFFD800  }
0x142: {  	_ =	sfence.sel $0x180000  }
0x143: {  	[bflag:$0x0] =	sbarrier.arrive $0xFFFF  }
0x144: {  	p0 =	sne.s32 s2, $0x0;
	_ =	strace $0x9000004A  }
0x145: {  	s0 =	sadd.s32 @!p0 $0x100000, s0;
	[bflag:$0x2] =	sbarrier.arrive $0xFFFF  }
0x146: {  	[sflag:s0] =	ssyncadd.tile.s32 @!p0 $0x1;
	_ =	shalt  }
.Lfunc_end2:
_tile_overlayer_lowered:
.L_overlay_start_2:
0x147: {  	(tag) =	ssettag $0x2  }
0x148: {  	s0 =	rddreg [dreg:$0x0];
	s2 =	stileid.u32  }
0x149: {  	s1 =	rddreg [dreg:$0x1];
	p0 =	sne.s32 s2, $0x0  }
0x14a: {  	s3 =	rddreg [dreg:$0x2];
	[bflag:$0x3] =	sbarrier.arrive $0xFFFF;
	s2 =	simm.s32 @!p0 $0x1C03  }
0x14b: {  	[timem:s3], [sflag:s2] =	dma.local @!p0 [hbm:s0], s1  }
0x14c: {  	s0 =	simm.s32 @!p0 $0x3  }
0x14d: {  	_ =	swait.ge @!p0 [sflag:s0], s1  }
0x14e: {  	s1 =	ssub.s32 @!p0 $0x0, s1;
	[sflag:s0] =	ssyncset.done @!p0 $0x0  }
0x14f: {  	[sflag:s0] =	ssyncadd.s32 @!p0 s1  }
0x150: {  	[bflag:$0x3] =	sbarrier.arrive $0xFFFF  }
0x151: {  	_ =	shalt  }

// kernel: kernel.16.cloned.1.call-start
scs
__scs_entry_jumppad:
0x0: {  	(pc) =	sbr.rel $0x88, $3  }
0x1: {  	(tag) =	ssettag $0x0;
	lr =	simm.s32 $0x1  }
0x2: {  	[smem:$0x3F99] =	sst lr;
	_ =	strace $0xD0000000  }
0x3: {  	_ = 	snop  }
0x4: {  	_ = 	snop  }
0x5: {  	_ = 	snop  }
0x6: {  	_ = 	snop  }
0x7: {  	_ = 	snop  }
__scs_overlays_trampoline_lowered:
0x8: {  	[smem:$0x3FA8] =	sst s0  }
0x9: {  	[smem:$0x3FA9] =	sst s1  }
0xa: {  	[smem:$0x3FAA] =	sst s2  }
0xb: {  	[smem:$0x3FAB] =	sst s3  }
0xc: {  	[smem:$0x3FAC] =	sst s4  }
0xd: {  	[smem:$0x3FAD] =	sst s5  }
0xe: {  	[smem:$0x3FAE] =	sst s6  }
0xf: {  	[smem:$0x3FAF] =	sst s7  }
0x10: {  	[smem:$0x3FB0] =	sst s8  }
0x11: {  	[smem:$0x3FB1] =	sst s9;
	s0 =	simm.s32 @!p0 $0x0  }
0x12: {  	s1 =	sld [smem:$0x3F97];
	s0 =	simm.s32 @p0 $0x1  }
0x13: {  	[smem:$0x3FB2] =	sst s0;
	s0 =	simm.s32 @!p1 $0x0  }
0x14: {  	s2 =	sld [smem:$0x3F96];
	s0 =	simm.s32 @p1 $0x1  }
0x15: {  	[smem:$0x3FB3] =	sst s0;
	s0 =	simm.s32 @!p2 $0x0  }
0x16: {  	s3 =	sld [smem:$0x3FDB];
	s0 =	simm.s32 @p2 $0x1  }
0x17: {  	s4 =	simm.s32 $0x1BF5;
	[smem:$0x3FB5] =	sst s0  }
0x18: {  	s0 =	sld [smem:$0x3F98];
	_ =	swait.ge [sflag:s4], $0x0  }
0x19: {  	s7 =	sld [smem:$0x3F99]  }
0x1a: {  	s8 =	sadd.s32 $0xFFFFE003, lr  }
0x1b: {  	s9 =	sadd.s32 $0xFFFFFEF7, lr;
	s5 =	simm.s32 $0xFFFFFFFF;
	p2 =	slt.u32 s8, $0xFFFFF086  }
0x1c: {  	p1 =	slt.u32 s9, $0xF7A;
	s5 =	simm.s32 @!p2 $0x0  }
0x1d: {  	s5 =	simm.s32 @p1 $0x1;
	p0 =	seq.s32 s7, s2  }
0x1e: {  	s7 =	smul.u32 @!p0 $0xF7A, s2;
	p2 =	seq.s32 @!p0 s5, $0x0  }
0x1f: {  	s9 =	smul.u32 $0xF7A, s1;
	s8 =	simm.s32 @!p0 $0x1BF5;
	p2 =	por !p2, p0  }
0x20: {  	[sflag:s8] =	ssyncset.s32 @!p0 $0xFFFFF086;
	s6 =	sadd.s32 @!p0 s3, s7;
	s7 =	simm.s32 @!p0 $0x108  }
0x21: {  	s3 =	sadd.s32 s3, s9;
	s6 =	sadd.s32 @!p0 $0x88, s6;
	s7 =	simm.s32 @p2 $0x1082  }
0x22: {  	[simem:s7], [sflag:s8] =	dma.local @!p0 [hbm:s6], $0xF7A  }
0x23: {  	s9 =	sor.u32 $0xD0000000, s2;
	s6 =	simm.s32 $0x108;
	_ =	swait.ge @!p0 [sflag:s8], $0x0  }
0x24: {  	s3 =	sadd.s32 $0x88, s3;
	s6 =	simm.s32 @!p1 $0x1082;
	[sflag:s4] =	ssyncset.s32 $0xFFFFF086  }
0x25: {  	[simem:s6], [sflag:s4] =	dma.local [hbm:s3], $0xF7A  }
0x26: {  	[smem:$0x3F99] =	sst s1;
	(tag) =	ssettag s2;
	_ =	strace s9  }
0x27: {  	s1 =	sld [smem:$0x3FA9]  }
0x28: {  	s2 =	sld [smem:$0x3FAA]  }
0x29: {  	s4 =	sld [smem:$0x3FAC]  }
0x2a: {  	p0 =	seq.s32 s5, $0x0;
	s5 =	sld [smem:$0x3FAD]  }
0x2b: {  	s6 =	sld [smem:$0x3FAE]  }
0x2c: {  	s7 =	sld [smem:$0x3FAF]  }
0x2d: {  	s3 =	simm.s32 $0x108;
	s8 =	sld [smem:$0x3FB0]  }
0x2e: {  	s3 =	simm.s32 @!p0 $0x1082;
	s9 =	sld [smem:$0x3FB1]  }
0x2f: {  	lr =	sadd.s32 s0, s3;
	s0 =	sld [smem:$0x3FA8]  }
0x30: {  	s3 =	sld [smem:$0x3FAB]  }
0x31: {  	[smem:$0x3FB4] =	sst s10  }
0x32: {  	s10 =	sld [smem:$0x3FB2];
	_ =	sdelay $0x3  }
0x33: {  	p0 =	seq.s32 s10, $0x1;
	s10 =	sld [smem:$0x3FB4];
	_ =	sdelay $0x3  }
0x34: {  	[smem:$0x3FB4] =	sst s10  }
0x35: {  	s10 =	sld [smem:$0x3FB3];
	_ =	sdelay $0x3  }
0x36: {  	p1 =	seq.s32 s10, $0x1;
	s10 =	sld [smem:$0x3FB4];
	_ =	sdelay $0x3  }
0x37: {  	[smem:$0x3FB4] =	sst s10  }
0x38: {  	s10 =	sld [smem:$0x3FB5]  }
0x39: {  	_ = 	snop;
	(pc) =	sbr.ind lr, $3  }
0x3a: {  	_ = 	snop  }
0x3b: {  	_ = 	snop  }
0x3c: {  	p2 =	seq.s32 s10, $0x1;
	s10 =	sld [smem:$0x3FB4]  }
0x3d: {  	_ =	shalt  }
0x3e: {  	_ =	shalt  }
0x3f: {  	_ =	shalt  }
0x40: {  	_ =	shalt  }
0x41: {  	_ =	shalt  }
0x42: {  	_ =	shalt  }
0x43: {  	_ =	shalt  }
0x44: {  	_ =	shalt  }
0x45: {  	_ =	shalt  }
0x46: {  	_ =	shalt  }
0x47: {  	_ =	shalt  }
0x48: {  	_ =	shalt  }
0x49: {  	_ =	shalt  }
0x4a: {  	_ =	shalt  }
0x4b: {  	_ =	shalt  }
0x4c: {  	_ =	shalt  }
0x4d: {  	_ =	shalt  }
0x4e: {  	_ =	shalt  }
0x4f: {  	_ =	shalt  }
0x50: {  	_ =	shalt  }
0x51: {  	_ =	shalt  }
0x52: {  	_ =	shalt  }
0x53: {  	_ =	shalt  }
0x54: {  	_ =	shalt  }
0x55: {  	_ =	shalt  }
0x56: {  	_ =	shalt  }
0x57: {  	_ =	shalt  }
0x58: {  	_ =	shalt  }
0x59: {  	_ =	shalt  }
0x5a: {  	_ =	shalt  }
0x5b: {  	_ =	shalt  }
0x5c: {  	_ =	shalt  }
0x5d: {  	_ =	shalt  }
0x5e: {  	_ =	shalt  }
0x5f: {  	_ =	shalt  }
0x60: {  	_ =	shalt  }
0x61: {  	_ =	shalt  }
0x62: {  	_ =	shalt  }
0x63: {  	_ =	shalt  }
0x64: {  	_ =	shalt  }
0x65: {  	_ =	shalt  }
0x66: {  	_ =	shalt  }
0x67: {  	_ =	shalt  }
0x68: {  	_ =	shalt  }
0x69: {  	_ =	shalt  }
0x6a: {  	_ =	shalt  }
0x6b: {  	_ =	shalt  }
0x6c: {  	_ =	shalt  }
0x6d: {  	_ =	shalt  }
0x6e: {  	_ =	shalt  }
0x6f: {  	_ =	shalt  }
0x70: {  	_ =	shalt  }
0x71: {  	_ =	shalt  }
0x72: {  	_ =	shalt  }
0x73: {  	_ =	shalt  }
0x74: {  	_ =	shalt  }
0x75: {  	_ =	shalt  }
0x76: {  	_ =	shalt  }
0x77: {  	_ =	shalt  }
0x78: {  	_ =	shalt  }
0x79: {  	_ =	shalt  }
0x7a: {  	_ =	shalt  }
0x7b: {  	_ =	shalt  }
0x7c: {  	_ =	shalt  }
0x7d: {  	_ =	shalt  }
0x7e: {  	_ =	shalt  }
0x7f: {  	_ =	shalt  }
0x80: {  	_ =	shalt  }
0x81: {  	_ =	shalt  }
0x82: {  	_ =	shalt  }
0x83: {  	_ =	shalt  }
0x84: {  	_ =	shalt  }
0x85: {  	_ =	shalt  }
0x86: {  	_ =	shalt  }
0x87: {  	_ =	shalt  }
.Lfunc_end0:
.L_simem_size_0:
called_computation.2_lowered:
.L_overlay_start_0:
0x88: {  	s2 =	sld [smem:$0x3FD9]  }
0x89: {  	s3 =	sld [smem:$0x3FFE];
	_ =	sdelay $0x1  }
0x8a: {  	s1 =	srdreg.scid  }
0x8b: {  	s0 =	sand.u32 $0x1, s1  }
0x8c: {  	s17 =	sshll.u32 s0, $0xA;
	s2 =	sadd.s32 s3, s2  }
0x8d: {  	s2 =	sadd.s32 s2, s17  }
0x8e: {  	[smem:$0x3FC0] =	sst s2  }
0x8f: {  	_ = 	snop  }
0x90: {  	s2 =	sld [smem:$0x3FD0];
	(tm) =	ssettm $0x1  }
0x91: {  	s18 =	sld [smem:$0x3FFB];
	_ =	sdelay $0x3  }
0x92: {  	_ =	strace s18  }
0x93: {  	s3 =	sld [smem:$0x3FFC];
	_ =	sdelay $0x3  }
0x94: {  	_ =	strace s3  }
0x95: {  	s3 =	sld [smem:$0x3FFD];
	_ =	sdelay $0x3  }
0x96: {  	_ =	strace s3  }
0x97: {  	_ =	strace $0x8FFFFFFF  }
0x98: {  	s19 =	sld [smem:$0x3FDB];
	_ =	sdelay $0x1  }
0x99: {  	s4 =	simm.s32 $_scs_section_size  }
0x9a: {  	s5 =	simm.s32 $_size__tile_overlayer_lowered;
	s6 =	simm.s32 $_tile_overlayer_lowered  }
0x9b: {  	s22 =	simm.s32 $0x1BFF;
	s21 =	sshll.u32 s6, $0x1;
	s3 =	sadd.s32 s4, s19  }
0x9c: {  	s7 =	simm.s32 $0x0;
	s20 =	sshll.u32 s5, $0x1;
	s5 =	sadd.s32 s21, s3  }
0x9d: {  	[timem:s7], [sflag:s22] =	dma.local [hbm:s5], s20  }
0x9e: {  	_ =	swait.ge [sflag:s22], s20  }
0x9f: {  	s4 =	ssub.s32 $0x0, s20;
	[sflag:s22] =	ssyncset.done $0x0  }
0xa0: {  	[sflag:s22] =	ssyncadd.s32 s4;
	_ =	sdelay $0x1  }
0xa1: {  	s23 =	simm.s32 $0x1B8B  }
0xa2: {  	_ =	swait.ge [sflag:s23], $0x1  }
0xa3: {  	[sflag:s23] =	ssyncset.done $0x0  }
0xa4: {  	s25 =	simm.s32 $0x1B8E;
	s24 =	sld [smem:$0x3FFE];
	[sflag:s23] =	ssyncadd.s32 $0xFFFFFFFF  }
0xa5: {  	s26 =	simm.s32 $execute0_lowered;
	[smem:$0x3FD2] =	sst s25  }
0xa6: {  	s5 =	sshll.u32 s26, $0x1;
	_ =	strace $0x8000004C;
	[dreg:$0x1] =	wrdreg $0xFFFFFFFF  }
0xa7: {  	s28 =	simm.s32 $_size_execute0_lowered;
	s3 =	sadd.s32 s3, s5;
	[dreg:$0x0] =	wrdreg $0x0  }
0xa8: {  	s5 =	sshll.u32 s28, $0x1;
	[dreg:$0x2] =	wrdreg s3  }
0xa9: {  	[dreg:$0x3] =	wrdreg s5  }
0xaa: {  	[dreg:$0x4] =	wrdreg $0xC0  }
0xab: {  	_ =	task [dreg:s7], $0x5FFFF  }
0xac: {  	[dreg:$0x1] =	wrdreg $0xFFFFFFFF  }
0xad: {  	[dreg:$0x0] =	wrdreg $0x60  }
0xae: {  	[dreg:$0x2] =	wrdreg s2  }
0xaf: {  	[dreg:$0x3] =	wrdreg s24  }
0xb0: {  	[dreg:$0x4] =	wrdreg $0x0  }
0xb1: {  	[dreg:$0x5] =	wrdreg $0x9  }
0xb2: {  	_ =	task.clear_ibuf [dreg:s7], $0x6FFFF;
	_ =	strace $0x9000004C  }
0xb3: {  	s29 =	simm.s32 $0x9;
	_ =	strace $0x8000004E  }
0xb4: {  	_ =	swait.ge [sflag:s29], $0x1  }
0xb5: {  	[sflag:s29] =	ssyncadd.s32 $0xFFFFFFFF  }
0xb6: {  	_ =	strace $0x9000004E  }
0xb7: {  	_ =	sfence  }
0xb8: {  	s30 =	sld [smem:$0x0];
	_ =	sdelay $0x2  }
0xb9: {  	s31 =	sshll.u32 s1, $0xD;
	s1 =	sshrl.u32 s1, $0x2  }
0xba: {  	s3 =	sand.u32 $0x4000, s31;
	s1 =	sadd.s32 s1, s30  }
0xbb: {  	s0 =	sor.u32 s3, s0;
	s1 =	sshll.u32 s1, $0x11  }
0xbc: {  	s0 =	sor.u32 s1, s0  }
0xbd: {  	s0 =	sadd.s32 $0x8F2B, s0  }
0xbe: {  	[sflag:s0] =	ssyncadd.remote.s32 $0x1  }
0xbf: {  	_ =	sfence.sel $0xFFFF  }
0xc0: {  	[dreg:$0x0] =	wrdreg $0xFFFFFFFF;
	(pc) =	sbr.abs _section_cstart, $3  }
0xc1: {  	[dreg:$0x1] =	wrdreg $0xFFFFFFFF  }
0xc2: {  	_ =	task.clear_ibuf [dreg:s7], $0x2FFFF;
	_ =	strace $0x9FFFFFFF  }
0xc3: {  	(tm) =	ssettm $0x7FFFFFFF  }
tec
execute0_lowered:
.L_overlay_start_1:
0x0: {  	(tag) =	ssettag $0x1  }
0x1: {  	s1 =	rddreg [dreg:$0x0]  }
0x2: {  	s0 =	srdreg.scid;
	s2 =	rddreg [dreg:$0x1]  }
0x3: {  	s8 =	stileid.u32;
	s3 =	rddreg [dreg:$0x2]  }
0x4: {  	s14 =	simm.s32 $0x7;
	s16 =	simm.s32 $0x80;
	s17 =	simm.s32 $0xC710  }
0x5: {  	s18 =	simm.s32 $0xC790;
	s19 =	simm.s32 $0xEA30;
	s20 =	simm.s32 $0xC810  }
0x6: {  	s21 =	simm.s32 $0x10A30;
	s22 =	simm.s32 $0x1;
	s23 =	simm.s32 $0xC890  }
0x7: {  	s24 =	simm.s32 $0x2;
	s25 =	simm.s32 $0xC910;
	s28 =	simm.s32 $0xC990  }
0x8: {  	s29 =	simm.s32 $0x4;
	s30 =	simm.s32 $0x5;
	s31 =	simm.s32 $0x6  }
0x9: {  	s0 =	sand.u32 $0x1, s0;
	s4 =	sshll.u32 s8, $0x1;
	s6 =	smul.u32 $0x28000, s8  }
0xa: {  	s10 =	smul.u32 $0xA000, s8;
	s5 =	sor.u32 s0, s4;
	s4 =	simm.s32 $0x0  }
0xb: {  	s7 =	ssub.s32 $0x2, s0;
	p0 =	seq.s32 s0, $0x1;
	s0 =	simm.s32 $0x5FE00  }
0xc: {  	s5 =	smul.u32 $0x4E2, s5;
	[smem:$0x7FF] =	sst s4;
	s26 =	sshrl.u32 s7, $0x1  }
0xd: {  	s6 =	sshrl.u32 s6, $0x2;
	s0 =	simm.s32 @!p0 $0x73E00;
	s13 =	sshrl.u32 s10, $0x3  }
0xe: {  	_ =	strace $0x8000004D;
	s12 =	ssub.s32 s7, s26;
	s9 =	sadd.s32 s6, s3  }
.Ltmp0:
0xf: {  	s0 =	sadd.s32 s0, s2;
	s26 =	simm.s32 $0x3;
	(pc) =	sbr.rel .LBB2_1-.Ltmp0, $4  }
0x10: {  	s11 =	sadd.s32 s5, s2;
	s5 =	sadd.s32 s10, s3;
	s6 =	sadd.s32 $0x2000, s9  }
0x11: {  	s7 =	sadd.s32 $0x4000, s9;
	s8 =	sadd.s32 $0x6000, s9;
	s9 =	sadd.s32 $0x8000, s9  }
0x12: {  	s2 =	simm.s32 $0x10;
	[dreg:$0x4] =	wrdreg s6;
	s10 =	sadd.s32 $0xAFE00, s11  }
0x13: {  	v0 =	vimm.f32 $0.0e+00;
	s11 =	smax.u32 s12, $0x1;
	s12 =	sadd.s32 s0, s13;
	s13 =	simm.s32 $0xCA30  }
.LBB2_6:
0x14: {  	_ =	swait.ge [sflag:s30], $0x2000  }
0x15: {  	[sflag:s30] =	ssyncset.done $0x0  }
0x16: {  	[sflag:s30] =	ssyncadd.s32 $0xFFFFE000  }
0x17: {  	_ =	swait.ge [sflag:s31], $0x2000  }
0x18: {  	[sflag:s31] =	ssyncset.done $0x0  }
0x19: {  	[sflag:s31] =	ssyncadd.s32 $0xFFFFE000  }
0x1a: {  	v1 =	vld [tilespmem:$0xC700];
	_ =	sdelay $0x4  }
0x1b: {  	v2 =	vand.u32 $0xFFFF, v1  }
0x1c: {  	v1 =	vshrl.u32 v1, $0x10;
	[tilespmem:$0xCA10] =	vst v2  }
0x1d: {  	s0 =	simm.s32 $0xCA10;
	[tilespmem:$0xCA20] =	vst v1  }
0x1e: {  	[tilespmem:s13], [sflag:$0x1] =	stream.indirect.gather [hbm4b:s1+s2], $0x40, s0, s2, $0xb8;
	[tilespmem:$0x12A30] =	vst v63  }
0x1f: {  	_ =	swait.ge [sflag:s22], $0x400  }
0x20: {  	[sflag:s22] =	ssyncset.done $0x0  }
0x21: {  	s6 =	simm.s32 $0xCA20;
	[sflag:s22] =	ssyncadd.s32 $0xFFFFFC00  }
0x22: {  	[spmem:s3] =	stream.indirect.scatter.add.f32 [tilespmem:s13], [sflag:$0x7], $0x40, s6, s2, $0xb8;
	[tilespmem:$0x12A30] =	vst v63  }
0x23: {  	s15 =	stileid.u32;
	_ =	swait.ge [sflag:s14], $0x400  }
0x24: {  	s4 =	sadd.s32 $0x1, s4;
	s0 =	sshll.u32 s15, $0x6;
	[sflag:s14] =	ssyncset.done $0x0  }
0x25: {  	p0 =	sne.s32 s4, s11;
	s0 =	sor.u32 $0x1C07, s0;
	[sflag:s14] =	ssyncadd.s32 $0xFFFFFC00  }
.Ltmp1:
0x26: {  	s6 =	sshrl.u32 s5, $0x3;
	[bflag:$0x0] =	sbarrier.arrive $0xFFFF;
	(pc) =	sbr.rel @!p0 .LBB2_7-.Ltmp1, $4  }
0x27: {  	[hbm:s12], [sflag:s0] =	dma.local [spmem:s6], $0x1400  }
0x28: {  	_ =	swait.ge [sflag:s14], $0x1400  }
0x29: {  	[sflag:s14] =	ssyncset.done $0x0  }
0x2a: {  	[sflag:s14] =	ssyncadd.s32 $0xFFFFEC00  }
.LBB2_1:
0x2b: {  	s15 =	simm.s32 $0x100;
	s0 =	simm.s32 $0x0  }
.LBB2_2:
0x2c: {  	p0 =	sne.s32 s15, $0x7F00;
	[tilespmem:s0+$0xCA60] =	vst v0;
	s6 =	smov.u32 s15;
	s15 =	sadd.s32 $0x100, s15  }
.Ltmp2:
0x2d: {  	[tilespmem:s0+$0xCA50] =	vst v0;
	(pc) =	sbr.rel @p0 .LBB2_2-.Ltmp2, $3  }
0x2e: {  	[tilespmem:s0+$0xCA30] =	vst v0  }
0x2f: {  	[tilespmem:s0+$0xCA40] =	vst v0;
	_ =	sdelay $0x1  }
0x30: {  	s0 =	sshra.s32 s6, $0x2  }
0x31: {  	[tilespmem:s0+$0xCA60] =	vst v0  }
0x32: {  	[tilespmem:s0+$0xCA50] =	vst v0  }
0x33: {  	[tilespmem:s0+$0xCA30] =	vst v0  }
0x34: {  	[tilespmem:s0+$0xCA40] =	vst v0  }
0x35: {  	[spmem:s5] =	stream.linear.scatter [tilespmem:s13], [sflag:$0x7], $0x2000, $0x38;
	[tilespmem:$0x12A30] =	vst v63  }
0x36: {  	_ =	swait.ge [sflag:s14], $0x2000  }
0x37: {  	[sflag:s14] =	ssyncset.done $0x0  }
0x38: {  	s15 =	rddreg [dreg:$0x4];
	[sflag:s14] =	ssyncadd.s32 $0xFFFFE000  }
0x39: {  	[spmem:s15] =	stream.linear.scatter [tilespmem:s13], [sflag:$0x7], $0x2000, $0x38;
	[tilespmem:$0x12A30] =	vst v63  }
0x3a: {  	_ =	swait.ge [sflag:s14], $0x2000  }
0x3b: {  	[sflag:s14] =	ssyncset.done $0x0  }
0x3c: {  	[sflag:s14] =	ssyncadd.s32 $0xFFFFE000  }
0x3d: {  	[spmem:s7] =	stream.linear.scatter [tilespmem:s13], [sflag:$0x7], $0x2000, $0x38;
	[tilespmem:$0x12A30] =	vst v63  }
0x3e: {  	_ =	swait.ge [sflag:s14], $0x2000  }
0x3f: {  	[sflag:s14] =	ssyncset.done $0x0  }
0x40: {  	[sflag:s14] =	ssyncadd.s32 $0xFFFFE000  }
0x41: {  	[spmem:s8] =	stream.linear.scatter [tilespmem:s13], [sflag:$0x7], $0x2000, $0x38;
	[tilespmem:$0x12A30] =	vst v63  }
0x42: {  	_ =	swait.ge [sflag:s14], $0x2000  }
0x43: {  	[sflag:s14] =	ssyncset.done $0x0  }
0x44: {  	[sflag:s14] =	ssyncadd.s32 $0xFFFFE000  }
0x45: {  	[spmem:s9] =	stream.linear.scatter [tilespmem:s13], [sflag:$0x7], $0x2000, $0x38;
	[tilespmem:$0x12A30] =	vst v63  }
0x46: {  	_ =	swait.ge [sflag:s14], $0x2000  }
0x47: {  	[sflag:s14] =	ssyncset.done $0x0  }
0x48: {  	s6 =	simm.s32 $0xA000;
	s15 =	simm.s32 $0x0;
	[sflag:s14] =	ssyncadd.s32 $0xFFFFE000  }
0x49: {  	[tilespmem:s6], [sflag:$0x7] =	stream.linear.gather [hbm4b:s10+s15], $0x2710, $0x38;
	[tilespmem:$0x12A30] =	vst v63  }
0x4a: {  	_ =	swait.ge [sflag:s14], $0x2710  }
0x4b: {  	[sflag:s14] =	ssyncset.done $0x0  }
0x4c: {  	[sflag:s14] =	ssyncadd.s32 $0xFFFFD8F0  }
0x4d: {  	[bflag:$0x0] =	sbarrier.arrive $0xFFFF  }
0x4e: {  	v1 =	vld [tilespmem:$0xA000]  }
0x4f: {  	v2 =	vld [tilespmem:$0xA010]  }
0x50: {  	v3 =	vld [tilespmem:$0xA020]  }
0x51: {  	v4 =	vld [tilespmem:$0xA030]  }
0x52: {  	v5 =	vld [tilespmem:$0xA040]  }
0x53: {  	v6 =	vld [tilespmem:$0xA050];
	v1 =	vand.u32 $0xFFFF, v1  }
0x54: {  	[tilespmem:$0xC710] =	vst v1;
	v1 =	vand.u32 $0xFFFF, v2;
	v2 =	vld [tilespmem:$0xA060]  }
0x55: {  	[tilespmem:$0xC720] =	vst v1;
	v1 =	vand.u32 $0xFFFF, v3;
	v3 =	vld [tilespmem:$0xA070]  }
0x56: {  	[tilespmem:$0xC730] =	vst v1;
	v1 =	vand.u32 $0xFFFF, v4  }
0x57: {  	[tilespmem:$0xC740] =	vst v1;
	v1 =	vand.u32 $0xFFFF, v5  }
0x58: {  	[tilespmem:$0xC750] =	vst v1;
	v1 =	vand.u32 $0xFFFF, v6  }
0x59: {  	[tilespmem:$0xC760] =	vst v1;
	v1 =	vand.u32 $0xFFFF, v2  }
0x5a: {  	[tilespmem:$0xC770] =	vst v1;
	v1 =	vand.u32 $0xFFFF, v3  }
0x5b: {  	[tilespmem:$0xC780] =	vst v1  }
0x5c: {  	[tilespmem:s13], [sflag:$0x1] =	stream.indirect.gather [hbm4b:s1+s16], $0x40, s17, s16, $0xb8;
	[tilespmem:$0x12A30] =	vst v63  }
0x5d: {  	v1 =	vld [tilespmem:$0xA080]  }
0x5e: {  	v2 =	vld [tilespmem:$0xA090]  }
0x5f: {  	v3 =	vld [tilespmem:$0xA0A0]  }
0x60: {  	v58 =	vld [tilespmem:$0xA0B0]  }
0x61: {  	v59 =	vld [tilespmem:$0xA0C0]  }
0x62: {  	v60 =	vld [tilespmem:$0xA0D0];
	v1 =	vand.u32 $0xFFFF, v1  }
0x63: {  	[tilespmem:$0xC790] =	vst v1;
	v1 =	vand.u32 $0xFFFF, v2;
	v2 =	vld [tilespmem:$0xA0E0]  }
0x64: {  	[tilespmem:$0xC7A0] =	vst v1;
	v1 =	vand.u32 $0xFFFF, v3;
	v3 =	vld [tilespmem:$0xA0F0]  }
0x65: {  	[tilespmem:$0xC7B0] =	vst v1;
	v1 =	vand.u32 $0xFFFF, v58  }
0x66: {  	[tilespmem:$0xC7C0] =	vst v1;
	v1 =	vand.u32 $0xFFFF, v59  }
0x67: {  	[tilespmem:$0xC7D0] =	vst v1;
	v1 =	vand.u32 $0xFFFF, v60  }
0x68: {  	[tilespmem:$0xC7E0] =	vst v1;
	v1 =	vand.u32 $0xFFFF, v2  }
0x69: {  	[tilespmem:$0xC7F0] =	vst v1;
	v1 =	vand.u32 $0xFFFF, v3  }
0x6a: {  	[tilespmem:$0xC800] =	vst v1  }
0x6b: {  	[tilespmem:s19], [sflag:$0x2] =	stream.indirect.gather [hbm4b:s1+s16], $0x40, s18, s16, $0xb8;
	[tilespmem:$0x12A30] =	vst v63  }
0x6c: {  	v1 =	vld [tilespmem:$0xA100]  }
0x6d: {  	v2 =	vld [tilespmem:$0xA110]  }
0x6e: {  	v3 =	vld [tilespmem:$0xA120]  }
0x6f: {  	v61 =	vld [tilespmem:$0xA130]  }
0x70: {  	v62 =	vld [tilespmem:$0xA140]  }
0x71: {  	v63 =	vld [tilespmem:$0xA150];
	v1 =	vand.u32 $0xFFFF, v1  }
0x72: {  	[tilespmem:$0xC810] =	vst v1;
	v1 =	vand.u32 $0xFFFF, v2;
	v2 =	vld [tilespmem:$0xA160]  }
0x73: {  	[tilespmem:$0xC820] =	vst v1;
	v1 =	vand.u32 $0xFFFF, v3;
	v3 =	vld [tilespmem:$0xA170]  }
0x74: {  	[tilespmem:$0xC830] =	vst v1;
	v1 =	vand.u32 $0xFFFF, v61  }
0x75: {  	[tilespmem:$0xC840] =	vst v1;
	v1 =	vand.u32 $0xFFFF, v62  }
0x76: {  	[tilespmem:$0xC850] =	vst v1;
	v1 =	vand.u32 $0xFFFF, v63  }
0x77: {  	[tilespmem:$0xC860] =	vst v1;
	v1 =	vand.u32 $0xFFFF, v2  }
0x78: {  	[tilespmem:$0xC870] =	vst v1;
	v1 =	vand.u32 $0xFFFF, v3  }
0x79: {  	[tilespmem:$0xC880] =	vst v1  }
0x7a: {  	[tilespmem:s21], [sflag:$0x3] =	stream.indirect.gather [hbm4b:s1+s16], $0x40, s20, s16, $0xb8;
	[tilespmem:$0x12A30] =	vst v63  }
.LBB2_4:
0x7b: {  	_ =	swait.ge [sflag:s22], $0x2000  }
0x7c: {  	[sflag:s22] =	ssyncset.done $0x0  }
0x7d: {  	s0 =	sshra.s32 s15, $0x2;
	[sflag:s22] =	ssyncadd.s32 $0xFFFFE000  }
0x7e: {  	v1 =	vld [tilespmem:s0+$0xA000];
	_ =	sdelay $0x4  }
0x7f: {  	v1 =	vshrl.u32 v1, $0x10  }
0x80: {  	[tilespmem:$0xC890] =	vst v1  }
0x81: {  	v1 =	vld [tilespmem:s0+$0xA010];
	_ =	sdelay $0x4  }
0x82: {  	v1 =	vshrl.u32 v1, $0x10  }
0x83: {  	[tilespmem:$0xC8A0] =	vst v1  }
0x84: {  	v1 =	vld [tilespmem:s0+$0xA020];
	_ =	sdelay $0x4  }
0x85: {  	v1 =	vshrl.u32 v1, $0x10  }
0x86: {  	[tilespmem:$0xC8B0] =	vst v1  }
0x87: {  	v1 =	vld [tilespmem:s0+$0xA030];
	_ =	sdelay $0x4  }
0x88: {  	v1 =	vshrl.u32 v1, $0x10  }
0x89: {  	[tilespmem:$0xC8C0] =	vst v1  }
0x8a: {  	v1 =	vld [tilespmem:s0+$0xA040];
	_ =	sdelay $0x4  }
0x8b: {  	v1 =	vshrl.u32 v1, $0x10  }
0x8c: {  	[tilespmem:$0xC8D0] =	vst v1  }
0x8d: {  	v1 =	vld [tilespmem:s0+$0xA050];
	_ =	sdelay $0x4  }
0x8e: {  	v1 =	vshrl.u32 v1, $0x10  }
0x8f: {  	[tilespmem:$0xC8E0] =	vst v1  }
0x90: {  	v1 =	vld [tilespmem:s0+$0xA060];
	_ =	sdelay $0x4  }
0x91: {  	v1 =	vshrl.u32 v1, $0x10  }
0x92: {  	[tilespmem:$0xC8F0] =	vst v1  }
0x93: {  	v1 =	vld [tilespmem:s0+$0xA070];
	_ =	sdelay $0x4  }
0x94: {  	v1 =	vshrl.u32 v1, $0x10  }
0x95: {  	[tilespmem:$0xC900] =	vst v1  }
0x96: {  	[spmem:s3] =	stream.indirect.scatter.add.f32 [tilespmem:s13], [sflag:$0x4], $0x40, s23, s16, $0xb8;
	[tilespmem:$0x12A30] =	vst v63  }
0x97: {  	_ =	swait.ge [sflag:s24], $0x2000  }
0x98: {  	[sflag:s24] =	ssyncset.done $0x0  }
0x99: {  	[sflag:s24] =	ssyncadd.s32 $0xFFFFE000  }
0x9a: {  	v1 =	vld [tilespmem:s0+$0xA080];
	_ =	sdelay $0x4  }
0x9b: {  	v1 =	vshrl.u32 v1, $0x10  }
0x9c: {  	[tilespmem:$0xC910] =	vst v1  }
0x9d: {  	v1 =	vld [tilespmem:s0+$0xA090];
	_ =	sdelay $0x4  }
0x9e: {  	v1 =	vshrl.u32 v1, $0x10  }
0x9f: {  	[tilespmem:$0xC920] =	vst v1  }
0xa0: {  	v1 =	vld [tilespmem:s0+$0xA0A0];
	_ =	sdelay $0x4  }
0xa1: {  	v1 =	vshrl.u32 v1, $0x10  }
0xa2: {  	[tilespmem:$0xC930] =	vst v1  }
0xa3: {  	v1 =	vld [tilespmem:s0+$0xA0B0];
	_ =	sdelay $0x4  }
0xa4: {  	v1 =	vshrl.u32 v1, $0x10  }
0xa5: {  	[tilespmem:$0xC940] =	vst v1  }
0xa6: {  	v1 =	vld [tilespmem:s0+$0xA0C0];
	_ =	sdelay $0x4  }
0xa7: {  	v1 =	vshrl.u32 v1, $0x10  }
0xa8: {  	[tilespmem:$0xC950] =	vst v1  }
0xa9: {  	v1 =	vld [tilespmem:s0+$0xA0D0];
	_ =	sdelay $0x4  }
0xaa: {  	v1 =	vshrl.u32 v1, $0x10  }
0xab: {  	[tilespmem:$0xC960] =	vst v1  }
0xac: {  	v1 =	vld [tilespmem:s0+$0xA0E0];
	_ =	sdelay $0x4  }
0xad: {  	v1 =	vshrl.u32 v1, $0x10  }
0xae: {  	[tilespmem:$0xC970] =	vst v1  }
0xaf: {  	v1 =	vld [tilespmem:s0+$0xA0F0];
	_ =	sdelay $0x4  }
0xb0: {  	v1 =	vshrl.u32 v1, $0x10  }
0xb1: {  	[tilespmem:$0xC980] =	vst v1  }
0xb2: {  	[spmem:s3] =	stream.indirect.scatter.add.f32 [tilespmem:s19], [sflag:$0x5], $0x40, s25, s16, $0xb8;
	[tilespmem:$0x12A30] =	vst v63  }
0xb3: {  	_ =	swait.ge [sflag:s26], $0x2000  }
0xb4: {  	[sflag:s26] =	ssyncset.done $0x0  }
0xb5: {  	[sflag:s26] =	ssyncadd.s32 $0xFFFFE000  }
0xb6: {  	v1 =	vld [tilespmem:s0+$0xA100];
	_ =	sdelay $0x4  }
0xb7: {  	v1 =	vshrl.u32 v1, $0x10  }
0xb8: {  	[tilespmem:$0xC990] =	vst v1  }
0xb9: {  	v1 =	vld [tilespmem:s0+$0xA110];
	_ =	sdelay $0x4  }
0xba: {  	v1 =	vshrl.u32 v1, $0x10  }
0xbb: {  	[tilespmem:$0xC9A0] =	vst v1  }
0xbc: {  	v1 =	vld [tilespmem:s0+$0xA120];
	_ =	sdelay $0x4  }
0xbd: {  	v1 =	vshrl.u32 v1, $0x10  }
0xbe: {  	[tilespmem:$0xC9B0] =	vst v1  }
0xbf: {  	v1 =	vld [tilespmem:s0+$0xA130];
	_ =	sdelay $0x4  }
0xc0: {  	v1 =	vshrl.u32 v1, $0x10  }
0xc1: {  	[tilespmem:$0xC9C0] =	vst v1  }
0xc2: {  	v1 =	vld [tilespmem:s0+$0xA140];
	_ =	sdelay $0x4  }
0xc3: {  	v1 =	vshrl.u32 v1, $0x10  }
0xc4: {  	[tilespmem:$0xC9D0] =	vst v1  }
0xc5: {  	v1 =	vld [tilespmem:s0+$0xA150];
	_ =	sdelay $0x4  }
0xc6: {  	v1 =	vshrl.u32 v1, $0x10  }
0xc7: {  	[tilespmem:$0xC9E0] =	vst v1  }
0xc8: {  	v1 =	vld [tilespmem:s0+$0xA160];
	_ =	sdelay $0x4  }
0xc9: {  	v1 =	vshrl.u32 v1, $0x10  }
0xca: {  	[tilespmem:$0xC9F0] =	vst v1  }
0xcb: {  	v1 =	vld [tilespmem:s0+$0xA170];
	_ =	sdelay $0x4  }
0xcc: {  	p0 =	seq.s32 s15, $0x9600;
	v1 =	vshrl.u32 v1, $0x10  }
.Ltmp3:
0xcd: {  	[tilespmem:$0xCA00] =	vst v1;
	(pc) =	sbr.rel @p0 .LBB2_6-.Ltmp3, $4  }
0xce: {  	[spmem:s3] =	stream.indirect.scatter.add.f32 [tilespmem:s21], [sflag:$0x6], $0x40, s28, s16, $0xb8;
	[tilespmem:$0x12A30] =	vst v63  }
0xcf: {  	_ =	swait.ge [sflag:s29], $0x2000  }
0xd0: {  	[sflag:s29] =	ssyncset.done $0x0  }
0xd1: {  	[sflag:s29] =	ssyncadd.s32 $0xFFFFE000  }
0xd2: {  	v1 =	vld [tilespmem:s0+$0xA180];
	_ =	sdelay $0x4  }
0xd3: {  	v1 =	vand.u32 $0xFFFF, v1  }
0xd4: {  	[tilespmem:$0xC710] =	vst v1  }
0xd5: {  	v1 =	vld [tilespmem:s0+$0xA190];
	_ =	sdelay $0x4  }
0xd6: {  	v1 =	vand.u32 $0xFFFF, v1  }
0xd7: {  	[tilespmem:$0xC720] =	vst v1  }
0xd8: {  	v1 =	vld [tilespmem:s0+$0xA1A0];
	_ =	sdelay $0x4  }
0xd9: {  	v1 =	vand.u32 $0xFFFF, v1  }
0xda: {  	[tilespmem:$0xC730] =	vst v1  }
0xdb: {  	v1 =	vld [tilespmem:s0+$0xA1B0];
	_ =	sdelay $0x4  }
0xdc: {  	v1 =	vand.u32 $0xFFFF, v1  }
0xdd: {  	[tilespmem:$0xC740] =	vst v1  }
0xde: {  	v1 =	vld [tilespmem:s0+$0xA1C0];
	_ =	sdelay $0x4  }
0xdf: {  	v1 =	vand.u32 $0xFFFF, v1  }
0xe0: {  	[tilespmem:$0xC750] =	vst v1  }
0xe1: {  	v1 =	vld [tilespmem:s0+$0xA1D0];
	_ =	sdelay $0x4  }
0xe2: {  	v1 =	vand.u32 $0xFFFF, v1  }
0xe3: {  	[tilespmem:$0xC760] =	vst v1  }
0xe4: {  	v1 =	vld [tilespmem:s0+$0xA1E0];
	_ =	sdelay $0x4  }
0xe5: {  	v1 =	vand.u32 $0xFFFF, v1  }
0xe6: {  	[tilespmem:$0xC770] =	vst v1  }
0xe7: {  	v1 =	vld [tilespmem:s0+$0xA1F0];
	_ =	sdelay $0x4  }
0xe8: {  	v1 =	vand.u32 $0xFFFF, v1  }
0xe9: {  	[tilespmem:$0xC780] =	vst v1  }
0xea: {  	[tilespmem:s13], [sflag:$0x1] =	stream.indirect.gather [hbm4b:s1+s16], $0x40, s17, s16, $0xb8;
	[tilespmem:$0x12A30] =	vst v63  }
0xeb: {  	_ =	swait.ge [sflag:s30], $0x2000  }
0xec: {  	[sflag:s30] =	ssyncset.done $0x0  }
0xed: {  	[sflag:s30] =	ssyncadd.s32 $0xFFFFE000  }
0xee: {  	v1 =	vld [tilespmem:s0+$0xA200];
	_ =	sdelay $0x4  }
0xef: {  	v1 =	vand.u32 $0xFFFF, v1  }
0xf0: {  	[tilespmem:$0xC790] =	vst v1  }
0xf1: {  	v1 =	vld [tilespmem:s0+$0xA210];
	_ =	sdelay $0x4  }
0xf2: {  	v1 =	vand.u32 $0xFFFF, v1  }
0xf3: {  	[tilespmem:$0xC7A0] =	vst v1  }
0xf4: {  	v1 =	vld [tilespmem:s0+$0xA220];
	_ =	sdelay $0x4  }
0xf5: {  	v1 =	vand.u32 $0xFFFF, v1  }
0xf6: {  	[tilespmem:$0xC7B0] =	vst v1  }
0xf7: {  	v1 =	vld [tilespmem:s0+$0xA230];
	_ =	sdelay $0x4  }
0xf8: {  	v1 =	vand.u32 $0xFFFF, v1  }
0xf9: {  	[tilespmem:$0xC7C0] =	vst v1  }
0xfa: {  	v1 =	vld [tilespmem:s0+$0xA240];
	_ =	sdelay $0x4  }
0xfb: {  	v1 =	vand.u32 $0xFFFF, v1  }
0xfc: {  	[tilespmem:$0xC7D0] =	vst v1  }
0xfd: {  	v1 =	vld [tilespmem:s0+$0xA250];
	_ =	sdelay $0x4  }
0xfe: {  	v1 =	vand.u32 $0xFFFF, v1  }
0xff: {  	[tilespmem:$0xC7E0] =	vst v1  }
0x100: {  	v1 =	vld [tilespmem:s0+$0xA260];
	_ =	sdelay $0x4  }
0x101: {  	v1 =	vand.u32 $0xFFFF, v1  }
0x102: {  	[tilespmem:$0xC7F0] =	vst v1  }
0x103: {  	v1 =	vld [tilespmem:s0+$0xA270];
	_ =	sdelay $0x4  }
0x104: {  	v1 =	vand.u32 $0xFFFF, v1  }
0x105: {  	[tilespmem:$0xC800] =	vst v1  }
0x106: {  	[tilespmem:s19], [sflag:$0x2] =	stream.indirect.gather [hbm4b:s1+s16], $0x40, s18, s16, $0xb8;
	[tilespmem:$0x12A30] =	vst v63  }
0x107: {  	_ =	swait.ge [sflag:s31], $0x2000  }
0x108: {  	[sflag:s31] =	ssyncset.done $0x0  }
0x109: {  	[sflag:s31] =	ssyncadd.s32 $0xFFFFE000  }
0x10a: {  	v1 =	vld [tilespmem:s0+$0xA280];
	_ =	sdelay $0x4  }
0x10b: {  	v1 =	vand.u32 $0xFFFF, v1  }
0x10c: {  	[tilespmem:$0xC810] =	vst v1  }
0x10d: {  	v1 =	vld [tilespmem:s0+$0xA290];
	_ =	sdelay $0x4  }
0x10e: {  	v1 =	vand.u32 $0xFFFF, v1  }
0x10f: {  	[tilespmem:$0xC820] =	vst v1  }
0x110: {  	v1 =	vld [tilespmem:s0+$0xA2A0];
	_ =	sdelay $0x4  }
0x111: {  	v1 =	vand.u32 $0xFFFF, v1  }
0x112: {  	[tilespmem:$0xC830] =	vst v1  }
0x113: {  	v1 =	vld [tilespmem:s0+$0xA2B0];
	_ =	sdelay $0x4  }
0x114: {  	v1 =	vand.u32 $0xFFFF, v1  }
0x115: {  	[tilespmem:$0xC840] =	vst v1  }
0x116: {  	v1 =	vld [tilespmem:s0+$0xA2C0];
	_ =	sdelay $0x4  }
0x117: {  	v1 =	vand.u32 $0xFFFF, v1  }
0x118: {  	[tilespmem:$0xC850] =	vst v1  }
0x119: {  	v1 =	vld [tilespmem:s0+$0xA2D0];
	_ =	sdelay $0x4  }
0x11a: {  	v1 =	vand.u32 $0xFFFF, v1  }
0x11b: {  	[tilespmem:$0xC860] =	vst v1  }
0x11c: {  	v1 =	vld [tilespmem:s0+$0xA2E0];
	_ =	sdelay $0x4  }
0x11d: {  	v1 =	vand.u32 $0xFFFF, v1  }
0x11e: {  	[tilespmem:$0xC870] =	vst v1  }
0x11f: {  	v1 =	vld [tilespmem:s0+$0xA2F0];
	_ =	sdelay $0x2  }
.Ltmp4:
0x120: {  	_ = 	snop;
	(pc) =	sbr.rel .LBB2_4-.Ltmp4, $4  }
0x121: {  	_ = 	snop  }
0x122: {  	v1 =	vand.u32 $0xFFFF, v1  }
0x123: {  	s15 =	sadd.s32 $0x600, s15;
	[tilespmem:$0xC880] =	vst v1  }
0x124: {  	[tilespmem:s21], [sflag:$0x3] =	stream.indirect.gather [hbm4b:s1+s16], $0x40, s20, s16, $0xb8;
	[tilespmem:$0x12A30] =	vst v63  }
.LBB2_7:
0x125: {  	_ =	sfence.sel $0x180000  }
0x126: {  	[bflag:$0x0] =	sbarrier.arrive $0xFFFF  }
0x127: {  	_ =	strace $0x9000004D  }
0x128: {  	s0 =	stileid.u32;
	[bflag:$0x2] =	sbarrier.arrive $0xFFFF  }
0x129: {  	p0 =	sne.s32 s0, $0x0;
	s0 =	rddreg [dreg:$0x3]  }
0x12a: {  	s0 =	sadd.s32 @!p0 $0x100000, s0  }
0x12b: {  	[sflag:s0] =	ssyncadd.tile.s32 @!p0 $0x1;
	_ =	shalt  }
.Lfunc_end2:
_tile_overlayer_lowered:
.L_overlay_start_2:
0x12c: {  	(tag) =	ssettag $0x2  }
0x12d: {  	s0 =	rddreg [dreg:$0x0];
	s2 =	stileid.u32  }
0x12e: {  	s1 =	rddreg [dreg:$0x1];
	p0 =	sne.s32 s2, $0x0  }
0x12f: {  	s3 =	rddreg [dreg:$0x2];
	[bflag:$0x3] =	sbarrier.arrive $0xFFFF;
	s2 =	simm.s32 @!p0 $0x1C07  }
0x130: {  	[timem:s3], [sflag:s2] =	dma.local @!p0 [hbm:s0], s1  }
0x131: {  	s0 =	simm.s32 @!p0 $0x7  }
0x132: {  	_ =	swait.ge @!p0 [sflag:s0], s1  }
0x133: {  	s1 =	ssub.s32 @!p0 $0x0, s1;
	[sflag:s0] =	ssyncset.done @!p0 $0x0  }
0x134: {  	[sflag:s0] =	ssyncadd.s32 @!p0 s1  }
0x135: {  	[bflag:$0x3] =	sbarrier.arrive $0xFFFF  }
0x136: {  	_ =	shalt  }

// kernel: kernel.19.cloned.1.call-start
scs
__scs_entry_jumppad:
0x0: {  	(pc) =	sbr.rel $0x88, $3  }
0x1: {  	(tag) =	ssettag $0x0;
	lr =	simm.s32 $0x1  }
0x2: {  	[smem:$0x3F99] =	sst lr;
	_ =	strace $0xD0000000  }
0x3: {  	_ = 	snop  }
0x4: {  	_ = 	snop  }
0x5: {  	_ = 	snop  }
0x6: {  	_ = 	snop  }
0x7: {  	_ = 	snop  }
__scs_overlays_trampoline_lowered:
0x8: {  	[smem:$0x3FA8] =	sst s0  }
0x9: {  	[smem:$0x3FA9] =	sst s1  }
0xa: {  	[smem:$0x3FAA] =	sst s2  }
0xb: {  	[smem:$0x3FAB] =	sst s3  }
0xc: {  	[smem:$0x3FAC] =	sst s4  }
0xd: {  	[smem:$0x3FAD] =	sst s5  }
0xe: {  	[smem:$0x3FAE] =	sst s6  }
0xf: {  	[smem:$0x3FAF] =	sst s7  }
0x10: {  	[smem:$0x3FB0] =	sst s8  }
0x11: {  	[smem:$0x3FB1] =	sst s9;
	s0 =	simm.s32 @!p0 $0x0  }
0x12: {  	s1 =	sld [smem:$0x3F97];
	s0 =	simm.s32 @p0 $0x1  }
0x13: {  	[smem:$0x3FB2] =	sst s0;
	s0 =	simm.s32 @!p1 $0x0  }
0x14: {  	s2 =	sld [smem:$0x3F96];
	s0 =	simm.s32 @p1 $0x1  }
0x15: {  	[smem:$0x3FB3] =	sst s0;
	s0 =	simm.s32 @!p2 $0x0  }
0x16: {  	s3 =	sld [smem:$0x3FDB];
	s0 =	simm.s32 @p2 $0x1  }
0x17: {  	s4 =	simm.s32 $0x1BF5;
	[smem:$0x3FB5] =	sst s0  }
0x18: {  	s0 =	sld [smem:$0x3F98];
	_ =	swait.ge [sflag:s4], $0x0  }
0x19: {  	s7 =	sld [smem:$0x3F99]  }
0x1a: {  	s8 =	sadd.s32 $0xFFFFE003, lr  }
0x1b: {  	s9 =	sadd.s32 $0xFFFFFEF7, lr;
	s5 =	simm.s32 $0xFFFFFFFF;
	p2 =	slt.u32 s8, $0xFFFFF086  }
0x1c: {  	p1 =	slt.u32 s9, $0xF7A;
	s5 =	simm.s32 @!p2 $0x0  }
0x1d: {  	s5 =	simm.s32 @p1 $0x1;
	p0 =	seq.s32 s7, s2  }
0x1e: {  	s7 =	smul.u32 @!p0 $0xF7A, s2;
	p2 =	seq.s32 @!p0 s5, $0x0  }
0x1f: {  	s9 =	smul.u32 $0xF7A, s1;
	s8 =	simm.s32 @!p0 $0x1BF5;
	p2 =	por !p2, p0  }
0x20: {  	[sflag:s8] =	ssyncset.s32 @!p0 $0xFFFFF086;
	s6 =	sadd.s32 @!p0 s3, s7;
	s7 =	simm.s32 @!p0 $0x108  }
0x21: {  	s3 =	sadd.s32 s3, s9;
	s6 =	sadd.s32 @!p0 $0x88, s6;
	s7 =	simm.s32 @p2 $0x1082  }
0x22: {  	[simem:s7], [sflag:s8] =	dma.local @!p0 [hbm:s6], $0xF7A  }
0x23: {  	s9 =	sor.u32 $0xD0000000, s2;
	s6 =	simm.s32 $0x108;
	_ =	swait.ge @!p0 [sflag:s8], $0x0  }
0x24: {  	s3 =	sadd.s32 $0x88, s3;
	s6 =	simm.s32 @!p1 $0x1082;
	[sflag:s4] =	ssyncset.s32 $0xFFFFF086  }
0x25: {  	[simem:s6], [sflag:s4] =	dma.local [hbm:s3], $0xF7A  }
0x26: {  	[smem:$0x3F99] =	sst s1;
	(tag) =	ssettag s2;
	_ =	strace s9  }
0x27: {  	s1 =	sld [smem:$0x3FA9]  }
0x28: {  	s2 =	sld [smem:$0x3FAA]  }
0x29: {  	s4 =	sld [smem:$0x3FAC]  }
0x2a: {  	p0 =	seq.s32 s5, $0x0;
	s5 =	sld [smem:$0x3FAD]  }
0x2b: {  	s6 =	sld [smem:$0x3FAE]  }
0x2c: {  	s7 =	sld [smem:$0x3FAF]  }
0x2d: {  	s3 =	simm.s32 $0x108;
	s8 =	sld [smem:$0x3FB0]  }
0x2e: {  	s3 =	simm.s32 @!p0 $0x1082;
	s9 =	sld [smem:$0x3FB1]  }
0x2f: {  	lr =	sadd.s32 s0, s3;
	s0 =	sld [smem:$0x3FA8]  }
0x30: {  	s3 =	sld [smem:$0x3FAB]  }
0x31: {  	[smem:$0x3FB4] =	sst s10  }
0x32: {  	s10 =	sld [smem:$0x3FB2];
	_ =	sdelay $0x3  }
0x33: {  	p0 =	seq.s32 s10, $0x1;
	s10 =	sld [smem:$0x3FB4];
	_ =	sdelay $0x3  }
0x34: {  	[smem:$0x3FB4] =	sst s10  }
0x35: {  	s10 =	sld [smem:$0x3FB3];
	_ =	sdelay $0x3  }
0x36: {  	p1 =	seq.s32 s10, $0x1;
	s10 =	sld [smem:$0x3FB4];
	_ =	sdelay $0x3  }
0x37: {  	[smem:$0x3FB4] =	sst s10  }
0x38: {  	s10 =	sld [smem:$0x3FB5]  }
0x39: {  	_ = 	snop;
	(pc) =	sbr.ind lr, $3  }
0x3a: {  	_ = 	snop  }
0x3b: {  	_ = 	snop  }
0x3c: {  	p2 =	seq.s32 s10, $0x1;
	s10 =	sld [smem:$0x3FB4]  }
0x3d: {  	_ =	shalt  }
0x3e: {  	_ =	shalt  }
0x3f: {  	_ =	shalt  }
0x40: {  	_ =	shalt  }
0x41: {  	_ =	shalt  }
0x42: {  	_ =	shalt  }
0x43: {  	_ =	shalt  }
0x44: {  	_ =	shalt  }
0x45: {  	_ =	shalt  }
0x46: {  	_ =	shalt  }
0x47: {  	_ =	shalt  }
0x48: {  	_ =	shalt  }
0x49: {  	_ =	shalt  }
0x4a: {  	_ =	shalt  }
0x4b: {  	_ =	shalt  }
0x4c: {  	_ =	shalt  }
0x4d: {  	_ =	shalt  }
0x4e: {  	_ =	shalt  }
0x4f: {  	_ =	shalt  }
0x50: {  	_ =	shalt  }
0x51: {  	_ =	shalt  }
0x52: {  	_ =	shalt  }
0x53: {  	_ =	shalt  }
0x54: {  	_ =	shalt  }
0x55: {  	_ =	shalt  }
0x56: {  	_ =	shalt  }
0x57: {  	_ =	shalt  }
0x58: {  	_ =	shalt  }
0x59: {  	_ =	shalt  }
0x5a: {  	_ =	shalt  }
0x5b: {  	_ =	shalt  }
0x5c: {  	_ =	shalt  }
0x5d: {  	_ =	shalt  }
0x5e: {  	_ =	shalt  }
0x5f: {  	_ =	shalt  }
0x60: {  	_ =	shalt  }
0x61: {  	_ =	shalt  }
0x62: {  	_ =	shalt  }
0x63: {  	_ =	shalt  }
0x64: {  	_ =	shalt  }
0x65: {  	_ =	shalt  }
0x66: {  	_ =	shalt  }
0x67: {  	_ =	shalt  }
0x68: {  	_ =	shalt  }
0x69: {  	_ =	shalt  }
0x6a: {  	_ =	shalt  }
0x6b: {  	_ =	shalt  }
0x6c: {  	_ =	shalt  }
0x6d: {  	_ =	shalt  }
0x6e: {  	_ =	shalt  }
0x6f: {  	_ =	shalt  }
0x70: {  	_ =	shalt  }
0x71: {  	_ =	shalt  }
0x72: {  	_ =	shalt  }
0x73: {  	_ =	shalt  }
0x74: {  	_ =	shalt  }
0x75: {  	_ =	shalt  }
0x76: {  	_ =	shalt  }
0x77: {  	_ =	shalt  }
0x78: {  	_ =	shalt  }
0x79: {  	_ =	shalt  }
0x7a: {  	_ =	shalt  }
0x7b: {  	_ =	shalt  }
0x7c: {  	_ =	shalt  }
0x7d: {  	_ =	shalt  }
0x7e: {  	_ =	shalt  }
0x7f: {  	_ =	shalt  }
0x80: {  	_ =	shalt  }
0x81: {  	_ =	shalt  }
0x82: {  	_ =	shalt  }
0x83: {  	_ =	shalt  }
0x84: {  	_ =	shalt  }
0x85: {  	_ =	shalt  }
0x86: {  	_ =	shalt  }
0x87: {  	_ =	shalt  }
.Lfunc_end0:
.L_simem_size_0:
called_computation.3_lowered:
.L_overlay_start_0:
0x88: {  	s2 =	sld [smem:$0x3FD9]  }
0x89: {  	s3 =	sld [smem:$0x3FFE];
	_ =	sdelay $0x1  }
0x8a: {  	s1 =	srdreg.scid  }
0x8b: {  	s0 =	sand.u32 $0x1, s1  }
0x8c: {  	s17 =	sshll.u32 s0, $0xA;
	s2 =	sadd.s32 s3, s2  }
0x8d: {  	s2 =	sadd.s32 s2, s17  }
0x8e: {  	[smem:$0x3FC0] =	sst s2  }
0x8f: {  	_ = 	snop  }
0x90: {  	s2 =	sld [smem:$0x3FD0];
	(tm) =	ssettm $0x1  }
0x91: {  	s18 =	sld [smem:$0x3FFB];
	_ =	sdelay $0x3  }
0x92: {  	_ =	strace s18  }
0x93: {  	s3 =	sld [smem:$0x3FFC];
	_ =	sdelay $0x3  }
0x94: {  	_ =	strace s3  }
0x95: {  	s3 =	sld [smem:$0x3FFD];
	_ =	sdelay $0x3  }
0x96: {  	_ =	strace s3  }
0x97: {  	_ =	strace $0x8FFFFFFF  }
0x98: {  	s19 =	sld [smem:$0x3FDB];
	_ =	sdelay $0x1  }
0x99: {  	s4 =	simm.s32 $_scs_section_size  }
0x9a: {  	s5 =	simm.s32 $_size__tile_overlayer_lowered;
	s6 =	simm.s32 $_tile_overlayer_lowered  }
0x9b: {  	s22 =	simm.s32 $0x1BFF;
	s21 =	sshll.u32 s6, $0x1;
	s3 =	sadd.s32 s4, s19  }
0x9c: {  	s7 =	simm.s32 $0x0;
	s20 =	sshll.u32 s5, $0x1;
	s5 =	sadd.s32 s21, s3  }
0x9d: {  	[timem:s7], [sflag:s22] =	dma.local [hbm:s5], s20  }
0x9e: {  	_ =	swait.ge [sflag:s22], s20  }
0x9f: {  	s4 =	ssub.s32 $0x0, s20;
	[sflag:s22] =	ssyncset.done $0x0  }
0xa0: {  	[sflag:s22] =	ssyncadd.s32 s4;
	_ =	sdelay $0x1  }
0xa1: {  	s23 =	simm.s32 $0x1B8B  }
0xa2: {  	_ =	swait.ge [sflag:s23], $0x1  }
0xa3: {  	[sflag:s23] =	ssyncset.done $0x0  }
0xa4: {  	s25 =	simm.s32 $0x1B8E;
	s24 =	sld [smem:$0x3FFE];
	[sflag:s23] =	ssyncadd.s32 $0xFFFFFFFF  }
0xa5: {  	s26 =	simm.s32 $execute0_lowered;
	[smem:$0x3FD2] =	sst s25  }
0xa6: {  	s5 =	sshll.u32 s26, $0x1;
	_ =	strace $0x8000004F;
	[dreg:$0x1] =	wrdreg $0xFFFFFFFF  }
0xa7: {  	s28 =	simm.s32 $_size_execute0_lowered;
	s3 =	sadd.s32 s3, s5;
	[dreg:$0x0] =	wrdreg $0x0  }
0xa8: {  	s5 =	sshll.u32 s28, $0x1;
	[dreg:$0x2] =	wrdreg s3  }
0xa9: {  	[dreg:$0x3] =	wrdreg s5  }
0xaa: {  	[dreg:$0x4] =	wrdreg $0xC0  }
0xab: {  	_ =	task [dreg:s7], $0x5FFFF  }
0xac: {  	[dreg:$0x1] =	wrdreg $0xFFFFFFFF  }
0xad: {  	[dreg:$0x0] =	wrdreg $0x60  }
0xae: {  	[dreg:$0x2] =	wrdreg s2  }
0xaf: {  	[dreg:$0x3] =	wrdreg s24  }
0xb0: {  	[dreg:$0x4] =	wrdreg $0x0  }
0xb1: {  	[dreg:$0x5] =	wrdreg $0x9  }
0xb2: {  	_ =	task.clear_ibuf [dreg:s7], $0x6FFFF;
	_ =	strace $0x9000004F  }
0xb3: {  	s29 =	simm.s32 $0x9;
	_ =	strace $0x80000051  }
0xb4: {  	_ =	swait.ge [sflag:s29], $0x1  }
0xb5: {  	[sflag:s29] =	ssyncadd.s32 $0xFFFFFFFF  }
0xb6: {  	_ =	strace $0x90000051  }
0xb7: {  	_ =	sfence  }
0xb8: {  	s30 =	sld [smem:$0x0];
	_ =	sdelay $0x2  }
0xb9: {  	s31 =	sshll.u32 s1, $0xD;
	s1 =	sshrl.u32 s1, $0x2  }
0xba: {  	s3 =	sand.u32 $0x4000, s31;
	s1 =	sadd.s32 s1, s30  }
0xbb: {  	s0 =	sor.u32 s3, s0;
	s1 =	sshll.u32 s1, $0x11  }
0xbc: {  	s0 =	sor.u32 s1, s0  }
0xbd: {  	s0 =	sadd.s32 $0x8F2B, s0  }
0xbe: {  	[sflag:s0] =	ssyncadd.remote.s32 $0x1  }
0xbf: {  	_ =	sfence.sel $0xFFFF  }
0xc0: {  	[dreg:$0x0] =	wrdreg $0xFFFFFFFF;
	(pc) =	sbr.abs _section_cstart, $3  }
0xc1: {  	[dreg:$0x1] =	wrdreg $0xFFFFFFFF  }
0xc2: {  	_ =	task.clear_ibuf [dreg:s7], $0x2FFFF;
	_ =	strace $0x9FFFFFFF  }
0xc3: {  	(tm) =	ssettm $0x7FFFFFFF  }
tec
execute0_lowered:
.L_overlay_start_1:
0x0: {  	(tag) =	ssettag $0x1  }
0x1: {  	s1 =	rddreg [dreg:$0x0]  }
0x2: {  	s0 =	srdreg.scid;
	s2 =	rddreg [dreg:$0x1]  }
0x3: {  	s8 =	stileid.u32;
	s3 =	rddreg [dreg:$0x2]  }
0x4: {  	s14 =	simm.s32 $0x7;
	s16 =	simm.s32 $0x80;
	s17 =	simm.s32 $0xC710  }
0x5: {  	s18 =	simm.s32 $0xC790;
	s19 =	simm.s32 $0xEA30;
	s20 =	simm.s32 $0xC810  }
0x6: {  	s21 =	simm.s32 $0x10A30;
	s22 =	simm.s32 $0x1;
	s23 =	simm.s32 $0xC890  }
0x7: {  	s24 =	simm.s32 $0x2;
	s25 =	simm.s32 $0xC910;
	s28 =	simm.s32 $0xC990  }
0x8: {  	s29 =	simm.s32 $0x4;
	s30 =	simm.s32 $0x5;
	s31 =	simm.s32 $0x6  }
0x9: {  	s0 =	sand.u32 $0x1, s0;
	s4 =	sshll.u32 s8, $0x1;
	s6 =	smul.u32 $0x28000, s8  }
0xa: {  	s10 =	smul.u32 $0xA000, s8;
	s5 =	sor.u32 s0, s4;
	s4 =	simm.s32 $0x0  }
0xb: {  	s7 =	ssub.s32 $0x2, s0;
	p0 =	seq.s32 s0, $0x1;
	s0 =	simm.s32 $0x5FE00  }
0xc: {  	s5 =	smul.u32 $0x4E2, s5;
	[smem:$0x7FF] =	sst s4;
	s26 =	sshrl.u32 s7, $0x1  }
0xd: {  	s6 =	sshrl.u32 s6, $0x2;
	s0 =	simm.s32 @!p0 $0x73E00;
	s13 =	sshrl.u32 s10, $0x3  }
0xe: {  	_ =	strace $0x80000050;
	s12 =	ssub.s32 s7, s26;
	s9 =	sadd.s32 s6, s3  }
.Ltmp0:
0xf: {  	s0 =	sadd.s32 s0, s2;
	s26 =	simm.s32 $0x3;
	(pc) =	sbr.rel .LBB2_1-.Ltmp0, $4  }
0x10: {  	s11 =	sadd.s32 s5, s2;
	s5 =	sadd.s32 s10, s3;
	s6 =	sadd.s32 $0x2000, s9  }
0x11: {  	s7 =	sadd.s32 $0x4000, s9;
	s8 =	sadd.s32 $0x6000, s9;
	s9 =	sadd.s32 $0x8000, s9  }
0x12: {  	s2 =	simm.s32 $0x10;
	[dreg:$0x4] =	wrdreg s6;
	s10 =	sadd.s32 $0xAFE00, s11  }
0x13: {  	v0 =	vimm.f32 $0.0e+00;
	s11 =	smax.u32 s12, $0x1;
	s12 =	sadd.s32 s0, s13;
	s13 =	simm.s32 $0xCA30  }
.LBB2_6:
0x14: {  	_ =	swait.ge [sflag:s30], $0x2000  }
0x15: {  	[sflag:s30] =	ssyncset.done $0x0  }
0x16: {  	[sflag:s30] =	ssyncadd.s32 $0xFFFFE000  }
0x17: {  	_ =	swait.ge [sflag:s31], $0x2000  }
0x18: {  	[sflag:s31] =	ssyncset.done $0x0  }
0x19: {  	[sflag:s31] =	ssyncadd.s32 $0xFFFFE000  }
0x1a: {  	v1 =	vld [tilespmem:$0xC700];
	_ =	sdelay $0x4  }
0x1b: {  	v2 =	vand.u32 $0xFFFF, v1  }
0x1c: {  	v1 =	vshrl.u32 v1, $0x10;
	[tilespmem:$0xCA10] =	vst v2  }
0x1d: {  	s0 =	simm.s32 $0xCA10;
	[tilespmem:$0xCA20] =	vst v1  }
0x1e: {  	[tilespmem:s13], [sflag:$0x1] =	stream.indirect.gather [hbm4b:s1+s2], $0x40, s0, s2, $0xb8;
	[tilespmem:$0x12A30] =	vst v63  }
0x1f: {  	_ =	swait.ge [sflag:s22], $0x400  }
0x20: {  	[sflag:s22] =	ssyncset.done $0x0  }
0x21: {  	s6 =	simm.s32 $0xCA20;
	[sflag:s22] =	ssyncadd.s32 $0xFFFFFC00  }
0x22: {  	[spmem:s3] =	stream.indirect.scatter.add.f32 [tilespmem:s13], [sflag:$0x7], $0x40, s6, s2, $0xb8;
	[tilespmem:$0x12A30] =	vst v63  }
0x23: {  	s15 =	stileid.u32;
	_ =	swait.ge [sflag:s14], $0x400  }
0x24: {  	s4 =	sadd.s32 $0x1, s4;
	s0 =	sshll.u32 s15, $0x6;
	[sflag:s14] =	ssyncset.done $0x0  }
0x25: {  	p0 =	sne.s32 s4, s11;
	s0 =	sor.u32 $0x1C07, s0;
	[sflag:s14] =	ssyncadd.s32 $0xFFFFFC00  }
.Ltmp1:
0x26: {  	s6 =	sshrl.u32 s5, $0x3;
	[bflag:$0x0] =	sbarrier.arrive $0xFFFF;
	(pc) =	sbr.rel @!p0 .LBB2_7-.Ltmp1, $4  }
0x27: {  	[hbm:s12], [sflag:s0] =	dma.local [spmem:s6], $0x1400  }
0x28: {  	_ =	swait.ge [sflag:s14], $0x1400  }
0x29: {  	[sflag:s14] =	ssyncset.done $0x0  }
0x2a: {  	[sflag:s14] =	ssyncadd.s32 $0xFFFFEC00  }
.LBB2_1:
0x2b: {  	s15 =	simm.s32 $0x100;
	s0 =	simm.s32 $0x0  }
.LBB2_2:
0x2c: {  	p0 =	sne.s32 s15, $0x7F00;
	[tilespmem:s0+$0xCA60] =	vst v0;
	s6 =	smov.u32 s15;
	s15 =	sadd.s32 $0x100, s15  }
.Ltmp2:
0x2d: {  	[tilespmem:s0+$0xCA50] =	vst v0;
	(pc) =	sbr.rel @p0 .LBB2_2-.Ltmp2, $3  }
0x2e: {  	[tilespmem:s0+$0xCA30] =	vst v0  }
0x2f: {  	[tilespmem:s0+$0xCA40] =	vst v0;
	_ =	sdelay $0x1  }
0x30: {  	s0 =	sshra.s32 s6, $0x2  }
0x31: {  	[tilespmem:s0+$0xCA60] =	vst v0  }
0x32: {  	[tilespmem:s0+$0xCA50] =	vst v0  }
0x33: {  	[tilespmem:s0+$0xCA30] =	vst v0  }
0x34: {  	[tilespmem:s0+$0xCA40] =	vst v0  }
0x35: {  	[spmem:s5] =	stream.linear.scatter [tilespmem:s13], [sflag:$0x7], $0x2000, $0x38;
	[tilespmem:$0x12A30] =	vst v63  }
0x36: {  	_ =	swait.ge [sflag:s14], $0x2000  }
0x37: {  	[sflag:s14] =	ssyncset.done $0x0  }
0x38: {  	s15 =	rddreg [dreg:$0x4];
	[sflag:s14] =	ssyncadd.s32 $0xFFFFE000  }
0x39: {  	[spmem:s15] =	stream.linear.scatter [tilespmem:s13], [sflag:$0x7], $0x2000, $0x38;
	[tilespmem:$0x12A30] =	vst v63  }
0x3a: {  	_ =	swait.ge [sflag:s14], $0x2000  }
0x3b: {  	[sflag:s14] =	ssyncset.done $0x0  }
0x3c: {  	[sflag:s14] =	ssyncadd.s32 $0xFFFFE000  }
0x3d: {  	[spmem:s7] =	stream.linear.scatter [tilespmem:s13], [sflag:$0x7], $0x2000, $0x38;
	[tilespmem:$0x12A30] =	vst v63  }
0x3e: {  	_ =	swait.ge [sflag:s14], $0x2000  }
0x3f: {  	[sflag:s14] =	ssyncset.done $0x0  }
0x40: {  	[sflag:s14] =	ssyncadd.s32 $0xFFFFE000  }
0x41: {  	[spmem:s8] =	stream.linear.scatter [tilespmem:s13], [sflag:$0x7], $0x2000, $0x38;
	[tilespmem:$0x12A30] =	vst v63  }
0x42: {  	_ =	swait.ge [sflag:s14], $0x2000  }
0x43: {  	[sflag:s14] =	ssyncset.done $0x0  }
0x44: {  	[sflag:s14] =	ssyncadd.s32 $0xFFFFE000  }
0x45: {  	[spmem:s9] =	stream.linear.scatter [tilespmem:s13], [sflag:$0x7], $0x2000, $0x38;
	[tilespmem:$0x12A30] =	vst v63  }
0x46: {  	_ =	swait.ge [sflag:s14], $0x2000  }
0x47: {  	[sflag:s14] =	ssyncset.done $0x0  }
0x48: {  	s6 =	simm.s32 $0xA000;
	s15 =	simm.s32 $0x0;
	[sflag:s14] =	ssyncadd.s32 $0xFFFFE000  }
0x49: {  	[tilespmem:s6], [sflag:$0x7] =	stream.linear.gather [hbm4b:s10+s15], $0x2710, $0x38;
	[tilespmem:$0x12A30] =	vst v63  }
0x4a: {  	_ =	swait.ge [sflag:s14], $0x2710  }
0x4b: {  	[sflag:s14] =	ssyncset.done $0x0  }
0x4c: {  	[sflag:s14] =	ssyncadd.s32 $0xFFFFD8F0  }
0x4d: {  	[bflag:$0x0] =	sbarrier.arrive $0xFFFF  }
0x4e: {  	v1 =	vld [tilespmem:$0xA000]  }
0x4f: {  	v2 =	vld [tilespmem:$0xA010]  }
0x50: {  	v3 =	vld [tilespmem:$0xA020]  }
0x51: {  	v4 =	vld [tilespmem:$0xA030]  }
0x52: {  	v5 =	vld [tilespmem:$0xA040]  }
0x53: {  	v6 =	vld [tilespmem:$0xA050];
	v1 =	vand.u32 $0xFFFF, v1  }
0x54: {  	[tilespmem:$0xC710] =	vst v1;
	v1 =	vand.u32 $0xFFFF, v2;
	v2 =	vld [tilespmem:$0xA060]  }
0x55: {  	[tilespmem:$0xC720] =	vst v1;
	v1 =	vand.u32 $0xFFFF, v3;
	v3 =	vld [tilespmem:$0xA070]  }
0x56: {  	[tilespmem:$0xC730] =	vst v1;
	v1 =	vand.u32 $0xFFFF, v4  }
0x57: {  	[tilespmem:$0xC740] =	vst v1;
	v1 =	vand.u32 $0xFFFF, v5  }
0x58: {  	[tilespmem:$0xC750] =	vst v1;
	v1 =	vand.u32 $0xFFFF, v6  }
0x59: {  	[tilespmem:$0xC760] =	vst v1;
	v1 =	vand.u32 $0xFFFF, v2  }
0x5a: {  	[tilespmem:$0xC770] =	vst v1;
	v1 =	vand.u32 $0xFFFF, v3  }
0x5b: {  	[tilespmem:$0xC780] =	vst v1  }
0x5c: {  	[tilespmem:s13], [sflag:$0x1] =	stream.indirect.gather [hbm4b:s1+s16], $0x40, s17, s16, $0xb8;
	[tilespmem:$0x12A30] =	vst v63  }
0x5d: {  	v1 =	vld [tilespmem:$0xA080]  }
0x5e: {  	v2 =	vld [tilespmem:$0xA090]  }
0x5f: {  	v3 =	vld [tilespmem:$0xA0A0]  }
0x60: {  	v58 =	vld [tilespmem:$0xA0B0]  }
0x61: {  	v59 =	vld [tilespmem:$0xA0C0]  }
0x62: {  	v60 =	vld [tilespmem:$0xA0D0];
	v1 =	vand.u32 $0xFFFF, v1  }
0x63: {  	[tilespmem:$0xC790] =	vst v1;
	v1 =	vand.u32 $0xFFFF, v2;
	v2 =	vld [tilespmem:$0xA0E0]  }
0x64: {  	[tilespmem:$0xC7A0] =	vst v1;
	v1 =	vand.u32 $0xFFFF, v3;
	v3 =	vld [tilespmem:$0xA0F0]  }
0x65: {  	[tilespmem:$0xC7B0] =	vst v1;
	v1 =	vand.u32 $0xFFFF, v58  }
0x66: {  	[tilespmem:$0xC7C0] =	vst v1;
	v1 =	vand.u32 $0xFFFF, v59  }
0x67: {  	[tilespmem:$0xC7D0] =	vst v1;
	v1 =	vand.u32 $0xFFFF, v60  }
0x68: {  	[tilespmem:$0xC7E0] =	vst v1;
	v1 =	vand.u32 $0xFFFF, v2  }
0x69: {  	[tilespmem:$0xC7F0] =	vst v1;
	v1 =	vand.u32 $0xFFFF, v3  }
0x6a: {  	[tilespmem:$0xC800] =	vst v1  }
0x6b: {  	[tilespmem:s19], [sflag:$0x2] =	stream.indirect.gather [hbm4b:s1+s16], $0x40, s18, s16, $0xb8;
	[tilespmem:$0x12A30] =	vst v63  }
0x6c: {  	v1 =	vld [tilespmem:$0xA100]  }
0x6d: {  	v2 =	vld [tilespmem:$0xA110]  }
0x6e: {  	v3 =	vld [tilespmem:$0xA120]  }
0x6f: {  	v61 =	vld [tilespmem:$0xA130]  }
0x70: {  	v62 =	vld [tilespmem:$0xA140]  }
0x71: {  	v63 =	vld [tilespmem:$0xA150];
	v1 =	vand.u32 $0xFFFF, v1  }
0x72: {  	[tilespmem:$0xC810] =	vst v1;
	v1 =	vand.u32 $0xFFFF, v2;
	v2 =	vld [tilespmem:$0xA160]  }
0x73: {  	[tilespmem:$0xC820] =	vst v1;
	v1 =	vand.u32 $0xFFFF, v3;
	v3 =	vld [tilespmem:$0xA170]  }
0x74: {  	[tilespmem:$0xC830] =	vst v1;
	v1 =	vand.u32 $0xFFFF, v61  }
0x75: {  	[tilespmem:$0xC840] =	vst v1;
	v1 =	vand.u32 $0xFFFF, v62  }
0x76: {  	[tilespmem:$0xC850] =	vst v1;
	v1 =	vand.u32 $0xFFFF, v63  }
0x77: {  	[tilespmem:$0xC860] =	vst v1;
	v1 =	vand.u32 $0xFFFF, v2  }
0x78: {  	[tilespmem:$0xC870] =	vst v1;
	v1 =	vand.u32 $0xFFFF, v3  }
0x79: {  	[tilespmem:$0xC880] =	vst v1  }
0x7a: {  	[tilespmem:s21], [sflag:$0x3] =	stream.indirect.gather [hbm4b:s1+s16], $0x40, s20, s16, $0xb8;
	[tilespmem:$0x12A30] =	vst v63  }
.LBB2_4:
0x7b: {  	_ =	swait.ge [sflag:s22], $0x2000  }
0x7c: {  	[sflag:s22] =	ssyncset.done $0x0  }
0x7d: {  	s0 =	sshra.s32 s15, $0x2;
	[sflag:s22] =	ssyncadd.s32 $0xFFFFE000  }
0x7e: {  	v1 =	vld [tilespmem:s0+$0xA000];
	_ =	sdelay $0x4  }
0x7f: {  	v1 =	vshrl.u32 v1, $0x10  }
0x80: {  	[tilespmem:$0xC890] =	vst v1  }
0x81: {  	v1 =	vld [tilespmem:s0+$0xA010];
	_ =	sdelay $0x4  }
0x82: {  	v1 =	vshrl.u32 v1, $0x10  }
0x83: {  	[tilespmem:$0xC8A0] =	vst v1  }
0x84: {  	v1 =	vld [tilespmem:s0+$0xA020];
	_ =	sdelay $0x4  }
0x85: {  	v1 =	vshrl.u32 v1, $0x10  }
0x86: {  	[tilespmem:$0xC8B0] =	vst v1  }
0x87: {  	v1 =	vld [tilespmem:s0+$0xA030];
	_ =	sdelay $0x4  }
0x88: {  	v1 =	vshrl.u32 v1, $0x10  }
0x89: {  	[tilespmem:$0xC8C0] =	vst v1  }
0x8a: {  	v1 =	vld [tilespmem:s0+$0xA040];
	_ =	sdelay $0x4  }
0x8b: {  	v1 =	vshrl.u32 v1, $0x10  }
0x8c: {  	[tilespmem:$0xC8D0] =	vst v1  }
0x8d: {  	v1 =	vld [tilespmem:s0+$0xA050];
	_ =	sdelay $0x4  }
0x8e: {  	v1 =	vshrl.u32 v1, $0x10  }
0x8f: {  	[tilespmem:$0xC8E0] =	vst v1  }
0x90: {  	v1 =	vld [tilespmem:s0+$0xA060];
	_ =	sdelay $0x4  }
0x91: {  	v1 =	vshrl.u32 v1, $0x10  }
0x92: {  	[tilespmem:$0xC8F0] =	vst v1  }
0x93: {  	v1 =	vld [tilespmem:s0+$0xA070];
	_ =	sdelay $0x4  }
0x94: {  	v1 =	vshrl.u32 v1, $0x10  }
0x95: {  	[tilespmem:$0xC900] =	vst v1  }
0x96: {  	[spmem:s3] =	stream.indirect.scatter.add.f32 [tilespmem:s13], [sflag:$0x4], $0x40, s23, s16, $0xb8;
	[tilespmem:$0x12A30] =	vst v63  }
0x97: {  	_ =	swait.ge [sflag:s24], $0x2000  }
0x98: {  	[sflag:s24] =	ssyncset.done $0x0  }
0x99: {  	[sflag:s24] =	ssyncadd.s32 $0xFFFFE000  }
0x9a: {  	v1 =	vld [tilespmem:s0+$0xA080];
	_ =	sdelay $0x4  }
0x9b: {  	v1 =	vshrl.u32 v1, $0x10  }
0x9c: {  	[tilespmem:$0xC910] =	vst v1  }
0x9d: {  	v1 =	vld [tilespmem:s0+$0xA090];
	_ =	sdelay $0x4  }
0x9e: {  	v1 =	vshrl.u32 v1, $0x10  }
0x9f: {  	[tilespmem:$0xC920] =	vst v1  }
0xa0: {  	v1 =	vld [tilespmem:s0+$0xA0A0];
	_ =	sdelay $0x4  }
0xa1: {  	v1 =	vshrl.u32 v1, $0x10  }
0xa2: {  	[tilespmem:$0xC930] =	vst v1  }
0xa3: {  	v1 =	vld [tilespmem:s0+$0xA0B0];
	_ =	sdelay $0x4  }
0xa4: {  	v1 =	vshrl.u32 v1, $0x10  }
0xa5: {  	[tilespmem:$0xC940] =	vst v1  }
0xa6: {  	v1 =	vld [tilespmem:s0+$0xA0C0];
	_ =	sdelay $0x4  }
0xa7: {  	v1 =	vshrl.u32 v1, $0x10  }
0xa8: {  	[tilespmem:$0xC950] =	vst v1  }
0xa9: {  	v1 =	vld [tilespmem:s0+$0xA0D0];
	_ =	sdelay $0x4  }
0xaa: {  	v1 =	vshrl.u32 v1, $0x10  }
0xab: {  	[tilespmem:$0xC960] =	vst v1  }
0xac: {  	v1 =	vld [tilespmem:s0+$0xA0E0];
	_ =	sdelay $0x4  }
0xad: {  	v1 =	vshrl.u32 v1, $0x10  }
0xae: {  	[tilespmem:$0xC970] =	vst v1  }
0xaf: {  	v1 =	vld [tilespmem:s0+$0xA0F0];
	_ =	sdelay $0x4  }
0xb0: {  	v1 =	vshrl.u32 v1, $0x10  }
0xb1: {  	[tilespmem:$0xC980] =	vst v1  }
0xb2: {  	[spmem:s3] =	stream.indirect.scatter.add.f32 [tilespmem:s19], [sflag:$0x5], $0x40, s25, s16, $0xb8;
	[tilespmem:$0x12A30] =	vst v63  }
0xb3: {  	_ =	swait.ge [sflag:s26], $0x2000  }
0xb4: {  	[sflag:s26] =	ssyncset.done $0x0  }
0xb5: {  	[sflag:s26] =	ssyncadd.s32 $0xFFFFE000  }
0xb6: {  	v1 =	vld [tilespmem:s0+$0xA100];
	_ =	sdelay $0x4  }
0xb7: {  	v1 =	vshrl.u32 v1, $0x10  }
0xb8: {  	[tilespmem:$0xC990] =	vst v1  }
0xb9: {  	v1 =	vld [tilespmem:s0+$0xA110];
	_ =	sdelay $0x4  }
0xba: {  	v1 =	vshrl.u32 v1, $0x10  }
0xbb: {  	[tilespmem:$0xC9A0] =	vst v1  }
0xbc: {  	v1 =	vld [tilespmem:s0+$0xA120];
	_ =	sdelay $0x4  }
0xbd: {  	v1 =	vshrl.u32 v1, $0x10  }
0xbe: {  	[tilespmem:$0xC9B0] =	vst v1  }
0xbf: {  	v1 =	vld [tilespmem:s0+$0xA130];
	_ =	sdelay $0x4  }
0xc0: {  	v1 =	vshrl.u32 v1, $0x10  }
0xc1: {  	[tilespmem:$0xC9C0] =	vst v1  }
0xc2: {  	v1 =	vld [tilespmem:s0+$0xA140];
	_ =	sdelay $0x4  }
0xc3: {  	v1 =	vshrl.u32 v1, $0x10  }
0xc4: {  	[tilespmem:$0xC9D0] =	vst v1  }
0xc5: {  	v1 =	vld [tilespmem:s0+$0xA150];
	_ =	sdelay $0x4  }
0xc6: {  	v1 =	vshrl.u32 v1, $0x10  }
0xc7: {  	[tilespmem:$0xC9E0] =	vst v1  }
0xc8: {  	v1 =	vld [tilespmem:s0+$0xA160];
	_ =	sdelay $0x4  }
0xc9: {  	v1 =	vshrl.u32 v1, $0x10  }
0xca: {  	[tilespmem:$0xC9F0] =	vst v1  }
0xcb: {  	v1 =	vld [tilespmem:s0+$0xA170];
	_ =	sdelay $0x4  }
0xcc: {  	p0 =	seq.s32 s15, $0x9600;
	v1 =	vshrl.u32 v1, $0x10  }
.Ltmp3:
0xcd: {  	[tilespmem:$0xCA00] =	vst v1;
	(pc) =	sbr.rel @p0 .LBB2_6-.Ltmp3, $4  }
0xce: {  	[spmem:s3] =	stream.indirect.scatter.add.f32 [tilespmem:s21], [sflag:$0x6], $0x40, s28, s16, $0xb8;
	[tilespmem:$0x12A30] =	vst v63  }
0xcf: {  	_ =	swait.ge [sflag:s29], $0x2000  }
0xd0: {  	[sflag:s29] =	ssyncset.done $0x0  }
0xd1: {  	[sflag:s29] =	ssyncadd.s32 $0xFFFFE000  }
0xd2: {  	v1 =	vld [tilespmem:s0+$0xA180];
	_ =	sdelay $0x4  }
0xd3: {  	v1 =	vand.u32 $0xFFFF, v1  }
0xd4: {  	[tilespmem:$0xC710] =	vst v1  }
0xd5: {  	v1 =	vld [tilespmem:s0+$0xA190];
	_ =	sdelay $0x4  }
0xd6: {  	v1 =	vand.u32 $0xFFFF, v1  }
0xd7: {  	[tilespmem:$0xC720] =	vst v1  }
0xd8: {  	v1 =	vld [tilespmem:s0+$0xA1A0];
	_ =	sdelay $0x4  }
0xd9: {  	v1 =	vand.u32 $0xFFFF, v1  }
0xda: {  	[tilespmem:$0xC730] =	vst v1  }
0xdb: {  	v1 =	vld [tilespmem:s0+$0xA1B0];
	_ =	sdelay $0x4  }
0xdc: {  	v1 =	vand.u32 $0xFFFF, v1  }
0xdd: {  	[tilespmem:$0xC740] =	vst v1  }
0xde: {  	v1 =	vld [tilespmem:s0+$0xA1C0];
	_ =	sdelay $0x4  }
0xdf: {  	v1 =	vand.u32 $0xFFFF, v1  }
0xe0: {  	[tilespmem:$0xC750] =	vst v1  }
0xe1: {  	v1 =	vld [tilespmem:s0+$0xA1D0];
	_ =	sdelay $0x4  }
0xe2: {  	v1 =	vand.u32 $0xFFFF, v1  }
0xe3: {  	[tilespmem:$0xC760] =	vst v1  }
0xe4: {  	v1 =	vld [tilespmem:s0+$0xA1E0];
	_ =	sdelay $0x4  }
0xe5: {  	v1 =	vand.u32 $0xFFFF, v1  }
0xe6: {  	[tilespmem:$0xC770] =	vst v1  }
0xe7: {  	v1 =	vld [tilespmem:s0+$0xA1F0];
	_ =	sdelay $0x4  }
0xe8: {  	v1 =	vand.u32 $0xFFFF, v1  }
0xe9: {  	[tilespmem:$0xC780] =	vst v1  }
0xea: {  	[tilespmem:s13], [sflag:$0x1] =	stream.indirect.gather [hbm4b:s1+s16], $0x40, s17, s16, $0xb8;
	[tilespmem:$0x12A30] =	vst v63  }
0xeb: {  	_ =	swait.ge [sflag:s30], $0x2000  }
0xec: {  	[sflag:s30] =	ssyncset.done $0x0  }
0xed: {  	[sflag:s30] =	ssyncadd.s32 $0xFFFFE000  }
0xee: {  	v1 =	vld [tilespmem:s0+$0xA200];
	_ =	sdelay $0x4  }
0xef: {  	v1 =	vand.u32 $0xFFFF, v1  }
0xf0: {  	[tilespmem:$0xC790] =	vst v1  }
0xf1: {  	v1 =	vld [tilespmem:s0+$0xA210];
	_ =	sdelay $0x4  }
0xf2: {  	v1 =	vand.u32 $0xFFFF, v1  }
0xf3: {  	[tilespmem:$0xC7A0] =	vst v1  }
0xf4: {  	v1 =	vld [tilespmem:s0+$0xA220];
	_ =	sdelay $0x4  }
0xf5: {  	v1 =	vand.u32 $0xFFFF, v1  }
0xf6: {  	[tilespmem:$0xC7B0] =	vst v1  }
0xf7: {  	v1 =	vld [tilespmem:s0+$0xA230];
	_ =	sdelay $0x4  }
0xf8: {  	v1 =	vand.u32 $0xFFFF, v1  }
0xf9: {  	[tilespmem:$0xC7C0] =	vst v1  }
0xfa: {  	v1 =	vld [tilespmem:s0+$0xA240];
	_ =	sdelay $0x4  }
0xfb: {  	v1 =	vand.u32 $0xFFFF, v1  }
0xfc: {  	[tilespmem:$0xC7D0] =	vst v1  }
0xfd: {  	v1 =	vld [tilespmem:s0+$0xA250];
	_ =	sdelay $0x4  }
0xfe: {  	v1 =	vand.u32 $0xFFFF, v1  }
0xff: {  	[tilespmem:$0xC7E0] =	vst v1  }
0x100: {  	v1 =	vld [tilespmem:s0+$0xA260];
	_ =	sdelay $0x4  }
0x101: {  	v1 =	vand.u32 $0xFFFF, v1  }
0x102: {  	[tilespmem:$0xC7F0] =	vst v1  }
0x103: {  	v1 =	vld [tilespmem:s0+$0xA270];
	_ =	sdelay $0x4  }
0x104: {  	v1 =	vand.u32 $0xFFFF, v1  }
0x105: {  	[tilespmem:$0xC800] =	vst v1  }
0x106: {  	[tilespmem:s19], [sflag:$0x2] =	stream.indirect.gather [hbm4b:s1+s16], $0x40, s18, s16, $0xb8;
	[tilespmem:$0x12A30] =	vst v63  }
0x107: {  	_ =	swait.ge [sflag:s31], $0x2000  }
0x108: {  	[sflag:s31] =	ssyncset.done $0x0  }
0x109: {  	[sflag:s31] =	ssyncadd.s32 $0xFFFFE000  }
0x10a: {  	v1 =	vld [tilespmem:s0+$0xA280];
	_ =	sdelay $0x4  }
0x10b: {  	v1 =	vand.u32 $0xFFFF, v1  }
0x10c: {  	[tilespmem:$0xC810] =	vst v1  }
0x10d: {  	v1 =	vld [tilespmem:s0+$0xA290];
	_ =	sdelay $0x4  }
0x10e: {  	v1 =	vand.u32 $0xFFFF, v1  }
0x10f: {  	[tilespmem:$0xC820] =	vst v1  }
0x110: {  	v1 =	vld [tilespmem:s0+$0xA2A0];
	_ =	sdelay $0x4  }
0x111: {  	v1 =	vand.u32 $0xFFFF, v1  }
0x112: {  	[tilespmem:$0xC830] =	vst v1  }
0x113: {  	v1 =	vld [tilespmem:s0+$0xA2B0];
	_ =	sdelay $0x4  }
0x114: {  	v1 =	vand.u32 $0xFFFF, v1  }
0x115: {  	[tilespmem:$0xC840] =	vst v1  }
0x116: {  	v1 =	vld [tilespmem:s0+$0xA2C0];
	_ =	sdelay $0x4  }
0x117: {  	v1 =	vand.u32 $0xFFFF, v1  }
0x118: {  	[tilespmem:$0xC850] =	vst v1  }
0x119: {  	v1 =	vld [tilespmem:s0+$0xA2D0];
	_ =	sdelay $0x4  }
0x11a: {  	v1 =	vand.u32 $0xFFFF, v1  }
0x11b: {  	[tilespmem:$0xC860] =	vst v1  }
0x11c: {  	v1 =	vld [tilespmem:s0+$0xA2E0];
	_ =	sdelay $0x4  }
0x11d: {  	v1 =	vand.u32 $0xFFFF, v1  }
0x11e: {  	[tilespmem:$0xC870] =	vst v1  }
0x11f: {  	v1 =	vld [tilespmem:s0+$0xA2F0];
	_ =	sdelay $0x2  }
.Ltmp4:
0x120: {  	_ = 	snop;
	(pc) =	sbr.rel .LBB2_4-.Ltmp4, $4  }
0x121: {  	_ = 	snop  }
0x122: {  	v1 =	vand.u32 $0xFFFF, v1  }
0x123: {  	s15 =	sadd.s32 $0x600, s15;
	[tilespmem:$0xC880] =	vst v1  }
0x124: {  	[tilespmem:s21], [sflag:$0x3] =	stream.indirect.gather [hbm4b:s1+s16], $0x40, s20, s16, $0xb8;
	[tilespmem:$0x12A30] =	vst v63  }
.LBB2_7:
0x125: {  	_ =	sfence.sel $0x180000  }
0x126: {  	[bflag:$0x0] =	sbarrier.arrive $0xFFFF  }
0x127: {  	_ =	strace $0x90000050  }
0x128: {  	s0 =	stileid.u32;
	[bflag:$0x2] =	sbarrier.arrive $0xFFFF  }
0x129: {  	p0 =	sne.s32 s0, $0x0;
	s0 =	rddreg [dreg:$0x3]  }
0x12a: {  	s0 =	sadd.s32 @!p0 $0x100000, s0  }
0x12b: {  	[sflag:s0] =	ssyncadd.tile.s32 @!p0 $0x1;
	_ =	shalt  }
.Lfunc_end2:
_tile_overlayer_lowered:
.L_overlay_start_2:
0x12c: {  	(tag) =	ssettag $0x2  }
0x12d: {  	s0 =	rddreg [dreg:$0x0];
	s2 =	stileid.u32  }
0x12e: {  	s1 =	rddreg [dreg:$0x1];
	p0 =	sne.s32 s2, $0x0  }
0x12f: {  	s3 =	rddreg [dreg:$0x2];
	[bflag:$0x3] =	sbarrier.arrive $0xFFFF;
	s2 =	simm.s32 @!p0 $0x1C07  }
0x130: {  	[timem:s3], [sflag:s2] =	dma.local @!p0 [hbm:s0], s1  }
0x131: {  	s0 =	simm.s32 @!p0 $0x7  }
0x132: {  	_ =	swait.ge @!p0 [sflag:s0], s1  }
0x133: {  	s1 =	ssub.s32 @!p0 $0x0, s1;
	[sflag:s0] =	ssyncset.done @!p0 $0x0  }
0x134: {  	[sflag:s0] =	ssyncadd.s32 @!p0 s1  }
0x135: {  	[bflag:$0x3] =	sbarrier.arrive $0xFFFF  }
0x136: {  	_ =	shalt  }

</sc_bundles>
